<compile_context>
chip_gen: v7x
topology: tpu7x:2x2x1
jax: 0.10.2.dev20260603
libtpu: 0.0.44.dev20260713+nightly
codegen_flags: <defaults>
</compile_context>

<pallas_src>
import jax
import jax.numpy as jnp
from jax import lax
from jax.experimental import pallas as pl
from jax.experimental.pallas import tpu as pltpu
from jax.experimental.pallas import tpu_sc as plsc

_NUM_BINS = 5
_TB = 2.5
_LN2 = 0.6931471805599453
_MAGIC = 0x3F3504F3
_C1 = 1.9999695786510276
_C3 = 0.6769402206514328

_NC = 2
_NS = 16
_NW = _NC * _NS
_LANES = 16

_N = 4194304
_PER_W = _N // _NW
_CH = 16384
_CHUNKS = _PER_W // _CH

_CELL_SCALE = 819.2
_CELL_OFF = 2868.0
_LUT_LO = 820
_LUT_HI = 4916
_LUT_MAX = 4917.0
_NLUT = 4928
_LUT_INV = 5.0 / 4096.0
_LUT_X0 = 3.5009765625


def _vlog(t):
  bits = plsc.bitcast(t, jnp.int32)
  e = (bits - _MAGIC) >> 23
  m = plsc.bitcast(bits - (e << 23), jnp.float32)
  s = (m - 1.0) / (m + 1.0)
  return e.astype(jnp.float32) * _LN2 + s * (_C1 + _C3 * (s * s))


def _lane_shift(v, idx):
  return v.at[idx].get(mode="promise_in_bounds")


def _sc_body(x_hbm, p_hbm, z_hbm, lj_hbm, pbuf, t_q2, t_q1, t_q0, t_p2, t_p1,
             t_p0, t_g2, t_g1, t_g0, lut, xbuf0, xbuf1, zbuf0, zbuf1,
             ljbuf0, ljbuf1, sem_in0, sem_in1, sem_out0, sem_out1):
  wid = lax.axis_index("s") * _NC + lax.axis_index("c")
  base = wid * _PER_W
  xbufs = (xbuf0, xbuf1)
  zbufs = (zbuf0, zbuf1)
  ljbufs = (ljbuf0, ljbuf1)
  sems_in = (sem_in0, sem_in1)
  sems_out = (sem_out0, sem_out1)

  in_d = [None, None]
  in_d[0] = pltpu.async_copy(x_hbm.at[pl.ds(base, _CH)], xbufs[0],
                             sems_in[0])

  pltpu.sync_copy(p_hbm, pbuf)
  pv = pbuf[...]
  io = lax.iota(jnp.int32, 16)
  mask_w = io < _NUM_BINS
  mask_h = (io >= _NUM_BINS) & (io < 2 * _NUM_BINS)
  neg = jnp.float32(-3.4e38)

  mw = jnp.max(jnp.where(mask_w, pv, neg))
  ew = jnp.exp(pv - mw)
  sw = jnp.sum(jnp.where(mask_w, ew, 0.0))
  w_v = (ew * (2.0 * _TB)) / sw
  mh = jnp.max(jnp.where(mask_h, pv, neg))
  eh = jnp.exp(pv - mh)
  sh = jnp.sum(jnp.where(mask_h, eh, 0.0))
  h_v = (eh * (2.0 * _TB)) / sh
  d_v = jnp.maximum(pv, 0.0) + _vlog(1.0 + jnp.exp(-jnp.abs(pv))) + 1e-5

  cw = plsc.cumsum(jnp.where(mask_w, w_v, 0.0))
  ch = plsc.cumsum(jnp.where(mask_h, h_v, 0.0))

  cap = jnp.int32(15)
  x_k1 = cw - _TB
  x_k = jnp.where(io == 0, -_TB,
                  _lane_shift(cw, jnp.maximum(io - 1, 0)) - _TB)
  rw = 1.0 / (x_k1 - x_k + 1e-8)
  y_k = jnp.where(io == 0, -_TB,
                  _lane_shift(ch, jnp.minimum(io + 4, cap)) - _TB)
  y_k1 = _lane_shift(ch, jnp.minimum(io + 5, cap)) - _TB
  dy = y_k1 - y_k
  d_k = _lane_shift(d_v, jnp.minimum(io + 10, cap))
  d_k1 = _lane_shift(d_v, jnp.minimum(io + 11, cap))
  s_k = _lane_shift(h_v, jnp.minimum(io + 5, cap)) / w_v
  s8 = s_k + 1e-8
  mid = d_k + d_k1 - 2.0 * s_k
  dk8 = d_k + 1e-8
  h1 = s8 - d_k
  a1 = 2.0 * h1

  u = rw
  v = -rw * x_k
  u2 = u * u
  uv2 = 2.0 * u * v
  v2 = v * v
  q2 = -(mid * u2)
  q1 = mid * u - mid * uv2
  q0 = mid * v - mid * v2 + s8
  a2c = h1 * u2
  a1c = h1 * uv2 + dk8 * u
  a0c = h1 * v2 + dk8 * v
  s82 = s8 * s8
  lane5 = io == 5
  zero5 = lambda t: jnp.where(lane5, 0.0, t)
  one5 = lambda t: jnp.where(lane5, 1.0, t)
  t_q2[...] = zero5(q2)
  t_q1[...] = zero5(q1)
  t_q0[...] = one5(q0)
  t_p2[...] = zero5(y_k * q2 + dy * a2c)
  t_p1[...] = one5(y_k * q1 + dy * a1c)
  t_p0[...] = zero5(y_k * q0 + dy * a0c)
  t_g2[...] = zero5((mid * u2) * s82)
  t_g1[...] = zero5((mid * uv2 + a1 * u) * s82)
  t_g0[...] = one5((mid * v2 + a1 * v + dk8) * s82)

  k1 = jnp.sum(jnp.where(io == 0, x_k1, 0.0))
  k2 = jnp.sum(jnp.where(io == 1, x_k1, 0.0))
  k3 = jnp.sum(jnp.where(io == 2, x_k1, 0.0))
  k4 = jnp.sum(jnp.where(io == 3, x_k1, 0.0))
  iof = io.astype(jnp.float32)

  def build_lut(j, _):
    cf = (io + j * 16).astype(jnp.float32)
    lo = cf * _LUT_INV - _LUT_X0
    bj = (jnp.where(k1 < lo, 1, 0) + jnp.where(k2 < lo, 1, 0)
          + jnp.where(k3 < lo, 1, 0) + jnp.where(k4 < lo, 1, 0))
    tail = (cf < float(_LUT_LO)) | (cf >= float(_LUT_HI))
    lut[pl.ds(j * 16, 16)] = jnp.where(tail, 5, bj)
    return 0

  lax.fori_loop(0, _NLUT // 16, build_lut, 0)

  def compute(xb, zb, ljb):
    @plsc.parallel_loop(0, _CH, step=_LANES, unroll=4)
    def _loop(off):
      sl = pl.ds(off, _LANES)
      xv = xb[sl]
      uf = xv * _CELL_SCALE + _CELL_OFF
      uf = jnp.minimum(jnp.maximum(uf, 0.0), _LUT_MAX)
      ui = uf.astype(jnp.int32)
      b = plsc.load_gather(lut, [ui])
      g_q2 = plsc.load_gather(t_q2, [b])
      g_q1 = plsc.load_gather(t_q1, [b])
      g_q0 = plsc.load_gather(t_q0, [b])
      g_p2 = plsc.load_gather(t_p2, [b])
      g_p1 = plsc.load_gather(t_p1, [b])
      g_p0 = plsc.load_gather(t_p0, [b])
      g_g2 = plsc.load_gather(t_g2, [b])
      g_g1 = plsc.load_gather(t_g1, [b])
      g_g0 = plsc.load_gather(t_g0, [b])

      qx = (g_q2 * xv + g_q1) * xv + g_q0
      px = (g_p2 * xv + g_p1) * xv + g_p0
      gx = (g_g2 * xv + g_g1) * xv + g_g0
      inv = 1.0 / qx
      zb[sl] = px * inv
      ljb[sl] = _vlog(gx * (inv * inv))

  out_d = [None, None]
  for g in range(_CHUNKS):
    b = g % 2
    off = base + g * _CH
    in_d[b].wait()
    if g + 1 < _CHUNKS:
      nb = (g + 1) % 2
      in_d[nb] = pltpu.async_copy(x_hbm.at[pl.ds(off + _CH, _CH)],
                                  xbufs[nb], sems_in[nb])
    if out_d[b] is not None:
      out_d[b][0].wait()
      out_d[b][1].wait()
    compute(xbufs[b], zbufs[b], ljbufs[b])
    out_d[b] = (
        pltpu.async_copy(zbufs[b], z_hbm.at[pl.ds(off, _CH)], sems_out[b]),
        pltpu.async_copy(ljbufs[b], lj_hbm.at[pl.ds(off, _CH)],
                         sems_out[b]),
    )
  out_d[0][0].wait()
  out_d[0][1].wait()
  out_d[1][0].wait()
  out_d[1][1].wait()


@jax.jit
def _run(x_flat, params):
  mesh = plsc.VectorSubcoreMesh(core_axis_name="c", subcore_axis_name="s",
                                num_cores=_NC, num_subcores=_NS)
  f = pl.kernel(
      _sc_body,
      out_type=[jax.ShapeDtypeStruct((_N,), jnp.float32),
                jax.ShapeDtypeStruct((_N,), jnp.float32)],
      mesh=mesh,
      compiler_params=pltpu.CompilerParams(needs_layout_passes=False),
      scratch_types=[
          pltpu.VMEM((16,), jnp.float32),
          pltpu.VMEM((16,), jnp.float32),
          pltpu.VMEM((16,), jnp.float32),
          pltpu.VMEM((16,), jnp.float32),
          pltpu.VMEM((16,), jnp.float32),
          pltpu.VMEM((16,), jnp.float32),
          pltpu.VMEM((16,), jnp.float32),
          pltpu.VMEM((16,), jnp.float32),
          pltpu.VMEM((16,), jnp.float32),
          pltpu.VMEM((16,), jnp.float32),
          pltpu.VMEM((_NLUT,), jnp.int32),
          pltpu.VMEM((_CH,), jnp.float32),
          pltpu.VMEM((_CH,), jnp.float32),
          pltpu.VMEM((_CH,), jnp.float32),
          pltpu.VMEM((_CH,), jnp.float32),
          pltpu.VMEM((_CH,), jnp.float32),
          pltpu.VMEM((_CH,), jnp.float32),
          pltpu.SemaphoreType.DMA,
          pltpu.SemaphoreType.DMA,
          pltpu.SemaphoreType.DMA,
          pltpu.SemaphoreType.DMA,
      ],
  )
  return f(x_flat, params)


def kernel(x, params):
  z, lj = _run(x[:, 0], params)
  return (z[:, None], lj)

# --- scband reference (transcript-rebuilt; emitter-appended) ---
"""Pipeline reference for scband-rqscoupling-layer-45114336477673 (READ-ONLY COPY).

The authoritative reference and input builder live on the scoring server;
editing this copy changes nothing except your own understanding.
"""

import jax, jax.numpy as jnp
import numpy as np

NUM_BINS = 5
TAIL_BOUND = 2.5
N = 4194304


def setup_inputs(seed: int = 0) -> dict:
    key = jax.random.key(seed)
    k1, k2 = jax.random.split(key)
    x = jax.random.normal(k1, (N, 1), dtype=jnp.float32)
    params = jax.random.normal(k2, (3 * NUM_BINS + 1,), dtype=jnp.float32) * 0.01
    return {"x": x, "params": params}


def _rqs_forward(x, widths, heights, derivatives, tail_bound):
    K = widths.shape[-1]
    W = jax.nn.softmax(widths, axis=-1) * 2 * tail_bound
    H = jax.nn.softmax(heights, axis=-1) * 2 * tail_bound
    D = jax.nn.softplus(derivatives) + 1e-05
    cum_w = jnp.concatenate([jnp.full_like(W[..., :1], -tail_bound), -tail_bound + jnp.cumsum(W, axis=-1)], axis=-1)
    cum_h = jnp.concatenate([jnp.full_like(H[..., :1], -tail_bound), -tail_bound + jnp.cumsum(H, axis=-1)], axis=-1)
    inside = (x >= -tail_bound) & (x <= tail_bound)
    x_safe = jnp.where(inside, x, 0.0)
    # torch.searchsorted(sorted, v) with right=False == count of elements strictly less than v
    bin_idx = jnp.clip(jnp.sum(cum_w[..., 1:-1] < x_safe[..., None], axis=-1), 0, K - 1)

    def gather(t):
        return jnp.take_along_axis(t, bin_idx[..., None], axis=-1)[..., 0]

    x_k, x_k1 = gather(cum_w[..., :-1]), gather(cum_w[..., 1:])
    y_k, y_k1 = gather(cum_h[..., :-1]), gather(cum_h[..., 1:])
    d_k, d_k1 = gather(D[..., :-1]), gather(D[..., 1:])
    s_k = gather(H) / gather(W)
    xi = jnp.clip((x_safe - x_k) / (x_k1 - x_k + 1e-08), 0.0, 1.0)
    denom = s_k + (d_k + d_k1 - 2 * s_k) * xi * (1 - xi)
    z_inside = y_k + (y_k1 - y_k) * (s_k * xi ** 2 + d_k * xi * (1 - xi)) / (denom + 1e-08)
    log_jac_inside = (2 * jnp.log(s_k + 1e-08)
                      + jnp.log(d_k1 * xi ** 2 + 2 * s_k * xi * (1 - xi) + d_k * (1 - xi) ** 2 + 1e-08)
                      - 2 * jnp.log(jnp.abs(denom) + 1e-08))
    z = jnp.where(inside, z_inside, x)
    log_jac = jnp.where(inside, log_jac_inside, jnp.zeros_like(x))
    return z, log_jac


def reference(x, params):
    n = x.shape[0]
    K = NUM_BINS
    p = jnp.broadcast_to(params[None, :], (n, params.shape[0]))
    z, lj = _rqs_forward(x[:, 0], p[:, :K], p[:, K:2 * K], p[:, 2 * K:], TAIL_BOUND)
    return (z[:, None], lj)

if __name__ == "__main__":
    import jax
    _d = setup_inputs()
    print(jax.jit(kernel)(*tuple(_d.values())))

</pallas_src>

<mosaic_0001>
#map = affine_map<(d0, d1) -> (0)>
module attributes {stable_mosaic.version = 14 : i64} {
  func.func @_sc_body(%arg0: i32, %arg1: i32, %arg2: memref<4194304xf32, #tpu.memory_space<hbm>>, %arg3: memref<16xf32, #tpu.memory_space<hbm>>, %arg4: memref<4194304xf32, #tpu.memory_space<hbm>>, %arg5: memref<4194304xf32, #tpu.memory_space<hbm>>, %arg6: memref<16xf32, #tpu.memory_space<vmem>>, %arg7: memref<16xf32, #tpu.memory_space<vmem>>, %arg8: memref<16xf32, #tpu.memory_space<vmem>>, %arg9: memref<16xf32, #tpu.memory_space<vmem>>, %arg10: memref<16xf32, #tpu.memory_space<vmem>>, %arg11: memref<16xf32, #tpu.memory_space<vmem>>, %arg12: memref<16xf32, #tpu.memory_space<vmem>>, %arg13: memref<16xf32, #tpu.memory_space<vmem>>, %arg14: memref<16xf32, #tpu.memory_space<vmem>>, %arg15: memref<16xf32, #tpu.memory_space<vmem>>, %arg16: memref<4928xi32, #tpu.memory_space<vmem>>, %arg17: memref<16384xf32, #tpu.memory_space<vmem>>, %arg18: memref<16384xf32, #tpu.memory_space<vmem>>, %arg19: memref<16384xf32, #tpu.memory_space<vmem>>, %arg20: memref<16384xf32, #tpu.memory_space<vmem>>, %arg21: memref<16384xf32, #tpu.memory_space<vmem>>, %arg22: memref<16384xf32, #tpu.memory_space<vmem>>, %arg23: memref<!tpu.dma_semaphore, #tpu.memory_space<semaphore_mem>>, %arg24: memref<!tpu.dma_semaphore, #tpu.memory_space<semaphore_mem>>, %arg25: memref<!tpu.dma_semaphore, #tpu.memory_space<semaphore_mem>>, %arg26: memref<!tpu.dma_semaphore, #tpu.memory_space<semaphore_mem>>) attributes {dimension_semantics = [#tpu.dimension_semantics<core_parallel>, #tpu.dimension_semantics<subcore_parallel>], iteration_bounds = array<i64: 2, 16>, scalar_prefetch = 0 : i64, scratch_operands = 21 : i64, tpu.core_type = #tpu.core_type<sc_vector_subcore>, window_params = [{transform_indices = #map}, {transform_indices = #map}, {transform_indices = #map}, {transform_indices = #map}]} {
    %mul3A = arith.constant 2 : i32
    %mul3A_0 = arith.muli %arg1, %mul3A : i32
    %add3A = arith.addi %mul3A_0, %arg0 : i32
    %mul3A_1 = arith.constant 131072 : i32
    %mul3A_2 = arith.muli %add3A, %mul3A_1 : i32
    %dma_start3A = tpu.memref_slice %arg2[%mul3A_2] : memref<4194304xf32, #tpu.memory_space<hbm>> -> memref<16384xf32, #tpu.memory_space<hbm>>
    %dma_start3A_3 = tpu.memref_slice %arg2[%mul3A_2] : memref<4194304xf32, #tpu.memory_space<hbm>> -> memref<16384xf32, #tpu.memory_space<hbm>>
    tpu.enqueue_dma source(%dma_start3A_3 : memref<16384xf32, #tpu.memory_space<hbm>>) target(%arg17 : memref<16384xf32, #tpu.memory_space<vmem>>) target_semaphore(%arg23 : memref<!tpu.dma_semaphore, #tpu.memory_space<semaphore_mem>>)
    "tpu.region"() ({
      %run_scoped3A = tpu.sem_alloc : memref<!tpu.dma_semaphore, #tpu.memory_space<semaphore_mem>>
      tpu.enqueue_dma source(%arg3 : memref<16xf32, #tpu.memory_space<hbm>>) target(%arg6 : memref<16xf32, #tpu.memory_space<vmem>>) target_semaphore(%run_scoped3A : memref<!tpu.dma_semaphore, #tpu.memory_space<semaphore_mem>>)
      tpu.wait_dma2 semaphore(%run_scoped3A : memref<!tpu.dma_semaphore, #tpu.memory_space<semaphore_mem>>) src(%arg3 : memref<16xf32, #tpu.memory_space<hbm>>) dst(%arg6 : memref<16xf32, #tpu.memory_space<vmem>>)
      tpu.yield
    }) : () -> ()
    %get3A = arith.constant 0 : index
    %get3A_4 = tpu.vector_load %arg6[%get3A] {strides = array<i32>} : memref<16xf32, #tpu.memory_space<vmem>>, vector<16xf32>,
    %iota3A = tpu.iota {dimensions = array<i32: 0>} : vector<16xi32>
    %lt3A = arith.constant 5 : i32
    %lt3A_5 = vector.broadcast %lt3A : i32 to vector<16xi32>
    %lt3A_6 = arith.cmpi slt, %iota3A, %lt3A_5 : vector<16xi32>
    %ge3A = arith.constant 5 : i32
    %ge3A_7 = vector.broadcast %ge3A : i32 to vector<16xi32>
    %ge3A_8 = arith.cmpi sge, %iota3A, %ge3A_7 : vector<16xi32>
    %lt3A_9 = arith.constant 10 : i32
    %lt3A_10 = vector.broadcast %lt3A_9 : i32 to vector<16xi32>
    %lt3A_11 = arith.cmpi slt, %iota3A, %lt3A_10 : vector<16xi32>
    %and3A = arith.andi %ge3A_8, %lt3A_11 : vector<16xi1>
    %jit3A = arith.constant -3.400000e+38 : f32
    %broadcast_in_dim3A = vector.broadcast %jit3A : f32 to vector<16xf32>
    %select_n3A = arith.select %lt3A_6, %get3A_4, %broadcast_in_dim3A : vector<16xi1>, vector<16xf32>
    %reduce_max3A = arith.constant true
    %reduce_max3A_12 = vector.broadcast %reduce_max3A : i1 to vector<16xi1>
    %reduce_max3A_13 = tpu.scan <max>, %select_n3A masked %reduce_max3A_12 : vector<16xf32>, vector<16xi1> -> vector<16xf32>
    %reduce_max3A_14 = vector.extract %reduce_max3A_13[15] : f32 from vector<16xf32>
    %sub3A = vector.broadcast %reduce_max3A_14 : f32 to vector<16xf32>
    %sub3A_15 = arith.subf %get3A_4, %sub3A : vector<16xf32>
    %exp3A = math.exp %sub3A_15 : vector<16xf32>
    %jit3A_16 = arith.constant 0.000000e+00 : f32
    %broadcast_in_dim3A_17 = vector.broadcast %jit3A_16 : f32 to vector<16xf32>
    %select_n3A_18 = arith.select %lt3A_6, %exp3A, %broadcast_in_dim3A_17 : vector<16xi1>, vector<16xf32>
    %reduce_sum3A = arith.constant true
    %reduce_sum3A_19 = vector.broadcast %reduce_sum3A : i1 to vector<16xi1>
    %reduce_sum3A_20 = tpu.scan <sum>, %select_n3A_18 masked %reduce_sum3A_19 : vector<16xf32>, vector<16xi1> -> vector<16xf32>
    %reduce_sum3A_21 = vector.extract %reduce_sum3A_20[15] : f32 from vector<16xf32>
    %mul3A_22 = arith.constant 5.000000e+00 : f32
    %mul3A_23 = vector.broadcast %mul3A_22 : f32 to vector<16xf32>
    %mul3A_24 = arith.mulf %exp3A, %mul3A_23 : vector<16xf32>
    %div3A = vector.broadcast %reduce_sum3A_21 : f32 to vector<16xf32>
    %div3A_25 = arith.divf %mul3A_24, %div3A : vector<16xf32>
    %jit3A_26 = arith.constant -3.400000e+38 : f32
    %broadcast_in_dim3A_27 = vector.broadcast %jit3A_26 : f32 to vector<16xf32>
    %select_n3A_28 = arith.select %and3A, %get3A_4, %broadcast_in_dim3A_27 : vector<16xi1>, vector<16xf32>
    %reduce_max3A_29 = arith.constant true
    %reduce_max3A_30 = vector.broadcast %reduce_max3A_29 : i1 to vector<16xi1>
    %reduce_max3A_31 = tpu.scan <max>, %select_n3A_28 masked %reduce_max3A_30 : vector<16xf32>, vector<16xi1> -> vector<16xf32>
    %reduce_max3A_32 = vector.extract %reduce_max3A_31[15] : f32 from vector<16xf32>
    %sub3A_33 = vector.broadcast %reduce_max3A_32 : f32 to vector<16xf32>
    %sub3A_34 = arith.subf %get3A_4, %sub3A_33 : vector<16xf32>
    %exp3A_35 = math.exp %sub3A_34 : vector<16xf32>
    %jit3A_36 = arith.constant 0.000000e+00 : f32
    %broadcast_in_dim3A_37 = vector.broadcast %jit3A_36 : f32 to vector<16xf32>
    %select_n3A_38 = arith.select %and3A, %exp3A_35, %broadcast_in_dim3A_37 : vector<16xi1>, vector<16xf32>
    %reduce_sum3A_39 = arith.constant true
    %reduce_sum3A_40 = vector.broadcast %reduce_sum3A_39 : i1 to vector<16xi1>
    %reduce_sum3A_41 = tpu.scan <sum>, %select_n3A_38 masked %reduce_sum3A_40 : vector<16xf32>, vector<16xi1> -> vector<16xf32>
    %reduce_sum3A_42 = vector.extract %reduce_sum3A_41[15] : f32 from vector<16xf32>
    %mul3A_43 = arith.constant 5.000000e+00 : f32
    %mul3A_44 = vector.broadcast %mul3A_43 : f32 to vector<16xf32>
    %mul3A_45 = arith.mulf %exp3A_35, %mul3A_44 : vector<16xf32>
    %div3A_46 = vector.broadcast %reduce_sum3A_42 : f32 to vector<16xf32>
    %div3A_47 = arith.divf %mul3A_45, %div3A_46 : vector<16xf32>
    %max3A = arith.constant 0.000000e+00 : f32
    %max3A_48 = vector.broadcast %max3A : f32 to vector<16xf32>
    %max3A_49 = arith.maximumf %get3A_4, %max3A_48 : vector<16xf32>
    %abs3A = math.absf %get3A_4 : vector<16xf32>
    %neg3A = arith.constant 0.000000e+00 : f32
    %neg3A_50 = vector.broadcast %neg3A : f32 to vector<16xf32>
    %neg3A_51 = arith.subf %neg3A_50, %abs3A : vector<16xf32>
    %exp3A_52 = math.exp %neg3A_51 : vector<16xf32>
    %add3A_53 = arith.constant 1.000000e+00 : f32
    %add3A_54 = vector.broadcast %add3A_53 : f32 to vector<16xf32>
    %add3A_55 = arith.addf %add3A_54, %exp3A_52 : vector<16xf32>
    %bitcast3A = vector.bitcast %add3A_55 : vector<16xf32> to vector<16xi32>
    %sub3A_56 = arith.constant 1060439283 : i32
    %sub3A_57 = vector.broadcast %sub3A_56 : i32 to vector<16xi32>
    %sub3A_58 = arith.subi %bitcast3A, %sub3A_57 : vector<16xi32>
    %shift_right_arithmetic3A = arith.constant 23 : i32
    %shift_right_arithmetic3A_59 = vector.broadcast %shift_right_arithmetic3A : i32 to vector<16xi32>
    %shift_right_arithmetic3A_60 = arith.shrsi %sub3A_58, %shift_right_arithmetic3A_59 : vector<16xi32>
    %shift_left3A = arith.constant 23 : i32
    %shift_left3A_61 = vector.broadcast %shift_left3A : i32 to vector<16xi32>
    %shift_left3A_62 = arith.shli %shift_right_arithmetic3A_60, %shift_left3A_61 : vector<16xi32>
    %sub3A_63 = arith.subi %bitcast3A, %shift_left3A_62 : vector<16xi32>
    %bitcast3A_64 = vector.bitcast %sub3A_63 : vector<16xi32> to vector<16xf32>
    %sub3A_65 = arith.constant 1.000000e+00 : f32
    %sub3A_66 = vector.broadcast %sub3A_65 : f32 to vector<16xf32>
    %sub3A_67 = arith.subf %bitcast3A_64, %sub3A_66 : vector<16xf32>
    %add3A_68 = arith.constant 1.000000e+00 : f32
    %add3A_69 = vector.broadcast %add3A_68 : f32 to vector<16xf32>
    %add3A_70 = arith.addf %bitcast3A_64, %add3A_69 : vector<16xf32>
    %div3A_71 = arith.divf %sub3A_67, %add3A_70 : vector<16xf32>
    %convert_element_type3A = arith.sitofp %shift_right_arithmetic3A_60 : vector<16xi32> to vector<16xf32>
    %mul3A_72 = arith.constant 0.693147182 : f32
    %mul3A_73 = vector.broadcast %mul3A_72 : f32 to vector<16xf32>
    %mul3A_74 = arith.mulf %convert_element_type3A, %mul3A_73 : vector<16xf32>
    %mul3A_75 = arith.mulf %div3A_71, %div3A_71 : vector<16xf32>
    %mul3A_76 = arith.constant 0.676940203 : f32
    %mul3A_77 = vector.broadcast %mul3A_76 : f32 to vector<16xf32>
    %mul3A_78 = arith.mulf %mul3A_77, %mul3A_75 : vector<16xf32>
    %add3A_79 = arith.constant 1.9999696 : f32
    %add3A_80 = vector.broadcast %add3A_79 : f32 to vector<16xf32>
    %add3A_81 = arith.addf %add3A_80, %mul3A_78 : vector<16xf32>
    %mul3A_82 = arith.mulf %div3A_71, %add3A_81 : vector<16xf32>
    %add3A_83 = arith.addf %mul3A_74, %mul3A_82 : vector<16xf32>
    %add3A_84 = arith.addf %max3A_49, %add3A_83 : vector<16xf32>
    %add3A_85 = arith.constant 9.99999974E-6 : f32
    %add3A_86 = vector.broadcast %add3A_85 : f32 to vector<16xf32>
    %add3A_87 = arith.addf %add3A_84, %add3A_86 : vector<16xf32>
    %jit3A_88 = arith.constant 0.000000e+00 : f32
    %broadcast_in_dim3A_89 = vector.broadcast %jit3A_88 : f32 to vector<16xf32>
    %select_n3A_90 = arith.select %lt3A_6, %div3A_25, %broadcast_in_dim3A_89 : vector<16xi1>, vector<16xf32>
    %broadcast_in_dim3A_91 = arith.constant true
    %broadcast_in_dim3A_92 = vector.broadcast %broadcast_in_dim3A_91 : i1 to vector<16xi1>
    %masked_cumsum3A = tpu.scan <sum>, %select_n3A_90 masked %broadcast_in_dim3A_92 : vector<16xf32>, vector<16xi1> -> vector<16xf32>
    %jit3A_93 = arith.constant 0.000000e+00 : f32
    %broadcast_in_dim3A_94 = vector.broadcast %jit3A_93 : f32 to vector<16xf32>
    %select_n3A_95 = arith.select %and3A, %div3A_47, %broadcast_in_dim3A_94 : vector<16xi1>, vector<16xf32>
    %broadcast_in_dim3A_96 = arith.constant true
    %broadcast_in_dim3A_97 = vector.broadcast %broadcast_in_dim3A_96 : i1 to vector<16xi1>
    %masked_cumsum3A_98 = tpu.scan <sum>, %select_n3A_95 masked %broadcast_in_dim3A_97 : vector<16xf32>, vector<16xi1> -> vector<16xf32>
    %sub3A_99 = arith.constant 2.500000e+00 : f32
    %sub3A_100 = vector.broadcast %sub3A_99 : f32 to vector<16xf32>
    %sub3A_101 = arith.subf %masked_cumsum3A, %sub3A_100 : vector<16xf32>
    %eq3A = arith.constant 0 : i32
    %eq3A_102 = vector.broadcast %eq3A : i32 to vector<16xi32>
    %eq3A_103 = arith.cmpi eq, %iota3A, %eq3A_102 : vector<16xi32>
    %sub3A_104 = arith.constant 1 : i32
    %sub3A_105 = vector.broadcast %sub3A_104 : i32 to vector<16xi32>
    %sub3A_106 = arith.subi %iota3A, %sub3A_105 : vector<16xi32>
    %max3A_107 = arith.constant 0 : i32
    %max3A_108 = vector.broadcast %max3A_107 : i32 to vector<16xi32>
    %max3A_109 = arith.maxsi %sub3A_106, %max3A_108 : vector<16xi32>
    %lt3A_110 = arith.constant 0 : i32
    %lt3A_111 = vector.broadcast %lt3A_110 : i32 to vector<16xi32>
    %lt3A_112 = arith.cmpi slt, %max3A_109, %lt3A_111 : vector<16xi32>
    %add3A_113 = arith.constant 16 : i32
    %add3A_114 = vector.broadcast %add3A_113 : i32 to vector<16xi32>
    %add3A_115 = arith.addi %max3A_109, %add3A_114 : vector<16xi32>
    %select_n3A_116 = arith.select %lt3A_112, %add3A_115, %max3A_109 : vector<16xi1>, vector<16xi32>
    %broadcast_in_dim3A_117 = vector.shape_cast %select_n3A_116 : vector<16xi32> to vector<16x1xi32>
    %gather3A = vector.shape_cast %broadcast_in_dim3A_117 : vector<16x1xi32> to vector<16xi32>
    %gather3A_118 = tpu.dynamic_gather %masked_cumsum3A[%gather3A] in [0] : vector<16xf32>, vector<16xi32> -> vector<16xf32>
    %sub3A_119 = arith.constant 2.500000e+00 : f32
    %sub3A_120 = vector.broadcast %sub3A_119 : f32 to vector<16xf32>
    %sub3A_121 = arith.subf %gather3A_118, %sub3A_120 : vector<16xf32>
    %jit3A_122 = arith.constant -2.500000e+00 : f32
    %broadcast_in_dim3A_123 = vector.broadcast %jit3A_122 : f32 to vector<16xf32>
    %select_n3A_124 = arith.select %eq3A_103, %broadcast_in_dim3A_123, %sub3A_121 : vector<16xi1>, vector<16xf32>
    %sub3A_125 = arith.subf %sub3A_101, %select_n3A_124 : vector<16xf32>
    %add3A_126 = arith.constant 9.99999993E-9 : f32
    %add3A_127 = vector.broadcast %add3A_126 : f32 to vector<16xf32>
    %add3A_128 = arith.addf %sub3A_125, %add3A_127 : vector<16xf32>
    %div3A_129 = arith.constant 1.000000e+00 : f32
    %div3A_130 = vector.broadcast %div3A_129 : f32 to vector<16xf32>
    %div3A_131 = arith.divf %div3A_130, %add3A_128 : vector<16xf32>
    %eq3A_132 = arith.constant 0 : i32
    %eq3A_133 = vector.broadcast %eq3A_132 : i32 to vector<16xi32>
    %eq3A_134 = arith.cmpi eq, %iota3A, %eq3A_133 : vector<16xi32>
    %add3A_135 = arith.constant 4 : i32
    %add3A_136 = vector.broadcast %add3A_135 : i32 to vector<16xi32>
    %add3A_137 = arith.addi %iota3A, %add3A_136 : vector<16xi32>
    %min3A = arith.constant 15 : i32
    %min3A_138 = vector.broadcast %min3A : i32 to vector<16xi32>
    %min3A_139 = arith.minsi %add3A_137, %min3A_138 : vector<16xi32>
    %lt3A_140 = arith.constant 0 : i32
    %lt3A_141 = vector.broadcast %lt3A_140 : i32 to vector<16xi32>
    %lt3A_142 = arith.cmpi slt, %min3A_139, %lt3A_141 : vector<16xi32>
    %add3A_143 = arith.constant 16 : i32
    %add3A_144 = vector.broadcast %add3A_143 : i32 to vector<16xi32>
    %add3A_145 = arith.addi %min3A_139, %add3A_144 : vector<16xi32>
    %select_n3A_146 = arith.select %lt3A_142, %add3A_145, %min3A_139 : vector<16xi1>, vector<16xi32>
    %broadcast_in_dim3A_147 = vector.shape_cast %select_n3A_146 : vector<16xi32> to vector<16x1xi32>
    %gather3A_148 = vector.shape_cast %broadcast_in_dim3A_147 : vector<16x1xi32> to vector<16xi32>
    %gather3A_149 = tpu.dynamic_gather %masked_cumsum3A_98[%gather3A_148] in [0] : vector<16xf32>, vector<16xi32> -> vector<16xf32>
    %sub3A_150 = arith.constant 2.500000e+00 : f32
    %sub3A_151 = vector.broadcast %sub3A_150 : f32 to vector<16xf32>
    %sub3A_152 = arith.subf %gather3A_149, %sub3A_151 : vector<16xf32>
    %jit3A_153 = arith.constant -2.500000e+00 : f32
    %broadcast_in_dim3A_154 = vector.broadcast %jit3A_153 : f32 to vector<16xf32>
    %select_n3A_155 = arith.select %eq3A_134, %broadcast_in_dim3A_154, %sub3A_152 : vector<16xi1>, vector<16xf32>
    %add3A_156 = arith.constant 5 : i32
    %add3A_157 = vector.broadcast %add3A_156 : i32 to vector<16xi32>
    %add3A_158 = arith.addi %iota3A, %add3A_157 : vector<16xi32>
    %min3A_159 = arith.constant 15 : i32
    %min3A_160 = vector.broadcast %min3A_159 : i32 to vector<16xi32>
    %min3A_161 = arith.minsi %add3A_158, %min3A_160 : vector<16xi32>
    %lt3A_162 = arith.constant 0 : i32
    %lt3A_163 = vector.broadcast %lt3A_162 : i32 to vector<16xi32>
    %lt3A_164 = arith.cmpi slt, %min3A_161, %lt3A_163 : vector<16xi32>
    %add3A_165 = arith.constant 16 : i32
    %add3A_166 = vector.broadcast %add3A_165 : i32 to vector<16xi32>
    %add3A_167 = arith.addi %min3A_161, %add3A_166 : vector<16xi32>
    %select_n3A_168 = arith.select %lt3A_164, %add3A_167, %min3A_161 : vector<16xi1>, vector<16xi32>
    %broadcast_in_dim3A_169 = vector.shape_cast %select_n3A_168 : vector<16xi32> to vector<16x1xi32>
    %gather3A_170 = vector.shape_cast %broadcast_in_dim3A_169 : vector<16x1xi32> to vector<16xi32>
    %gather3A_171 = tpu.dynamic_gather %masked_cumsum3A_98[%gather3A_170] in [0] : vector<16xf32>, vector<16xi32> -> vector<16xf32>
    %sub3A_172 = arith.constant 2.500000e+00 : f32
    %sub3A_173 = vector.broadcast %sub3A_172 : f32 to vector<16xf32>
    %sub3A_174 = arith.subf %gather3A_171, %sub3A_173 : vector<16xf32>
    %sub3A_175 = arith.subf %sub3A_174, %select_n3A_155 : vector<16xf32>
    %add3A_176 = arith.constant 10 : i32
    %add3A_177 = vector.broadcast %add3A_176 : i32 to vector<16xi32>
    %add3A_178 = arith.addi %iota3A, %add3A_177 : vector<16xi32>
    %min3A_179 = arith.constant 15 : i32
    %min3A_180 = vector.broadcast %min3A_179 : i32 to vector<16xi32>
    %min3A_181 = arith.minsi %add3A_178, %min3A_180 : vector<16xi32>
    %lt3A_182 = arith.constant 0 : i32
    %lt3A_183 = vector.broadcast %lt3A_182 : i32 to vector<16xi32>
    %lt3A_184 = arith.cmpi slt, %min3A_181, %lt3A_183 : vector<16xi32>
    %add3A_185 = arith.constant 16 : i32
    %add3A_186 = vector.broadcast %add3A_185 : i32 to vector<16xi32>
    %add3A_187 = arith.addi %min3A_181, %add3A_186 : vector<16xi32>
    %select_n3A_188 = arith.select %lt3A_184, %add3A_187, %min3A_181 : vector<16xi1>, vector<16xi32>
    %broadcast_in_dim3A_189 = vector.shape_cast %select_n3A_188 : vector<16xi32> to vector<16x1xi32>
    %gather3A_190 = vector.shape_cast %broadcast_in_dim3A_189 : vector<16x1xi32> to vector<16xi32>
    %gather3A_191 = tpu.dynamic_gather %add3A_87[%gather3A_190] in [0] : vector<16xf32>, vector<16xi32> -> vector<16xf32>
    %add3A_192 = arith.constant 11 : i32
    %add3A_193 = vector.broadcast %add3A_192 : i32 to vector<16xi32>
    %add3A_194 = arith.addi %iota3A, %add3A_193 : vector<16xi32>
    %min3A_195 = arith.constant 15 : i32
    %min3A_196 = vector.broadcast %min3A_195 : i32 to vector<16xi32>
    %min3A_197 = arith.minsi %add3A_194, %min3A_196 : vector<16xi32>
    %lt3A_198 = arith.constant 0 : i32
    %lt3A_199 = vector.broadcast %lt3A_198 : i32 to vector<16xi32>
    %lt3A_200 = arith.cmpi slt, %min3A_197, %lt3A_199 : vector<16xi32>
    %add3A_201 = arith.constant 16 : i32
    %add3A_202 = vector.broadcast %add3A_201 : i32 to vector<16xi32>
    %add3A_203 = arith.addi %min3A_197, %add3A_202 : vector<16xi32>
    %select_n3A_204 = arith.select %lt3A_200, %add3A_203, %min3A_197 : vector<16xi1>, vector<16xi32>
    %broadcast_in_dim3A_205 = vector.shape_cast %select_n3A_204 : vector<16xi32> to vector<16x1xi32>
    %gather3A_206 = vector.shape_cast %broadcast_in_dim3A_205 : vector<16x1xi32> to vector<16xi32>
    %gather3A_207 = tpu.dynamic_gather %add3A_87[%gather3A_206] in [0] : vector<16xf32>, vector<16xi32> -> vector<16xf32>
    %add3A_208 = arith.constant 5 : i32
    %add3A_209 = vector.broadcast %add3A_208 : i32 to vector<16xi32>
    %add3A_210 = arith.addi %iota3A, %add3A_209 : vector<16xi32>
    %min3A_211 = arith.constant 15 : i32
    %min3A_212 = vector.broadcast %min3A_211 : i32 to vector<16xi32>
    %min3A_213 = arith.minsi %add3A_210, %min3A_212 : vector<16xi32>
    %lt3A_214 = arith.constant 0 : i32
    %lt3A_215 = vector.broadcast %lt3A_214 : i32 to vector<16xi32>
    %lt3A_216 = arith.cmpi slt, %min3A_213, %lt3A_215 : vector<16xi32>
    %add3A_217 = arith.constant 16 : i32
    %add3A_218 = vector.broadcast %add3A_217 : i32 to vector<16xi32>
    %add3A_219 = arith.addi %min3A_213, %add3A_218 : vector<16xi32>
    %select_n3A_220 = arith.select %lt3A_216, %add3A_219, %min3A_213 : vector<16xi1>, vector<16xi32>
    %broadcast_in_dim3A_221 = vector.shape_cast %select_n3A_220 : vector<16xi32> to vector<16x1xi32>
    %gather3A_222 = vector.shape_cast %broadcast_in_dim3A_221 : vector<16x1xi32> to vector<16xi32>
    %gather3A_223 = tpu.dynamic_gather %div3A_47[%gather3A_222] in [0] : vector<16xf32>, vector<16xi32> -> vector<16xf32>
    %div3A_224 = arith.divf %gather3A_223, %div3A_25 : vector<16xf32>
    %add3A_225 = arith.constant 9.99999993E-9 : f32
    %add3A_226 = vector.broadcast %add3A_225 : f32 to vector<16xf32>
    %add3A_227 = arith.addf %div3A_224, %add3A_226 : vector<16xf32>
    %add3A_228 = arith.addf %gather3A_191, %gather3A_207 : vector<16xf32>
    %mul3A_229 = arith.constant 2.000000e+00 : f32
    %mul3A_230 = vector.broadcast %mul3A_229 : f32 to vector<16xf32>
    %mul3A_231 = arith.mulf %mul3A_230, %div3A_224 : vector<16xf32>
    %sub3A_232 = arith.subf %add3A_228, %mul3A_231 : vector<16xf32>
    %add3A_233 = arith.constant 9.99999993E-9 : f32
    %add3A_234 = vector.broadcast %add3A_233 : f32 to vector<16xf32>
    %add3A_235 = arith.addf %gather3A_191, %add3A_234 : vector<16xf32>
    %sub3A_236 = arith.subf %add3A_227, %gather3A_191 : vector<16xf32>
    %mul3A_237 = arith.constant 2.000000e+00 : f32
    %mul3A_238 = vector.broadcast %mul3A_237 : f32 to vector<16xf32>
    %mul3A_239 = arith.mulf %mul3A_238, %sub3A_236 : vector<16xf32>
    %neg3A_240 = arith.constant 0.000000e+00 : f32
    %neg3A_241 = vector.broadcast %neg3A_240 : f32 to vector<16xf32>
    %neg3A_242 = arith.subf %neg3A_241, %div3A_131 : vector<16xf32>
    %mul3A_243 = arith.mulf %neg3A_242, %select_n3A_124 : vector<16xf32>
    %mul3A_244 = arith.mulf %div3A_131, %div3A_131 : vector<16xf32>
    %mul3A_245 = arith.constant 2.000000e+00 : f32
    %mul3A_246 = vector.broadcast %mul3A_245 : f32 to vector<16xf32>
    %mul3A_247 = arith.mulf %mul3A_246, %div3A_131 : vector<16xf32>
    %mul3A_248 = arith.mulf %mul3A_247, %mul3A_243 : vector<16xf32>
    %mul3A_249 = arith.mulf %mul3A_243, %mul3A_243 : vector<16xf32>
    %mul3A_250 = arith.mulf %sub3A_232, %mul3A_244 : vector<16xf32>
    %neg3A_251 = arith.constant 0.000000e+00 : f32
    %neg3A_252 = vector.broadcast %neg3A_251 : f32 to vector<16xf32>
    %neg3A_253 = arith.subf %neg3A_252, %mul3A_250 : vector<16xf32>
    %mul3A_254 = arith.mulf %sub3A_232, %div3A_131 : vector<16xf32>
    %mul3A_255 = arith.mulf %sub3A_232, %mul3A_248 : vector<16xf32>
    %sub3A_256 = arith.subf %mul3A_254, %mul3A_255 : vector<16xf32>
    %mul3A_257 = arith.mulf %sub3A_232, %mul3A_243 : vector<16xf32>
    %mul3A_258 = arith.mulf %sub3A_232, %mul3A_249 : vector<16xf32>
    %sub3A_259 = arith.subf %mul3A_257, %mul3A_258 : vector<16xf32>
    %add3A_260 = arith.addf %sub3A_259, %add3A_227 : vector<16xf32>
    %mul3A_261 = arith.mulf %sub3A_236, %mul3A_244 : vector<16xf32>
    %mul3A_262 = arith.mulf %sub3A_236, %mul3A_248 : vector<16xf32>
    %mul3A_263 = arith.mulf %add3A_235, %div3A_131 : vector<16xf32>
    %add3A_264 = arith.addf %mul3A_262, %mul3A_263 : vector<16xf32>
    %mul3A_265 = arith.mulf %sub3A_236, %mul3A_249 : vector<16xf32>
    %mul3A_266 = arith.mulf %add3A_235, %mul3A_243 : vector<16xf32>
    %add3A_267 = arith.addf %mul3A_265, %mul3A_266 : vector<16xf32>
    %mul3A_268 = arith.mulf %add3A_227, %add3A_227 : vector<16xf32>
    %eq3A_269 = arith.constant 5 : i32
    %eq3A_270 = vector.broadcast %eq3A_269 : i32 to vector<16xi32>
    %eq3A_271 = arith.cmpi eq, %iota3A, %eq3A_270 : vector<16xi32>
    %jit3A_272 = arith.constant 0.000000e+00 : f32
    %broadcast_in_dim3A_273 = vector.broadcast %jit3A_272 : f32 to vector<16xf32>
    %select_n3A_274 = arith.select %eq3A_271, %broadcast_in_dim3A_273, %neg3A_253 : vector<16xi1>, vector<16xf32>
    %swap3A = arith.constant 0 : index
    %swap3A_275 = tpu.vector_load %arg7[%swap3A] {strides = array<i32>} : memref<16xf32, #tpu.memory_space<vmem>>, vector<16xf32>,
    tpu.vector_store %arg7[%swap3A], %select_n3A_274 {strides = array<i32>} : memref<16xf32, #tpu.memory_space<vmem>>, vector<16xf32>,
    %jit3A_276 = arith.constant 0.000000e+00 : f32
    %broadcast_in_dim3A_277 = vector.broadcast %jit3A_276 : f32 to vector<16xf32>
    %select_n3A_278 = arith.select %eq3A_271, %broadcast_in_dim3A_277, %sub3A_256 : vector<16xi1>, vector<16xf32>
    %swap3A_279 = arith.constant 0 : index
    %swap3A_280 = tpu.vector_load %arg8[%swap3A_279] {strides = array<i32>} : memref<16xf32, #tpu.memory_space<vmem>>, vector<16xf32>,
    tpu.vector_store %arg8[%swap3A_279], %select_n3A_278 {strides = array<i32>} : memref<16xf32, #tpu.memory_space<vmem>>, vector<16xf32>,
    %jit3A_281 = arith.constant 1.000000e+00 : f32
    %broadcast_in_dim3A_282 = vector.broadcast %jit3A_281 : f32 to vector<16xf32>
    %select_n3A_283 = arith.select %eq3A_271, %broadcast_in_dim3A_282, %add3A_260 : vector<16xi1>, vector<16xf32>
    %swap3A_284 = arith.constant 0 : index
    %swap3A_285 = tpu.vector_load %arg9[%swap3A_284] {strides = array<i32>} : memref<16xf32, #tpu.memory_space<vmem>>, vector<16xf32>,
    tpu.vector_store %arg9[%swap3A_284], %select_n3A_283 {strides = array<i32>} : memref<16xf32, #tpu.memory_space<vmem>>, vector<16xf32>,
    %mul3A_286 = arith.mulf %select_n3A_155, %neg3A_253 : vector<16xf32>
    %mul3A_287 = arith.mulf %sub3A_175, %mul3A_261 : vector<16xf32>
    %add3A_288 = arith.addf %mul3A_286, %mul3A_287 : vector<16xf32>
    %jit3A_289 = arith.constant 0.000000e+00 : f32
    %broadcast_in_dim3A_290 = vector.broadcast %jit3A_289 : f32 to vector<16xf32>
    %select_n3A_291 = arith.select %eq3A_271, %broadcast_in_dim3A_290, %add3A_288 : vector<16xi1>, vector<16xf32>
    %swap3A_292 = arith.constant 0 : index
    %swap3A_293 = tpu.vector_load %arg10[%swap3A_292] {strides = array<i32>} : memref<16xf32, #tpu.memory_space<vmem>>, vector<16xf32>,
    tpu.vector_store %arg10[%swap3A_292], %select_n3A_291 {strides = array<i32>} : memref<16xf32, #tpu.memory_space<vmem>>, vector<16xf32>,
    %mul3A_294 = arith.mulf %select_n3A_155, %sub3A_256 : vector<16xf32>
    %mul3A_295 = arith.mulf %sub3A_175, %add3A_264 : vector<16xf32>
    %add3A_296 = arith.addf %mul3A_294, %mul3A_295 : vector<16xf32>
    %jit3A_297 = arith.constant 1.000000e+00 : f32
    %broadcast_in_dim3A_298 = vector.broadcast %jit3A_297 : f32 to vector<16xf32>
    %select_n3A_299 = arith.select %eq3A_271, %broadcast_in_dim3A_298, %add3A_296 : vector<16xi1>, vector<16xf32>
    %swap3A_300 = arith.constant 0 : index
    %swap3A_301 = tpu.vector_load %arg11[%swap3A_300] {strides = array<i32>} : memref<16xf32, #tpu.memory_space<vmem>>, vector<16xf32>,
    tpu.vector_store %arg11[%swap3A_300], %select_n3A_299 {strides = array<i32>} : memref<16xf32, #tpu.memory_space<vmem>>, vector<16xf32>,
    %mul3A_302 = arith.mulf %select_n3A_155, %add3A_260 : vector<16xf32>
    %mul3A_303 = arith.mulf %sub3A_175, %add3A_267 : vector<16xf32>
    %add3A_304 = arith.addf %mul3A_302, %mul3A_303 : vector<16xf32>
    %jit3A_305 = arith.constant 0.000000e+00 : f32
    %broadcast_in_dim3A_306 = vector.broadcast %jit3A_305 : f32 to vector<16xf32>
    %select_n3A_307 = arith.select %eq3A_271, %broadcast_in_dim3A_306, %add3A_304 : vector<16xi1>, vector<16xf32>
    %swap3A_308 = arith.constant 0 : index
    %swap3A_309 = tpu.vector_load %arg12[%swap3A_308] {strides = array<i32>} : memref<16xf32, #tpu.memory_space<vmem>>, vector<16xf32>,
    tpu.vector_store %arg12[%swap3A_308], %select_n3A_307 {strides = array<i32>} : memref<16xf32, #tpu.memory_space<vmem>>, vector<16xf32>,
    %mul3A_310 = arith.mulf %sub3A_232, %mul3A_244 : vector<16xf32>
    %mul3A_311 = arith.mulf %mul3A_310, %mul3A_268 : vector<16xf32>
    %jit3A_312 = arith.constant 0.000000e+00 : f32
    %broadcast_in_dim3A_313 = vector.broadcast %jit3A_312 : f32 to vector<16xf32>
    %select_n3A_314 = arith.select %eq3A_271, %broadcast_in_dim3A_313, %mul3A_311 : vector<16xi1>, vector<16xf32>
    %swap3A_315 = arith.constant 0 : index
    %swap3A_316 = tpu.vector_load %arg13[%swap3A_315] {strides = array<i32>} : memref<16xf32, #tpu.memory_space<vmem>>, vector<16xf32>,
    tpu.vector_store %arg13[%swap3A_315], %select_n3A_314 {strides = array<i32>} : memref<16xf32, #tpu.memory_space<vmem>>, vector<16xf32>,
    %mul3A_317 = arith.mulf %sub3A_232, %mul3A_248 : vector<16xf32>
    %mul3A_318 = arith.mulf %mul3A_239, %div3A_131 : vector<16xf32>
    %add3A_319 = arith.addf %mul3A_317, %mul3A_318 : vector<16xf32>
    %mul3A_320 = arith.mulf %add3A_319, %mul3A_268 : vector<16xf32>
    %jit3A_321 = arith.constant 0.000000e+00 : f32
    %broadcast_in_dim3A_322 = vector.broadcast %jit3A_321 : f32 to vector<16xf32>
    %select_n3A_323 = arith.select %eq3A_271, %broadcast_in_dim3A_322, %mul3A_320 : vector<16xi1>, vector<16xf32>
    %swap3A_324 = arith.constant 0 : index
    %swap3A_325 = tpu.vector_load %arg14[%swap3A_324] {strides = array<i32>} : memref<16xf32, #tpu.memory_space<vmem>>, vector<16xf32>,
    tpu.vector_store %arg14[%swap3A_324], %select_n3A_323 {strides = array<i32>} : memref<16xf32, #tpu.memory_space<vmem>>, vector<16xf32>,
    %mul3A_326 = arith.mulf %sub3A_232, %mul3A_249 : vector<16xf32>
    %mul3A_327 = arith.mulf %mul3A_239, %mul3A_243 : vector<16xf32>
    %add3A_328 = arith.addf %mul3A_326, %mul3A_327 : vector<16xf32>
    %add3A_329 = arith.addf %add3A_328, %add3A_235 : vector<16xf32>
    %mul3A_330 = arith.mulf %add3A_329, %mul3A_268 : vector<16xf32>
    %jit3A_331 = arith.constant 1.000000e+00 : f32
    %broadcast_in_dim3A_332 = vector.broadcast %jit3A_331 : f32 to vector<16xf32>
    %select_n3A_333 = arith.select %eq3A_271, %broadcast_in_dim3A_332, %mul3A_330 : vector<16xi1>, vector<16xf32>
    %swap3A_334 = arith.constant 0 : index
    %swap3A_335 = tpu.vector_load %arg15[%swap3A_334] {strides = array<i32>} : memref<16xf32, #tpu.memory_space<vmem>>, vector<16xf32>,
    tpu.vector_store %arg15[%swap3A_334], %select_n3A_333 {strides = array<i32>} : memref<16xf32, #tpu.memory_space<vmem>>, vector<16xf32>,
    %eq3A_336 = arith.constant 0 : i32
    %eq3A_337 = vector.broadcast %eq3A_336 : i32 to vector<16xi32>
    %eq3A_338 = arith.cmpi eq, %iota3A, %eq3A_337 : vector<16xi32>
    %jit3A_339 = arith.constant 0.000000e+00 : f32
    %broadcast_in_dim3A_340 = vector.broadcast %jit3A_339 : f32 to vector<16xf32>
    %select_n3A_341 = arith.select %eq3A_338, %sub3A_101, %broadcast_in_dim3A_340 : vector<16xi1>, vector<16xf32>
    %reduce_sum3A_342 = arith.constant true
    %reduce_sum3A_343 = vector.broadcast %reduce_sum3A_342 : i1 to vector<16xi1>
    %reduce_sum3A_344 = tpu.scan <sum>, %select_n3A_341 masked %reduce_sum3A_343 : vector<16xf32>, vector<16xi1> -> vector<16xf32>
    %reduce_sum3A_345 = vector.extract %reduce_sum3A_344[15] : f32 from vector<16xf32>
    %eq3A_346 = arith.constant 1 : i32
    %eq3A_347 = vector.broadcast %eq3A_346 : i32 to vector<16xi32>
    %eq3A_348 = arith.cmpi eq, %iota3A, %eq3A_347 : vector<16xi32>
    %jit3A_349 = arith.constant 0.000000e+00 : f32
    %broadcast_in_dim3A_350 = vector.broadcast %jit3A_349 : f32 to vector<16xf32>
    %select_n3A_351 = arith.select %eq3A_348, %sub3A_101, %broadcast_in_dim3A_350 : vector<16xi1>, vector<16xf32>
    %reduce_sum3A_352 = arith.constant true
    %reduce_sum3A_353 = vector.broadcast %reduce_sum3A_352 : i1 to vector<16xi1>
    %reduce_sum3A_354 = tpu.scan <sum>, %select_n3A_351 masked %reduce_sum3A_353 : vector<16xf32>, vector<16xi1> -> vector<16xf32>
    %reduce_sum3A_355 = vector.extract %reduce_sum3A_354[15] : f32 from vector<16xf32>
    %eq3A_356 = arith.constant 2 : i32
    %eq3A_357 = vector.broadcast %eq3A_356 : i32 to vector<16xi32>
    %eq3A_358 = arith.cmpi eq, %iota3A, %eq3A_357 : vector<16xi32>
    %jit3A_359 = arith.constant 0.000000e+00 : f32
    %broadcast_in_dim3A_360 = vector.broadcast %jit3A_359 : f32 to vector<16xf32>
    %select_n3A_361 = arith.select %eq3A_358, %sub3A_101, %broadcast_in_dim3A_360 : vector<16xi1>, vector<16xf32>
    %reduce_sum3A_362 = arith.constant true
    %reduce_sum3A_363 = vector.broadcast %reduce_sum3A_362 : i1 to vector<16xi1>
    %reduce_sum3A_364 = tpu.scan <sum>, %select_n3A_361 masked %reduce_sum3A_363 : vector<16xf32>, vector<16xi1> -> vector<16xf32>
    %reduce_sum3A_365 = vector.extract %reduce_sum3A_364[15] : f32 from vector<16xf32>
    %eq3A_366 = arith.constant 3 : i32
    %eq3A_367 = vector.broadcast %eq3A_366 : i32 to vector<16xi32>
    %eq3A_368 = arith.cmpi eq, %iota3A, %eq3A_367 : vector<16xi32>
    %jit3A_369 = arith.constant 0.000000e+00 : f32
    %broadcast_in_dim3A_370 = vector.broadcast %jit3A_369 : f32 to vector<16xf32>
    %select_n3A_371 = arith.select %eq3A_368, %sub3A_101, %broadcast_in_dim3A_370 : vector<16xi1>, vector<16xf32>
    %reduce_sum3A_372 = arith.constant true
    %reduce_sum3A_373 = vector.broadcast %reduce_sum3A_372 : i1 to vector<16xi1>
    %reduce_sum3A_374 = tpu.scan <sum>, %select_n3A_371 masked %reduce_sum3A_373 : vector<16xf32>, vector<16xi1> -> vector<16xf32>
    %reduce_sum3A_375 = vector.extract %reduce_sum3A_374[15] : f32 from vector<16xf32>
    %convert_element_type3A_376 = arith.sitofp %iota3A : vector<16xi32> to vector<16xf32>
    %scan3A = arith.constant 0 : i32
    %scan3A_377 = arith.constant 0 : i32
    %scan3A_378 = arith.constant 308 : i32
    %scan3A_379 = arith.addi %scan3A_377, %scan3A_378 : i32
    %scan3A_380 = arith.constant 1 : i32
    %scan3A_381 = scf.for %scan3A_529 = %scan3A_377 to %scan3A_379 step %scan3A_380 iter_args(%scan3A_530 = %scan3A) -> (i32)  : i32 {
      %mul3A_531 = arith.constant 16 : i32
      %mul3A_532 = arith.muli %scan3A_529, %mul3A_531 : i32
      %add3A_533 = vector.broadcast %mul3A_532 : i32 to vector<16xi32>
      %add3A_534 = arith.addi %iota3A, %add3A_533 : vector<16xi32>
      %convert_element_type3A_535 = arith.sitofp %add3A_534 : vector<16xi32> to vector<16xf32>
      %mul3A_536 = arith.constant 0.00122070313 : f32
      %mul3A_537 = vector.broadcast %mul3A_536 : f32 to vector<16xf32>
      %mul3A_538 = arith.mulf %convert_element_type3A_535, %mul3A_537 : vector<16xf32>
      %sub3A_539 = arith.constant 3.50097656 : f32
      %sub3A_540 = vector.broadcast %sub3A_539 : f32 to vector<16xf32>
      %sub3A_541 = arith.subf %mul3A_538, %sub3A_540 : vector<16xf32>
      %lt3A_542 = vector.broadcast %reduce_sum3A_345 : f32 to vector<16xf32>
      %lt3A_543 = arith.cmpf olt, %lt3A_542, %sub3A_541 : vector<16xf32>
      %jit3A_544 = arith.constant 1 : i32
      %jit3A_545 = arith.constant 0 : i32
      %broadcast_in_dim3A_546 = vector.broadcast %jit3A_544 : i32 to vector<16xi32>
      %broadcast_in_dim3A_547 = vector.broadcast %jit3A_545 : i32 to vector<16xi32>
      %select_n3A_548 = arith.select %lt3A_543, %broadcast_in_dim3A_546, %broadcast_in_dim3A_547 : vector<16xi1>, vector<16xi32>
      %lt3A_549 = vector.broadcast %reduce_sum3A_355 : f32 to vector<16xf32>
      %lt3A_550 = arith.cmpf olt, %lt3A_549, %sub3A_541 : vector<16xf32>
      %jit3A_551 = arith.constant 1 : i32
      %jit3A_552 = arith.constant 0 : i32
      %broadcast_in_dim3A_553 = vector.broadcast %jit3A_551 : i32 to vector<16xi32>
      %broadcast_in_dim3A_554 = vector.broadcast %jit3A_552 : i32 to vector<16xi32>
      %select_n3A_555 = arith.select %lt3A_550, %broadcast_in_dim3A_553, %broadcast_in_dim3A_554 : vector<16xi1>, vector<16xi32>
      %add3A_556 = arith.addi %select_n3A_548, %select_n3A_555 : vector<16xi32>
      %lt3A_557 = vector.broadcast %reduce_sum3A_365 : f32 to vector<16xf32>
      %lt3A_558 = arith.cmpf olt, %lt3A_557, %sub3A_541 : vector<16xf32>
      %jit3A_559 = arith.constant 1 : i32
      %jit3A_560 = arith.constant 0 : i32
      %broadcast_in_dim3A_561 = vector.broadcast %jit3A_559 : i32 to vector<16xi32>
      %broadcast_in_dim3A_562 = vector.broadcast %jit3A_560 : i32 to vector<16xi32>
      %select_n3A_563 = arith.select %lt3A_558, %broadcast_in_dim3A_561, %broadcast_in_dim3A_562 : vector<16xi1>, vector<16xi32>
      %add3A_564 = arith.addi %add3A_556, %select_n3A_563 : vector<16xi32>
      %lt3A_565 = vector.broadcast %reduce_sum3A_375 : f32 to vector<16xf32>
      %lt3A_566 = arith.cmpf olt, %lt3A_565, %sub3A_541 : vector<16xf32>
      %jit3A_567 = arith.constant 1 : i32
      %jit3A_568 = arith.constant 0 : i32
      %broadcast_in_dim3A_569 = vector.broadcast %jit3A_567 : i32 to vector<16xi32>
      %broadcast_in_dim3A_570 = vector.broadcast %jit3A_568 : i32 to vector<16xi32>
      %select_n3A_571 = arith.select %lt3A_566, %broadcast_in_dim3A_569, %broadcast_in_dim3A_570 : vector<16xi1>, vector<16xi32>
      %add3A_572 = arith.addi %add3A_564, %select_n3A_571 : vector<16xi32>
      %lt3A_573 = arith.constant 8.200000e+02 : f32
      %lt3A_574 = vector.broadcast %lt3A_573 : f32 to vector<16xf32>
      %lt3A_575 = arith.cmpf olt, %convert_element_type3A_535, %lt3A_574 : vector<16xf32>
      %ge3A_576 = arith.constant 4.916000e+03 : f32
      %ge3A_577 = vector.broadcast %ge3A_576 : f32 to vector<16xf32>
      %ge3A_578 = arith.cmpf oge, %convert_element_type3A_535, %ge3A_577 : vector<16xf32>
      %or3A = arith.ori %lt3A_575, %ge3A_578 : vector<16xi1>
      %jit3A_579 = arith.constant 5 : i32
      %broadcast_in_dim3A_580 = vector.broadcast %jit3A_579 : i32 to vector<16xi32>
      %select_n3A_581 = arith.select %or3A, %broadcast_in_dim3A_580, %add3A_572 : vector<16xi1>, vector<16xi32>
      %mul3A_582 = arith.constant 16 : i32
      %mul3A_583 = arith.muli %scan3A_529, %mul3A_582 : i32
      %swap3A_584 = arith.index_cast %mul3A_583 : i32 to index
      %swap3A_585 = tpu.vector_load %arg16[%swap3A_584] {strides = array<i32>} : memref<4928xi32, #tpu.memory_space<vmem>>, vector<16xi32>,
      tpu.vector_store %arg16[%swap3A_584], %select_n3A_581 {strides = array<i32>} : memref<4928xi32, #tpu.memory_space<vmem>>, vector<16xi32>,
      %scan3A_586 = arith.constant 0 : i32
      scf.yield %scan3A_586 : i32
    }
    %scan3A_382 = arith.constant 308 : i32
    %add3A_383 = arith.constant 0 : i32
    %add3A_384 = arith.addi %mul3A_2, %add3A_383 : i32
    %dma_wait3A = tpu.memref_slice %arg2[%mul3A_2] : memref<4194304xf32, #tpu.memory_space<hbm>> -> memref<16384xf32, #tpu.memory_space<hbm>>
    %dma_wait3A_385 = tpu.memref_slice %arg2[%mul3A_2] : memref<4194304xf32, #tpu.memory_space<hbm>> -> memref<16384xf32, #tpu.memory_space<hbm>>
    tpu.wait_dma2 semaphore(%arg23 : memref<!tpu.dma_semaphore, #tpu.memory_space<semaphore_mem>>) src(%dma_wait3A_385 : memref<16384xf32, #tpu.memory_space<hbm>>) dst(%arg17 : memref<16384xf32, #tpu.memory_space<vmem>>)
    %add3A_386 = arith.constant 16384 : i32
    %add3A_387 = arith.addi %add3A_384, %add3A_386 : i32
    %dma_start3A_388 = tpu.memref_slice %arg2[%add3A_387] : memref<4194304xf32, #tpu.memory_space<hbm>> -> memref<16384xf32, #tpu.memory_space<hbm>>
    %dma_start3A_389 = tpu.memref_slice %arg2[%add3A_387] : memref<4194304xf32, #tpu.memory_space<hbm>> -> memref<16384xf32, #tpu.memory_space<hbm>>
    tpu.enqueue_dma source(%dma_start3A_389 : memref<16384xf32, #tpu.memory_space<hbm>>) target(%arg18 : memref<16384xf32, #tpu.memory_space<vmem>>) target_semaphore(%arg24 : memref<!tpu.dma_semaphore, #tpu.memory_space<semaphore_mem>>)
    %parallel_loop3A = arith.constant 0 : i32
    %parallel_loop3A_390 = arith.constant 16384 : i32
    %parallel_loop3A_391 = arith.constant 16 : i32
    scf.for %parallel_loop3A_529 = %parallel_loop3A to %parallel_loop3A_390 step %parallel_loop3A_391  : i32 {
      %parallel_loop3A_530 = arith.index_cast %parallel_loop3A_529 : i32 to index
      %parallel_loop3A_531 = tpu.vector_load %arg17[%parallel_loop3A_530] {strides = array<i32>} : memref<16384xf32, #tpu.memory_space<vmem>>, vector<16xf32>,
      %parallel_loop3A_532 = arith.constant 8.192000e+02 : f32
      %parallel_loop3A_533 = vector.broadcast %parallel_loop3A_532 : f32 to vector<16xf32>
      %parallel_loop3A_534 = arith.mulf %parallel_loop3A_531, %parallel_loop3A_533 : vector<16xf32>
      %parallel_loop3A_535 = arith.constant 2.868000e+03 : f32
      %parallel_loop3A_536 = vector.broadcast %parallel_loop3A_535 : f32 to vector<16xf32>
      %parallel_loop3A_537 = arith.addf %parallel_loop3A_534, %parallel_loop3A_536 : vector<16xf32>
      %parallel_loop3A_538 = arith.constant 0.000000e+00 : f32
      %parallel_loop3A_539 = vector.broadcast %parallel_loop3A_538 : f32 to vector<16xf32>
      %parallel_loop3A_540 = arith.maximumf %parallel_loop3A_537, %parallel_loop3A_539 : vector<16xf32>
      %parallel_loop3A_541 = arith.constant 4.917000e+03 : f32
      %parallel_loop3A_542 = vector.broadcast %parallel_loop3A_541 : f32 to vector<16xf32>
      %parallel_loop3A_543 = arith.minimumf %parallel_loop3A_540, %parallel_loop3A_542 : vector<16xf32>
      %parallel_loop3A_544 = arith.fptosi %parallel_loop3A_543 : vector<16xf32> to vector<16xi32>
      %parallel_loop3A_545 = tpu.vector_load_idx %arg16[%parallel_loop3A_544] : memref<4928xi32, #tpu.memory_space<vmem>>[vector<16xi32>], vector<16xi32>,
      %parallel_loop3A_546 = tpu.vector_load_idx %arg7[%parallel_loop3A_545] : memref<16xf32, #tpu.memory_space<vmem>>[vector<16xi32>], vector<16xf32>,
      %parallel_loop3A_547 = tpu.vector_load_idx %arg8[%parallel_loop3A_545] : memref<16xf32, #tpu.memory_space<vmem>>[vector<16xi32>], vector<16xf32>,
      %parallel_loop3A_548 = tpu.vector_load_idx %arg9[%parallel_loop3A_545] : memref<16xf32, #tpu.memory_space<vmem>>[vector<16xi32>], vector<16xf32>,
      %parallel_loop3A_549 = tpu.vector_load_idx %arg10[%parallel_loop3A_545] : memref<16xf32, #tpu.memory_space<vmem>>[vector<16xi32>], vector<16xf32>,
      %parallel_loop3A_550 = tpu.vector_load_idx %arg11[%parallel_loop3A_545] : memref<16xf32, #tpu.memory_space<vmem>>[vector<16xi32>], vector<16xf32>,
      %parallel_loop3A_551 = tpu.vector_load_idx %arg12[%parallel_loop3A_545] : memref<16xf32, #tpu.memory_space<vmem>>[vector<16xi32>], vector<16xf32>,
      %parallel_loop3A_552 = tpu.vector_load_idx %arg13[%parallel_loop3A_545] : memref<16xf32, #tpu.memory_space<vmem>>[vector<16xi32>], vector<16xf32>,
      %parallel_loop3A_553 = tpu.vector_load_idx %arg14[%parallel_loop3A_545] : memref<16xf32, #tpu.memory_space<vmem>>[vector<16xi32>], vector<16xf32>,
      %parallel_loop3A_554 = tpu.vector_load_idx %arg15[%parallel_loop3A_545] : memref<16xf32, #tpu.memory_space<vmem>>[vector<16xi32>], vector<16xf32>,
      %parallel_loop3A_555 = arith.mulf %parallel_loop3A_546, %parallel_loop3A_531 : vector<16xf32>
      %parallel_loop3A_556 = arith.addf %parallel_loop3A_555, %parallel_loop3A_547 : vector<16xf32>
      %parallel_loop3A_557 = arith.mulf %parallel_loop3A_556, %parallel_loop3A_531 : vector<16xf32>
      %parallel_loop3A_558 = arith.addf %parallel_loop3A_557, %parallel_loop3A_548 : vector<16xf32>
      %parallel_loop3A_559 = arith.mulf %parallel_loop3A_549, %parallel_loop3A_531 : vector<16xf32>
      %parallel_loop3A_560 = arith.addf %parallel_loop3A_559, %parallel_loop3A_550 : vector<16xf32>
      %parallel_loop3A_561 = arith.mulf %parallel_loop3A_560, %parallel_loop3A_531 : vector<16xf32>
      %parallel_loop3A_562 = arith.addf %parallel_loop3A_561, %parallel_loop3A_551 : vector<16xf32>
      %parallel_loop3A_563 = arith.mulf %parallel_loop3A_552, %parallel_loop3A_531 : vector<16xf32>
      %parallel_loop3A_564 = arith.addf %parallel_loop3A_563, %parallel_loop3A_553 : vector<16xf32>
      %parallel_loop3A_565 = arith.mulf %parallel_loop3A_564, %parallel_loop3A_531 : vector<16xf32>
      %parallel_loop3A_566 = arith.addf %parallel_loop3A_565, %parallel_loop3A_554 : vector<16xf32>
      %parallel_loop3A_567 = arith.constant 1.000000e+00 : f32
      %parallel_loop3A_568 = vector.broadcast %parallel_loop3A_567 : f32 to vector<16xf32>
      %parallel_loop3A_569 = arith.divf %parallel_loop3A_568, %parallel_loop3A_558 : vector<16xf32>
      %parallel_loop3A_570 = arith.mulf %parallel_loop3A_562, %parallel_loop3A_569 : vector<16xf32>
      %parallel_loop3A_571 = arith.index_cast %parallel_loop3A_529 : i32 to index
      %parallel_loop3A_572 = tpu.vector_load %arg19[%parallel_loop3A_571] {strides = array<i32>} : memref<16384xf32, #tpu.memory_space<vmem>>, vector<16xf32>,
      tpu.vector_store %arg19[%parallel_loop3A_571], %parallel_loop3A_570 {strides = array<i32>} : memref<16384xf32, #tpu.memory_space<vmem>>, vector<16xf32>,
      %parallel_loop3A_573 = arith.mulf %parallel_loop3A_569, %parallel_loop3A_569 : vector<16xf32>
      %parallel_loop3A_574 = arith.mulf %parallel_loop3A_566, %parallel_loop3A_573 : vector<16xf32>
      %parallel_loop3A_575 = vector.bitcast %parallel_loop3A_574 : vector<16xf32> to vector<16xi32>
      %parallel_loop3A_576 = arith.constant 1060439283 : i32
      %parallel_loop3A_577 = vector.broadcast %parallel_loop3A_576 : i32 to vector<16xi32>
      %parallel_loop3A_578 = arith.subi %parallel_loop3A_575, %parallel_loop3A_577 : vector<16xi32>
      %parallel_loop3A_579 = arith.constant 23 : i32
      %parallel_loop3A_580 = vector.broadcast %parallel_loop3A_579 : i32 to vector<16xi32>
      %parallel_loop3A_581 = arith.shrsi %parallel_loop3A_578, %parallel_loop3A_580 : vector<16xi32>
      %parallel_loop3A_582 = arith.constant 23 : i32
      %parallel_loop3A_583 = vector.broadcast %parallel_loop3A_582 : i32 to vector<16xi32>
      %parallel_loop3A_584 = arith.shli %parallel_loop3A_581, %parallel_loop3A_583 : vector<16xi32>
      %parallel_loop3A_585 = arith.subi %parallel_loop3A_575, %parallel_loop3A_584 : vector<16xi32>
      %parallel_loop3A_586 = vector.bitcast %parallel_loop3A_585 : vector<16xi32> to vector<16xf32>
      %parallel_loop3A_587 = arith.constant 1.000000e+00 : f32
      %parallel_loop3A_588 = vector.broadcast %parallel_loop3A_587 : f32 to vector<16xf32>
      %parallel_loop3A_589 = arith.subf %parallel_loop3A_586, %parallel_loop3A_588 : vector<16xf32>
      %parallel_loop3A_590 = arith.constant 1.000000e+00 : f32
      %parallel_loop3A_591 = vector.broadcast %parallel_loop3A_590 : f32 to vector<16xf32>
      %parallel_loop3A_592 = arith.addf %parallel_loop3A_586, %parallel_loop3A_591 : vector<16xf32>
      %parallel_loop3A_593 = arith.divf %parallel_loop3A_589, %parallel_loop3A_592 : vector<16xf32>
      %parallel_loop3A_594 = arith.sitofp %parallel_loop3A_581 : vector<16xi32> to vector<16xf32>
      %parallel_loop3A_595 = arith.constant 0.693147182 : f32
      %parallel_loop3A_596 = vector.broadcast %parallel_loop3A_595 : f32 to vector<16xf32>
      %parallel_loop3A_597 = arith.mulf %parallel_loop3A_594, %parallel_loop3A_596 : vector<16xf32>
      %parallel_loop3A_598 = arith.mulf %parallel_loop3A_593, %parallel_loop3A_593 : vector<16xf32>
      %parallel_loop3A_599 = arith.constant 0.676940203 : f32
      %parallel_loop3A_600 = vector.broadcast %parallel_loop3A_599 : f32 to vector<16xf32>
      %parallel_loop3A_601 = arith.mulf %parallel_loop3A_600, %parallel_loop3A_598 : vector<16xf32>
      %parallel_loop3A_602 = arith.constant 1.9999696 : f32
      %parallel_loop3A_603 = vector.broadcast %parallel_loop3A_602 : f32 to vector<16xf32>
      %parallel_loop3A_604 = arith.addf %parallel_loop3A_603, %parallel_loop3A_601 : vector<16xf32>
      %parallel_loop3A_605 = arith.mulf %parallel_loop3A_593, %parallel_loop3A_604 : vector<16xf32>
      %parallel_loop3A_606 = arith.addf %parallel_loop3A_597, %parallel_loop3A_605 : vector<16xf32>
      %parallel_loop3A_607 = arith.index_cast %parallel_loop3A_529 : i32 to index
      %parallel_loop3A_608 = tpu.vector_load %arg21[%parallel_loop3A_607] {strides = array<i32>} : memref<16384xf32, #tpu.memory_space<vmem>>, vector<16xf32>,
      tpu.vector_store %arg21[%parallel_loop3A_607], %parallel_loop3A_606 {strides = array<i32>} : memref<16384xf32, #tpu.memory_space<vmem>>, vector<16xf32>,
    } {sc.loop_unroll_factor = 4 : i64, sc.parallel_access}
    %dma_start3A_392 = tpu.memref_slice %arg4[%add3A_384] : memref<4194304xf32, #tpu.memory_space<hbm>> -> memref<16384xf32, #tpu.memory_space<hbm>>
    %dma_start3A_393 = tpu.memref_slice %arg4[%add3A_384] : memref<4194304xf32, #tpu.memory_space<hbm>> -> memref<16384xf32, #tpu.memory_space<hbm>>
    tpu.enqueue_dma source(%arg19 : memref<16384xf32, #tpu.memory_space<vmem>>) target(%dma_start3A_393 : memref<16384xf32, #tpu.memory_space<hbm>>) target_semaphore(%arg25 : memref<!tpu.dma_semaphore, #tpu.memory_space<semaphore_mem>>)
    %dma_start3A_394 = tpu.memref_slice %arg5[%add3A_384] : memref<4194304xf32, #tpu.memory_space<hbm>> -> memref<16384xf32, #tpu.memory_space<hbm>>
    %dma_start3A_395 = tpu.memref_slice %arg5[%add3A_384] : memref<4194304xf32, #tpu.memory_space<hbm>> -> memref<16384xf32, #tpu.memory_space<hbm>>
    tpu.enqueue_dma source(%arg21 : memref<16384xf32, #tpu.memory_space<vmem>>) target(%dma_start3A_395 : memref<16384xf32, #tpu.memory_space<hbm>>) target_semaphore(%arg25 : memref<!tpu.dma_semaphore, #tpu.memory_space<semaphore_mem>>)
    %add3A_396 = arith.constant 16384 : i32
    %add3A_397 = arith.addi %mul3A_2, %add3A_396 : i32
    %dma_wait3A_398 = tpu.memref_slice %arg2[%add3A_387] : memref<4194304xf32, #tpu.memory_space<hbm>> -> memref<16384xf32, #tpu.memory_space<hbm>>
    %dma_wait3A_399 = tpu.memref_slice %arg2[%add3A_387] : memref<4194304xf32, #tpu.memory_space<hbm>> -> memref<16384xf32, #tpu.memory_space<hbm>>
    tpu.wait_dma2 semaphore(%arg24 : memref<!tpu.dma_semaphore, #tpu.memory_space<semaphore_mem>>) src(%dma_wait3A_399 : memref<16384xf32, #tpu.memory_space<hbm>>) dst(%arg18 : memref<16384xf32, #tpu.memory_space<vmem>>)
    %add3A_400 = arith.constant 16384 : i32
    %add3A_401 = arith.addi %add3A_397, %add3A_400 : i32
    %dma_start3A_402 = tpu.memref_slice %arg2[%add3A_401] : memref<4194304xf32, #tpu.memory_space<hbm>> -> memref<16384xf32, #tpu.memory_space<hbm>>
    %dma_start3A_403 = tpu.memref_slice %arg2[%add3A_401] : memref<4194304xf32, #tpu.memory_space<hbm>> -> memref<16384xf32, #tpu.memory_space<hbm>>
    tpu.enqueue_dma source(%dma_start3A_403 : memref<16384xf32, #tpu.memory_space<hbm>>) target(%arg17 : memref<16384xf32, #tpu.memory_space<vmem>>) target_semaphore(%arg23 : memref<!tpu.dma_semaphore, #tpu.memory_space<semaphore_mem>>)
    %parallel_loop3A_404 = arith.constant 0 : i32
    %parallel_loop3A_405 = arith.constant 16384 : i32
    %parallel_loop3A_406 = arith.constant 16 : i32
    scf.for %parallel_loop3A_529 = %parallel_loop3A_404 to %parallel_loop3A_405 step %parallel_loop3A_406  : i32 {
      %parallel_loop3A_530 = arith.index_cast %parallel_loop3A_529 : i32 to index
      %parallel_loop3A_531 = tpu.vector_load %arg18[%parallel_loop3A_530] {strides = array<i32>} : memref<16384xf32, #tpu.memory_space<vmem>>, vector<16xf32>,
      %parallel_loop3A_532 = arith.constant 8.192000e+02 : f32
      %parallel_loop3A_533 = vector.broadcast %parallel_loop3A_532 : f32 to vector<16xf32>
      %parallel_loop3A_534 = arith.mulf %parallel_loop3A_531, %parallel_loop3A_533 : vector<16xf32>
      %parallel_loop3A_535 = arith.constant 2.868000e+03 : f32
      %parallel_loop3A_536 = vector.broadcast %parallel_loop3A_535 : f32 to vector<16xf32>
      %parallel_loop3A_537 = arith.addf %parallel_loop3A_534, %parallel_loop3A_536 : vector<16xf32>
      %parallel_loop3A_538 = arith.constant 0.000000e+00 : f32
      %parallel_loop3A_539 = vector.broadcast %parallel_loop3A_538 : f32 to vector<16xf32>
      %parallel_loop3A_540 = arith.maximumf %parallel_loop3A_537, %parallel_loop3A_539 : vector<16xf32>
      %parallel_loop3A_541 = arith.constant 4.917000e+03 : f32
      %parallel_loop3A_542 = vector.broadcast %parallel_loop3A_541 : f32 to vector<16xf32>
      %parallel_loop3A_543 = arith.minimumf %parallel_loop3A_540, %parallel_loop3A_542 : vector<16xf32>
      %parallel_loop3A_544 = arith.fptosi %parallel_loop3A_543 : vector<16xf32> to vector<16xi32>
      %parallel_loop3A_545 = tpu.vector_load_idx %arg16[%parallel_loop3A_544] : memref<4928xi32, #tpu.memory_space<vmem>>[vector<16xi32>], vector<16xi32>,
      %parallel_loop3A_546 = tpu.vector_load_idx %arg7[%parallel_loop3A_545] : memref<16xf32, #tpu.memory_space<vmem>>[vector<16xi32>], vector<16xf32>,
      %parallel_loop3A_547 = tpu.vector_load_idx %arg8[%parallel_loop3A_545] : memref<16xf32, #tpu.memory_space<vmem>>[vector<16xi32>], vector<16xf32>,
      %parallel_loop3A_548 = tpu.vector_load_idx %arg9[%parallel_loop3A_545] : memref<16xf32, #tpu.memory_space<vmem>>[vector<16xi32>], vector<16xf32>,
      %parallel_loop3A_549 = tpu.vector_load_idx %arg10[%parallel_loop3A_545] : memref<16xf32, #tpu.memory_space<vmem>>[vector<16xi32>], vector<16xf32>,
      %parallel_loop3A_550 = tpu.vector_load_idx %arg11[%parallel_loop3A_545] : memref<16xf32, #tpu.memory_space<vmem>>[vector<16xi32>], vector<16xf32>,
      %parallel_loop3A_551 = tpu.vector_load_idx %arg12[%parallel_loop3A_545] : memref<16xf32, #tpu.memory_space<vmem>>[vector<16xi32>], vector<16xf32>,
      %parallel_loop3A_552 = tpu.vector_load_idx %arg13[%parallel_loop3A_545] : memref<16xf32, #tpu.memory_space<vmem>>[vector<16xi32>], vector<16xf32>,
      %parallel_loop3A_553 = tpu.vector_load_idx %arg14[%parallel_loop3A_545] : memref<16xf32, #tpu.memory_space<vmem>>[vector<16xi32>], vector<16xf32>,
      %parallel_loop3A_554 = tpu.vector_load_idx %arg15[%parallel_loop3A_545] : memref<16xf32, #tpu.memory_space<vmem>>[vector<16xi32>], vector<16xf32>,
      %parallel_loop3A_555 = arith.mulf %parallel_loop3A_546, %parallel_loop3A_531 : vector<16xf32>
      %parallel_loop3A_556 = arith.addf %parallel_loop3A_555, %parallel_loop3A_547 : vector<16xf32>
      %parallel_loop3A_557 = arith.mulf %parallel_loop3A_556, %parallel_loop3A_531 : vector<16xf32>
      %parallel_loop3A_558 = arith.addf %parallel_loop3A_557, %parallel_loop3A_548 : vector<16xf32>
      %parallel_loop3A_559 = arith.mulf %parallel_loop3A_549, %parallel_loop3A_531 : vector<16xf32>
      %parallel_loop3A_560 = arith.addf %parallel_loop3A_559, %parallel_loop3A_550 : vector<16xf32>
      %parallel_loop3A_561 = arith.mulf %parallel_loop3A_560, %parallel_loop3A_531 : vector<16xf32>
      %parallel_loop3A_562 = arith.addf %parallel_loop3A_561, %parallel_loop3A_551 : vector<16xf32>
      %parallel_loop3A_563 = arith.mulf %parallel_loop3A_552, %parallel_loop3A_531 : vector<16xf32>
      %parallel_loop3A_564 = arith.addf %parallel_loop3A_563, %parallel_loop3A_553 : vector<16xf32>
      %parallel_loop3A_565 = arith.mulf %parallel_loop3A_564, %parallel_loop3A_531 : vector<16xf32>
      %parallel_loop3A_566 = arith.addf %parallel_loop3A_565, %parallel_loop3A_554 : vector<16xf32>
      %parallel_loop3A_567 = arith.constant 1.000000e+00 : f32
      %parallel_loop3A_568 = vector.broadcast %parallel_loop3A_567 : f32 to vector<16xf32>
      %parallel_loop3A_569 = arith.divf %parallel_loop3A_568, %parallel_loop3A_558 : vector<16xf32>
      %parallel_loop3A_570 = arith.mulf %parallel_loop3A_562, %parallel_loop3A_569 : vector<16xf32>
      %parallel_loop3A_571 = arith.index_cast %parallel_loop3A_529 : i32 to index
      %parallel_loop3A_572 = tpu.vector_load %arg20[%parallel_loop3A_571] {strides = array<i32>} : memref<16384xf32, #tpu.memory_space<vmem>>, vector<16xf32>,
      tpu.vector_store %arg20[%parallel_loop3A_571], %parallel_loop3A_570 {strides = array<i32>} : memref<16384xf32, #tpu.memory_space<vmem>>, vector<16xf32>,
      %parallel_loop3A_573 = arith.mulf %parallel_loop3A_569, %parallel_loop3A_569 : vector<16xf32>
      %parallel_loop3A_574 = arith.mulf %parallel_loop3A_566, %parallel_loop3A_573 : vector<16xf32>
      %parallel_loop3A_575 = vector.bitcast %parallel_loop3A_574 : vector<16xf32> to vector<16xi32>
      %parallel_loop3A_576 = arith.constant 1060439283 : i32
      %parallel_loop3A_577 = vector.broadcast %parallel_loop3A_576 : i32 to vector<16xi32>
      %parallel_loop3A_578 = arith.subi %parallel_loop3A_575, %parallel_loop3A_577 : vector<16xi32>
      %parallel_loop3A_579 = arith.constant 23 : i32
      %parallel_loop3A_580 = vector.broadcast %parallel_loop3A_579 : i32 to vector<16xi32>
      %parallel_loop3A_581 = arith.shrsi %parallel_loop3A_578, %parallel_loop3A_580 : vector<16xi32>
      %parallel_loop3A_582 = arith.constant 23 : i32
      %parallel_loop3A_583 = vector.broadcast %parallel_loop3A_582 : i32 to vector<16xi32>
      %parallel_loop3A_584 = arith.shli %parallel_loop3A_581, %parallel_loop3A_583 : vector<16xi32>
      %parallel_loop3A_585 = arith.subi %parallel_loop3A_575, %parallel_loop3A_584 : vector<16xi32>
      %parallel_loop3A_586 = vector.bitcast %parallel_loop3A_585 : vector<16xi32> to vector<16xf32>
      %parallel_loop3A_587 = arith.constant 1.000000e+00 : f32
      %parallel_loop3A_588 = vector.broadcast %parallel_loop3A_587 : f32 to vector<16xf32>
      %parallel_loop3A_589 = arith.subf %parallel_loop3A_586, %parallel_loop3A_588 : vector<16xf32>
      %parallel_loop3A_590 = arith.constant 1.000000e+00 : f32
      %parallel_loop3A_591 = vector.broadcast %parallel_loop3A_590 : f32 to vector<16xf32>
      %parallel_loop3A_592 = arith.addf %parallel_loop3A_586, %parallel_loop3A_591 : vector<16xf32>
      %parallel_loop3A_593 = arith.divf %parallel_loop3A_589, %parallel_loop3A_592 : vector<16xf32>
      %parallel_loop3A_594 = arith.sitofp %parallel_loop3A_581 : vector<16xi32> to vector<16xf32>
      %parallel_loop3A_595 = arith.constant 0.693147182 : f32
      %parallel_loop3A_596 = vector.broadcast %parallel_loop3A_595 : f32 to vector<16xf32>
      %parallel_loop3A_597 = arith.mulf %parallel_loop3A_594, %parallel_loop3A_596 : vector<16xf32>
      %parallel_loop3A_598 = arith.mulf %parallel_loop3A_593, %parallel_loop3A_593 : vector<16xf32>
      %parallel_loop3A_599 = arith.constant 0.676940203 : f32
      %parallel_loop3A_600 = vector.broadcast %parallel_loop3A_599 : f32 to vector<16xf32>
      %parallel_loop3A_601 = arith.mulf %parallel_loop3A_600, %parallel_loop3A_598 : vector<16xf32>
      %parallel_loop3A_602 = arith.constant 1.9999696 : f32
      %parallel_loop3A_603 = vector.broadcast %parallel_loop3A_602 : f32 to vector<16xf32>
      %parallel_loop3A_604 = arith.addf %parallel_loop3A_603, %parallel_loop3A_601 : vector<16xf32>
      %parallel_loop3A_605 = arith.mulf %parallel_loop3A_593, %parallel_loop3A_604 : vector<16xf32>
      %parallel_loop3A_606 = arith.addf %parallel_loop3A_597, %parallel_loop3A_605 : vector<16xf32>
      %parallel_loop3A_607 = arith.index_cast %parallel_loop3A_529 : i32 to index
      %parallel_loop3A_608 = tpu.vector_load %arg22[%parallel_loop3A_607] {strides = array<i32>} : memref<16384xf32, #tpu.memory_space<vmem>>, vector<16xf32>,
      tpu.vector_store %arg22[%parallel_loop3A_607], %parallel_loop3A_606 {strides = array<i32>} : memref<16384xf32, #tpu.memory_space<vmem>>, vector<16xf32>,
    } {sc.loop_unroll_factor = 4 : i64, sc.parallel_access}
    %dma_start3A_407 = tpu.memref_slice %arg4[%add3A_397] : memref<4194304xf32, #tpu.memory_space<hbm>> -> memref<16384xf32, #tpu.memory_space<hbm>>
    %dma_start3A_408 = tpu.memref_slice %arg4[%add3A_397] : memref<4194304xf32, #tpu.memory_space<hbm>> -> memref<16384xf32, #tpu.memory_space<hbm>>
    tpu.enqueue_dma source(%arg20 : memref<16384xf32, #tpu.memory_space<vmem>>) target(%dma_start3A_408 : memref<16384xf32, #tpu.memory_space<hbm>>) target_semaphore(%arg26 : memref<!tpu.dma_semaphore, #tpu.memory_space<semaphore_mem>>)
    %dma_start3A_409 = tpu.memref_slice %arg5[%add3A_397] : memref<4194304xf32, #tpu.memory_space<hbm>> -> memref<16384xf32, #tpu.memory_space<hbm>>
    %dma_start3A_410 = tpu.memref_slice %arg5[%add3A_397] : memref<4194304xf32, #tpu.memory_space<hbm>> -> memref<16384xf32, #tpu.memory_space<hbm>>
    tpu.enqueue_dma source(%arg22 : memref<16384xf32, #tpu.memory_space<vmem>>) target(%dma_start3A_410 : memref<16384xf32, #tpu.memory_space<hbm>>) target_semaphore(%arg26 : memref<!tpu.dma_semaphore, #tpu.memory_space<semaphore_mem>>)
    %add3A_411 = arith.constant 32768 : i32
    %add3A_412 = arith.addi %mul3A_2, %add3A_411 : i32
    %dma_wait3A_413 = tpu.memref_slice %arg2[%add3A_401] : memref<4194304xf32, #tpu.memory_space<hbm>> -> memref<16384xf32, #tpu.memory_space<hbm>>
    %dma_wait3A_414 = tpu.memref_slice %arg2[%add3A_401] : memref<4194304xf32, #tpu.memory_space<hbm>> -> memref<16384xf32, #tpu.memory_space<hbm>>
    tpu.wait_dma2 semaphore(%arg23 : memref<!tpu.dma_semaphore, #tpu.memory_space<semaphore_mem>>) src(%dma_wait3A_414 : memref<16384xf32, #tpu.memory_space<hbm>>) dst(%arg17 : memref<16384xf32, #tpu.memory_space<vmem>>)
    %add3A_415 = arith.constant 16384 : i32
    %add3A_416 = arith.addi %add3A_412, %add3A_415 : i32
    %dma_start3A_417 = tpu.memref_slice %arg2[%add3A_416] : memref<4194304xf32, #tpu.memory_space<hbm>> -> memref<16384xf32, #tpu.memory_space<hbm>>
    %dma_start3A_418 = tpu.memref_slice %arg2[%add3A_416] : memref<4194304xf32, #tpu.memory_space<hbm>> -> memref<16384xf32, #tpu.memory_space<hbm>>
    tpu.enqueue_dma source(%dma_start3A_418 : memref<16384xf32, #tpu.memory_space<hbm>>) target(%arg18 : memref<16384xf32, #tpu.memory_space<vmem>>) target_semaphore(%arg24 : memref<!tpu.dma_semaphore, #tpu.memory_space<semaphore_mem>>)
    %dma_wait3A_419 = tpu.memref_slice %arg4[%add3A_384] : memref<4194304xf32, #tpu.memory_space<hbm>> -> memref<16384xf32, #tpu.memory_space<hbm>>
    %dma_wait3A_420 = tpu.memref_slice %arg4[%add3A_384] : memref<4194304xf32, #tpu.memory_space<hbm>> -> memref<16384xf32, #tpu.memory_space<hbm>>
    tpu.wait_dma2 semaphore(%arg25 : memref<!tpu.dma_semaphore, #tpu.memory_space<semaphore_mem>>) src(%arg19 : memref<16384xf32, #tpu.memory_space<vmem>>) dst(%dma_wait3A_420 : memref<16384xf32, #tpu.memory_space<hbm>>)
    %dma_wait3A_421 = tpu.memref_slice %arg5[%add3A_384] : memref<4194304xf32, #tpu.memory_space<hbm>> -> memref<16384xf32, #tpu.memory_space<hbm>>
    %dma_wait3A_422 = tpu.memref_slice %arg5[%add3A_384] : memref<4194304xf32, #tpu.memory_space<hbm>> -> memref<16384xf32, #tpu.memory_space<hbm>>
    tpu.wait_dma2 semaphore(%arg25 : memref<!tpu.dma_semaphore, #tpu.memory_space<semaphore_mem>>) src(%arg21 : memref<16384xf32, #tpu.memory_space<vmem>>) dst(%dma_wait3A_422 : memref<16384xf32, #tpu.memory_space<hbm>>)
    %parallel_loop3A_423 = arith.constant 0 : i32
    %parallel_loop3A_424 = arith.constant 16384 : i32
    %parallel_loop3A_425 = arith.constant 16 : i32
    scf.for %parallel_loop3A_529 = %parallel_loop3A_423 to %parallel_loop3A_424 step %parallel_loop3A_425  : i32 {
      %parallel_loop3A_530 = arith.index_cast %parallel_loop3A_529 : i32 to index
      %parallel_loop3A_531 = tpu.vector_load %arg17[%parallel_loop3A_530] {strides = array<i32>} : memref<16384xf32, #tpu.memory_space<vmem>>, vector<16xf32>,
      %parallel_loop3A_532 = arith.constant 8.192000e+02 : f32
      %parallel_loop3A_533 = vector.broadcast %parallel_loop3A_532 : f32 to vector<16xf32>
      %parallel_loop3A_534 = arith.mulf %parallel_loop3A_531, %parallel_loop3A_533 : vector<16xf32>
      %parallel_loop3A_535 = arith.constant 2.868000e+03 : f32
      %parallel_loop3A_536 = vector.broadcast %parallel_loop3A_535 : f32 to vector<16xf32>
      %parallel_loop3A_537 = arith.addf %parallel_loop3A_534, %parallel_loop3A_536 : vector<16xf32>
      %parallel_loop3A_538 = arith.constant 0.000000e+00 : f32
      %parallel_loop3A_539 = vector.broadcast %parallel_loop3A_538 : f32 to vector<16xf32>
      %parallel_loop3A_540 = arith.maximumf %parallel_loop3A_537, %parallel_loop3A_539 : vector<16xf32>
      %parallel_loop3A_541 = arith.constant 4.917000e+03 : f32
      %parallel_loop3A_542 = vector.broadcast %parallel_loop3A_541 : f32 to vector<16xf32>
      %parallel_loop3A_543 = arith.minimumf %parallel_loop3A_540, %parallel_loop3A_542 : vector<16xf32>
      %parallel_loop3A_544 = arith.fptosi %parallel_loop3A_543 : vector<16xf32> to vector<16xi32>
      %parallel_loop3A_545 = tpu.vector_load_idx %arg16[%parallel_loop3A_544] : memref<4928xi32, #tpu.memory_space<vmem>>[vector<16xi32>], vector<16xi32>,
      %parallel_loop3A_546 = tpu.vector_load_idx %arg7[%parallel_loop3A_545] : memref<16xf32, #tpu.memory_space<vmem>>[vector<16xi32>], vector<16xf32>,
      %parallel_loop3A_547 = tpu.vector_load_idx %arg8[%parallel_loop3A_545] : memref<16xf32, #tpu.memory_space<vmem>>[vector<16xi32>], vector<16xf32>,
      %parallel_loop3A_548 = tpu.vector_load_idx %arg9[%parallel_loop3A_545] : memref<16xf32, #tpu.memory_space<vmem>>[vector<16xi32>], vector<16xf32>,
      %parallel_loop3A_549 = tpu.vector_load_idx %arg10[%parallel_loop3A_545] : memref<16xf32, #tpu.memory_space<vmem>>[vector<16xi32>], vector<16xf32>,
      %parallel_loop3A_550 = tpu.vector_load_idx %arg11[%parallel_loop3A_545] : memref<16xf32, #tpu.memory_space<vmem>>[vector<16xi32>], vector<16xf32>,
      %parallel_loop3A_551 = tpu.vector_load_idx %arg12[%parallel_loop3A_545] : memref<16xf32, #tpu.memory_space<vmem>>[vector<16xi32>], vector<16xf32>,
      %parallel_loop3A_552 = tpu.vector_load_idx %arg13[%parallel_loop3A_545] : memref<16xf32, #tpu.memory_space<vmem>>[vector<16xi32>], vector<16xf32>,
      %parallel_loop3A_553 = tpu.vector_load_idx %arg14[%parallel_loop3A_545] : memref<16xf32, #tpu.memory_space<vmem>>[vector<16xi32>], vector<16xf32>,
      %parallel_loop3A_554 = tpu.vector_load_idx %arg15[%parallel_loop3A_545] : memref<16xf32, #tpu.memory_space<vmem>>[vector<16xi32>], vector<16xf32>,
      %parallel_loop3A_555 = arith.mulf %parallel_loop3A_546, %parallel_loop3A_531 : vector<16xf32>
      %parallel_loop3A_556 = arith.addf %parallel_loop3A_555, %parallel_loop3A_547 : vector<16xf32>
      %parallel_loop3A_557 = arith.mulf %parallel_loop3A_556, %parallel_loop3A_531 : vector<16xf32>
      %parallel_loop3A_558 = arith.addf %parallel_loop3A_557, %parallel_loop3A_548 : vector<16xf32>
      %parallel_loop3A_559 = arith.mulf %parallel_loop3A_549, %parallel_loop3A_531 : vector<16xf32>
      %parallel_loop3A_560 = arith.addf %parallel_loop3A_559, %parallel_loop3A_550 : vector<16xf32>
      %parallel_loop3A_561 = arith.mulf %parallel_loop3A_560, %parallel_loop3A_531 : vector<16xf32>
      %parallel_loop3A_562 = arith.addf %parallel_loop3A_561, %parallel_loop3A_551 : vector<16xf32>
      %parallel_loop3A_563 = arith.mulf %parallel_loop3A_552, %parallel_loop3A_531 : vector<16xf32>
      %parallel_loop3A_564 = arith.addf %parallel_loop3A_563, %parallel_loop3A_553 : vector<16xf32>
      %parallel_loop3A_565 = arith.mulf %parallel_loop3A_564, %parallel_loop3A_531 : vector<16xf32>
      %parallel_loop3A_566 = arith.addf %parallel_loop3A_565, %parallel_loop3A_554 : vector<16xf32>
      %parallel_loop3A_567 = arith.constant 1.000000e+00 : f32
      %parallel_loop3A_568 = vector.broadcast %parallel_loop3A_567 : f32 to vector<16xf32>
      %parallel_loop3A_569 = arith.divf %parallel_loop3A_568, %parallel_loop3A_558 : vector<16xf32>
      %parallel_loop3A_570 = arith.mulf %parallel_loop3A_562, %parallel_loop3A_569 : vector<16xf32>
      %parallel_loop3A_571 = arith.index_cast %parallel_loop3A_529 : i32 to index
      %parallel_loop3A_572 = tpu.vector_load %arg19[%parallel_loop3A_571] {strides = array<i32>} : memref<16384xf32, #tpu.memory_space<vmem>>, vector<16xf32>,
      tpu.vector_store %arg19[%parallel_loop3A_571], %parallel_loop3A_570 {strides = array<i32>} : memref<16384xf32, #tpu.memory_space<vmem>>, vector<16xf32>,
      %parallel_loop3A_573 = arith.mulf %parallel_loop3A_569, %parallel_loop3A_569 : vector<16xf32>
      %parallel_loop3A_574 = arith.mulf %parallel_loop3A_566, %parallel_loop3A_573 : vector<16xf32>
      %parallel_loop3A_575 = vector.bitcast %parallel_loop3A_574 : vector<16xf32> to vector<16xi32>
      %parallel_loop3A_576 = arith.constant 1060439283 : i32
      %parallel_loop3A_577 = vector.broadcast %parallel_loop3A_576 : i32 to vector<16xi32>
      %parallel_loop3A_578 = arith.subi %parallel_loop3A_575, %parallel_loop3A_577 : vector<16xi32>
      %parallel_loop3A_579 = arith.constant 23 : i32
      %parallel_loop3A_580 = vector.broadcast %parallel_loop3A_579 : i32 to vector<16xi32>
      %parallel_loop3A_581 = arith.shrsi %parallel_loop3A_578, %parallel_loop3A_580 : vector<16xi32>
      %parallel_loop3A_582 = arith.constant 23 : i32
      %parallel_loop3A_583 = vector.broadcast %parallel_loop3A_582 : i32 to vector<16xi32>
      %parallel_loop3A_584 = arith.shli %parallel_loop3A_581, %parallel_loop3A_583 : vector<16xi32>
      %parallel_loop3A_585 = arith.subi %parallel_loop3A_575, %parallel_loop3A_584 : vector<16xi32>
      %parallel_loop3A_586 = vector.bitcast %parallel_loop3A_585 : vector<16xi32> to vector<16xf32>
      %parallel_loop3A_587 = arith.constant 1.000000e+00 : f32
      %parallel_loop3A_588 = vector.broadcast %parallel_loop3A_587 : f32 to vector<16xf32>
      %parallel_loop3A_589 = arith.subf %parallel_loop3A_586, %parallel_loop3A_588 : vector<16xf32>
      %parallel_loop3A_590 = arith.constant 1.000000e+00 : f32
      %parallel_loop3A_591 = vector.broadcast %parallel_loop3A_590 : f32 to vector<16xf32>
      %parallel_loop3A_592 = arith.addf %parallel_loop3A_586, %parallel_loop3A_591 : vector<16xf32>
      %parallel_loop3A_593 = arith.divf %parallel_loop3A_589, %parallel_loop3A_592 : vector<16xf32>
      %parallel_loop3A_594 = arith.sitofp %parallel_loop3A_581 : vector<16xi32> to vector<16xf32>
      %parallel_loop3A_595 = arith.constant 0.693147182 : f32
      %parallel_loop3A_596 = vector.broadcast %parallel_loop3A_595 : f32 to vector<16xf32>
      %parallel_loop3A_597 = arith.mulf %parallel_loop3A_594, %parallel_loop3A_596 : vector<16xf32>
      %parallel_loop3A_598 = arith.mulf %parallel_loop3A_593, %parallel_loop3A_593 : vector<16xf32>
      %parallel_loop3A_599 = arith.constant 0.676940203 : f32
      %parallel_loop3A_600 = vector.broadcast %parallel_loop3A_599 : f32 to vector<16xf32>
      %parallel_loop3A_601 = arith.mulf %parallel_loop3A_600, %parallel_loop3A_598 : vector<16xf32>
      %parallel_loop3A_602 = arith.constant 1.9999696 : f32
      %parallel_loop3A_603 = vector.broadcast %parallel_loop3A_602 : f32 to vector<16xf32>
      %parallel_loop3A_604 = arith.addf %parallel_loop3A_603, %parallel_loop3A_601 : vector<16xf32>
      %parallel_loop3A_605 = arith.mulf %parallel_loop3A_593, %parallel_loop3A_604 : vector<16xf32>
      %parallel_loop3A_606 = arith.addf %parallel_loop3A_597, %parallel_loop3A_605 : vector<16xf32>
      %parallel_loop3A_607 = arith.index_cast %parallel_loop3A_529 : i32 to index
      %parallel_loop3A_608 = tpu.vector_load %arg21[%parallel_loop3A_607] {strides = array<i32>} : memref<16384xf32, #tpu.memory_space<vmem>>, vector<16xf32>,
      tpu.vector_store %arg21[%parallel_loop3A_607], %parallel_loop3A_606 {strides = array<i32>} : memref<16384xf32, #tpu.memory_space<vmem>>, vector<16xf32>,
    } {sc.loop_unroll_factor = 4 : i64, sc.parallel_access}
    %dma_start3A_426 = tpu.memref_slice %arg4[%add3A_412] : memref<4194304xf32, #tpu.memory_space<hbm>> -> memref<16384xf32, #tpu.memory_space<hbm>>
    %dma_start3A_427 = tpu.memref_slice %arg4[%add3A_412] : memref<4194304xf32, #tpu.memory_space<hbm>> -> memref<16384xf32, #tpu.memory_space<hbm>>
    tpu.enqueue_dma source(%arg19 : memref<16384xf32, #tpu.memory_space<vmem>>) target(%dma_start3A_427 : memref<16384xf32, #tpu.memory_space<hbm>>) target_semaphore(%arg25 : memref<!tpu.dma_semaphore, #tpu.memory_space<semaphore_mem>>)
    %dma_start3A_428 = tpu.memref_slice %arg5[%add3A_412] : memref<4194304xf32, #tpu.memory_space<hbm>> -> memref<16384xf32, #tpu.memory_space<hbm>>
    %dma_start3A_429 = tpu.memref_slice %arg5[%add3A_412] : memref<4194304xf32, #tpu.memory_space<hbm>> -> memref<16384xf32, #tpu.memory_space<hbm>>
    tpu.enqueue_dma source(%arg21 : memref<16384xf32, #tpu.memory_space<vmem>>) target(%dma_start3A_429 : memref<16384xf32, #tpu.memory_space<hbm>>) target_semaphore(%arg25 : memref<!tpu.dma_semaphore, #tpu.memory_space<semaphore_mem>>)
    %add3A_430 = arith.constant 49152 : i32
    %add3A_431 = arith.addi %mul3A_2, %add3A_430 : i32
    %dma_wait3A_432 = tpu.memref_slice %arg2[%add3A_416] : memref<4194304xf32, #tpu.memory_space<hbm>> -> memref<16384xf32, #tpu.memory_space<hbm>>
    %dma_wait3A_433 = tpu.memref_slice %arg2[%add3A_416] : memref<4194304xf32, #tpu.memory_space<hbm>> -> memref<16384xf32, #tpu.memory_space<hbm>>
    tpu.wait_dma2 semaphore(%arg24 : memref<!tpu.dma_semaphore, #tpu.memory_space<semaphore_mem>>) src(%dma_wait3A_433 : memref<16384xf32, #tpu.memory_space<hbm>>) dst(%arg18 : memref<16384xf32, #tpu.memory_space<vmem>>)
    %add3A_434 = arith.constant 16384 : i32
    %add3A_435 = arith.addi %add3A_431, %add3A_434 : i32
    %dma_start3A_436 = tpu.memref_slice %arg2[%add3A_435] : memref<4194304xf32, #tpu.memory_space<hbm>> -> memref<16384xf32, #tpu.memory_space<hbm>>
    %dma_start3A_437 = tpu.memref_slice %arg2[%add3A_435] : memref<4194304xf32, #tpu.memory_space<hbm>> -> memref<16384xf32, #tpu.memory_space<hbm>>
    tpu.enqueue_dma source(%dma_start3A_437 : memref<16384xf32, #tpu.memory_space<hbm>>) target(%arg17 : memref<16384xf32, #tpu.memory_space<vmem>>) target_semaphore(%arg23 : memref<!tpu.dma_semaphore, #tpu.memory_space<semaphore_mem>>)
    %dma_wait3A_438 = tpu.memref_slice %arg4[%add3A_397] : memref<4194304xf32, #tpu.memory_space<hbm>> -> memref<16384xf32, #tpu.memory_space<hbm>>
    %dma_wait3A_439 = tpu.memref_slice %arg4[%add3A_397] : memref<4194304xf32, #tpu.memory_space<hbm>> -> memref<16384xf32, #tpu.memory_space<hbm>>
    tpu.wait_dma2 semaphore(%arg26 : memref<!tpu.dma_semaphore, #tpu.memory_space<semaphore_mem>>) src(%arg20 : memref<16384xf32, #tpu.memory_space<vmem>>) dst(%dma_wait3A_439 : memref<16384xf32, #tpu.memory_space<hbm>>)
    %dma_wait3A_440 = tpu.memref_slice %arg5[%add3A_397] : memref<4194304xf32, #tpu.memory_space<hbm>> -> memref<16384xf32, #tpu.memory_space<hbm>>
    %dma_wait3A_441 = tpu.memref_slice %arg5[%add3A_397] : memref<4194304xf32, #tpu.memory_space<hbm>> -> memref<16384xf32, #tpu.memory_space<hbm>>
    tpu.wait_dma2 semaphore(%arg26 : memref<!tpu.dma_semaphore, #tpu.memory_space<semaphore_mem>>) src(%arg22 : memref<16384xf32, #tpu.memory_space<vmem>>) dst(%dma_wait3A_441 : memref<16384xf32, #tpu.memory_space<hbm>>)
    %parallel_loop3A_442 = arith.constant 0 : i32
    %parallel_loop3A_443 = arith.constant 16384 : i32
    %parallel_loop3A_444 = arith.constant 16 : i32
    scf.for %parallel_loop3A_529 = %parallel_loop3A_442 to %parallel_loop3A_443 step %parallel_loop3A_444  : i32 {
      %parallel_loop3A_530 = arith.index_cast %parallel_loop3A_529 : i32 to index
      %parallel_loop3A_531 = tpu.vector_load %arg18[%parallel_loop3A_530] {strides = array<i32>} : memref<16384xf32, #tpu.memory_space<vmem>>, vector<16xf32>,
      %parallel_loop3A_532 = arith.constant 8.192000e+02 : f32
      %parallel_loop3A_533 = vector.broadcast %parallel_loop3A_532 : f32 to vector<16xf32>
      %parallel_loop3A_534 = arith.mulf %parallel_loop3A_531, %parallel_loop3A_533 : vector<16xf32>
      %parallel_loop3A_535 = arith.constant 2.868000e+03 : f32
      %parallel_loop3A_536 = vector.broadcast %parallel_loop3A_535 : f32 to vector<16xf32>
      %parallel_loop3A_537 = arith.addf %parallel_loop3A_534, %parallel_loop3A_536 : vector<16xf32>
      %parallel_loop3A_538 = arith.constant 0.000000e+00 : f32
      %parallel_loop3A_539 = vector.broadcast %parallel_loop3A_538 : f32 to vector<16xf32>
      %parallel_loop3A_540 = arith.maximumf %parallel_loop3A_537, %parallel_loop3A_539 : vector<16xf32>
      %parallel_loop3A_541 = arith.constant 4.917000e+03 : f32
      %parallel_loop3A_542 = vector.broadcast %parallel_loop3A_541 : f32 to vector<16xf32>
      %parallel_loop3A_543 = arith.minimumf %parallel_loop3A_540, %parallel_loop3A_542 : vector<16xf32>
      %parallel_loop3A_544 = arith.fptosi %parallel_loop3A_543 : vector<16xf32> to vector<16xi32>
      %parallel_loop3A_545 = tpu.vector_load_idx %arg16[%parallel_loop3A_544] : memref<4928xi32, #tpu.memory_space<vmem>>[vector<16xi32>], vector<16xi32>,
      %parallel_loop3A_546 = tpu.vector_load_idx %arg7[%parallel_loop3A_545] : memref<16xf32, #tpu.memory_space<vmem>>[vector<16xi32>], vector<16xf32>,
      %parallel_loop3A_547 = tpu.vector_load_idx %arg8[%parallel_loop3A_545] : memref<16xf32, #tpu.memory_space<vmem>>[vector<16xi32>], vector<16xf32>,
      %parallel_loop3A_548 = tpu.vector_load_idx %arg9[%parallel_loop3A_545] : memref<16xf32, #tpu.memory_space<vmem>>[vector<16xi32>], vector<16xf32>,
      %parallel_loop3A_549 = tpu.vector_load_idx %arg10[%parallel_loop3A_545] : memref<16xf32, #tpu.memory_space<vmem>>[vector<16xi32>], vector<16xf32>,
      %parallel_loop3A_550 = tpu.vector_load_idx %arg11[%parallel_loop3A_545] : memref<16xf32, #tpu.memory_space<vmem>>[vector<16xi32>], vector<16xf32>,
      %parallel_loop3A_551 = tpu.vector_load_idx %arg12[%parallel_loop3A_545] : memref<16xf32, #tpu.memory_space<vmem>>[vector<16xi32>], vector<16xf32>,
      %parallel_loop3A_552 = tpu.vector_load_idx %arg13[%parallel_loop3A_545] : memref<16xf32, #tpu.memory_space<vmem>>[vector<16xi32>], vector<16xf32>,
      %parallel_loop3A_553 = tpu.vector_load_idx %arg14[%parallel_loop3A_545] : memref<16xf32, #tpu.memory_space<vmem>>[vector<16xi32>], vector<16xf32>,
      %parallel_loop3A_554 = tpu.vector_load_idx %arg15[%parallel_loop3A_545] : memref<16xf32, #tpu.memory_space<vmem>>[vector<16xi32>], vector<16xf32>,
      %parallel_loop3A_555 = arith.mulf %parallel_loop3A_546, %parallel_loop3A_531 : vector<16xf32>
      %parallel_loop3A_556 = arith.addf %parallel_loop3A_555, %parallel_loop3A_547 : vector<16xf32>
      %parallel_loop3A_557 = arith.mulf %parallel_loop3A_556, %parallel_loop3A_531 : vector<16xf32>
      %parallel_loop3A_558 = arith.addf %parallel_loop3A_557, %parallel_loop3A_548 : vector<16xf32>
      %parallel_loop3A_559 = arith.mulf %parallel_loop3A_549, %parallel_loop3A_531 : vector<16xf32>
      %parallel_loop3A_560 = arith.addf %parallel_loop3A_559, %parallel_loop3A_550 : vector<16xf32>
      %parallel_loop3A_561 = arith.mulf %parallel_loop3A_560, %parallel_loop3A_531 : vector<16xf32>
      %parallel_loop3A_562 = arith.addf %parallel_loop3A_561, %parallel_loop3A_551 : vector<16xf32>
      %parallel_loop3A_563 = arith.mulf %parallel_loop3A_552, %parallel_loop3A_531 : vector<16xf32>
      %parallel_loop3A_564 = arith.addf %parallel_loop3A_563, %parallel_loop3A_553 : vector<16xf32>
      %parallel_loop3A_565 = arith.mulf %parallel_loop3A_564, %parallel_loop3A_531 : vector<16xf32>
      %parallel_loop3A_566 = arith.addf %parallel_loop3A_565, %parallel_loop3A_554 : vector<16xf32>
      %parallel_loop3A_567 = arith.constant 1.000000e+00 : f32
      %parallel_loop3A_568 = vector.broadcast %parallel_loop3A_567 : f32 to vector<16xf32>
      %parallel_loop3A_569 = arith.divf %parallel_loop3A_568, %parallel_loop3A_558 : vector<16xf32>
      %parallel_loop3A_570 = arith.mulf %parallel_loop3A_562, %parallel_loop3A_569 : vector<16xf32>
      %parallel_loop3A_571 = arith.index_cast %parallel_loop3A_529 : i32 to index
      %parallel_loop3A_572 = tpu.vector_load %arg20[%parallel_loop3A_571] {strides = array<i32>} : memref<16384xf32, #tpu.memory_space<vmem>>, vector<16xf32>,
      tpu.vector_store %arg20[%parallel_loop3A_571], %parallel_loop3A_570 {strides = array<i32>} : memref<16384xf32, #tpu.memory_space<vmem>>, vector<16xf32>,
      %parallel_loop3A_573 = arith.mulf %parallel_loop3A_569, %parallel_loop3A_569 : vector<16xf32>
      %parallel_loop3A_574 = arith.mulf %parallel_loop3A_566, %parallel_loop3A_573 : vector<16xf32>
      %parallel_loop3A_575 = vector.bitcast %parallel_loop3A_574 : vector<16xf32> to vector<16xi32>
      %parallel_loop3A_576 = arith.constant 1060439283 : i32
      %parallel_loop3A_577 = vector.broadcast %parallel_loop3A_576 : i32 to vector<16xi32>
      %parallel_loop3A_578 = arith.subi %parallel_loop3A_575, %parallel_loop3A_577 : vector<16xi32>
      %parallel_loop3A_579 = arith.constant 23 : i32
      %parallel_loop3A_580 = vector.broadcast %parallel_loop3A_579 : i32 to vector<16xi32>
      %parallel_loop3A_581 = arith.shrsi %parallel_loop3A_578, %parallel_loop3A_580 : vector<16xi32>
      %parallel_loop3A_582 = arith.constant 23 : i32
      %parallel_loop3A_583 = vector.broadcast %parallel_loop3A_582 : i32 to vector<16xi32>
      %parallel_loop3A_584 = arith.shli %parallel_loop3A_581, %parallel_loop3A_583 : vector<16xi32>
      %parallel_loop3A_585 = arith.subi %parallel_loop3A_575, %parallel_loop3A_584 : vector<16xi32>
      %parallel_loop3A_586 = vector.bitcast %parallel_loop3A_585 : vector<16xi32> to vector<16xf32>
      %parallel_loop3A_587 = arith.constant 1.000000e+00 : f32
      %parallel_loop3A_588 = vector.broadcast %parallel_loop3A_587 : f32 to vector<16xf32>
      %parallel_loop3A_589 = arith.subf %parallel_loop3A_586, %parallel_loop3A_588 : vector<16xf32>
      %parallel_loop3A_590 = arith.constant 1.000000e+00 : f32
      %parallel_loop3A_591 = vector.broadcast %parallel_loop3A_590 : f32 to vector<16xf32>
      %parallel_loop3A_592 = arith.addf %parallel_loop3A_586, %parallel_loop3A_591 : vector<16xf32>
      %parallel_loop3A_593 = arith.divf %parallel_loop3A_589, %parallel_loop3A_592 : vector<16xf32>
      %parallel_loop3A_594 = arith.sitofp %parallel_loop3A_581 : vector<16xi32> to vector<16xf32>
      %parallel_loop3A_595 = arith.constant 0.693147182 : f32
      %parallel_loop3A_596 = vector.broadcast %parallel_loop3A_595 : f32 to vector<16xf32>
      %parallel_loop3A_597 = arith.mulf %parallel_loop3A_594, %parallel_loop3A_596 : vector<16xf32>
      %parallel_loop3A_598 = arith.mulf %parallel_loop3A_593, %parallel_loop3A_593 : vector<16xf32>
      %parallel_loop3A_599 = arith.constant 0.676940203 : f32
      %parallel_loop3A_600 = vector.broadcast %parallel_loop3A_599 : f32 to vector<16xf32>
      %parallel_loop3A_601 = arith.mulf %parallel_loop3A_600, %parallel_loop3A_598 : vector<16xf32>
      %parallel_loop3A_602 = arith.constant 1.9999696 : f32
      %parallel_loop3A_603 = vector.broadcast %parallel_loop3A_602 : f32 to vector<16xf32>
      %parallel_loop3A_604 = arith.addf %parallel_loop3A_603, %parallel_loop3A_601 : vector<16xf32>
      %parallel_loop3A_605 = arith.mulf %parallel_loop3A_593, %parallel_loop3A_604 : vector<16xf32>
      %parallel_loop3A_606 = arith.addf %parallel_loop3A_597, %parallel_loop3A_605 : vector<16xf32>
      %parallel_loop3A_607 = arith.index_cast %parallel_loop3A_529 : i32 to index
      %parallel_loop3A_608 = tpu.vector_load %arg22[%parallel_loop3A_607] {strides = array<i32>} : memref<16384xf32, #tpu.memory_space<vmem>>, vector<16xf32>,
      tpu.vector_store %arg22[%parallel_loop3A_607], %parallel_loop3A_606 {strides = array<i32>} : memref<16384xf32, #tpu.memory_space<vmem>>, vector<16xf32>,
    } {sc.loop_unroll_factor = 4 : i64, sc.parallel_access}
    %dma_start3A_445 = tpu.memref_slice %arg4[%add3A_431] : memref<4194304xf32, #tpu.memory_space<hbm>> -> memref<16384xf32, #tpu.memory_space<hbm>>
    %dma_start3A_446 = tpu.memref_slice %arg4[%add3A_431] : memref<4194304xf32, #tpu.memory_space<hbm>> -> memref<16384xf32, #tpu.memory_space<hbm>>
    tpu.enqueue_dma source(%arg20 : memref<16384xf32, #tpu.memory_space<vmem>>) target(%dma_start3A_446 : memref<16384xf32, #tpu.memory_space<hbm>>) target_semaphore(%arg26 : memref<!tpu.dma_semaphore, #tpu.memory_space<semaphore_mem>>)
    %dma_start3A_447 = tpu.memref_slice %arg5[%add3A_431] : memref<4194304xf32, #tpu.memory_space<hbm>> -> memref<16384xf32, #tpu.memory_space<hbm>>
    %dma_start3A_448 = tpu.memref_slice %arg5[%add3A_431] : memref<4194304xf32, #tpu.memory_space<hbm>> -> memref<16384xf32, #tpu.memory_space<hbm>>
    tpu.enqueue_dma source(%arg22 : memref<16384xf32, #tpu.memory_space<vmem>>) target(%dma_start3A_448 : memref<16384xf32, #tpu.memory_space<hbm>>) target_semaphore(%arg26 : memref<!tpu.dma_semaphore, #tpu.memory_space<semaphore_mem>>)
    %add3A_449 = arith.constant 65536 : i32
    %add3A_450 = arith.addi %mul3A_2, %add3A_449 : i32
    %dma_wait3A_451 = tpu.memref_slice %arg2[%add3A_435] : memref<4194304xf32, #tpu.memory_space<hbm>> -> memref<16384xf32, #tpu.memory_space<hbm>>
    %dma_wait3A_452 = tpu.memref_slice %arg2[%add3A_435] : memref<4194304xf32, #tpu.memory_space<hbm>> -> memref<16384xf32, #tpu.memory_space<hbm>>
    tpu.wait_dma2 semaphore(%arg23 : memref<!tpu.dma_semaphore, #tpu.memory_space<semaphore_mem>>) src(%dma_wait3A_452 : memref<16384xf32, #tpu.memory_space<hbm>>) dst(%arg17 : memref<16384xf32, #tpu.memory_space<vmem>>)
    %add3A_453 = arith.constant 16384 : i32
    %add3A_454 = arith.addi %add3A_450, %add3A_453 : i32
    %dma_start3A_455 = tpu.memref_slice %arg2[%add3A_454] : memref<4194304xf32, #tpu.memory_space<hbm>> -> memref<16384xf32, #tpu.memory_space<hbm>>
    %dma_start3A_456 = tpu.memref_slice %arg2[%add3A_454] : memref<4194304xf32, #tpu.memory_space<hbm>> -> memref<16384xf32, #tpu.memory_space<hbm>>
    tpu.enqueue_dma source(%dma_start3A_456 : memref<16384xf32, #tpu.memory_space<hbm>>) target(%arg18 : memref<16384xf32, #tpu.memory_space<vmem>>) target_semaphore(%arg24 : memref<!tpu.dma_semaphore, #tpu.memory_space<semaphore_mem>>)
    %dma_wait3A_457 = tpu.memref_slice %arg4[%add3A_412] : memref<4194304xf32, #tpu.memory_space<hbm>> -> memref<16384xf32, #tpu.memory_space<hbm>>
    %dma_wait3A_458 = tpu.memref_slice %arg4[%add3A_412] : memref<4194304xf32, #tpu.memory_space<hbm>> -> memref<16384xf32, #tpu.memory_space<hbm>>
    tpu.wait_dma2 semaphore(%arg25 : memref<!tpu.dma_semaphore, #tpu.memory_space<semaphore_mem>>) src(%arg19 : memref<16384xf32, #tpu.memory_space<vmem>>) dst(%dma_wait3A_458 : memref<16384xf32, #tpu.memory_space<hbm>>)
    %dma_wait3A_459 = tpu.memref_slice %arg5[%add3A_412] : memref<4194304xf32, #tpu.memory_space<hbm>> -> memref<16384xf32, #tpu.memory_space<hbm>>
    %dma_wait3A_460 = tpu.memref_slice %arg5[%add3A_412] : memref<4194304xf32, #tpu.memory_space<hbm>> -> memref<16384xf32, #tpu.memory_space<hbm>>
    tpu.wait_dma2 semaphore(%arg25 : memref<!tpu.dma_semaphore, #tpu.memory_space<semaphore_mem>>) src(%arg21 : memref<16384xf32, #tpu.memory_space<vmem>>) dst(%dma_wait3A_460 : memref<16384xf32, #tpu.memory_space<hbm>>)
    %parallel_loop3A_461 = arith.constant 0 : i32
    %parallel_loop3A_462 = arith.constant 16384 : i32
    %parallel_loop3A_463 = arith.constant 16 : i32
    scf.for %parallel_loop3A_529 = %parallel_loop3A_461 to %parallel_loop3A_462 step %parallel_loop3A_463  : i32 {
      %parallel_loop3A_530 = arith.index_cast %parallel_loop3A_529 : i32 to index
      %parallel_loop3A_531 = tpu.vector_load %arg17[%parallel_loop3A_530] {strides = array<i32>} : memref<16384xf32, #tpu.memory_space<vmem>>, vector<16xf32>,
      %parallel_loop3A_532 = arith.constant 8.192000e+02 : f32
      %parallel_loop3A_533 = vector.broadcast %parallel_loop3A_532 : f32 to vector<16xf32>
      %parallel_loop3A_534 = arith.mulf %parallel_loop3A_531, %parallel_loop3A_533 : vector<16xf32>
      %parallel_loop3A_535 = arith.constant 2.868000e+03 : f32
      %parallel_loop3A_536 = vector.broadcast %parallel_loop3A_535 : f32 to vector<16xf32>
      %parallel_loop3A_537 = arith.addf %parallel_loop3A_534, %parallel_loop3A_536 : vector<16xf32>
      %parallel_loop3A_538 = arith.constant 0.000000e+00 : f32
      %parallel_loop3A_539 = vector.broadcast %parallel_loop3A_538 : f32 to vector<16xf32>
      %parallel_loop3A_540 = arith.maximumf %parallel_loop3A_537, %parallel_loop3A_539 : vector<16xf32>
      %parallel_loop3A_541 = arith.constant 4.917000e+03 : f32
      %parallel_loop3A_542 = vector.broadcast %parallel_loop3A_541 : f32 to vector<16xf32>
      %parallel_loop3A_543 = arith.minimumf %parallel_loop3A_540, %parallel_loop3A_542 : vector<16xf32>
      %parallel_loop3A_544 = arith.fptosi %parallel_loop3A_543 : vector<16xf32> to vector<16xi32>
      %parallel_loop3A_545 = tpu.vector_load_idx %arg16[%parallel_loop3A_544] : memref<4928xi32, #tpu.memory_space<vmem>>[vector<16xi32>], vector<16xi32>,
      %parallel_loop3A_546 = tpu.vector_load_idx %arg7[%parallel_loop3A_545] : memref<16xf32, #tpu.memory_space<vmem>>[vector<16xi32>], vector<16xf32>,
      %parallel_loop3A_547 = tpu.vector_load_idx %arg8[%parallel_loop3A_545] : memref<16xf32, #tpu.memory_space<vmem>>[vector<16xi32>], vector<16xf32>,
      %parallel_loop3A_548 = tpu.vector_load_idx %arg9[%parallel_loop3A_545] : memref<16xf32, #tpu.memory_space<vmem>>[vector<16xi32>], vector<16xf32>,
      %parallel_loop3A_549 = tpu.vector_load_idx %arg10[%parallel_loop3A_545] : memref<16xf32, #tpu.memory_space<vmem>>[vector<16xi32>], vector<16xf32>,
      %parallel_loop3A_550 = tpu.vector_load_idx %arg11[%parallel_loop3A_545] : memref<16xf32, #tpu.memory_space<vmem>>[vector<16xi32>], vector<16xf32>,
      %parallel_loop3A_551 = tpu.vector_load_idx %arg12[%parallel_loop3A_545] : memref<16xf32, #tpu.memory_space<vmem>>[vector<16xi32>], vector<16xf32>,
      %parallel_loop3A_552 = tpu.vector_load_idx %arg13[%parallel_loop3A_545] : memref<16xf32, #tpu.memory_space<vmem>>[vector<16xi32>], vector<16xf32>,
      %parallel_loop3A_553 = tpu.vector_load_idx %arg14[%parallel_loop3A_545] : memref<16xf32, #tpu.memory_space<vmem>>[vector<16xi32>], vector<16xf32>,
      %parallel_loop3A_554 = tpu.vector_load_idx %arg15[%parallel_loop3A_545] : memref<16xf32, #tpu.memory_space<vmem>>[vector<16xi32>], vector<16xf32>,
      %parallel_loop3A_555 = arith.mulf %parallel_loop3A_546, %parallel_loop3A_531 : vector<16xf32>
      %parallel_loop3A_556 = arith.addf %parallel_loop3A_555, %parallel_loop3A_547 : vector<16xf32>
      %parallel_loop3A_557 = arith.mulf %parallel_loop3A_556, %parallel_loop3A_531 : vector<16xf32>
      %parallel_loop3A_558 = arith.addf %parallel_loop3A_557, %parallel_loop3A_548 : vector<16xf32>
      %parallel_loop3A_559 = arith.mulf %parallel_loop3A_549, %parallel_loop3A_531 : vector<16xf32>
      %parallel_loop3A_560 = arith.addf %parallel_loop3A_559, %parallel_loop3A_550 : vector<16xf32>
      %parallel_loop3A_561 = arith.mulf %parallel_loop3A_560, %parallel_loop3A_531 : vector<16xf32>
      %parallel_loop3A_562 = arith.addf %parallel_loop3A_561, %parallel_loop3A_551 : vector<16xf32>
      %parallel_loop3A_563 = arith.mulf %parallel_loop3A_552, %parallel_loop3A_531 : vector<16xf32>
      %parallel_loop3A_564 = arith.addf %parallel_loop3A_563, %parallel_loop3A_553 : vector<16xf32>
      %parallel_loop3A_565 = arith.mulf %parallel_loop3A_564, %parallel_loop3A_531 : vector<16xf32>
      %parallel_loop3A_566 = arith.addf %parallel_loop3A_565, %parallel_loop3A_554 : vector<16xf32>
      %parallel_loop3A_567 = arith.constant 1.000000e+00 : f32
      %parallel_loop3A_568 = vector.broadcast %parallel_loop3A_567 : f32 to vector<16xf32>
      %parallel_loop3A_569 = arith.divf %parallel_loop3A_568, %parallel_loop3A_558 : vector<16xf32>
      %parallel_loop3A_570 = arith.mulf %parallel_loop3A_562, %parallel_loop3A_569 : vector<16xf32>
      %parallel_loop3A_571 = arith.index_cast %parallel_loop3A_529 : i32 to index
      %parallel_loop3A_572 = tpu.vector_load %arg19[%parallel_loop3A_571] {strides = array<i32>} : memref<16384xf32, #tpu.memory_space<vmem>>, vector<16xf32>,
      tpu.vector_store %arg19[%parallel_loop3A_571], %parallel_loop3A_570 {strides = array<i32>} : memref<16384xf32, #tpu.memory_space<vmem>>, vector<16xf32>,
      %parallel_loop3A_573 = arith.mulf %parallel_loop3A_569, %parallel_loop3A_569 : vector<16xf32>
      %parallel_loop3A_574 = arith.mulf %parallel_loop3A_566, %parallel_loop3A_573 : vector<16xf32>
      %parallel_loop3A_575 = vector.bitcast %parallel_loop3A_574 : vector<16xf32> to vector<16xi32>
      %parallel_loop3A_576 = arith.constant 1060439283 : i32
      %parallel_loop3A_577 = vector.broadcast %parallel_loop3A_576 : i32 to vector<16xi32>
      %parallel_loop3A_578 = arith.subi %parallel_loop3A_575, %parallel_loop3A_577 : vector<16xi32>
      %parallel_loop3A_579 = arith.constant 23 : i32
      %parallel_loop3A_580 = vector.broadcast %parallel_loop3A_579 : i32 to vector<16xi32>
      %parallel_loop3A_581 = arith.shrsi %parallel_loop3A_578, %parallel_loop3A_580 : vector<16xi32>
      %parallel_loop3A_582 = arith.constant 23 : i32
      %parallel_loop3A_583 = vector.broadcast %parallel_loop3A_582 : i32 to vector<16xi32>
      %parallel_loop3A_584 = arith.shli %parallel_loop3A_581, %parallel_loop3A_583 : vector<16xi32>
      %parallel_loop3A_585 = arith.subi %parallel_loop3A_575, %parallel_loop3A_584 : vector<16xi32>
      %parallel_loop3A_586 = vector.bitcast %parallel_loop3A_585 : vector<16xi32> to vector<16xf32>
      %parallel_loop3A_587 = arith.constant 1.000000e+00 : f32
      %parallel_loop3A_588 = vector.broadcast %parallel_loop3A_587 : f32 to vector<16xf32>
      %parallel_loop3A_589 = arith.subf %parallel_loop3A_586, %parallel_loop3A_588 : vector<16xf32>
      %parallel_loop3A_590 = arith.constant 1.000000e+00 : f32
      %parallel_loop3A_591 = vector.broadcast %parallel_loop3A_590 : f32 to vector<16xf32>
      %parallel_loop3A_592 = arith.addf %parallel_loop3A_586, %parallel_loop3A_591 : vector<16xf32>
      %parallel_loop3A_593 = arith.divf %parallel_loop3A_589, %parallel_loop3A_592 : vector<16xf32>
      %parallel_loop3A_594 = arith.sitofp %parallel_loop3A_581 : vector<16xi32> to vector<16xf32>
      %parallel_loop3A_595 = arith.constant 0.693147182 : f32
      %parallel_loop3A_596 = vector.broadcast %parallel_loop3A_595 : f32 to vector<16xf32>
      %parallel_loop3A_597 = arith.mulf %parallel_loop3A_594, %parallel_loop3A_596 : vector<16xf32>
      %parallel_loop3A_598 = arith.mulf %parallel_loop3A_593, %parallel_loop3A_593 : vector<16xf32>
      %parallel_loop3A_599 = arith.constant 0.676940203 : f32
      %parallel_loop3A_600 = vector.broadcast %parallel_loop3A_599 : f32 to vector<16xf32>
      %parallel_loop3A_601 = arith.mulf %parallel_loop3A_600, %parallel_loop3A_598 : vector<16xf32>
      %parallel_loop3A_602 = arith.constant 1.9999696 : f32
      %parallel_loop3A_603 = vector.broadcast %parallel_loop3A_602 : f32 to vector<16xf32>
      %parallel_loop3A_604 = arith.addf %parallel_loop3A_603, %parallel_loop3A_601 : vector<16xf32>
      %parallel_loop3A_605 = arith.mulf %parallel_loop3A_593, %parallel_loop3A_604 : vector<16xf32>
      %parallel_loop3A_606 = arith.addf %parallel_loop3A_597, %parallel_loop3A_605 : vector<16xf32>
      %parallel_loop3A_607 = arith.index_cast %parallel_loop3A_529 : i32 to index
      %parallel_loop3A_608 = tpu.vector_load %arg21[%parallel_loop3A_607] {strides = array<i32>} : memref<16384xf32, #tpu.memory_space<vmem>>, vector<16xf32>,
      tpu.vector_store %arg21[%parallel_loop3A_607], %parallel_loop3A_606 {strides = array<i32>} : memref<16384xf32, #tpu.memory_space<vmem>>, vector<16xf32>,
    } {sc.loop_unroll_factor = 4 : i64, sc.parallel_access}
    %dma_start3A_464 = tpu.memref_slice %arg4[%add3A_450] : memref<4194304xf32, #tpu.memory_space<hbm>> -> memref<16384xf32, #tpu.memory_space<hbm>>
    %dma_start3A_465 = tpu.memref_slice %arg4[%add3A_450] : memref<4194304xf32, #tpu.memory_space<hbm>> -> memref<16384xf32, #tpu.memory_space<hbm>>
    tpu.enqueue_dma source(%arg19 : memref<16384xf32, #tpu.memory_space<vmem>>) target(%dma_start3A_465 : memref<16384xf32, #tpu.memory_space<hbm>>) target_semaphore(%arg25 : memref<!tpu.dma_semaphore, #tpu.memory_space<semaphore_mem>>)
    %dma_start3A_466 = tpu.memref_slice %arg5[%add3A_450] : memref<4194304xf32, #tpu.memory_space<hbm>> -> memref<16384xf32, #tpu.memory_space<hbm>>
    %dma_start3A_467 = tpu.memref_slice %arg5[%add3A_450] : memref<4194304xf32, #tpu.memory_space<hbm>> -> memref<16384xf32, #tpu.memory_space<hbm>>
    tpu.enqueue_dma source(%arg21 : memref<16384xf32, #tpu.memory_space<vmem>>) target(%dma_start3A_467 : memref<16384xf32, #tpu.memory_space<hbm>>) target_semaphore(%arg25 : memref<!tpu.dma_semaphore, #tpu.memory_space<semaphore_mem>>)
    %add3A_468 = arith.constant 81920 : i32
    %add3A_469 = arith.addi %mul3A_2, %add3A_468 : i32
    %dma_wait3A_470 = tpu.memref_slice %arg2[%add3A_454] : memref<4194304xf32, #tpu.memory_space<hbm>> -> memref<16384xf32, #tpu.memory_space<hbm>>
    %dma_wait3A_471 = tpu.memref_slice %arg2[%add3A_454] : memref<4194304xf32, #tpu.memory_space<hbm>> -> memref<16384xf32, #tpu.memory_space<hbm>>
    tpu.wait_dma2 semaphore(%arg24 : memref<!tpu.dma_semaphore, #tpu.memory_space<semaphore_mem>>) src(%dma_wait3A_471 : memref<16384xf32, #tpu.memory_space<hbm>>) dst(%arg18 : memref<16384xf32, #tpu.memory_space<vmem>>)
    %add3A_472 = arith.constant 16384 : i32
    %add3A_473 = arith.addi %add3A_469, %add3A_472 : i32
    %dma_start3A_474 = tpu.memref_slice %arg2[%add3A_473] : memref<4194304xf32, #tpu.memory_space<hbm>> -> memref<16384xf32, #tpu.memory_space<hbm>>
    %dma_start3A_475 = tpu.memref_slice %arg2[%add3A_473] : memref<4194304xf32, #tpu.memory_space<hbm>> -> memref<16384xf32, #tpu.memory_space<hbm>>
    tpu.enqueue_dma source(%dma_start3A_475 : memref<16384xf32, #tpu.memory_space<hbm>>) target(%arg17 : memref<16384xf32, #tpu.memory_space<vmem>>) target_semaphore(%arg23 : memref<!tpu.dma_semaphore, #tpu.memory_space<semaphore_mem>>)
    %dma_wait3A_476 = tpu.memref_slice %arg4[%add3A_431] : memref<4194304xf32, #tpu.memory_space<hbm>> -> memref<16384xf32, #tpu.memory_space<hbm>>
    %dma_wait3A_477 = tpu.memref_slice %arg4[%add3A_431] : memref<4194304xf32, #tpu.memory_space<hbm>> -> memref<16384xf32, #tpu.memory_space<hbm>>
    tpu.wait_dma2 semaphore(%arg26 : memref<!tpu.dma_semaphore, #tpu.memory_space<semaphore_mem>>) src(%arg20 : memref<16384xf32, #tpu.memory_space<vmem>>) dst(%dma_wait3A_477 : memref<16384xf32, #tpu.memory_space<hbm>>)
    %dma_wait3A_478 = tpu.memref_slice %arg5[%add3A_431] : memref<4194304xf32, #tpu.memory_space<hbm>> -> memref<16384xf32, #tpu.memory_space<hbm>>
    %dma_wait3A_479 = tpu.memref_slice %arg5[%add3A_431] : memref<4194304xf32, #tpu.memory_space<hbm>> -> memref<16384xf32, #tpu.memory_space<hbm>>
    tpu.wait_dma2 semaphore(%arg26 : memref<!tpu.dma_semaphore, #tpu.memory_space<semaphore_mem>>) src(%arg22 : memref<16384xf32, #tpu.memory_space<vmem>>) dst(%dma_wait3A_479 : memref<16384xf32, #tpu.memory_space<hbm>>)
    %parallel_loop3A_480 = arith.constant 0 : i32
    %parallel_loop3A_481 = arith.constant 16384 : i32
    %parallel_loop3A_482 = arith.constant 16 : i32
    scf.for %parallel_loop3A_529 = %parallel_loop3A_480 to %parallel_loop3A_481 step %parallel_loop3A_482  : i32 {
      %parallel_loop3A_530 = arith.index_cast %parallel_loop3A_529 : i32 to index
      %parallel_loop3A_531 = tpu.vector_load %arg18[%parallel_loop3A_530] {strides = array<i32>} : memref<16384xf32, #tpu.memory_space<vmem>>, vector<16xf32>,
      %parallel_loop3A_532 = arith.constant 8.192000e+02 : f32
      %parallel_loop3A_533 = vector.broadcast %parallel_loop3A_532 : f32 to vector<16xf32>
      %parallel_loop3A_534 = arith.mulf %parallel_loop3A_531, %parallel_loop3A_533 : vector<16xf32>
      %parallel_loop3A_535 = arith.constant 2.868000e+03 : f32
      %parallel_loop3A_536 = vector.broadcast %parallel_loop3A_535 : f32 to vector<16xf32>
      %parallel_loop3A_537 = arith.addf %parallel_loop3A_534, %parallel_loop3A_536 : vector<16xf32>
      %parallel_loop3A_538 = arith.constant 0.000000e+00 : f32
      %parallel_loop3A_539 = vector.broadcast %parallel_loop3A_538 : f32 to vector<16xf32>
      %parallel_loop3A_540 = arith.maximumf %parallel_loop3A_537, %parallel_loop3A_539 : vector<16xf32>
      %parallel_loop3A_541 = arith.constant 4.917000e+03 : f32
      %parallel_loop3A_542 = vector.broadcast %parallel_loop3A_541 : f32 to vector<16xf32>
      %parallel_loop3A_543 = arith.minimumf %parallel_loop3A_540, %parallel_loop3A_542 : vector<16xf32>
      %parallel_loop3A_544 = arith.fptosi %parallel_loop3A_543 : vector<16xf32> to vector<16xi32>
      %parallel_loop3A_545 = tpu.vector_load_idx %arg16[%parallel_loop3A_544] : memref<4928xi32, #tpu.memory_space<vmem>>[vector<16xi32>], vector<16xi32>,
      %parallel_loop3A_546 = tpu.vector_load_idx %arg7[%parallel_loop3A_545] : memref<16xf32, #tpu.memory_space<vmem>>[vector<16xi32>], vector<16xf32>,
      %parallel_loop3A_547 = tpu.vector_load_idx %arg8[%parallel_loop3A_545] : memref<16xf32, #tpu.memory_space<vmem>>[vector<16xi32>], vector<16xf32>,
      %parallel_loop3A_548 = tpu.vector_load_idx %arg9[%parallel_loop3A_545] : memref<16xf32, #tpu.memory_space<vmem>>[vector<16xi32>], vector<16xf32>,
      %parallel_loop3A_549 = tpu.vector_load_idx %arg10[%parallel_loop3A_545] : memref<16xf32, #tpu.memory_space<vmem>>[vector<16xi32>], vector<16xf32>,
      %parallel_loop3A_550 = tpu.vector_load_idx %arg11[%parallel_loop3A_545] : memref<16xf32, #tpu.memory_space<vmem>>[vector<16xi32>], vector<16xf32>,
      %parallel_loop3A_551 = tpu.vector_load_idx %arg12[%parallel_loop3A_545] : memref<16xf32, #tpu.memory_space<vmem>>[vector<16xi32>], vector<16xf32>,
      %parallel_loop3A_552 = tpu.vector_load_idx %arg13[%parallel_loop3A_545] : memref<16xf32, #tpu.memory_space<vmem>>[vector<16xi32>], vector<16xf32>,
      %parallel_loop3A_553 = tpu.vector_load_idx %arg14[%parallel_loop3A_545] : memref<16xf32, #tpu.memory_space<vmem>>[vector<16xi32>], vector<16xf32>,
      %parallel_loop3A_554 = tpu.vector_load_idx %arg15[%parallel_loop3A_545] : memref<16xf32, #tpu.memory_space<vmem>>[vector<16xi32>], vector<16xf32>,
      %parallel_loop3A_555 = arith.mulf %parallel_loop3A_546, %parallel_loop3A_531 : vector<16xf32>
      %parallel_loop3A_556 = arith.addf %parallel_loop3A_555, %parallel_loop3A_547 : vector<16xf32>
      %parallel_loop3A_557 = arith.mulf %parallel_loop3A_556, %parallel_loop3A_531 : vector<16xf32>
      %parallel_loop3A_558 = arith.addf %parallel_loop3A_557, %parallel_loop3A_548 : vector<16xf32>
      %parallel_loop3A_559 = arith.mulf %parallel_loop3A_549, %parallel_loop3A_531 : vector<16xf32>
      %parallel_loop3A_560 = arith.addf %parallel_loop3A_559, %parallel_loop3A_550 : vector<16xf32>
      %parallel_loop3A_561 = arith.mulf %parallel_loop3A_560, %parallel_loop3A_531 : vector<16xf32>
      %parallel_loop3A_562 = arith.addf %parallel_loop3A_561, %parallel_loop3A_551 : vector<16xf32>
      %parallel_loop3A_563 = arith.mulf %parallel_loop3A_552, %parallel_loop3A_531 : vector<16xf32>
      %parallel_loop3A_564 = arith.addf %parallel_loop3A_563, %parallel_loop3A_553 : vector<16xf32>
      %parallel_loop3A_565 = arith.mulf %parallel_loop3A_564, %parallel_loop3A_531 : vector<16xf32>
      %parallel_loop3A_566 = arith.addf %parallel_loop3A_565, %parallel_loop3A_554 : vector<16xf32>
      %parallel_loop3A_567 = arith.constant 1.000000e+00 : f32
      %parallel_loop3A_568 = vector.broadcast %parallel_loop3A_567 : f32 to vector<16xf32>
      %parallel_loop3A_569 = arith.divf %parallel_loop3A_568, %parallel_loop3A_558 : vector<16xf32>
      %parallel_loop3A_570 = arith.mulf %parallel_loop3A_562, %parallel_loop3A_569 : vector<16xf32>
      %parallel_loop3A_571 = arith.index_cast %parallel_loop3A_529 : i32 to index
      %parallel_loop3A_572 = tpu.vector_load %arg20[%parallel_loop3A_571] {strides = array<i32>} : memref<16384xf32, #tpu.memory_space<vmem>>, vector<16xf32>,
      tpu.vector_store %arg20[%parallel_loop3A_571], %parallel_loop3A_570 {strides = array<i32>} : memref<16384xf32, #tpu.memory_space<vmem>>, vector<16xf32>,
      %parallel_loop3A_573 = arith.mulf %parallel_loop3A_569, %parallel_loop3A_569 : vector<16xf32>
      %parallel_loop3A_574 = arith.mulf %parallel_loop3A_566, %parallel_loop3A_573 : vector<16xf32>
      %parallel_loop3A_575 = vector.bitcast %parallel_loop3A_574 : vector<16xf32> to vector<16xi32>
      %parallel_loop3A_576 = arith.constant 1060439283 : i32
      %parallel_loop3A_577 = vector.broadcast %parallel_loop3A_576 : i32 to vector<16xi32>
      %parallel_loop3A_578 = arith.subi %parallel_loop3A_575, %parallel_loop3A_577 : vector<16xi32>
      %parallel_loop3A_579 = arith.constant 23 : i32
      %parallel_loop3A_580 = vector.broadcast %parallel_loop3A_579 : i32 to vector<16xi32>
      %parallel_loop3A_581 = arith.shrsi %parallel_loop3A_578, %parallel_loop3A_580 : vector<16xi32>
      %parallel_loop3A_582 = arith.constant 23 : i32
      %parallel_loop3A_583 = vector.broadcast %parallel_loop3A_582 : i32 to vector<16xi32>
      %parallel_loop3A_584 = arith.shli %parallel_loop3A_581, %parallel_loop3A_583 : vector<16xi32>
      %parallel_loop3A_585 = arith.subi %parallel_loop3A_575, %parallel_loop3A_584 : vector<16xi32>
      %parallel_loop3A_586 = vector.bitcast %parallel_loop3A_585 : vector<16xi32> to vector<16xf32>
      %parallel_loop3A_587 = arith.constant 1.000000e+00 : f32
      %parallel_loop3A_588 = vector.broadcast %parallel_loop3A_587 : f32 to vector<16xf32>
      %parallel_loop3A_589 = arith.subf %parallel_loop3A_586, %parallel_loop3A_588 : vector<16xf32>
      %parallel_loop3A_590 = arith.constant 1.000000e+00 : f32
      %parallel_loop3A_591 = vector.broadcast %parallel_loop3A_590 : f32 to vector<16xf32>
      %parallel_loop3A_592 = arith.addf %parallel_loop3A_586, %parallel_loop3A_591 : vector<16xf32>
      %parallel_loop3A_593 = arith.divf %parallel_loop3A_589, %parallel_loop3A_592 : vector<16xf32>
      %parallel_loop3A_594 = arith.sitofp %parallel_loop3A_581 : vector<16xi32> to vector<16xf32>
      %parallel_loop3A_595 = arith.constant 0.693147182 : f32
      %parallel_loop3A_596 = vector.broadcast %parallel_loop3A_595 : f32 to vector<16xf32>
      %parallel_loop3A_597 = arith.mulf %parallel_loop3A_594, %parallel_loop3A_596 : vector<16xf32>
      %parallel_loop3A_598 = arith.mulf %parallel_loop3A_593, %parallel_loop3A_593 : vector<16xf32>
      %parallel_loop3A_599 = arith.constant 0.676940203 : f32
      %parallel_loop3A_600 = vector.broadcast %parallel_loop3A_599 : f32 to vector<16xf32>
      %parallel_loop3A_601 = arith.mulf %parallel_loop3A_600, %parallel_loop3A_598 : vector<16xf32>
      %parallel_loop3A_602 = arith.constant 1.9999696 : f32
      %parallel_loop3A_603 = vector.broadcast %parallel_loop3A_602 : f32 to vector<16xf32>
      %parallel_loop3A_604 = arith.addf %parallel_loop3A_603, %parallel_loop3A_601 : vector<16xf32>
      %parallel_loop3A_605 = arith.mulf %parallel_loop3A_593, %parallel_loop3A_604 : vector<16xf32>
      %parallel_loop3A_606 = arith.addf %parallel_loop3A_597, %parallel_loop3A_605 : vector<16xf32>
      %parallel_loop3A_607 = arith.index_cast %parallel_loop3A_529 : i32 to index
      %parallel_loop3A_608 = tpu.vector_load %arg22[%parallel_loop3A_607] {strides = array<i32>} : memref<16384xf32, #tpu.memory_space<vmem>>, vector<16xf32>,
      tpu.vector_store %arg22[%parallel_loop3A_607], %parallel_loop3A_606 {strides = array<i32>} : memref<16384xf32, #tpu.memory_space<vmem>>, vector<16xf32>,
    } {sc.loop_unroll_factor = 4 : i64, sc.parallel_access}
    %dma_start3A_483 = tpu.memref_slice %arg4[%add3A_469] : memref<4194304xf32, #tpu.memory_space<hbm>> -> memref<16384xf32, #tpu.memory_space<hbm>>
    %dma_start3A_484 = tpu.memref_slice %arg4[%add3A_469] : memref<4194304xf32, #tpu.memory_space<hbm>> -> memref<16384xf32, #tpu.memory_space<hbm>>
    tpu.enqueue_dma source(%arg20 : memref<16384xf32, #tpu.memory_space<vmem>>) target(%dma_start3A_484 : memref<16384xf32, #tpu.memory_space<hbm>>) target_semaphore(%arg26 : memref<!tpu.dma_semaphore, #tpu.memory_space<semaphore_mem>>)
    %dma_start3A_485 = tpu.memref_slice %arg5[%add3A_469] : memref<4194304xf32, #tpu.memory_space<hbm>> -> memref<16384xf32, #tpu.memory_space<hbm>>
    %dma_start3A_486 = tpu.memref_slice %arg5[%add3A_469] : memref<4194304xf32, #tpu.memory_space<hbm>> -> memref<16384xf32, #tpu.memory_space<hbm>>
    tpu.enqueue_dma source(%arg22 : memref<16384xf32, #tpu.memory_space<vmem>>) target(%dma_start3A_486 : memref<16384xf32, #tpu.memory_space<hbm>>) target_semaphore(%arg26 : memref<!tpu.dma_semaphore, #tpu.memory_space<semaphore_mem>>)
    %add3A_487 = arith.constant 98304 : i32
    %add3A_488 = arith.addi %mul3A_2, %add3A_487 : i32
    %dma_wait3A_489 = tpu.memref_slice %arg2[%add3A_473] : memref<4194304xf32, #tpu.memory_space<hbm>> -> memref<16384xf32, #tpu.memory_space<hbm>>
    %dma_wait3A_490 = tpu.memref_slice %arg2[%add3A_473] : memref<4194304xf32, #tpu.memory_space<hbm>> -> memref<16384xf32, #tpu.memory_space<hbm>>
    tpu.wait_dma2 semaphore(%arg23 : memref<!tpu.dma_semaphore, #tpu.memory_space<semaphore_mem>>) src(%dma_wait3A_490 : memref<16384xf32, #tpu.memory_space<hbm>>) dst(%arg17 : memref<16384xf32, #tpu.memory_space<vmem>>)
    %add3A_491 = arith.constant 16384 : i32
    %add3A_492 = arith.addi %add3A_488, %add3A_491 : i32
    %dma_start3A_493 = tpu.memref_slice %arg2[%add3A_492] : memref<4194304xf32, #tpu.memory_space<hbm>> -> memref<16384xf32, #tpu.memory_space<hbm>>
    %dma_start3A_494 = tpu.memref_slice %arg2[%add3A_492] : memref<4194304xf32, #tpu.memory_space<hbm>> -> memref<16384xf32, #tpu.memory_space<hbm>>
    tpu.enqueue_dma source(%dma_start3A_494 : memref<16384xf32, #tpu.memory_space<hbm>>) target(%arg18 : memref<16384xf32, #tpu.memory_space<vmem>>) target_semaphore(%arg24 : memref<!tpu.dma_semaphore, #tpu.memory_space<semaphore_mem>>)
    %dma_wait3A_495 = tpu.memref_slice %arg4[%add3A_450] : memref<4194304xf32, #tpu.memory_space<hbm>> -> memref<16384xf32, #tpu.memory_space<hbm>>
    %dma_wait3A_496 = tpu.memref_slice %arg4[%add3A_450] : memref<4194304xf32, #tpu.memory_space<hbm>> -> memref<16384xf32, #tpu.memory_space<hbm>>
    tpu.wait_dma2 semaphore(%arg25 : memref<!tpu.dma_semaphore, #tpu.memory_space<semaphore_mem>>) src(%arg19 : memref<16384xf32, #tpu.memory_space<vmem>>) dst(%dma_wait3A_496 : memref<16384xf32, #tpu.memory_space<hbm>>)
    %dma_wait3A_497 = tpu.memref_slice %arg5[%add3A_450] : memref<4194304xf32, #tpu.memory_space<hbm>> -> memref<16384xf32, #tpu.memory_space<hbm>>
    %dma_wait3A_498 = tpu.memref_slice %arg5[%add3A_450] : memref<4194304xf32, #tpu.memory_space<hbm>> -> memref<16384xf32, #tpu.memory_space<hbm>>
    tpu.wait_dma2 semaphore(%arg25 : memref<!tpu.dma_semaphore, #tpu.memory_space<semaphore_mem>>) src(%arg21 : memref<16384xf32, #tpu.memory_space<vmem>>) dst(%dma_wait3A_498 : memref<16384xf32, #tpu.memory_space<hbm>>)
    %parallel_loop3A_499 = arith.constant 0 : i32
    %parallel_loop3A_500 = arith.constant 16384 : i32
    %parallel_loop3A_501 = arith.constant 16 : i32
    scf.for %parallel_loop3A_529 = %parallel_loop3A_499 to %parallel_loop3A_500 step %parallel_loop3A_501  : i32 {
      %parallel_loop3A_530 = arith.index_cast %parallel_loop3A_529 : i32 to index
      %parallel_loop3A_531 = tpu.vector_load %arg17[%parallel_loop3A_530] {strides = array<i32>} : memref<16384xf32, #tpu.memory_space<vmem>>, vector<16xf32>,
      %parallel_loop3A_532 = arith.constant 8.192000e+02 : f32
      %parallel_loop3A_533 = vector.broadcast %parallel_loop3A_532 : f32 to vector<16xf32>
      %parallel_loop3A_534 = arith.mulf %parallel_loop3A_531, %parallel_loop3A_533 : vector<16xf32>
      %parallel_loop3A_535 = arith.constant 2.868000e+03 : f32
      %parallel_loop3A_536 = vector.broadcast %parallel_loop3A_535 : f32 to vector<16xf32>
      %parallel_loop3A_537 = arith.addf %parallel_loop3A_534, %parallel_loop3A_536 : vector<16xf32>
      %parallel_loop3A_538 = arith.constant 0.000000e+00 : f32
      %parallel_loop3A_539 = vector.broadcast %parallel_loop3A_538 : f32 to vector<16xf32>
      %parallel_loop3A_540 = arith.maximumf %parallel_loop3A_537, %parallel_loop3A_539 : vector<16xf32>
      %parallel_loop3A_541 = arith.constant 4.917000e+03 : f32
      %parallel_loop3A_542 = vector.broadcast %parallel_loop3A_541 : f32 to vector<16xf32>
      %parallel_loop3A_543 = arith.minimumf %parallel_loop3A_540, %parallel_loop3A_542 : vector<16xf32>
      %parallel_loop3A_544 = arith.fptosi %parallel_loop3A_543 : vector<16xf32> to vector<16xi32>
      %parallel_loop3A_545 = tpu.vector_load_idx %arg16[%parallel_loop3A_544] : memref<4928xi32, #tpu.memory_space<vmem>>[vector<16xi32>], vector<16xi32>,
      %parallel_loop3A_546 = tpu.vector_load_idx %arg7[%parallel_loop3A_545] : memref<16xf32, #tpu.memory_space<vmem>>[vector<16xi32>], vector<16xf32>,
      %parallel_loop3A_547 = tpu.vector_load_idx %arg8[%parallel_loop3A_545] : memref<16xf32, #tpu.memory_space<vmem>>[vector<16xi32>], vector<16xf32>,
      %parallel_loop3A_548 = tpu.vector_load_idx %arg9[%parallel_loop3A_545] : memref<16xf32, #tpu.memory_space<vmem>>[vector<16xi32>], vector<16xf32>,
      %parallel_loop3A_549 = tpu.vector_load_idx %arg10[%parallel_loop3A_545] : memref<16xf32, #tpu.memory_space<vmem>>[vector<16xi32>], vector<16xf32>,
      %parallel_loop3A_550 = tpu.vector_load_idx %arg11[%parallel_loop3A_545] : memref<16xf32, #tpu.memory_space<vmem>>[vector<16xi32>], vector<16xf32>,
      %parallel_loop3A_551 = tpu.vector_load_idx %arg12[%parallel_loop3A_545] : memref<16xf32, #tpu.memory_space<vmem>>[vector<16xi32>], vector<16xf32>,
      %parallel_loop3A_552 = tpu.vector_load_idx %arg13[%parallel_loop3A_545] : memref<16xf32, #tpu.memory_space<vmem>>[vector<16xi32>], vector<16xf32>,
      %parallel_loop3A_553 = tpu.vector_load_idx %arg14[%parallel_loop3A_545] : memref<16xf32, #tpu.memory_space<vmem>>[vector<16xi32>], vector<16xf32>,
      %parallel_loop3A_554 = tpu.vector_load_idx %arg15[%parallel_loop3A_545] : memref<16xf32, #tpu.memory_space<vmem>>[vector<16xi32>], vector<16xf32>,
      %parallel_loop3A_555 = arith.mulf %parallel_loop3A_546, %parallel_loop3A_531 : vector<16xf32>
      %parallel_loop3A_556 = arith.addf %parallel_loop3A_555, %parallel_loop3A_547 : vector<16xf32>
      %parallel_loop3A_557 = arith.mulf %parallel_loop3A_556, %parallel_loop3A_531 : vector<16xf32>
      %parallel_loop3A_558 = arith.addf %parallel_loop3A_557, %parallel_loop3A_548 : vector<16xf32>
      %parallel_loop3A_559 = arith.mulf %parallel_loop3A_549, %parallel_loop3A_531 : vector<16xf32>
      %parallel_loop3A_560 = arith.addf %parallel_loop3A_559, %parallel_loop3A_550 : vector<16xf32>
      %parallel_loop3A_561 = arith.mulf %parallel_loop3A_560, %parallel_loop3A_531 : vector<16xf32>
      %parallel_loop3A_562 = arith.addf %parallel_loop3A_561, %parallel_loop3A_551 : vector<16xf32>
      %parallel_loop3A_563 = arith.mulf %parallel_loop3A_552, %parallel_loop3A_531 : vector<16xf32>
      %parallel_loop3A_564 = arith.addf %parallel_loop3A_563, %parallel_loop3A_553 : vector<16xf32>
      %parallel_loop3A_565 = arith.mulf %parallel_loop3A_564, %parallel_loop3A_531 : vector<16xf32>
      %parallel_loop3A_566 = arith.addf %parallel_loop3A_565, %parallel_loop3A_554 : vector<16xf32>
      %parallel_loop3A_567 = arith.constant 1.000000e+00 : f32
      %parallel_loop3A_568 = vector.broadcast %parallel_loop3A_567 : f32 to vector<16xf32>
      %parallel_loop3A_569 = arith.divf %parallel_loop3A_568, %parallel_loop3A_558 : vector<16xf32>
      %parallel_loop3A_570 = arith.mulf %parallel_loop3A_562, %parallel_loop3A_569 : vector<16xf32>
      %parallel_loop3A_571 = arith.index_cast %parallel_loop3A_529 : i32 to index
      %parallel_loop3A_572 = tpu.vector_load %arg19[%parallel_loop3A_571] {strides = array<i32>} : memref<16384xf32, #tpu.memory_space<vmem>>, vector<16xf32>,
      tpu.vector_store %arg19[%parallel_loop3A_571], %parallel_loop3A_570 {strides = array<i32>} : memref<16384xf32, #tpu.memory_space<vmem>>, vector<16xf32>,
      %parallel_loop3A_573 = arith.mulf %parallel_loop3A_569, %parallel_loop3A_569 : vector<16xf32>
      %parallel_loop3A_574 = arith.mulf %parallel_loop3A_566, %parallel_loop3A_573 : vector<16xf32>
      %parallel_loop3A_575 = vector.bitcast %parallel_loop3A_574 : vector<16xf32> to vector<16xi32>
      %parallel_loop3A_576 = arith.constant 1060439283 : i32
      %parallel_loop3A_577 = vector.broadcast %parallel_loop3A_576 : i32 to vector<16xi32>
      %parallel_loop3A_578 = arith.subi %parallel_loop3A_575, %parallel_loop3A_577 : vector<16xi32>
      %parallel_loop3A_579 = arith.constant 23 : i32
      %parallel_loop3A_580 = vector.broadcast %parallel_loop3A_579 : i32 to vector<16xi32>
      %parallel_loop3A_581 = arith.shrsi %parallel_loop3A_578, %parallel_loop3A_580 : vector<16xi32>
      %parallel_loop3A_582 = arith.constant 23 : i32
      %parallel_loop3A_583 = vector.broadcast %parallel_loop3A_582 : i32 to vector<16xi32>
      %parallel_loop3A_584 = arith.shli %parallel_loop3A_581, %parallel_loop3A_583 : vector<16xi32>
      %parallel_loop3A_585 = arith.subi %parallel_loop3A_575, %parallel_loop3A_584 : vector<16xi32>
      %parallel_loop3A_586 = vector.bitcast %parallel_loop3A_585 : vector<16xi32> to vector<16xf32>
      %parallel_loop3A_587 = arith.constant 1.000000e+00 : f32
      %parallel_loop3A_588 = vector.broadcast %parallel_loop3A_587 : f32 to vector<16xf32>
      %parallel_loop3A_589 = arith.subf %parallel_loop3A_586, %parallel_loop3A_588 : vector<16xf32>
      %parallel_loop3A_590 = arith.constant 1.000000e+00 : f32
      %parallel_loop3A_591 = vector.broadcast %parallel_loop3A_590 : f32 to vector<16xf32>
      %parallel_loop3A_592 = arith.addf %parallel_loop3A_586, %parallel_loop3A_591 : vector<16xf32>
      %parallel_loop3A_593 = arith.divf %parallel_loop3A_589, %parallel_loop3A_592 : vector<16xf32>
      %parallel_loop3A_594 = arith.sitofp %parallel_loop3A_581 : vector<16xi32> to vector<16xf32>
      %parallel_loop3A_595 = arith.constant 0.693147182 : f32
      %parallel_loop3A_596 = vector.broadcast %parallel_loop3A_595 : f32 to vector<16xf32>
      %parallel_loop3A_597 = arith.mulf %parallel_loop3A_594, %parallel_loop3A_596 : vector<16xf32>
      %parallel_loop3A_598 = arith.mulf %parallel_loop3A_593, %parallel_loop3A_593 : vector<16xf32>
      %parallel_loop3A_599 = arith.constant 0.676940203 : f32
      %parallel_loop3A_600 = vector.broadcast %parallel_loop3A_599 : f32 to vector<16xf32>
      %parallel_loop3A_601 = arith.mulf %parallel_loop3A_600, %parallel_loop3A_598 : vector<16xf32>
      %parallel_loop3A_602 = arith.constant 1.9999696 : f32
      %parallel_loop3A_603 = vector.broadcast %parallel_loop3A_602 : f32 to vector<16xf32>
      %parallel_loop3A_604 = arith.addf %parallel_loop3A_603, %parallel_loop3A_601 : vector<16xf32>
      %parallel_loop3A_605 = arith.mulf %parallel_loop3A_593, %parallel_loop3A_604 : vector<16xf32>
      %parallel_loop3A_606 = arith.addf %parallel_loop3A_597, %parallel_loop3A_605 : vector<16xf32>
      %parallel_loop3A_607 = arith.index_cast %parallel_loop3A_529 : i32 to index
      %parallel_loop3A_608 = tpu.vector_load %arg21[%parallel_loop3A_607] {strides = array<i32>} : memref<16384xf32, #tpu.memory_space<vmem>>, vector<16xf32>,
      tpu.vector_store %arg21[%parallel_loop3A_607], %parallel_loop3A_606 {strides = array<i32>} : memref<16384xf32, #tpu.memory_space<vmem>>, vector<16xf32>,
    } {sc.loop_unroll_factor = 4 : i64, sc.parallel_access}
    %dma_start3A_502 = tpu.memref_slice %arg4[%add3A_488] : memref<4194304xf32, #tpu.memory_space<hbm>> -> memref<16384xf32, #tpu.memory_space<hbm>>
    %dma_start3A_503 = tpu.memref_slice %arg4[%add3A_488] : memref<4194304xf32, #tpu.memory_space<hbm>> -> memref<16384xf32, #tpu.memory_space<hbm>>
    tpu.enqueue_dma source(%arg19 : memref<16384xf32, #tpu.memory_space<vmem>>) target(%dma_start3A_503 : memref<16384xf32, #tpu.memory_space<hbm>>) target_semaphore(%arg25 : memref<!tpu.dma_semaphore, #tpu.memory_space<semaphore_mem>>)
    %dma_start3A_504 = tpu.memref_slice %arg5[%add3A_488] : memref<4194304xf32, #tpu.memory_space<hbm>> -> memref<16384xf32, #tpu.memory_space<hbm>>
    %dma_start3A_505 = tpu.memref_slice %arg5[%add3A_488] : memref<4194304xf32, #tpu.memory_space<hbm>> -> memref<16384xf32, #tpu.memory_space<hbm>>
    tpu.enqueue_dma source(%arg21 : memref<16384xf32, #tpu.memory_space<vmem>>) target(%dma_start3A_505 : memref<16384xf32, #tpu.memory_space<hbm>>) target_semaphore(%arg25 : memref<!tpu.dma_semaphore, #tpu.memory_space<semaphore_mem>>)
    %add3A_506 = arith.constant 114688 : i32
    %add3A_507 = arith.addi %mul3A_2, %add3A_506 : i32
    %dma_wait3A_508 = tpu.memref_slice %arg2[%add3A_492] : memref<4194304xf32, #tpu.memory_space<hbm>> -> memref<16384xf32, #tpu.memory_space<hbm>>
    %dma_wait3A_509 = tpu.memref_slice %arg2[%add3A_492] : memref<4194304xf32, #tpu.memory_space<hbm>> -> memref<16384xf32, #tpu.memory_space<hbm>>
    tpu.wait_dma2 semaphore(%arg24 : memref<!tpu.dma_semaphore, #tpu.memory_space<semaphore_mem>>) src(%dma_wait3A_509 : memref<16384xf32, #tpu.memory_space<hbm>>) dst(%arg18 : memref<16384xf32, #tpu.memory_space<vmem>>)
    %dma_wait3A_510 = tpu.memref_slice %arg4[%add3A_469] : memref<4194304xf32, #tpu.memory_space<hbm>> -> memref<16384xf32, #tpu.memory_space<hbm>>
    %dma_wait3A_511 = tpu.memref_slice %arg4[%add3A_469] : memref<4194304xf32, #tpu.memory_space<hbm>> -> memref<16384xf32, #tpu.memory_space<hbm>>
    tpu.wait_dma2 semaphore(%arg26 : memref<!tpu.dma_semaphore, #tpu.memory_space<semaphore_mem>>) src(%arg20 : memref<16384xf32, #tpu.memory_space<vmem>>) dst(%dma_wait3A_511 : memref<16384xf32, #tpu.memory_space<hbm>>)
    %dma_wait3A_512 = tpu.memref_slice %arg5[%add3A_469] : memref<4194304xf32, #tpu.memory_space<hbm>> -> memref<16384xf32, #tpu.memory_space<hbm>>
    %dma_wait3A_513 = tpu.memref_slice %arg5[%add3A_469] : memref<4194304xf32, #tpu.memory_space<hbm>> -> memref<16384xf32, #tpu.memory_space<hbm>>
    tpu.wait_dma2 semaphore(%arg26 : memref<!tpu.dma_semaphore, #tpu.memory_space<semaphore_mem>>) src(%arg22 : memref<16384xf32, #tpu.memory_space<vmem>>) dst(%dma_wait3A_513 : memref<16384xf32, #tpu.memory_space<hbm>>)
    %parallel_loop3A_514 = arith.constant 0 : i32
    %parallel_loop3A_515 = arith.constant 16384 : i32
    %parallel_loop3A_516 = arith.constant 16 : i32
    scf.for %parallel_loop3A_529 = %parallel_loop3A_514 to %parallel_loop3A_515 step %parallel_loop3A_516  : i32 {
      %parallel_loop3A_530 = arith.index_cast %parallel_loop3A_529 : i32 to index
      %parallel_loop3A_531 = tpu.vector_load %arg18[%parallel_loop3A_530] {strides = array<i32>} : memref<16384xf32, #tpu.memory_space<vmem>>, vector<16xf32>,
      %parallel_loop3A_532 = arith.constant 8.192000e+02 : f32
      %parallel_loop3A_533 = vector.broadcast %parallel_loop3A_532 : f32 to vector<16xf32>
      %parallel_loop3A_534 = arith.mulf %parallel_loop3A_531, %parallel_loop3A_533 : vector<16xf32>
      %parallel_loop3A_535 = arith.constant 2.868000e+03 : f32
      %parallel_loop3A_536 = vector.broadcast %parallel_loop3A_535 : f32 to vector<16xf32>
      %parallel_loop3A_537 = arith.addf %parallel_loop3A_534, %parallel_loop3A_536 : vector<16xf32>
      %parallel_loop3A_538 = arith.constant 0.000000e+00 : f32
      %parallel_loop3A_539 = vector.broadcast %parallel_loop3A_538 : f32 to vector<16xf32>
      %parallel_loop3A_540 = arith.maximumf %parallel_loop3A_537, %parallel_loop3A_539 : vector<16xf32>
      %parallel_loop3A_541 = arith.constant 4.917000e+03 : f32
      %parallel_loop3A_542 = vector.broadcast %parallel_loop3A_541 : f32 to vector<16xf32>
      %parallel_loop3A_543 = arith.minimumf %parallel_loop3A_540, %parallel_loop3A_542 : vector<16xf32>
      %parallel_loop3A_544 = arith.fptosi %parallel_loop3A_543 : vector<16xf32> to vector<16xi32>
      %parallel_loop3A_545 = tpu.vector_load_idx %arg16[%parallel_loop3A_544] : memref<4928xi32, #tpu.memory_space<vmem>>[vector<16xi32>], vector<16xi32>,
      %parallel_loop3A_546 = tpu.vector_load_idx %arg7[%parallel_loop3A_545] : memref<16xf32, #tpu.memory_space<vmem>>[vector<16xi32>], vector<16xf32>,
      %parallel_loop3A_547 = tpu.vector_load_idx %arg8[%parallel_loop3A_545] : memref<16xf32, #tpu.memory_space<vmem>>[vector<16xi32>], vector<16xf32>,
      %parallel_loop3A_548 = tpu.vector_load_idx %arg9[%parallel_loop3A_545] : memref<16xf32, #tpu.memory_space<vmem>>[vector<16xi32>], vector<16xf32>,
      %parallel_loop3A_549 = tpu.vector_load_idx %arg10[%parallel_loop3A_545] : memref<16xf32, #tpu.memory_space<vmem>>[vector<16xi32>], vector<16xf32>,
      %parallel_loop3A_550 = tpu.vector_load_idx %arg11[%parallel_loop3A_545] : memref<16xf32, #tpu.memory_space<vmem>>[vector<16xi32>], vector<16xf32>,
      %parallel_loop3A_551 = tpu.vector_load_idx %arg12[%parallel_loop3A_545] : memref<16xf32, #tpu.memory_space<vmem>>[vector<16xi32>], vector<16xf32>,
      %parallel_loop3A_552 = tpu.vector_load_idx %arg13[%parallel_loop3A_545] : memref<16xf32, #tpu.memory_space<vmem>>[vector<16xi32>], vector<16xf32>,
      %parallel_loop3A_553 = tpu.vector_load_idx %arg14[%parallel_loop3A_545] : memref<16xf32, #tpu.memory_space<vmem>>[vector<16xi32>], vector<16xf32>,
      %parallel_loop3A_554 = tpu.vector_load_idx %arg15[%parallel_loop3A_545] : memref<16xf32, #tpu.memory_space<vmem>>[vector<16xi32>], vector<16xf32>,
      %parallel_loop3A_555 = arith.mulf %parallel_loop3A_546, %parallel_loop3A_531 : vector<16xf32>
      %parallel_loop3A_556 = arith.addf %parallel_loop3A_555, %parallel_loop3A_547 : vector<16xf32>
      %parallel_loop3A_557 = arith.mulf %parallel_loop3A_556, %parallel_loop3A_531 : vector<16xf32>
      %parallel_loop3A_558 = arith.addf %parallel_loop3A_557, %parallel_loop3A_548 : vector<16xf32>
      %parallel_loop3A_559 = arith.mulf %parallel_loop3A_549, %parallel_loop3A_531 : vector<16xf32>
      %parallel_loop3A_560 = arith.addf %parallel_loop3A_559, %parallel_loop3A_550 : vector<16xf32>
      %parallel_loop3A_561 = arith.mulf %parallel_loop3A_560, %parallel_loop3A_531 : vector<16xf32>
      %parallel_loop3A_562 = arith.addf %parallel_loop3A_561, %parallel_loop3A_551 : vector<16xf32>
      %parallel_loop3A_563 = arith.mulf %parallel_loop3A_552, %parallel_loop3A_531 : vector<16xf32>
      %parallel_loop3A_564 = arith.addf %parallel_loop3A_563, %parallel_loop3A_553 : vector<16xf32>
      %parallel_loop3A_565 = arith.mulf %parallel_loop3A_564, %parallel_loop3A_531 : vector<16xf32>
      %parallel_loop3A_566 = arith.addf %parallel_loop3A_565, %parallel_loop3A_554 : vector<16xf32>
      %parallel_loop3A_567 = arith.constant 1.000000e+00 : f32
      %parallel_loop3A_568 = vector.broadcast %parallel_loop3A_567 : f32 to vector<16xf32>
      %parallel_loop3A_569 = arith.divf %parallel_loop3A_568, %parallel_loop3A_558 : vector<16xf32>
      %parallel_loop3A_570 = arith.mulf %parallel_loop3A_562, %parallel_loop3A_569 : vector<16xf32>
      %parallel_loop3A_571 = arith.index_cast %parallel_loop3A_529 : i32 to index
      %parallel_loop3A_572 = tpu.vector_load %arg20[%parallel_loop3A_571] {strides = array<i32>} : memref<16384xf32, #tpu.memory_space<vmem>>, vector<16xf32>,
      tpu.vector_store %arg20[%parallel_loop3A_571], %parallel_loop3A_570 {strides = array<i32>} : memref<16384xf32, #tpu.memory_space<vmem>>, vector<16xf32>,
      %parallel_loop3A_573 = arith.mulf %parallel_loop3A_569, %parallel_loop3A_569 : vector<16xf32>
      %parallel_loop3A_574 = arith.mulf %parallel_loop3A_566, %parallel_loop3A_573 : vector<16xf32>
      %parallel_loop3A_575 = vector.bitcast %parallel_loop3A_574 : vector<16xf32> to vector<16xi32>
      %parallel_loop3A_576 = arith.constant 1060439283 : i32
      %parallel_loop3A_577 = vector.broadcast %parallel_loop3A_576 : i32 to vector<16xi32>
      %parallel_loop3A_578 = arith.subi %parallel_loop3A_575, %parallel_loop3A_577 : vector<16xi32>
      %parallel_loop3A_579 = arith.constant 23 : i32
      %parallel_loop3A_580 = vector.broadcast %parallel_loop3A_579 : i32 to vector<16xi32>
      %parallel_loop3A_581 = arith.shrsi %parallel_loop3A_578, %parallel_loop3A_580 : vector<16xi32>
      %parallel_loop3A_582 = arith.constant 23 : i32
      %parallel_loop3A_583 = vector.broadcast %parallel_loop3A_582 : i32 to vector<16xi32>
      %parallel_loop3A_584 = arith.shli %parallel_loop3A_581, %parallel_loop3A_583 : vector<16xi32>
      %parallel_loop3A_585 = arith.subi %parallel_loop3A_575, %parallel_loop3A_584 : vector<16xi32>
      %parallel_loop3A_586 = vector.bitcast %parallel_loop3A_585 : vector<16xi32> to vector<16xf32>
      %parallel_loop3A_587 = arith.constant 1.000000e+00 : f32
      %parallel_loop3A_588 = vector.broadcast %parallel_loop3A_587 : f32 to vector<16xf32>
      %parallel_loop3A_589 = arith.subf %parallel_loop3A_586, %parallel_loop3A_588 : vector<16xf32>
      %parallel_loop3A_590 = arith.constant 1.000000e+00 : f32
      %parallel_loop3A_591 = vector.broadcast %parallel_loop3A_590 : f32 to vector<16xf32>
      %parallel_loop3A_592 = arith.addf %parallel_loop3A_586, %parallel_loop3A_591 : vector<16xf32>
      %parallel_loop3A_593 = arith.divf %parallel_loop3A_589, %parallel_loop3A_592 : vector<16xf32>
      %parallel_loop3A_594 = arith.sitofp %parallel_loop3A_581 : vector<16xi32> to vector<16xf32>
      %parallel_loop3A_595 = arith.constant 0.693147182 : f32
      %parallel_loop3A_596 = vector.broadcast %parallel_loop3A_595 : f32 to vector<16xf32>
      %parallel_loop3A_597 = arith.mulf %parallel_loop3A_594, %parallel_loop3A_596 : vector<16xf32>
      %parallel_loop3A_598 = arith.mulf %parallel_loop3A_593, %parallel_loop3A_593 : vector<16xf32>
      %parallel_loop3A_599 = arith.constant 0.676940203 : f32
      %parallel_loop3A_600 = vector.broadcast %parallel_loop3A_599 : f32 to vector<16xf32>
      %parallel_loop3A_601 = arith.mulf %parallel_loop3A_600, %parallel_loop3A_598 : vector<16xf32>
      %parallel_loop3A_602 = arith.constant 1.9999696 : f32
      %parallel_loop3A_603 = vector.broadcast %parallel_loop3A_602 : f32 to vector<16xf32>
      %parallel_loop3A_604 = arith.addf %parallel_loop3A_603, %parallel_loop3A_601 : vector<16xf32>
      %parallel_loop3A_605 = arith.mulf %parallel_loop3A_593, %parallel_loop3A_604 : vector<16xf32>
      %parallel_loop3A_606 = arith.addf %parallel_loop3A_597, %parallel_loop3A_605 : vector<16xf32>
      %parallel_loop3A_607 = arith.index_cast %parallel_loop3A_529 : i32 to index
      %parallel_loop3A_608 = tpu.vector_load %arg22[%parallel_loop3A_607] {strides = array<i32>} : memref<16384xf32, #tpu.memory_space<vmem>>, vector<16xf32>,
      tpu.vector_store %arg22[%parallel_loop3A_607], %parallel_loop3A_606 {strides = array<i32>} : memref<16384xf32, #tpu.memory_space<vmem>>, vector<16xf32>,
    } {sc.loop_unroll_factor = 4 : i64, sc.parallel_access}
    %dma_start3A_517 = tpu.memref_slice %arg4[%add3A_507] : memref<4194304xf32, #tpu.memory_space<hbm>> -> memref<16384xf32, #tpu.memory_space<hbm>>
    %dma_start3A_518 = tpu.memref_slice %arg4[%add3A_507] : memref<4194304xf32, #tpu.memory_space<hbm>> -> memref<16384xf32, #tpu.memory_space<hbm>>
    tpu.enqueue_dma source(%arg20 : memref<16384xf32, #tpu.memory_space<vmem>>) target(%dma_start3A_518 : memref<16384xf32, #tpu.memory_space<hbm>>) target_semaphore(%arg26 : memref<!tpu.dma_semaphore, #tpu.memory_space<semaphore_mem>>)
    %dma_start3A_519 = tpu.memref_slice %arg5[%add3A_507] : memref<4194304xf32, #tpu.memory_space<hbm>> -> memref<16384xf32, #tpu.memory_space<hbm>>
    %dma_start3A_520 = tpu.memref_slice %arg5[%add3A_507] : memref<4194304xf32, #tpu.memory_space<hbm>> -> memref<16384xf32, #tpu.memory_space<hbm>>
    tpu.enqueue_dma source(%arg22 : memref<16384xf32, #tpu.memory_space<vmem>>) target(%dma_start3A_520 : memref<16384xf32, #tpu.memory_space<hbm>>) target_semaphore(%arg26 : memref<!tpu.dma_semaphore, #tpu.memory_space<semaphore_mem>>)
    %dma_wait3A_521 = tpu.memref_slice %arg4[%add3A_488] : memref<4194304xf32, #tpu.memory_space<hbm>> -> memref<16384xf32, #tpu.memory_space<hbm>>
    %dma_wait3A_522 = tpu.memref_slice %arg4[%add3A_488] : memref<4194304xf32, #tpu.memory_space<hbm>> -> memref<16384xf32, #tpu.memory_space<hbm>>
    tpu.wait_dma2 semaphore(%arg25 : memref<!tpu.dma_semaphore, #tpu.memory_space<semaphore_mem>>) src(%arg19 : memref<16384xf32, #tpu.memory_space<vmem>>) dst(%dma_wait3A_522 : memref<16384xf32, #tpu.memory_space<hbm>>)
    %dma_wait3A_523 = tpu.memref_slice %arg5[%add3A_488] : memref<4194304xf32, #tpu.memory_space<hbm>> -> memref<16384xf32, #tpu.memory_space<hbm>>
    %dma_wait3A_524 = tpu.memref_slice %arg5[%add3A_488] : memref<4194304xf32, #tpu.memory_space<hbm>> -> memref<16384xf32, #tpu.memory_space<hbm>>
    tpu.wait_dma2 semaphore(%arg25 : memref<!tpu.dma_semaphore, #tpu.memory_space<semaphore_mem>>) src(%arg21 : memref<16384xf32, #tpu.memory_space<vmem>>) dst(%dma_wait3A_524 : memref<16384xf32, #tpu.memory_space<hbm>>)
    %dma_wait3A_525 = tpu.memref_slice %arg4[%add3A_507] : memref<4194304xf32, #tpu.memory_space<hbm>> -> memref<16384xf32, #tpu.memory_space<hbm>>
    %dma_wait3A_526 = tpu.memref_slice %arg4[%add3A_507] : memref<4194304xf32, #tpu.memory_space<hbm>> -> memref<16384xf32, #tpu.memory_space<hbm>>
    tpu.wait_dma2 semaphore(%arg26 : memref<!tpu.dma_semaphore, #tpu.memory_space<semaphore_mem>>) src(%arg20 : memref<16384xf32, #tpu.memory_space<vmem>>) dst(%dma_wait3A_526 : memref<16384xf32, #tpu.memory_space<hbm>>)
    %dma_wait3A_527 = tpu.memref_slice %arg5[%add3A_507] : memref<4194304xf32, #tpu.memory_space<hbm>> -> memref<16384xf32, #tpu.memory_space<hbm>>
    %dma_wait3A_528 = tpu.memref_slice %arg5[%add3A_507] : memref<4194304xf32, #tpu.memory_space<hbm>> -> memref<16384xf32, #tpu.memory_space<hbm>>
    tpu.wait_dma2 semaphore(%arg26 : memref<!tpu.dma_semaphore, #tpu.memory_space<semaphore_mem>>) src(%arg22 : memref<16384xf32, #tpu.memory_space<vmem>>) dst(%dma_wait3A_528 : memref<16384xf32, #tpu.memory_space<hbm>>)
    return
  }
}

</mosaic_0001>

<sc_bundles>
// kernel: _run.3.cloned.1.call-start
scs
__scs_entry_jumppad:
0x0: {  	(pc) =	sbr.rel $0x88, $3  }
0x1: {  	(tag) =	ssettag $0x0;
	lr =	simm.s32 $0x1  }
0x2: {  	[smem:$0x3F9F] =	sst lr;
	_ =	strace $0xD0000000  }
0x3: {  	_ = 	snop  }
0x4: {  	_ = 	snop  }
0x5: {  	_ = 	snop  }
0x6: {  	_ = 	snop  }
0x7: {  	_ = 	snop  }
__scs_overlays_trampoline_lowered:
0x8: {  	[smem:$0x3FAE] =	sst s0  }
0x9: {  	[smem:$0x3FAF] =	sst s1  }
0xa: {  	[smem:$0x3FB0] =	sst s2  }
0xb: {  	[smem:$0x3FB1] =	sst s3  }
0xc: {  	[smem:$0x3FB2] =	sst s4  }
0xd: {  	[smem:$0x3FB3] =	sst s5  }
0xe: {  	[smem:$0x3FB4] =	sst s6  }
0xf: {  	[smem:$0x3FB5] =	sst s7  }
0x10: {  	[smem:$0x3FB6] =	sst s8  }
0x11: {  	[smem:$0x3FB7] =	sst s9;
	s0 =	simm.s32 @!p0 $0x0  }
0x12: {  	s1 =	sld [smem:$0x3F9D];
	s0 =	simm.s32 @p0 $0x1  }
0x13: {  	[smem:$0x3FB8] =	sst s0;
	s0 =	simm.s32 @!p1 $0x0  }
0x14: {  	s2 =	sld [smem:$0x3F9C];
	s0 =	simm.s32 @p1 $0x1  }
0x15: {  	[smem:$0x3FB9] =	sst s0;
	s0 =	simm.s32 @!p2 $0x0  }
0x16: {  	s3 =	sld [smem:$0x3FDB];
	s0 =	simm.s32 @p2 $0x1  }
0x17: {  	s4 =	simm.s32 $0x1BF5;
	[smem:$0x3FBB] =	sst s0  }
0x18: {  	s0 =	sld [smem:$0x3F9E];
	_ =	swait.ge [sflag:s4], $0x0  }
0x19: {  	s7 =	sld [smem:$0x3F9F]  }
0x1a: {  	s8 =	sadd.s32 $0xFFFFE003, lr  }
0x1b: {  	s9 =	sadd.s32 $0xFFFFFEF7, lr;
	s5 =	simm.s32 $0xFFFFFFFF;
	p2 =	slt.u32 s8, $0xFFFFF086  }
0x1c: {  	p1 =	slt.u32 s9, $0xF7A;
	s5 =	simm.s32 @!p2 $0x0  }
0x1d: {  	s5 =	simm.s32 @p1 $0x1;
	p0 =	seq.s32 s7, s2  }
0x1e: {  	s7 =	smul.u32 @!p0 $0xF7A, s2;
	p2 =	seq.s32 @!p0 s5, $0x0  }
0x1f: {  	s9 =	smul.u32 $0xF7A, s1;
	s8 =	simm.s32 @!p0 $0x1BF5;
	p2 =	por !p2, p0  }
0x20: {  	[sflag:s8] =	ssyncset.s32 @!p0 $0xFFFFF086;
	s6 =	sadd.s32 @!p0 s3, s7;
	s7 =	simm.s32 @!p0 $0x108  }
0x21: {  	s3 =	sadd.s32 s3, s9;
	s6 =	sadd.s32 @!p0 $0x88, s6;
	s7 =	simm.s32 @p2 $0x1082  }
0x22: {  	[simem:s7], [sflag:s8] =	dma.local @!p0 [hbm:s6], $0xF7A  }
0x23: {  	s9 =	sor.u32 $0xD0000000, s2;
	s6 =	simm.s32 $0x108;
	_ =	swait.ge @!p0 [sflag:s8], $0x0  }
0x24: {  	s3 =	sadd.s32 $0x88, s3;
	s6 =	simm.s32 @!p1 $0x1082;
	[sflag:s4] =	ssyncset.s32 $0xFFFFF086  }
0x25: {  	[simem:s6], [sflag:s4] =	dma.local [hbm:s3], $0xF7A  }
0x26: {  	[smem:$0x3F9F] =	sst s1;
	(tag) =	ssettag s2;
	_ =	strace s9  }
0x27: {  	s1 =	sld [smem:$0x3FAF]  }
0x28: {  	s2 =	sld [smem:$0x3FB0]  }
0x29: {  	s4 =	sld [smem:$0x3FB2]  }
0x2a: {  	p0 =	seq.s32 s5, $0x0;
	s5 =	sld [smem:$0x3FB3]  }
0x2b: {  	s6 =	sld [smem:$0x3FB4]  }
0x2c: {  	s7 =	sld [smem:$0x3FB5]  }
0x2d: {  	s3 =	simm.s32 $0x108;
	s8 =	sld [smem:$0x3FB6]  }
0x2e: {  	s3 =	simm.s32 @!p0 $0x1082;
	s9 =	sld [smem:$0x3FB7]  }
0x2f: {  	lr =	sadd.s32 s0, s3;
	s0 =	sld [smem:$0x3FAE]  }
0x30: {  	s3 =	sld [smem:$0x3FB1]  }
0x31: {  	[smem:$0x3FBA] =	sst s10  }
0x32: {  	s10 =	sld [smem:$0x3FB8];
	_ =	sdelay $0x3  }
0x33: {  	p0 =	seq.s32 s10, $0x1;
	s10 =	sld [smem:$0x3FBA];
	_ =	sdelay $0x3  }
0x34: {  	[smem:$0x3FBA] =	sst s10  }
0x35: {  	s10 =	sld [smem:$0x3FB9];
	_ =	sdelay $0x3  }
0x36: {  	p1 =	seq.s32 s10, $0x1;
	s10 =	sld [smem:$0x3FBA];
	_ =	sdelay $0x3  }
0x37: {  	[smem:$0x3FBA] =	sst s10  }
0x38: {  	s10 =	sld [smem:$0x3FBB]  }
0x39: {  	_ = 	snop;
	(pc) =	sbr.ind lr, $3  }
0x3a: {  	_ = 	snop  }
0x3b: {  	_ = 	snop  }
0x3c: {  	p2 =	seq.s32 s10, $0x1;
	s10 =	sld [smem:$0x3FBA]  }
0x3d: {  	_ =	shalt  }
0x3e: {  	_ =	shalt  }
0x3f: {  	_ =	shalt  }
0x40: {  	_ =	shalt  }
0x41: {  	_ =	shalt  }
0x42: {  	_ =	shalt  }
0x43: {  	_ =	shalt  }
0x44: {  	_ =	shalt  }
0x45: {  	_ =	shalt  }
0x46: {  	_ =	shalt  }
0x47: {  	_ =	shalt  }
0x48: {  	_ =	shalt  }
0x49: {  	_ =	shalt  }
0x4a: {  	_ =	shalt  }
0x4b: {  	_ =	shalt  }
0x4c: {  	_ =	shalt  }
0x4d: {  	_ =	shalt  }
0x4e: {  	_ =	shalt  }
0x4f: {  	_ =	shalt  }
0x50: {  	_ =	shalt  }
0x51: {  	_ =	shalt  }
0x52: {  	_ =	shalt  }
0x53: {  	_ =	shalt  }
0x54: {  	_ =	shalt  }
0x55: {  	_ =	shalt  }
0x56: {  	_ =	shalt  }
0x57: {  	_ =	shalt  }
0x58: {  	_ =	shalt  }
0x59: {  	_ =	shalt  }
0x5a: {  	_ =	shalt  }
0x5b: {  	_ =	shalt  }
0x5c: {  	_ =	shalt  }
0x5d: {  	_ =	shalt  }
0x5e: {  	_ =	shalt  }
0x5f: {  	_ =	shalt  }
0x60: {  	_ =	shalt  }
0x61: {  	_ =	shalt  }
0x62: {  	_ =	shalt  }
0x63: {  	_ =	shalt  }
0x64: {  	_ =	shalt  }
0x65: {  	_ =	shalt  }
0x66: {  	_ =	shalt  }
0x67: {  	_ =	shalt  }
0x68: {  	_ =	shalt  }
0x69: {  	_ =	shalt  }
0x6a: {  	_ =	shalt  }
0x6b: {  	_ =	shalt  }
0x6c: {  	_ =	shalt  }
0x6d: {  	_ =	shalt  }
0x6e: {  	_ =	shalt  }
0x6f: {  	_ =	shalt  }
0x70: {  	_ =	shalt  }
0x71: {  	_ =	shalt  }
0x72: {  	_ =	shalt  }
0x73: {  	_ =	shalt  }
0x74: {  	_ =	shalt  }
0x75: {  	_ =	shalt  }
0x76: {  	_ =	shalt  }
0x77: {  	_ =	shalt  }
0x78: {  	_ =	shalt  }
0x79: {  	_ =	shalt  }
0x7a: {  	_ =	shalt  }
0x7b: {  	_ =	shalt  }
0x7c: {  	_ =	shalt  }
0x7d: {  	_ =	shalt  }
0x7e: {  	_ =	shalt  }
0x7f: {  	_ =	shalt  }
0x80: {  	_ =	shalt  }
0x81: {  	_ =	shalt  }
0x82: {  	_ =	shalt  }
0x83: {  	_ =	shalt  }
0x84: {  	_ =	shalt  }
0x85: {  	_ =	shalt  }
0x86: {  	_ =	shalt  }
0x87: {  	_ =	shalt  }
.Lfunc_end0:
.L_simem_size_0:
called_computation_lowered:
.L_overlay_start_0:
0x88: {  	s2 =	sld [smem:$0x3FD9]  }
0x89: {  	s3 =	sld [smem:$0x3FFE];
	_ =	sdelay $0x1  }
0x8a: {  	s1 =	srdreg.scid  }
0x8b: {  	s0 =	sand.u32 $0x1, s1  }
0x8c: {  	s15 =	sshll.u32 s0, $0xA;
	s2 =	sadd.s32 s3, s2  }
0x8d: {  	s2 =	sadd.s32 s2, s15  }
0x8e: {  	[smem:$0x3FC6] =	sst s2  }
0x8f: {  	_ = 	snop  }
0x90: {  	s2 =	sld [smem:$0x3FD0];
	_ =	sdelay $0x1  }
0x91: {  	s16 =	sld [smem:$0x3FC9]  }
0x92: {  	s5 =	simm.s32 $0xA;
	s6 =	simm.s32 $0x10;
	s4 =	sld [smem:$0x3FC8]  }
0x93: {  	[smem:s6], [sflag:s5] =	dma.local [hbm:s2], $0x1  }
0x94: {  	_ =	swait.eq [sflag:s5], $0x1  }
0x95: {  	[sflag:s5] =	ssyncset.done $0x0  }
0x96: {  	s17 =	sld [smem:$0x10];
	[sflag:s5] =	ssyncadd.s32 $0xFFFFFFFF  }
0x97: {  	s18 =	sld [smem:$0x11];
	(tm) =	ssettm $0x1  }
0x98: {  	s19 =	sld [smem:$0x3FFB];
	_ =	sdelay $0x3  }
0x99: {  	_ =	strace s19  }
0x9a: {  	s6 =	sld [smem:$0x3FFC];
	_ =	sdelay $0x3  }
0x9b: {  	_ =	strace s6  }
0x9c: {  	s6 =	sld [smem:$0x3FFD];
	_ =	sdelay $0x3  }
0x9d: {  	_ =	strace s6  }
0x9e: {  	_ =	strace $0x8FFFFFFF  }
0x9f: {  	s20 =	sld [smem:$0x3FDB];
	_ =	sdelay $0x1  }
0xa0: {  	s7 =	simm.s32 $_scs_section_size  }
0xa1: {  	s8 =	simm.s32 $_size__tile_overlayer_lowered;
	s9 =	simm.s32 $_tile_overlayer_lowered  }
0xa2: {  	s23 =	simm.s32 $0x1BFF;
	s22 =	sshll.u32 s9, $0x1;
	s6 =	sadd.s32 s7, s20  }
0xa3: {  	s10 =	simm.s32 $0x0;
	s21 =	sshll.u32 s8, $0x1;
	s8 =	sadd.s32 s22, s6  }
0xa4: {  	[timem:s10], [sflag:s23] =	dma.local [hbm:s8], s21  }
0xa5: {  	_ =	swait.ge [sflag:s23], s21  }
0xa6: {  	s7 =	ssub.s32 $0x0, s21;
	[sflag:s23] =	ssyncset.done $0x0  }
0xa7: {  	[sflag:s23] =	ssyncadd.s32 s7;
	_ =	sdelay $0x1  }
0xa8: {  	s24 =	simm.s32 $0x1B8B  }
0xa9: {  	_ =	swait.ge [sflag:s24], $0x1  }
0xaa: {  	[sflag:s24] =	ssyncset.done $0x0  }
0xab: {  	s25 =	simm.s32 $0x1B8E;
	[sflag:s24] =	ssyncadd.s32 $0xFFFFFFFF  }
0xac: {  	s26 =	simm.s32 $execute0_lowered;
	[smem:$0x3FD2] =	sst s25  }
0xad: {  	s7 =	sshll.u32 s26, $0x1;
	_ =	strace $0x80000046;
	[dreg:$0x1] =	wrdreg $0xFFFFFFFF  }
0xae: {  	s28 =	simm.s32 $_size_execute0_lowered;
	s6 =	sadd.s32 s6, s7;
	[dreg:$0x0] =	wrdreg $0x0  }
0xaf: {  	s7 =	sshll.u32 s28, $0x1;
	[dreg:$0x2] =	wrdreg s6  }
0xb0: {  	[dreg:$0x3] =	wrdreg s7  }
0xb1: {  	[dreg:$0x4] =	wrdreg $0xC0  }
0xb2: {  	_ =	task [dreg:s10], $0x5FFFF  }
0xb3: {  	[dreg:$0x1] =	wrdreg $0xFFFFFFFF  }
0xb4: {  	[dreg:$0x0] =	wrdreg $0x60  }
0xb5: {  	[dreg:$0x2] =	wrdreg s16  }
0xb6: {  	[dreg:$0x3] =	wrdreg s4  }
0xb7: {  	[dreg:$0x4] =	wrdreg s17  }
0xb8: {  	[dreg:$0x5] =	wrdreg s18  }
0xb9: {  	[dreg:$0x6] =	wrdreg $0x9  }
0xba: {  	_ =	task.clear_ibuf [dreg:s10], $0x7FFFF;
	_ =	strace $0x90000046  }
0xbb: {  	s29 =	simm.s32 $0x9;
	_ =	strace $0x80000048  }
0xbc: {  	_ =	swait.ge [sflag:s29], $0x1  }
0xbd: {  	[sflag:s29] =	ssyncadd.s32 $0xFFFFFFFF  }
0xbe: {  	_ =	strace $0x90000048  }
0xbf: {  	_ =	sfence  }
0xc0: {  	s30 =	sld [smem:$0x0];
	_ =	sdelay $0x2  }
0xc1: {  	s31 =	sshll.u32 s1, $0xD;
	s1 =	sshrl.u32 s1, $0x2  }
0xc2: {  	s3 =	sand.u32 $0x4000, s31;
	s1 =	sadd.s32 s1, s30  }
0xc3: {  	s0 =	sor.u32 s3, s0;
	s1 =	sshll.u32 s1, $0x11  }
0xc4: {  	s0 =	sor.u32 s1, s0  }
0xc5: {  	s0 =	sadd.s32 $0x8F2B, s0  }
0xc6: {  	[sflag:s0] =	ssyncadd.remote.s32 $0x1  }
0xc7: {  	_ =	sfence.sel $0xFFFF  }
0xc8: {  	[dreg:$0x0] =	wrdreg $0xFFFFFFFF;
	(pc) =	sbr.abs _section_cstart, $3  }
0xc9: {  	[dreg:$0x1] =	wrdreg $0xFFFFFFFF  }
0xca: {  	_ =	task.clear_ibuf [dreg:s10], $0x2FFFF;
	_ =	strace $0x9FFFFFFF  }
0xcb: {  	(tm) =	ssettm $0x7FFFFFFF  }
tec
execute0_lowered:
.L_overlay_start_1:
0x0: {  	(tag) =	ssettag $0x1  }
0x1: {  	s0 =	rddreg [dreg:$0x0];
	s3 =	srdreg.scid  }
0x2: {  	s1 =	rddreg [dreg:$0x2];
	s5 =	stileid.u32;
	s4 =	sand.u32 $0x1, s3  }
0x3: {  	s2 =	rddreg [dreg:$0x3];
	s5 =	sshll.u32 s5, $0xF;
	s6 =	sshll.u32 s4, $0xE  }
0x4: {  	s30 =	simm.s32 $0x1880;
	s3 =	simm.s32 $0x0;
	s5 =	sor.u32 s6, s5  }
0x5: {  	s31 =	simm.s32 $0x5;
	[smem:$0x7FF] =	sst s3;
	s25 =	sadd.s32 s0, s5  }
0x6: {  	_ =	strace $0x80000047;
	s8 =	sadd.s32 s1, s5;
	[dreg:$0x5] =	wrdreg s25  }
0x7: {  	s7 =	sor.u32 $0x800, s5;
	s9 =	sadd.s32 s2, s5;
	[dreg:$0x7] =	wrdreg s8  }
0x8: {  	s10 =	sor.u32 $0x1000, s5;
	s26 =	sadd.s32 s0, s7;
	[dreg:$0x8] =	wrdreg s9  }
0x9: {  	s4 =	ssub.s32 $0x2, s4;
	s8 =	sadd.s32 s0, s10;
	[dreg:$0x6] =	wrdreg s26  }
0xa: {  	s24 =	sshrl.u32 s4, $0x1;
	s11 =	sadd.s32 s1, s7;
	[dreg:$0x9] =	wrdreg s8  }
0xb: {  	s12 =	sor.u32 $0x1800, s5;
	s7 =	sadd.s32 s2, s7;
	[dreg:$0xa] =	wrdreg s11  }
0xc: {  	s4 =	ssub.s32 s4, s24;
	s13 =	sadd.s32 s0, s12;
	[dreg:$0xb] =	wrdreg s7  }
0xd: {  	s14 =	sor.u32 $0x2000, s5;
	s9 =	sadd.s32 s1, s10;
	[dreg:$0xc] =	wrdreg s13  }
0xe: {  	s18 =	sor.u32 $0x2800, s5;
	s6 =	sadd.s32 s2, s10;
	[dreg:$0xd] =	wrdreg s9  }
0xf: {  	s20 =	sor.u32 $0x3000, s5;
	s15 =	sadd.s32 s0, s14;
	[dreg:$0xe] =	wrdreg s6  }
0x10: {  	s5 =	sor.u32 $0x3800, s5;
	s16 =	sadd.s32 s1, s12;
	[dreg:$0xf] =	wrdreg s15  }
0x11: {  	s17 =	sadd.s32 s2, s12;
	s19 =	sadd.s32 s1, s14;
	[dreg:$0x10] =	wrdreg s16  }
0x12: {  	v0 =	vimm.s32 $0xEDCBA987;
	v1 =	vimm.s32 $0x65432100;
	v2 =	vimm.s32 $0xBA987654;
	s21 =	sadd.s32 s0, s18;
	s22 =	sadd.s32 s1, s18;
	[dreg:$0x11] =	wrdreg s17  }
0x13: {  	vm0 =	vmmov $0x1f;
	vm1 =	vcmask $0x1328;
	v3 =	vimm.s32 $0xCBA98765;
	s23 =	sadd.s32 s0, s20;
	s0 =	sadd.s32 s0, s5;
	[dreg:$0x12] =	wrdreg s19  }
0x14: {  	vm2 =	vcmask $0x1F00;
	v4 =	vimm.s32 $0xF0E0D0C;
	v5 =	vimm.s32 $0xFFFEDCBA;
	s24 =	sadd.s32 s1, s20;
	s25 =	sadd.s32 s2, s20;
	[dreg:$0x14] =	wrdreg s21  }
0x15: {  	vm3 =	vcmask $0x2F20;
	v6 =	vimm.s32 $0xF0F0E0D;
	v7 =	vimm.s32 $0xE0D0C0B;
	s28 =	sadd.s32 s2, s5;
	s29 =	smax.u32 s4, $0x1;
	[dreg:$0x15] =	wrdreg s22  }
0x16: {  	vm4 =	vcmask $0xF00;
	vm5 =	vcmask $0xB10;
	v0 =	vunpack.c.l.s4.s8 v0;
	s4 =	simm.s32 $0x80;
	s10 =	simm.s32 $0x380;
	[dreg:$0x17] =	wrdreg s23  }
0x17: {  	v1 =	vunpack.c.l.s4.s8 v1;
	v2 =	vunpack.c.l.s4.s8 v2;
	v3 =	vunpack.c.l.s4.s8 v3;
	s12 =	simm.s32 $0x480;
	s20 =	simm.s32 $0x0;
	[dreg:$0x18] =	wrdreg s0  }
0x18: {  	v4 =	vunpack.c.0.s8.s32 v4;
	v5 =	vunpack.c.l.s4.s8 v5;
	v6 =	vunpack.c.0.s8.s32 v6;
	s7 =	sadd.s32 s2, s14;
	s6 =	sadd.s32 s2, s18;
	[dreg:$0x19] =	wrdreg s24  }
0x19: {  	v0 =	vunpack.c.0.s8.s32 v0;
	v2 =	vunpack.c.0.s8.s32 v2;
	v3 =	vunpack.c.0.s8.s32 v3;
	[dreg:$0x1a] =	wrdreg s25;
	s26 =	sadd.s32 s1, s5;
	s0 =	simm.s32 $0x1  }
0x1a: {  	v7 =	vunpack.c.0.s8.s32 v7;
	v1 =	vunpack.c.0.s8.s32 v1;
	v5 =	vunpack.c.0.s8.s32 v5;
	s2 =	simm.s32 $0x5880;
	s1 =	simm.s32 $0x500;
	s5 =	simm.s32 $0x100  }
0x1b: {  	v0 =	vand.u32 $0xF, v0;
	v2 =	vnsel vm2, $0xF, v2;
	v3 =	vand.u32 $0xF, v3;
	s8 =	simm.s32 $0x280;
	s9 =	simm.s32 $0x300;
	s11 =	simm.s32 $0x400  }
0x1c: {  	v0 =	vcombine.low v1, v0;
	v1 =	vlaneseq.u32;
	v2 =	vsel vm3, v4, v2;
	s13 =	simm.s32 $0x9880;
	s14 =	simm.s32 $0x11880;
	s15 =	simm.s32 $0x2  }
0x1d: {  	v3 =	vnsel vm2, $0xF, v3;
	v4 =	vnsel vm2, $0xF, v5;
	v5 =	vnsel vm4, $0xF, v7;
	s16 =	simm.s32 $0xD880;
	s17 =	simm.s32 $0x15880;
	[dreg:$0x13] =	wrdreg s7  }
0x1e: {  	vm2 =	vmmov $0x1;
	vm4 =	vcmask $0x70C;
	s18 =	simm.s32 $0x3;
	s19 =	simm.s32 $0x4;
	[dreg:$0x16] =	wrdreg s6;
	v3 =	vsel vm3, v6, v3  }
0x1f: {  	[dreg:$0x1b] =	wrdreg s26;
	s6 =	simm.s32 $0x180;
	s7 =	simm.s32 $0x200;
	vm3 =	vcmask $0x308;
	v6 =	vimm.s32 $0x0;
	v7 =	vadd.s32 $0xFFFFECCC, v1  }
.LBB2_1:
0x20: {  	s21 =	rddreg [dreg:$0x5]  }
0x21: {  	[tilespmem:s30], [sflag:$0x1] =	stream.linear.gather [hbm4b:s21+s3], $0x4000, $0x38;
	[tilespmem:$0x19880] =	vst v63  }
0x22: {  	s26 =	rddreg [dreg:$0x1]  }
0x23: {  	[tilespmem:s3], [sflag:$0x5] =	stream.linear.gather [hbm4b:s26+s3], $0x80, $0x38;
	[tilespmem:$0x19880] =	vst v63  }
0x24: {  	_ =	swait.ge [sflag:s31], $0x80  }
0x25: {  	[sflag:s31] =	ssyncset.done $0x0  }
0x26: {  	[sflag:s31] =	ssyncadd.s32 $0xFFFFFF80  }
0x27: {  	v8 =	vld [tilespmem:$0x0];
	_ =	sdelay $0x4  }
0x28: {  	v9 =	vnsel vm0, $0xFF7FC99E, v8  }
0x29: {  	(xrf0) =	vmax.scan.msk.f32 $0xffff, v9;
	_ =	sdelay $0x5  }
0x2a: {  	v9, _, _ =	vpop (xrf0)  }
0x2b: {  	v9 =	vbroadcast v9, $0xF;
	_ =	sdelay $0x1  }
0x2c: {  	v9 =	vsub.f32 v8, v9;
	_ =	sdelay $0x1  }
0x2d: {  	v9 =	vmul.f32 $1.442695020e+00, v9;
	_ =	sdelay $0x1  }
0x2e: {  	(erf) = vpow2.f32 v9;
	_ =	sdelay $0x8  }
0x2f: {  	v9 =	vpop (erf)  }
0x30: {  	v10 =	vnsel vm0, $0x0, v9  }
0x31: {  	(xrf2) =	vadd.scan.msk.f32 $0xffff, v10;
	v10 =	vsel vm1, $0xFF7FC99E, v8  }
0x32: {  	(xrf0) =	vmax.scan.msk.f32 $0xffff, v10;
	_ =	sdelay $0x5  }
0x33: {  	v10, _, _ =	vpop (xrf0)  }
0x34: {  	v10 =	vbroadcast v10, $0xF;
	_ =	sdelay $0x1  }
0x35: {  	v11, _, _ =	vpop (xrf2);
	v10 =	vsub.f32 v8, v10  }
0x36: {  	v11 =	vbroadcast v11, $0xF  }
0x37: {  	v10 =	vmul.f32 $1.442695020e+00, v10  }
0x38: {  	(erf) = vrcp.f32 v11  }
0x39: {  	(erf) = vpow2.f32 v10;
	_ =	sdelay $0x7  }
0x3a: {  	v10 =	vpop (erf)  }
0x3b: {  	v11 =	vpop (erf)  }
0x3c: {  	v12 =	vsel vm1, $0x0, v11  }
0x3d: {  	(xrf2) =	vadd.scan.msk.f32 $0xffff, v12;
	_ =	sdelay $0x8  }
0x3e: {  	v12 =	vand.u32 $0x7FFFFFFF, v8  }
0x3f: {  	v12 =	vsub.f32 $0.0e+00, v12;
	v13, _, _ =	vpop (xrf2)  }
0x40: {  	v13 =	vbroadcast v13, $0xF  }
0x41: {  	v12 =	vmul.f32 $1.442695020e+00, v12  }
0x42: {  	(erf) = vrcp.f32 v13  }
0x43: {  	(erf) = vpow2.f32 v12;
	_ =	sdelay $0x6  }
0x44: {  	v9 =	vmul.f32 $5.000000000e+00, v9  }
0x45: {  	v12 =	vpop (erf)  }
0x46: {  	v9 =	vmul.f32 v10, v9;
	v10 =	vpop (erf)  }
0x47: {  	v10 =	vadd.f32 $1.000000000e+00, v10;
	_ =	sdelay $0x1  }
0x48: {  	v13 =	vnsel vm0, $0x0, v9;
	v14 =	vadd.s32 $0xC0CAFB0D, v10  }
0x49: {  	(xrf2) =	vadd.scan.msk.f32 $0xffff, v13;
	v13 =	vand.u32 $0xFF800000, v14  }
0x4a: {  	v10 =	vsub.s32 v10, v13  }
0x4b: {  	v13 =	vadd.f32 $1.000000000e+00, v10;
	_ =	sdelay $0x1  }
0x4c: {  	(erf) = vrcp.f32 v13;
	_ =	sdelay $0x5  }
0x4d: {  	v13, _, _ =	vpop (xrf2)  }
0x4e: {  	v15 =	vperm.xlane v13, v0  }
0x4f: {  	v10 =	vadd.f32 $-1.000000000e+00, v10  }
0x50: {  	v11 =	vmul.f32 $5.000000000e+00, v11;
	v15 =	vadd.f32 $-2.500000000e+00, v15;
	v16 =	vpop (erf)  }
0x51: {  	vm6 =	veq.s32 v1, $0x0;
	v13 =	vadd.f32 $-2.500000000e+00, v13;
	v10 =	vmul.f32 v16, v10  }
0x52: {  	v11 =	vmul.f32 v12, v11;
	v15 =	vsel vm6, $0xC0200000, v15  }
0x53: {  	v42 =	vsub.f32 v13, v15;
	v12 =	vmul.f32 v10, v10  }
0x54: {  	v17 =	vsel vm1, $0x0, v11  }
0x55: {  	(xrf2) =	vadd.scan.msk.f32 $0xffff, v17;
	v16 =	vadd.f32 $9.999999930e-09, v42;
	v12 =	vmul.f32 $6.769402030e-01, v12  }
0x56: {  	v14 =	vshra.s32 v14, $0x17  }
0x57: {  	v14 =	vcvt.s32.f32 v14;
	(erf) = vrcp.f32 v16;
	v12 =	vadd.f32 $1.999969600e+00, v12  }
0x58: {  	(erf) = vrcp.f32 v9  }
0x59: {  	v9 =	vmul.f32 $6.931471820e-01, v14;
	v10 =	vmul.f32 v12, v10;
	_ =	sdelay $0x1  }
0x5a: {  	v9 =	vadd.f32 v10, v9  }
0x5b: {  	v8 =	vmax.f32 v8, $0.0e+00  }
0x5c: {  	v8 =	vadd.f32 v9, v8;
	_ =	sdelay $0x1  }
0x5d: {  	v55 =	vor.u32 s3, v1;
	v10, _, _ =	vpop (xrf2);
	v8 =	vadd.f32 $9.999999740e-06, v8  }
0x5e: {  	v62 =	vadd.s32 s3, v7;
	v11 =	vperm.xlane v11, v3;
	v49 =	vnsel vm2, $0x0, v13;
	v9 =	vpop (erf)  }
0x5f: {  	v50 =	vsel vm3, $0x0, v13;
	v12 =	vperm.xlane v10, v2;
	v43 =	vpop (erf);
	v14 =	vperm.xlane v8, v4  }
0x60: {  	v52 =	vsel vm4, $0x0, v13;
	v8 =	vperm.xlane v8, v5;
	v11 =	vmul.f32 v43, v11  }
0x61: {  	v10 =	vperm.xlane v10, v3;
	v12 =	vadd.f32 $-2.500000000e+00, v12;
	v44 =	vsub.f32 $0.0e+00, v9  }
0x62: {  	v13 =	vsel vm5, $0x0, v13;
	v8 =	vadd.f32 v8, v14;
	v45 =	vadd.f32 v11, v11  }
0x63: {  	v46 =	vadd.f32 v9, v9;
	v10 =	vadd.f32 $-2.500000000e+00, v10;
	v15 =	vmul.f32 v44, v15  }
0x64: {  	v47 =	vmul.f32 v9, v9;
	v11 =	vadd.f32 $9.999999930e-09, v11;
	v8 =	vsub.f32 v8, v45  }
0x65: {  	v12 =	vsel vm6, $0xC0200000, v12;
	vm6 =	veq.s32 v1, $0x5;
	v16 =	vmul.f32 v15, v46  }
0x66: {  	v19 =	vmul.f32 v15, v15;
	v18 =	vsub.f32 v11, v14;
	v20 =	vmul.f32 v47, v8  }
0x67: {  	v14 =	vadd.f32 $9.999999930e-09, v14;
	v21 =	vmul.f32 v16, v8;
	v22 =	vmul.f32 v15, v8  }
0x68: {  	v10 =	vsub.f32 v10, v12;
	v23 =	vmul.f32 v19, v8;
	v17 =	vmul.f32 v47, v18  }
0x69: {  	v24 =	vadd.f32 v18, v18;
	v16 =	vmul.f32 v16, v18;
	v25 =	vmul.f32 v9, v14  }
0x6a: {  	v18 =	vmul.f32 v19, v18;
	v48 =	vmul.f32 v15, v14;
	v26 =	vsub.f32 $0.0e+00, v20  }
0x6b: {  	(xrf2) =	vadd.scan.msk.f32 $0xffff, v49;
	v8 =	vmul.f32 v9, v8;
	v16 =	vadd.f32 v16, v25;
	v22 =	vsub.f32 v22, v23  }
0x6c: {  	(xrf2) =	vadd.scan.msk.f32 $0xffff, v50;
	v18 =	vadd.f32 v18, v48;
	v17 =	vmul.f32 v17, v10;
	v15 =	vmul.f32 v15, v24  }
0x6d: {  	(xrf2) =	vadd.scan.msk.f32 $0xffff, v52;
	v8 =	vsub.f32 v8, v21;
	v9 =	vmul.f32 v9, v24;
	v51 =	vmul.f32 v26, v12  }
0x6e: {  	(xrf2) =	vadd.scan.msk.f32 $0xffff, v13;
	v22 =	vadd.f32 v22, v11;
	v11 =	vmul.f32 v11, v11;
	v53 =	vsel vm6, $0x0, v26  }
0x6f: {  	v13 =	vsel vm6, $0x0, v8;
	v8 =	vmul.f32 v8, v12;
	v16 =	vmul.f32 v16, v10  }
0x70: {  	v15 =	vadd.f32 v23, v15;
	v10 =	vmul.f32 v18, v10;
	v9 =	vadd.f32 v21, v9  }
0x71: {  	v17 =	vadd.f32 v51, v17;
	v54 =	vsel vm6, $0x3F800000, v22;
	v12 =	vmul.f32 v22, v12  }
0x72: {  	v8 =	vadd.f32 v16, v8;
	v14 =	vadd.f32 v15, v14;
	v15 =	vcvt.s32.f32 v55  }
0x73: {  	v9 =	vmul.f32 v9, v11;
	v10 =	vadd.f32 v12, v10;
	v12 =	vmul.f32 v20, v11  }
0x74: {  	v57 =	vsel vm6, $0x3F800000, v8;
	v8 =	vmul.f32 v14, v11;
	v11 =	vmul.f32 $1.220703130e-03, v15  }
0x75: {  	v56, _, _ =	vpop (xrf2);
	[tilespmem:$0x80] =	vst v53;
	v17 =	vsel vm6, $0x0, v17;
	v58 =	vsel vm6, $0x0, v9;
	v15 =	vsel vm6, $0x0, v10  }
0x76: {  	s21 =	simm.s32 $0x10;
	[tilespmem:$0x100] =	vst v13;
	v14, _, _ =	vpop (xrf2);
	v13 =	vsel vm6, $0x3F800000, v8;
	v8 =	vbroadcast v56, $0xF;
	v59 =	vadd.f32 $-3.500976560e+00, v11  }
0x77: {  	[tilespmem:$0x180] =	vst v54;
	v12 =	vsel vm6, $0x0, v12;
	v9, _, _ =	vpop (xrf2);
	v11 =	vbroadcast v14, $0xF;
	v14 =	vor.u32 s21, v1  }
0x78: {  	[tilespmem:$0x200] =	vst v17;
	v10, _, _ =	vpop (xrf2);
	v9 =	vbroadcast v9, $0xF;
	v14 =	vcvt.s32.f32 v14;
	vm6 =	vlt.f32 v8, v59  }
0x79: {  	[tilespmem:$0x280] =	vst v57;
	v10 =	vbroadcast v10, $0xF;
	v60 =	vsel vm6, $0x1, v6;
	vm6 =	vlt.f32 v11, v59  }
0x7a: {  	[tilespmem:$0x300] =	vst v15;
	vm7 =	vlt.f32 v9, v59;
	v14 =	vmul.f32 $1.220703130e-03, v14;
	v15 =	vsel vm6, $0x1, v6  }
0x7b: {  	[tilespmem:$0x400] =	vst v58;
	v61 =	vsel vm7, $0x1, v6;
	v15 =	vadd.s32 v15, v60;
	vm6 =	vlt.f32 v10, v59  }
0x7c: {  	s22 =	simm.s32 $0x20;
	[tilespmem:$0x380] =	vst v12;
	v12 =	vadd.f32 $-3.500976560e+00, v14;
	v15 =	vadd.s32 v61, v15;
	v63 =	vsel vm6, $0x1, v6  }
0x7d: {  	s25 =	simm.s32 $0x30;
	s23 =	simm.s32 $0x500;
	s24 =	simm.s32 $0x500;
	[tilespmem:$0x480] =	vst v13;
	v14 =	vor.u32 s22, v1;
	vm6 =	vlt.u32 v62, $0xFFFFF000;
	v13 =	vadd.s32 v63, v15  }
.LBB2_2:
0x7e: {  	p0 =	sne.s32 s25, $0x1330  }
0x7f: {  	v14 =	vcvt.s32.f32 v14;
	vm7 =	vlt.f32 v8, v12;
	v13 =	vsel vm6, $0x5, v13;
	s23 =	sadd.s32 $0x10, s23;
	s26 =	smov.u32 s25;
	s25 =	sadd.s32 $0x10, s25  }
.Ltmp0:
0x80: {  	vm6 =	vlt.f32 v11, v12;
	v15 =	vsel vm7, $0x1, v6;
	vm7 =	vlt.f32 v9, v12;
	[tilespmem:s24+$0x0] =	vst v13;
	s24 =	smov.u32 s23;
	(pc) =	sbr.rel @p0 .LBB2_2-.Ltmp0, $4  }
0x81: {  	v13 =	vmul.f32 $1.220703130e-03, v14;
	v14 =	vsel vm6, $0x1, v6;
	v16 =	vsel vm7, $0x1, v6  }
0x82: {  	vm6 =	vlt.f32 v10, v12;
	v14 =	vadd.s32 v14, v15;
	v15 =	vadd.s32 s21, v7;
	s21 =	smov.u32 s22;
	s22 =	smov.u32 s26  }
0x83: {  	v12 =	vadd.f32 $-3.500976560e+00, v13;
	v13 =	vadd.s32 v16, v14;
	v16 =	vsel vm6, $0x1, v6  }
0x84: {  	v14 =	vor.u32 s22, v1;
	vm6 =	vlt.u32 v15, $0xFFFFF000;
	v13 =	vadd.s32 v16, v13  }
0x85: {  	v14 =	vcvt.s32.f32 v14;
	_ =	sdelay $0x1  }
0x86: {  	vm7 =	vlt.f32 v8, v12;
	v13 =	vsel vm6, $0x5, v13;
	v14 =	vmul.f32 $1.220703130e-03, v14  }
0x87: {  	vm6 =	vlt.f32 v11, v12;
	v15 =	vsel vm7, $0x1, v6;
	vm7 =	vlt.f32 v9, v12  }
0x88: {  	v16 =	vsel vm6, $0x1, v6;
	vm6 =	vlt.f32 v10, v12;
	v14 =	vadd.f32 $-3.500976560e+00, v14  }
0x89: {  	v12 =	vadd.s32 s21, v7;
	v17 =	vsel vm7, $0x1, v6;
	v15 =	vadd.s32 v16, v15  }
0x8a: {  	v16 =	vsel vm6, $0x1, v6;
	v15 =	vadd.s32 v17, v15;
	vm6 =	vlt.f32 v8, v14  }
0x8b: {  	v8 =	vadd.s32 v16, v15;
	v15 =	vsel vm6, $0x1, v6;
	vm6 =	vlt.f32 v11, v14  }
0x8c: {  	vm7 =	vlt.u32 v12, $0xFFFFF000;
	v11 =	vsel vm6, $0x1, v6;
	vm6 =	vlt.f32 v9, v14  }
0x8d: {  	v9 =	vsel vm6, $0x1, v6;
	v11 =	vadd.s32 v11, v15;
	vm6 =	vlt.f32 v10, v14  }
0x8e: {  	v10 =	vadd.s32 s22, v7;
	v9 =	vadd.s32 v9, v11;
	v11 =	vsel vm6, $0x1, v6  }
0x8f: {  	[tilespmem:s24+$0x0] =	vst v13;
	v8 =	vsel vm7, $0x5, v8;
	s22 =	sadd.s32 $0x10, s23;
	vm6 =	vlt.u32 v10, $0xFFFFF000;
	v9 =	vadd.s32 v11, v9  }
0x90: {  	s23 =	sadd.s32 $0x10, s22;
	[tilespmem:s22+$0x0] =	vst v8;
	v8 =	vsel vm6, $0x5, v9  }
0x91: {  	[tilespmem:s23+$0x0] =	vst v8  }
0x92: {  	_ =	swait.ge [sflag:s0], $0x4000  }
0x93: {  	[sflag:s0] =	ssyncset.done $0x0  }
0x94: {  	s25 =	simm.s32 $0x18A0;
	s24 =	rddreg [dreg:$0x6];
	[sflag:s0] =	ssyncadd.s32 $0xFFFFC000  }
0x95: {  	[tilespmem:s2], [sflag:$0x2] =	stream.linear.gather [hbm4b:s24+s3], $0x4000, $0x38;
	[tilespmem:$0x19880] =	vst v63  }
0x96: {  	v15 =	vld [tilespmem:s25+$0x10];
	_ =	sdelay $0x2  }
0x97: {  	v17 =	vld [tilespmem:s25+$0xFFFFFFF0]  }
0x98: {  	v11 =	vld [tilespmem:s25+$0x0]  }
0x99: {  	v8 =	vmul.f32 $8.192000120e+02, v15;
	_ =	sdelay $0x1  }
0x9a: {  	v8 =	vadd.f32 $2.868000000e+03, v8  }
0x9b: {  	v9 =	vmul.f32 $8.192000120e+02, v17  }
0x9c: {  	v10 =	vmul.f32 $8.192000120e+02, v11;
	v8 =	vmax.f32 v8, $0.0e+00  }
0x9d: {  	v9 =	vadd.f32 $2.868000000e+03, v9;
	v8 =	vmin.f32 v8, $4.917000000e+03  }
0x9e: {  	v10 =	vadd.f32 $2.868000000e+03, v10;
	v8 =	vtrunc.f32 v8  }
0x9f: {  	v9 =	vmax.f32 v9, $0.0e+00;
	v8 =	vcvt.f32.s32 v8  }
0xa0: {  	v10 =	vmax.f32 v10, $0.0e+00;
	v9 =	vmin.f32 v9, $4.917000000e+03  }
0xa1: {  	v10 =	vmin.f32 v10, $4.917000000e+03;
	v9 =	vtrunc.f32 v9  }
0xa2: {  	v10 =	vtrunc.f32 v10;
	v9 =	vcvt.f32.s32 v9  }
0xa3: {  	v10 =	vcvt.f32.s32 v10;
	_ =	sdelay $0x1  }
0xa4: {  	v14 =	vld.idx.msk [tilespmem:v8+s1+$0x0], $0xffff  }
0xa5: {  	v16 =	vld [tilespmem:s25+$0xFFFFFFE0];
	_ =	sdelay $0x1  }
0xa6: {  	v19 =	vld.idx.msk [tilespmem:v9+s1+$0x0], $0xffff  }
0xa7: {  	v12 =	vld.idx.msk [tilespmem:v10+s1+$0x0], $0xffff;
	_ =	sdelay $0x1  }
0xa8: {  	s26 =	simm.s32 $0x18E0;
	v8 =	vmul.f32 $8.192000120e+02, v16  }
0xa9: {  	v10 =	vld [tilespmem:s26+$0xFFFFFFF0]  }
0xaa: {  	v8 =	vadd.f32 $2.868000000e+03, v8;
	v9 =	vld.idx.msk [tilespmem:v14+s7+$0x0], $0xffff  }
0xab: {  	v20 =	vld.idx.msk [tilespmem:v14+s6+$0x0], $0xffff  }
0xac: {  	v8 =	vmax.f32 v8, $0.0e+00;
	v21 =	vld.idx.msk [tilespmem:v14+s10+$0x0], $0xffff  }
0xad: {  	v8 =	vmin.f32 v8, $4.917000000e+03;
	v18 =	vld.idx.msk [tilespmem:v19+s6+$0x0], $0xffff  }
0xae: {  	v8 =	vtrunc.f32 v8;
	v22 =	vld.idx.msk [tilespmem:v12+s8+$0x0], $0xffff  }
0xaf: {  	v8 =	vcvt.f32.s32 v8;
	v23 =	vld.idx.msk [tilespmem:v12+s7+$0x0], $0xffff  }
0xb0: {  	v24 =	vld.idx.msk [tilespmem:v12+s11+$0x0], $0xffff  }
0xb1: {  	v25 =	vld.idx.msk [tilespmem:v19+s7+$0x0], $0xffff  }
0xb2: {  	v26 =	vld.idx.msk [tilespmem:v12+s5+$0x0], $0xffff  }
0xb3: {  	v28 =	vld.idx.msk [tilespmem:v12+s10+$0x0], $0xffff  }
0xb4: {  	v13 =	vld.idx.msk [tilespmem:v12+s4+$0x0], $0xffff  }
0xb5: {  	v27 =	vld.idx.msk [tilespmem:v8+s1+$0x0], $0xffff  }
0xb6: {  	v29 =	vld.idx.msk [tilespmem:v14+s11+$0x0], $0xffff  }
0xb7: {  	v30 =	vld.idx.msk [tilespmem:v14+s4+$0x0], $0xffff  }
0xb8: {  	v31 =	vld.idx.msk [tilespmem:v19+s4+$0x0], $0xffff  }
0xb9: {  	v35 =	vld.idx.msk [tilespmem:v14+s5+$0x0], $0xffff  }
0xba: {  	v37 =	vmul.f32 v9, v15;
	v9 =	vmul.f32 v13, v11;
	v13 =	vld [tilespmem:s26+$0x0]  }
0xbb: {  	v32 =	vld.idx.msk [tilespmem:v12+s6+$0x0], $0xffff  }
0xbc: {  	v33 =	vld.idx.msk [tilespmem:v19+s5+$0x0], $0xffff;
	v9 =	vadd.f32 v26, v9;
	v26 =	vmul.f32 v30, v15  }
0xbd: {  	v34 =	vld.idx.msk [tilespmem:v27+s4+$0x0], $0xffff  }
0xbe: {  	v8 =	vld [tilespmem:s26+$0x10];
	v40 =	vmul.f32 v9, v11;
	v9 =	vadd.f32 v35, v26;
	v26 =	vmul.f32 $8.192000120e+02, v10  }
0xbf: {  	v41 =	vmul.f32 $8.192000120e+02, v13;
	v36 =	vld.idx.msk [tilespmem:v27+s5+$0x0], $0xffff  }
0xc0: {  	v56 =	vld.idx.msk [tilespmem:v19+s8+$0x0], $0xffff;
	v21 =	vmul.f32 v21, v15;
	v26 =	vadd.f32 $2.868000000e+03, v26  }
0xc1: {  	v60 =	vld.idx.msk [tilespmem:v14+s12+$0x0], $0xffff;
	v23 =	vmul.f32 v23, v11;
	v28 =	vmul.f32 v28, v11;
	v41 =	vadd.f32 $2.868000000e+03, v41  }
0xc2: {  	v43 =	vmul.f32 v9, v15;
	v9 =	vld [tilespmem:s26+$0xFFFFFFE0];
	v26 =	vmax.f32 v26, $0.0e+00;
	v34 =	vmul.f32 v34, v16  }
0xc3: {  	v39 =	vmul.f32 $8.192000120e+02, v8;
	v30 =	vld.idx.msk [tilespmem:v27+s6+$0x0], $0xffff;
	v26 =	vmin.f32 v26, $4.917000000e+03;
	v41 =	vmax.f32 v41, $0.0e+00  }
0xc4: {  	v61 =	vld.idx.msk [tilespmem:v14+s9+$0x0], $0xffff;
	v26 =	vtrunc.f32 v26;
	v41 =	vmin.f32 v41, $4.917000000e+03;
	v34 =	vadd.f32 v36, v34  }
0xc5: {  	v63 =	vld.idx.msk [tilespmem:v19+s11+$0x0], $0xffff;
	v26 =	vcvt.f32.s32 v26;
	v41 =	vtrunc.f32 v41  }
0xc6: {  	v21 =	vadd.f32 v29, v21;
	v29 =	vld.idx.msk [tilespmem:v14+s8+$0x0], $0xffff;
	v59 =	vcvt.f32.s32 v41;
	v34 =	vmul.f32 v34, v16  }
0xc7: {  	v22 =	vadd.f32 v22, v23;
	v24 =	vadd.f32 v24, v28;
	v38 =	vld.idx.msk [tilespmem:v27+s10+$0x0], $0xffff;
	v23 =	vmul.f32 $8.192000120e+02, v9  }
0xc8: {  	v55 =	vadd.f32 $2.868000000e+03, v39;
	v57 =	vld.idx.msk [tilespmem:v27+s11+$0x0], $0xffff;
	v30 =	vadd.f32 v34, v30  }
0xc9: {  	v22 =	vmul.f32 v22, v11;
	v58 =	vld.idx.msk [tilespmem:v27+s7+$0x0], $0xffff;
	v20 =	vadd.f32 v43, v20;
	v23 =	vadd.f32 $2.868000000e+03, v23  }
0xca: {  	v24 =	vmul.f32 v24, v11;
	v43 =	vld.idx.msk [tilespmem:v19+s12+$0x0], $0xffff;
	v36 =	vmax.f32 v55, $0.0e+00;
	(erf) = vrcp.f32 v30  }
0xcb: {  	v14 =	vmax.f32 v23, $0.0e+00;
	v36 =	vmin.f32 v36, $4.917000000e+03;
	v11 =	vld.idx.msk [tilespmem:v26+s1+$0x0], $0xffff;
	(erf) = vrcp.f32 v20  }
0xcc: {  	v28 =	vmul.f32 v38, v16;
	v36 =	vtrunc.f32 v36;
	v26 =	vmin.f32 v14, $4.917000000e+03;
	v14 =	vld.idx.msk [tilespmem:v59+s1+$0x0], $0xffff  }
0xcd: {  	v36 =	vcvt.f32.s32 v36;
	v30 =	vld.idx.msk [tilespmem:v19+s9+$0x0], $0xffff  }
0xce: {  	v28 =	vadd.f32 v57, v28;
	v19 =	vld.idx.msk [tilespmem:v19+s10+$0x0], $0xffff  }
0xcf: {  	v25 =	vmul.f32 v25, v17;
	v32 =	vadd.f32 v40, v32;
	v20 =	vld.idx.msk [tilespmem:v27+s12+$0x0], $0xffff  }
0xd0: {  	v21 =	vmul.f32 v21, v15;
	v44 =	vld.idx.msk [tilespmem:v27+s8+$0x0], $0xffff;
	v23 =	vmul.f32 v28, v16  }
0xd1: {  	v42 =	vld.idx.msk [tilespmem:v12+s12+$0x0], $0xffff;
	(erf) = vrcp.f32 v32  }
0xd2: {  	v31 =	vmul.f32 v31, v17;
	v25 =	vadd.f32 v56, v25;
	v21 =	vadd.f32 v21, v60;
	v41 =	vld.idx.msk [tilespmem:v12+s9+$0x0], $0xffff  }
0xd3: {  	v29 =	vadd.f32 v29, v37;
	v26 =	vtrunc.f32 v26;
	v34 =	vmul.f32 v58, v16;
	v12 =	vld.idx.msk [tilespmem:v36+s1+$0x0], $0xffff;
	v28 =	vpop (erf)  }
0xd4: {  	v26 =	vcvt.f32.s32 v26;
	v19 =	vmul.f32 v19, v17;
	v20 =	vadd.f32 v23, v20;
	v23 =	vpop (erf)  }
0xd5: {  	v15 =	vmul.f32 v29, v15;
	v29 =	vadd.f32 v44, v34;
	v40 =	vld.idx.msk [tilespmem:v14+s7+$0x0], $0xffff;
	v45 =	vmul.f32 v23, v23  }
0xd6: {  	v31 =	vadd.f32 v33, v31;
	v25 =	vmul.f32 v25, v17;
	v27 =	vld.idx.msk [tilespmem:v27+s9+$0x0], $0xffff;
	v19 =	vadd.f32 v63, v19  }
0xd7: {  	v15 =	vadd.f32 v15, v61;
	v29 =	vmul.f32 v29, v16;
	v16 =	vld.idx.msk [tilespmem:v11+s6+$0x0], $0xffff;
	v21 =	vmul.f32 v21, v45  }
0xd8: {  	v24 =	vadd.f32 v24, v42;
	v22 =	vadd.f32 v22, v41;
	v55 =	vld.idx.msk [tilespmem:v11+s7+$0x0], $0xffff;
	v56 =	vmul.f32 v19, v17  }
0xd9: {  	v60 =	vld.idx.msk [tilespmem:v11+s4+$0x0], $0xffff;
	v51 =	vmul.f32 v15, v23;
	v23 =	vmul.f32 v31, v17;
	v15 =	vadd.s32 $0xC0CAFB0D, v21  }
0xda: {  	v62 =	vmul.f32 v28, v28;
	v48 =	vpop (erf);
	v17 =	vld.idx.msk [tilespmem:v26+s1+$0x0], $0xffff;
	v26 =	vmul.f32 v40, v13;
	v52 =	vand.u32 $0xFF800000, v15  }
0xdb: {  	v47 =	vld.idx.msk [tilespmem:v12+s7+$0x0], $0xffff;
	v50 =	vmul.f32 v48, v48;
	v18 =	vadd.f32 v23, v18;
	v53 =	vsub.s32 v21, v52  }
0xdc: {  	v31 =	vld.idx.msk [tilespmem:v14+s8+$0x0], $0xffff;
	v46 =	vmul.f32 v20, v62;
	v22 =	vmul.f32 v22, v48;
	v21 =	vadd.f32 $1.000000000e+00, v53  }
0xdd: {  	v29 =	vadd.f32 v29, v27;
	v27 =	vld.idx.msk [tilespmem:v14+s10+$0x0], $0xffff;
	v33 =	vmul.f32 v24, v50;
	(erf) = vrcp.f32 v18  }
0xde: {  	v54 =	vld.idx.msk [tilespmem:v14+s11+$0x0], $0xffff;
	v18 =	vadd.s32 $0xC0CAFB0D, v46;
	v24 =	vshra.s32 v15, $0x17;
	(erf) = vrcp.f32 v21  }
0xdf: {  	v59 =	vld.idx.msk [tilespmem:v14+s5+$0x0], $0xffff;
	v23 =	vadd.s32 $0xC0CAFB0D, v33;
	v57 =	vshra.s32 v18, $0x17;
	v18 =	vand.u32 $0xFF800000, v18  }
0xe0: {  	v49 =	vld.idx.msk [tilespmem:v12+s10+$0x0], $0xffff;
	v15 =	vmul.f32 v47, v8;
	v58 =	vsub.s32 v46, v18;
	v18 =	vand.u32 $0xFF800000, v23  }
0xe1: {  	v19 =	vld.idx.msk [tilespmem:v12+s11+$0x0], $0xffff;
	v32 =	vadd.f32 v31, v26;
	v34 =	vadd.f32 $1.000000000e+00, v58;
	v46 =	vsub.s32 v33, v18  }
0xe2: {  	v26 =	vld.idx.msk [tilespmem:v14+s4+$0x0], $0xffff;
	v31 =	vmul.f32 v27, v13;
	v18 =	vshra.s32 v23, $0x17;
	v23 =	vadd.f32 $1.000000000e+00, v46  }
0xe3: {  	v20 =	vld.idx.msk [tilespmem:v12+s6+$0x0], $0xffff;
	v27 =	vadd.f32 v25, v30;
	v25 =	vmul.f32 v29, v28;
	(erf) = vrcp.f32 v34  }
0xe4: {  	v61 =	vadd.f32 v56, v43;
	v47 =	vld.idx.msk [tilespmem:v12+s4+$0x0], $0xffff;
	v28 =	vmul.f32 v55, v10;
	(erf) = vrcp.f32 v23  }
0xe5: {  	v24 =	vcvt.s32.f32 v24;
	v45 =	vcvt.s32.f32 v57;
	v33 =	vld.idx.msk [tilespmem:v14+s6+$0x0], $0xffff;
	v29 =	vadd.f32 $-1.000000000e+00, v53  }
0xe6: {  	s21 =	simm.s32 $0x98A0;
	v37 =	vadd.f32 v54, v31;
	v18 =	vcvt.s32.f32 v18;
	v38 =	vld.idx.msk [tilespmem:v17+s4+$0x0], $0xffff;
	v21 =	vmul.f32 v49, v8;
	v30 =	vpop (erf)  }
0xe7: {  	[tilespmem:s21+$0xFFFFFFE0] =	vst v25;
	v36 =	vadd.f32 $-1.000000000e+00, v58;
	v39 =	vld.idx.msk [tilespmem:v17+s5+$0x0], $0xffff;
	v25 =	vmul.f32 v26, v13;
	v62 =	vmul.f32 v30, v30;
	v63 =	vpop (erf)  }
0xe8: {  	[tilespmem:s21+$0x10] =	vst v51;
	v31 =	vadd.f32 $-1.000000000e+00, v46;
	v35 =	vld.idx.msk [tilespmem:v17+s10+$0x0], $0xffff;
	v26 =	vmul.f32 v60, v10;
	v29 =	vmul.f32 v63, v29  }
0xe9: {  	s22 =	simm.s32 $0x118A0;
	s23 =	simm.s32 $0x118A0;
	v34 =	vld.idx.msk [tilespmem:v12+s5+$0x0], $0xffff;
	v41 =	vmul.f32 v47, v8;
	v23 =	vadd.f32 v19, v21;
	v43 =	vmul.f32 v61, v62  }
0xea: {  	s24 =	simm.s32 $0x98A0;
	s25 =	simm.s32 $0x40;
	s26 =	simm.s32 $0x1920;
	[tilespmem:s21+$0x0] =	vst v22;
	v21 =	vld.idx.msk [tilespmem:v11+s5+$0x0], $0xffff;
	v19 =	vmul.f32 $6.931471820e-01, v45;
	v42 =	vadd.f32 v59, v25;
	v40 =	vmul.f32 v29, v29  }
.LBB2_4:
0xeb: {  	v25 =	vld [tilespmem:s26+$0xFFFFFFF0];
	s25 =	sadd.s32 $0x40, s25;
	v22 =	vmul.f32 v32, v13;
	v37 =	vmul.f32 v37, v13;
	v44 =	vadd.s32 $0xC0CAFB0D, v43;
	s22 =	sadd.s32 $0x40, s22;
	s21 =	sadd.s32 $0x40, s21  }
0xec: {  	v32 =	vld [tilespmem:s26+$0x10];
	p0 =	slt.u32 s25, $0x3FC0;
	v42 =	vmul.f32 v42, v13;
	v47 =	vshra.s32 v44, $0x17;
	v44 =	vand.u32 $0xFF800000, v44;
	v46 =	vpop (erf)  }
0xed: {  	v40 =	vmul.f32 $6.769402030e-01, v40;
	v13 =	vld [tilespmem:s26+$0x0];
	v43 =	vsub.s32 v43, v44;
	v44 =	vcvt.s32.f32 v47;
	v45 =	vpop (erf)  }
0xee: {  	v38 =	vmul.f32 v38, v9;
	v36 =	vmul.f32 v46, v36;
	v33 =	vadd.f32 v42, v33  }
0xef: {  	v24 =	vmul.f32 $6.931471820e-01, v24;
	v34 =	vadd.f32 v34, v41;
	v41 =	vadd.f32 $1.000000000e+00, v43;
	v42 =	vld.idx.msk [tilespmem:v17+s6+$0x0], $0xffff  }
0xf0: {  	v38 =	vadd.f32 v39, v38;
	v39 =	vmul.f32 v36, v36;
	v46 =	vmul.f32 $8.192000120e+02, v25  }
0xf1: {  	v40 =	vadd.f32 $1.999969600e+00, v40;
	v35 =	vmul.f32 v35, v9;
	v47 =	vmul.f32 $8.192000120e+02, v32  }
0xf2: {  	v46 =	vadd.f32 $2.868000000e+03, v46;
	v48 =	vmul.f32 $8.192000120e+02, v13;
	(erf) = vrcp.f32 v41  }
0xf3: {  	v29 =	vmul.f32 v40, v29;
	v38 =	vmul.f32 v38, v9;
	v41 =	vadd.f32 $2.868000000e+03, v47;
	v47 =	vld.idx.msk [tilespmem:v11+s8+$0x0], $0xffff  }
0xf4: {  	v34 =	vmul.f32 v34, v8;
	v40 =	vmax.f32 v46, $0.0e+00;
	v46 =	vadd.f32 $2.868000000e+03, v48;
	v48 =	vld.idx.msk [tilespmem:v17+s11+$0x0], $0xffff  }
0xf5: {  	v24 =	vadd.f32 v29, v24;
	v38 =	vadd.f32 v38, v42;
	v41 =	vmax.f32 v41, $0.0e+00;
	v42 =	vld.idx.msk [tilespmem:v14+s12+$0x0], $0xffff  }
0xf6: {  	v20 =	vadd.f32 v34, v20;
	v29 =	vmin.f32 v40, $4.917000000e+03;
	v49 =	vld [tilespmem:s26+$0xFFFFFFE0];
	v40 =	vmax.f32 v46, $0.0e+00  }
0xf7: {  	v34 =	vtrunc.f32 v29;
	v29 =	vmin.f32 v41, $4.917000000e+03;
	v41 =	vld.idx.msk [tilespmem:v17+s7+$0x0], $0xffff;
	(erf) = vrcp.f32 v38;
	[tilespmem:s23+$0x10] =	vst v24  }
0xf8: {  	v24 =	vmin.f32 v40, $4.917000000e+03;
	v29 =	vtrunc.f32 v29;
	(erf) = vrcp.f32 v20  }
0xf9: {  	v30 =	vmul.f32 v27, v30;
	v38 =	vadd.f32 $-1.000000000e+00, v43;
	v20 =	vcvt.f32.s32 v29;
	v29 =	vld.idx.msk [tilespmem:v11+s12+$0x0], $0xffff  }
0xfa: {  	v34 =	vcvt.f32.s32 v34;
	v40 =	vmul.f32 $6.931471820e-01, v44;
	v35 =	vadd.f32 v48, v35;
	v27 =	vld.idx.msk [tilespmem:v11+s9+$0x0], $0xffff  }
0xfb: {  	v46 =	vadd.f32 v47, v28;
	v43 =	vmul.f32 $8.192000120e+02, v49;
	v44 =	vld.idx.msk [tilespmem:v17+s12+$0x0], $0xffff;
	[tilespmem:s24+$0xFFFFFFF0] =	vst v30;
	v30 =	vmul.f32 v45, v31;
	v28 =	vpop (erf);
	s24 =	smov.u32 s21  }
0xfc: {  	v24 =	vtrunc.f32 v24;
	v37 =	vadd.f32 v37, v42;
	v31 =	vld.idx.msk [tilespmem:v17+s8+$0x0], $0xffff;
	v38 =	vmul.f32 v28, v38  }
0xfd: {  	v24 =	vcvt.f32.s32 v24;
	v41 =	vmul.f32 v41, v9;
	v47 =	vadd.f32 $2.868000000e+03, v43;
	v28 =	vld.idx.msk [tilespmem:v14+s9+$0x0], $0xffff  }
0xfe: {  	v23 =	vmul.f32 v23, v8;
	v45 =	vmul.f32 v30, v30;
	v43 =	vld.idx.msk [tilespmem:v12+s8+$0x0], $0xffff  }
0xff: {  	v35 =	vmul.f32 v35, v9;
	v14 =	vmax.f32 v47, $0.0e+00;
	v20 =	vld.idx.msk [tilespmem:v20+s1+$0x0], $0xffff;
	(erf) = vrcp.f32 v33  }
0x100: {  	v39 =	vmul.f32 $6.769402030e-01, v39;
	v47 =	vmul.f32 v38, v38;
	v14 =	vmin.f32 v14, $4.917000000e+03;
	v33 =	vld.idx.msk [tilespmem:v12+s12+$0x0], $0xffff;
	v42 =	vpop (erf)  }
0x101: {  	v35 =	vadd.f32 v35, v44;
	v14 =	vtrunc.f32 v14;
	v44 =	vmul.f32 v42, v42;
	v48 =	vld.idx.msk [tilespmem:v12+s9+$0x0], $0xffff;
	v50 =	vpop (erf)  }
0x102: {  	v31 =	vadd.f32 v31, v41;
	v47 =	vmul.f32 $6.769402030e-01, v47;
	v51 =	vcvt.f32.s32 v14;
	v34 =	vld.idx.msk [tilespmem:v34+s1+$0x0], $0xffff  }
0x103: {  	v41 =	vmul.f32 v46, v10;
	v14 =	vld.idx.msk [tilespmem:v24+s1+$0x0], $0xffff;
	v24 =	vadd.f32 $1.999969600e+00, v39;
	v39 =	vmul.f32 $6.769402030e-01, v45  }
0x104: {  	v35 =	vmul.f32 v35, v44;
	v15 =	vadd.f32 v43, v15;
	v43 =	vadd.f32 $1.999969600e+00, v47;
	v44 =	vld.idx.msk [tilespmem:v11+s11+$0x0], $0xffff;
	v12 =	vmovc v20  }
0x105: {  	v31 =	vmul.f32 v31, v9;
	v9 =	vmovc v49;
	v11 =	vld.idx.msk [tilespmem:v11+s10+$0x0], $0xffff;
	v24 =	vmul.f32 v24, v36;
	v39 =	vadd.f32 $1.999969600e+00, v39  }
0x106: {  	v45 =	vmul.f32 v15, v8;
	v15 =	vadd.f32 v23, v33;
	v23 =	vmul.f32 v43, v38;
	v17 =	vld.idx.msk [tilespmem:v17+s9+$0x0], $0xffff  }
0x107: {  	v38 =	vmul.f32 v50, v50;
	v33 =	vld.idx.msk [tilespmem:v20+s7+$0x0], $0xffff;
	v19 =	vadd.f32 v24, v19;
	v24 =	vmul.f32 v39, v30  }
0x108: {  	v18 =	vmul.f32 $6.931471820e-01, v18;
	v30 =	vadd.f32 v45, v48;
	v23 =	vadd.f32 v23, v40;
	v20 =	vld.idx.msk [tilespmem:v20+s6+$0x0], $0xffff;
	v36 =	vpop (erf)  }
0x109: {  	v21 =	vadd.f32 v21, v26;
	v8 =	vmov v32;
	v26 =	vmul.f32 v15, v38;
	v39 =	vld.idx.msk [tilespmem:v12+s10+$0x0], $0xffff;
	[tilespmem:s23+$0xFFFFFFE0] =	vst v19  }
0x10a: {  	v15 =	vmul.f32 v36, v36;
	v30 =	vmul.f32 v30, v50;
	v18 =	vadd.f32 v24, v18;
	v19 =	vld.idx.msk [tilespmem:v34+s6+$0x0], $0xffff  }
0x10b: {  	v21 =	vmul.f32 v21, v10;
	v43 =	vadd.s32 $0xC0CAFB0D, v26;
	v24 =	vmul.f32 v11, v10;
	v32 =	vld.idx.msk [tilespmem:v14+s8+$0x0], $0xffff;
	[tilespmem:s23+$0xFFFFFFF0] =	vst v23  }
0x10c: {  	v38 =	vshra.s32 v43, $0x17;
	v40 =	vand.u32 $0xFF800000, v43;
	v11 =	vmovc v34;
	v37 =	vmul.f32 v37, v15;
	v23 =	vld.idx.msk [tilespmem:v14+s7+$0x0], $0xffff;
	[tilespmem:s23+$0x0] =	vst v18;
	s23 =	smov.u32 s22  }
0x10d: {  	v26 =	vsub.s32 v26, v40;
	v15 =	vmul.f32 v33, v8;
	v33 =	vadd.f32 v21, v16;
	v43 =	vld.idx.msk [tilespmem:v14+s11+$0x0], $0xffff  }
0x10e: {  	v18 =	vadd.f32 v44, v24;
	v21 =	vadd.f32 $1.000000000e+00, v26;
	v24 =	vcvt.s32.f32 v38;
	v40 =	vld.idx.msk [tilespmem:v34+s7+$0x0], $0xffff;
	[tilespmem:s21+$0x10] =	vst v30  }
0x10f: {  	v30 =	vadd.f32 v31, v17;
	v31 =	vadd.s32 $0xC0CAFB0D, v37;
	v44 =	vld.idx.msk [tilespmem:v14+s5+$0x0], $0xffff;
	(erf) = vrcp.f32 v33  }
0x110: {  	v17 =	vadd.s32 $0xC0CAFB0D, v35;
	v38 =	vmul.f32 v18, v10;
	v10 =	vmovc v25;
	v16 =	vmovc v19;
	v34 =	vld.idx.msk [tilespmem:v14+s10+$0x0], $0xffff;
	(erf) = vrcp.f32 v21  }
0x111: {  	v25 =	vmul.f32 v39, v8;
	v18 =	vshra.s32 v17, $0x17;
	v21 =	vand.u32 $0xFF800000, v17;
	v19 =	vld.idx.msk [tilespmem:v12+s11+$0x0], $0xffff  }
0x112: {  	v23 =	vmul.f32 v23, v13;
	v35 =	vsub.s32 v35, v21;
	v21 =	vand.u32 $0xFF800000, v31;
	v17 =	vld.idx.msk [tilespmem:v51+s1+$0x0], $0xffff  }
0x113: {  	v39 =	vcvt.s32.f32 v18;
	v33 =	vadd.f32 $1.000000000e+00, v35;
	v46 =	vsub.s32 v37, v21;
	v45 =	vld.idx.msk [tilespmem:v12+s4+$0x0], $0xffff  }
0x114: {  	v18 =	vshra.s32 v31, $0x17;
	v32 =	vadd.f32 v32, v23;
	v21 =	vadd.f32 $1.000000000e+00, v46;
	v47 =	vld.idx.msk [tilespmem:v14+s4+$0x0], $0xffff  }
0x115: {  	v22 =	vadd.f32 v22, v28;
	v18 =	vcvt.s32.f32 v18;
	v48 =	vld.idx.msk [tilespmem:v11+s4+$0x0], $0xffff;
	(erf) = vrcp.f32 v33  }
0x116: {  	v27 =	vadd.f32 v41, v27;
	v31 =	vmul.f32 v34, v13;
	v33 =	vld.idx.msk [tilespmem:v14+s6+$0x0], $0xffff;
	(erf) = vrcp.f32 v21  }
0x117: {  	v22 =	vmul.f32 v22, v36;
	v23 =	vadd.f32 v19, v25;
	v25 =	vmul.f32 v30, v42;
	v21 =	vld.idx.msk [tilespmem:v11+s5+$0x0], $0xffff  }
.Ltmp1:
0x118: {  	v26 =	vadd.f32 $-1.000000000e+00, v26;
	v41 =	vadd.f32 v38, v29;
	v19 =	vmul.f32 $6.931471820e-01, v39;
	v34 =	vld.idx.msk [tilespmem:v12+s5+$0x0], $0xffff;
	v30 =	vpop (erf);
	(pc) =	sbr.rel @p0 .LBB2_4-.Ltmp1, $4  }
0x119: {  	v28 =	vmul.f32 v40, v10;
	v37 =	vadd.f32 v43, v31;
	[tilespmem:s21+$0xFFFFFFE0] =	vst v25;
	v25 =	vmul.f32 v30, v30;
	v29 =	vpop (erf)  }
0x11a: {  	v31 =	vadd.f32 $-1.000000000e+00, v46;
	v40 =	vmul.f32 v47, v13;
	v38 =	vld.idx.msk [tilespmem:v17+s4+$0x0], $0xffff;
	[tilespmem:s21+$0x0] =	vst v22;
	v29 =	vmul.f32 v29, v26  }
0x11b: {  	v36 =	vadd.f32 $-1.000000000e+00, v35;
	v26 =	vmul.f32 v48, v10;
	v39 =	vld.idx.msk [tilespmem:v17+s5+$0x0], $0xffff;
	v43 =	vmul.f32 v41, v25  }
0x11c: {  	s26 =	sadd.s32 $0x40, s26;
	v42 =	vadd.f32 v44, v40;
	v41 =	vmul.f32 v45, v8;
	v35 =	vld.idx.msk [tilespmem:v17+s10+$0x0], $0xffff;
	v40 =	vmul.f32 v29, v29  }
0x11d: {  	_ =	sdelay $0x2  }
0x11e: {  	v22 =	vmul.f32 v38, v9  }
0x11f: {  	v25 =	vld.idx.msk [tilespmem:v17+s6+$0x0], $0xffff  }
0x120: {  	v45 =	vadd.s32 $0xC0CAFB0D, v43;
	v22 =	vadd.f32 v39, v22  }
0x121: {  	v46 =	vand.u32 $0xFF800000, v45;
	v34 =	vadd.f32 v34, v41  }
0x122: {  	v39 =	vsub.s32 v43, v46;
	v22 =	vmul.f32 v22, v9  }
0x123: {  	v34 =	vmul.f32 v34, v8;
	v47 =	vadd.f32 $1.000000000e+00, v39  }
0x124: {  	v22 =	vadd.f32 v22, v25  }
0x125: {  	v20 =	vadd.f32 v34, v20;
	(erf) = vrcp.f32 v47;
	v25 =	vmul.f32 v32, v13  }
0x126: {  	(erf) = vrcp.f32 v22;
	v22 =	vmul.f32 v37, v13  }
0x127: {  	v13 =	vmul.f32 v42, v13;
	(erf) = vrcp.f32 v20;
	v20 =	vadd.f32 v21, v26  }
0x128: {  	v48 =	vld.idx.msk [tilespmem:v11+s8+$0x0], $0xffff;
	v26 =	vmul.f32 $6.769402030e-01, v40  }
0x129: {  	v50 =	vld.idx.msk [tilespmem:v17+s11+$0x0], $0xffff;
	v24 =	vmul.f32 $6.931471820e-01, v24;
	v13 =	vadd.f32 v13, v33;
	v20 =	vmul.f32 v20, v10  }
0x12a: {  	v51 =	vld.idx.msk [tilespmem:v17+s7+$0x0], $0xffff;
	v27 =	vmul.f32 v27, v30;
	v23 =	vmul.f32 v23, v8;
	v21 =	vpop (erf);
	v26 =	vadd.f32 $1.999969600e+00, v26  }
0x12b: {  	v21 =	vmul.f32 v21, v36;
	(erf) = vrcp.f32 v13;
	v13 =	vld.idx.msk [tilespmem:v11+s10+$0x0], $0xffff;
	v16 =	vadd.f32 v20, v16  }
0x12c: {  	v20 =	vmul.f32 v35, v9;
	v26 =	vmul.f32 v26, v29;
	v29 =	vld.idx.msk [tilespmem:v14+s12+$0x0], $0xffff  }
0x12d: {  	v55 =	vld.idx.msk [tilespmem:v11+s11+$0x0], $0xffff;
	v49 =	vshra.s32 v45, $0x17;
	v54 =	vpop (erf);
	v52 =	vmul.f32 v21, v21;
	(erf) = vrcp.f32 v16  }
0x12e: {  	v56 =	vld.idx.msk [tilespmem:v17+s12+$0x0], $0xffff;
	v18 =	vmul.f32 $6.931471820e-01, v18;
	v34 =	vcvt.s32.f32 v49;
	v20 =	vadd.f32 v50, v20  }
0x12f: {  	v53 =	vld.idx.msk [tilespmem:v12+s12+$0x0], $0xffff;
	v30 =	vadd.f32 $-1.000000000e+00, v39;
	v31 =	vmul.f32 v54, v31;
	v37 =	vmul.f32 $6.769402030e-01, v52  }
0x130: {  	v28 =	vadd.f32 v48, v28;
	v16 =	vpop (erf);
	v13 =	vmul.f32 v13, v10;
	v20 =	vmul.f32 v20, v9  }
0x131: {  	v57 =	vld.idx.msk [tilespmem:v17+s8+$0x0], $0xffff;
	v35 =	vpop (erf);
	v16 =	vmul.f32 v16, v30;
	v30 =	vmul.f32 v51, v9;
	v22 =	vadd.f32 v22, v29  }
0x132: {  	v59 =	vld.idx.msk [tilespmem:v11+s12+$0x0], $0xffff;
	v29 =	vmul.f32 v31, v31;
	v33 =	vpop (erf);
	v13 =	vadd.f32 v55, v13;
	v61 =	vmul.f32 v35, v35  }
0x133: {  	v20 =	vadd.f32 v20, v56;
	v58 =	vmul.f32 v33, v33;
	v60 =	vmul.f32 v16, v16  }
0x134: {  	v23 =	vadd.f32 v23, v53;
	v29 =	vmul.f32 $6.769402030e-01, v29;
	v13 =	vmul.f32 v13, v10  }
0x135: {  	v62 =	vpop (erf);
	v20 =	vmul.f32 v20, v61;
	v10 =	vmul.f32 v28, v10  }
0x136: {  	v30 =	vadd.f32 v57, v30;
	v23 =	vmul.f32 v23, v58;
	v47 =	vmul.f32 v62, v62;
	v49 =	vpop (erf)  }
0x137: {  	v38 =	vmul.f32 $6.769402030e-01, v60;
	v13 =	vadd.f32 v13, v59;
	v50 =	vmul.f32 v49, v49  }
0x138: {  	v28 =	vadd.s32 $0xC0CAFB0D, v20;
	v63 =	vadd.s32 $0xC0CAFB0D, v23;
	v22 =	vmul.f32 v22, v47  }
0x139: {  	v51 =	vld.idx.msk [tilespmem:v12+s8+$0x0], $0xffff;
	v54 =	vand.u32 $0xFF800000, v28;
	v48 =	vand.u32 $0xFF800000, v63;
	v13 =	vmul.f32 v13, v50  }
0x13a: {  	v20 =	vsub.s32 v20, v54;
	v23 =	vsub.s32 v23, v48;
	v53 =	vadd.s32 $0xC0CAFB0D, v22  }
0x13b: {  	v14 =	vld.idx.msk [tilespmem:v14+s9+$0x0], $0xffff;
	v52 =	vadd.f32 $1.000000000e+00, v23;
	v55 =	vand.u32 $0xFF800000, v53;
	v56 =	vadd.s32 $0xC0CAFB0D, v13  }
0x13c: {  	v17 =	vld.idx.msk [tilespmem:v17+s9+$0x0], $0xffff;
	v44 =	vadd.f32 $1.000000000e+00, v20;
	v22 =	vsub.s32 v22, v55;
	v57 =	vand.u32 $0xFF800000, v56  }
0x13d: {  	v12 =	vld.idx.msk [tilespmem:v12+s9+$0x0], $0xffff;
	(erf) = vrcp.f32 v52;
	v58 =	vadd.f32 $1.000000000e+00, v22;
	v13 =	vsub.s32 v13, v57  }
0x13e: {  	v15 =	vadd.f32 v51, v15;
	(erf) = vrcp.f32 v44;
	v36 =	vadd.f32 $1.000000000e+00, v13  }
0x13f: {  	v11 =	vld.idx.msk [tilespmem:v11+s9+$0x0], $0xffff;
	v37 =	vadd.f32 $1.999969600e+00, v37;
	v9 =	vmul.f32 v30, v9;
	(erf) = vrcp.f32 v58  }
0x140: {  	v14 =	vadd.f32 v25, v14;
	v8 =	vmul.f32 v15, v8;
	(erf) = vrcp.f32 v36  }
0x141: {  	v34 =	vmul.f32 $6.931471820e-01, v34;
	v29 =	vadd.f32 $1.999969600e+00, v29;
	v15 =	vadd.f32 $1.999969600e+00, v38  }
0x142: {  	v21 =	vmul.f32 v37, v21;
	v9 =	vadd.f32 v9, v17;
	v8 =	vadd.f32 v8, v12  }
0x143: {  	v12 =	vmul.f32 v15, v16;
	v16 =	vadd.f32 v26, v24;
	v26 =	vshra.s32 v28, $0x17  }
0x144: {  	v14 =	vmul.f32 v14, v62;
	v10 =	vadd.f32 v10, v11;
	v9 =	vmul.f32 v9, v35  }
0x145: {  	v15 =	vmul.f32 v29, v31;
	v24 =	vshra.s32 v63, $0x17;
	v23 =	vadd.f32 $-1.000000000e+00, v23  }
0x146: {  	v28 =	vshra.s32 v53, $0x17;
	v24 =	vcvt.s32.f32 v24;
	v17 =	vcvt.s32.f32 v26;
	v26 =	vpop (erf)  }
0x147: {  	s21 =	sadd.s32 $0x40, s21;
	v20 =	vadd.f32 $-1.000000000e+00, v20;
	v25 =	vcvt.s32.f32 v28;
	v23 =	vmul.f32 v26, v23;
	v26 =	vpop (erf)  }
0x148: {  	[tilespmem:s21+$0xFFFFFFE0] =	vst v9;
	v9 =	vmul.f32 v10, v49;
	v22 =	vadd.f32 $-1.000000000e+00, v22;
	v13 =	vadd.f32 $-1.000000000e+00, v13;
	v29 =	vpop (erf)  }
0x149: {  	v20 =	vmul.f32 v26, v20;
	v28 =	vmul.f32 v23, v23;
	v26 =	vpop (erf)  }
0x14a: {  	v19 =	vadd.f32 v21, v19;
	v22 =	vmul.f32 v29, v22;
	v13 =	vmul.f32 v26, v13  }
0x14b: {  	[tilespmem:s23+$0x10] =	vst v16;
	v12 =	vadd.f32 v12, v34;
	v16 =	vmul.f32 v20, v20;
	v21 =	vmul.f32 $6.769402030e-01, v28  }
0x14c: {  	[tilespmem:s24+$0xFFFFFFF0] =	vst v27;
	v8 =	vmul.f32 v8, v33;
	v15 =	vadd.f32 v15, v18;
	v26 =	vmul.f32 v13, v13  }
0x14d: {  	[tilespmem:s23+$0xFFFFFFF0] =	vst v12;
	v18 =	vmul.f32 v22, v22;
	v16 =	vmul.f32 $6.769402030e-01, v16;
	v21 =	vadd.f32 $1.999969600e+00, v21  }
0x14e: {  	v24 =	vmul.f32 $6.931471820e-01, v24;
	[tilespmem:s23+$0x0] =	vst v15;
	v15 =	vshra.s32 v56, $0x17;
	v12 =	vmul.f32 $6.769402030e-01, v26  }
0x14f: {  	v18 =	vmul.f32 $6.769402030e-01, v18;
	v16 =	vadd.f32 $1.999969600e+00, v16;
	v11 =	vmul.f32 v21, v23  }
0x150: {  	v17 =	vmul.f32 $6.931471820e-01, v17;
	[tilespmem:s21+$0x10] =	vst v8;
	v8 =	vcvt.s32.f32 v15;
	v12 =	vadd.f32 $1.999969600e+00, v12  }
0x151: {  	[tilespmem:s23+$0xFFFFFFE0] =	vst v19;
	v15 =	vadd.f32 $1.999969600e+00, v18;
	v10 =	vmul.f32 v16, v20;
	v11 =	vadd.f32 v11, v24  }
0x152: {  	s22 =	sadd.s32 $0x40, s22;
	[tilespmem:s21+$0x0] =	vst v14;
	v8 =	vmul.f32 $6.931471820e-01, v8;
	v12 =	vmul.f32 v12, v13  }
0x153: {  	v10 =	vadd.f32 v10, v17;
	[tilespmem:s22+$0x10] =	vst v11;
	v11 =	vmul.f32 v15, v22;
	v13 =	vmul.f32 $6.931471820e-01, v25  }
0x154: {  	[tilespmem:s21+$0xFFFFFFF0] =	vst v9;
	v8 =	vadd.f32 v12, v8  }
0x155: {  	[tilespmem:s22+$0xFFFFFFE0] =	vst v10;
	v9 =	vadd.f32 v11, v13  }
0x156: {  	[tilespmem:s22+$0xFFFFFFF0] =	vst v8  }
0x157: {  	[tilespmem:s22+$0x0] =	vst v9  }
0x158: {  	s21 =	rddreg [dreg:$0x7]  }
0x159: {  	[hbm4b:s21+s3] =	stream.linear.scatter [tilespmem:s13], [sflag:$0x3], $0x4000, $0x38;
	[tilespmem:$0x19880] =	vst v63  }
0x15a: {  	s23 =	rddreg [dreg:$0x8]  }
0x15b: {  	[hbm4b:s23+s3] =	stream.linear.scatter [tilespmem:s14], [sflag:$0x3], $0x4000, $0x38;
	[tilespmem:$0x19880] =	vst v63  }
0x15c: {  	_ =	swait.ge [sflag:s15], $0x4000  }
0x15d: {  	[sflag:s15] =	ssyncset.done $0x0  }
0x15e: {  	s25 =	simm.s32 $0x58A0;
	s24 =	rddreg [dreg:$0x9];
	[sflag:s15] =	ssyncadd.s32 $0xFFFFC000  }
0x15f: {  	[tilespmem:s30], [sflag:$0x1] =	stream.linear.gather [hbm4b:s24+s3], $0x4000, $0x38;
	[tilespmem:$0x19880] =	vst v63  }
0x160: {  	v15 =	vld [tilespmem:s25+$0x10];
	_ =	sdelay $0x2  }
0x161: {  	v17 =	vld [tilespmem:s25+$0xFFFFFFF0]  }
0x162: {  	v11 =	vld [tilespmem:s25+$0x0]  }
0x163: {  	v8 =	vmul.f32 $8.192000120e+02, v15;
	_ =	sdelay $0x1  }
0x164: {  	v8 =	vadd.f32 $2.868000000e+03, v8  }
0x165: {  	v9 =	vmul.f32 $8.192000120e+02, v17  }
0x166: {  	v10 =	vmul.f32 $8.192000120e+02, v11;
	v8 =	vmax.f32 v8, $0.0e+00  }
0x167: {  	v9 =	vadd.f32 $2.868000000e+03, v9;
	v8 =	vmin.f32 v8, $4.917000000e+03  }
0x168: {  	v10 =	vadd.f32 $2.868000000e+03, v10;
	v8 =	vtrunc.f32 v8  }
0x169: {  	v9 =	vmax.f32 v9, $0.0e+00;
	v8 =	vcvt.f32.s32 v8  }
0x16a: {  	v10 =	vmax.f32 v10, $0.0e+00;
	v9 =	vmin.f32 v9, $4.917000000e+03  }
0x16b: {  	v10 =	vmin.f32 v10, $4.917000000e+03;
	v9 =	vtrunc.f32 v9  }
0x16c: {  	v10 =	vtrunc.f32 v10;
	v9 =	vcvt.f32.s32 v9  }
0x16d: {  	v10 =	vcvt.f32.s32 v10;
	_ =	sdelay $0x1  }
0x16e: {  	v14 =	vld.idx.msk [tilespmem:v8+s1+$0x0], $0xffff  }
0x16f: {  	v16 =	vld [tilespmem:s25+$0xFFFFFFE0];
	_ =	sdelay $0x1  }
0x170: {  	v19 =	vld.idx.msk [tilespmem:v9+s1+$0x0], $0xffff  }
0x171: {  	v12 =	vld.idx.msk [tilespmem:v10+s1+$0x0], $0xffff;
	_ =	sdelay $0x1  }
0x172: {  	s26 =	simm.s32 $0x58E0;
	v8 =	vmul.f32 $8.192000120e+02, v16  }
0x173: {  	v10 =	vld [tilespmem:s26+$0xFFFFFFF0]  }
0x174: {  	v8 =	vadd.f32 $2.868000000e+03, v8;
	v9 =	vld.idx.msk [tilespmem:v14+s7+$0x0], $0xffff  }
0x175: {  	v20 =	vld.idx.msk [tilespmem:v14+s6+$0x0], $0xffff  }
0x176: {  	v8 =	vmax.f32 v8, $0.0e+00;
	v21 =	vld.idx.msk [tilespmem:v14+s10+$0x0], $0xffff  }
0x177: {  	v8 =	vmin.f32 v8, $4.917000000e+03;
	v18 =	vld.idx.msk [tilespmem:v19+s6+$0x0], $0xffff  }
0x178: {  	v8 =	vtrunc.f32 v8;
	v22 =	vld.idx.msk [tilespmem:v12+s8+$0x0], $0xffff  }
0x179: {  	v8 =	vcvt.f32.s32 v8;
	v23 =	vld.idx.msk [tilespmem:v12+s7+$0x0], $0xffff  }
0x17a: {  	v24 =	vld.idx.msk [tilespmem:v12+s11+$0x0], $0xffff  }
0x17b: {  	v25 =	vld.idx.msk [tilespmem:v19+s7+$0x0], $0xffff  }
0x17c: {  	v26 =	vld.idx.msk [tilespmem:v12+s5+$0x0], $0xffff  }
0x17d: {  	v28 =	vld.idx.msk [tilespmem:v12+s10+$0x0], $0xffff  }
0x17e: {  	v13 =	vld.idx.msk [tilespmem:v12+s4+$0x0], $0xffff  }
0x17f: {  	v27 =	vld.idx.msk [tilespmem:v8+s1+$0x0], $0xffff  }
0x180: {  	v29 =	vld.idx.msk [tilespmem:v14+s11+$0x0], $0xffff  }
0x181: {  	v30 =	vld.idx.msk [tilespmem:v14+s4+$0x0], $0xffff  }
0x182: {  	v31 =	vld.idx.msk [tilespmem:v19+s4+$0x0], $0xffff  }
0x183: {  	v61 =	vld.idx.msk [tilespmem:v14+s5+$0x0], $0xffff  }
0x184: {  	v63 =	vmul.f32 v9, v15;
	v9 =	vmul.f32 v13, v11;
	v13 =	vld [tilespmem:s26+$0x0]  }
0x185: {  	v59 =	vld.idx.msk [tilespmem:v12+s6+$0x0], $0xffff  }
0x186: {  	v33 =	vld.idx.msk [tilespmem:v19+s5+$0x0], $0xffff;
	v9 =	vadd.f32 v26, v9;
	v26 =	vmul.f32 v30, v15  }
0x187: {  	v60 =	vld.idx.msk [tilespmem:v27+s4+$0x0], $0xffff  }
0x188: {  	v8 =	vld [tilespmem:s26+$0x10];
	v52 =	vmul.f32 v9, v11;
	v9 =	vadd.f32 v61, v26;
	v26 =	vmul.f32 $8.192000120e+02, v10  }
0x189: {  	v21 =	vmul.f32 v21, v15;
	v54 =	vmul.f32 $8.192000120e+02, v13;
	v62 =	vld.idx.msk [tilespmem:v27+s5+$0x0], $0xffff  }
0x18a: {  	v51 =	vld.idx.msk [tilespmem:v19+s8+$0x0], $0xffff;
	v23 =	vmul.f32 v23, v11;
	v26 =	vadd.f32 $2.868000000e+03, v26  }
0x18b: {  	v28 =	vmul.f32 v28, v11;
	v21 =	vadd.f32 v29, v21;
	v29 =	vld.idx.msk [tilespmem:v14+s8+$0x0], $0xffff;
	v41 =	vadd.f32 $2.868000000e+03, v54  }
0x18c: {  	v56 =	vmul.f32 v9, v15;
	v9 =	vld [tilespmem:s26+$0xFFFFFFE0];
	v26 =	vmax.f32 v26, $0.0e+00;
	v34 =	vmul.f32 v60, v16  }
0x18d: {  	v49 =	vmul.f32 $8.192000120e+02, v8;
	v30 =	vld.idx.msk [tilespmem:v27+s6+$0x0], $0xffff;
	v26 =	vmin.f32 v26, $4.917000000e+03;
	v41 =	vmax.f32 v41, $0.0e+00  }
0x18e: {  	v43 =	vld.idx.msk [tilespmem:v19+s12+$0x0], $0xffff;
	v26 =	vtrunc.f32 v26;
	v41 =	vmin.f32 v41, $4.917000000e+03;
	v34 =	vadd.f32 v62, v34  }
0x18f: {  	v61 =	vld.idx.msk [tilespmem:v14+s9+$0x0], $0xffff;
	v32 =	vadd.f32 v52, v59;
	v26 =	vcvt.f32.s32 v26;
	v41 =	vtrunc.f32 v41  }
0x190: {  	v29 =	vadd.f32 v29, v63;
	v63 =	vld.idx.msk [tilespmem:v19+s11+$0x0], $0xffff;
	v59 =	vcvt.f32.s32 v41;
	v34 =	vmul.f32 v34, v16  }
0x191: {  	v22 =	vadd.f32 v22, v23;
	v24 =	vadd.f32 v24, v28;
	v48 =	vld.idx.msk [tilespmem:v27+s10+$0x0], $0xffff;
	v23 =	vmul.f32 $8.192000120e+02, v9  }
0x192: {  	v50 =	vadd.f32 $2.868000000e+03, v49;
	v53 =	vld.idx.msk [tilespmem:v27+s11+$0x0], $0xffff;
	v30 =	vadd.f32 v34, v30  }
0x193: {  	v22 =	vmul.f32 v22, v11;
	v57 =	vld.idx.msk [tilespmem:v27+s7+$0x0], $0xffff;
	v20 =	vadd.f32 v56, v20;
	v23 =	vadd.f32 $2.868000000e+03, v23  }
0x194: {  	v24 =	vmul.f32 v24, v11;
	v36 =	vmax.f32 v50, $0.0e+00;
	v60 =	vld.idx.msk [tilespmem:v14+s12+$0x0], $0xffff;
	(erf) = vrcp.f32 v30  }
0x195: {  	v36 =	vmin.f32 v36, $4.917000000e+03;
	v14 =	vmax.f32 v23, $0.0e+00;
	v11 =	vld.idx.msk [tilespmem:v26+s1+$0x0], $0xffff;
	(erf) = vrcp.f32 v20  }
0x196: {  	v36 =	vtrunc.f32 v36;
	v28 =	vmul.f32 v48, v16;
	v26 =	vmin.f32 v14, $4.917000000e+03;
	v14 =	vld.idx.msk [tilespmem:v59+s1+$0x0], $0xffff  }
0x197: {  	v36 =	vcvt.f32.s32 v36;
	v30 =	vld.idx.msk [tilespmem:v19+s9+$0x0], $0xffff  }
0x198: {  	v28 =	vadd.f32 v53, v28;
	v19 =	vld.idx.msk [tilespmem:v19+s10+$0x0], $0xffff  }
0x199: {  	v20 =	vld.idx.msk [tilespmem:v27+s12+$0x0], $0xffff  }
0x19a: {  	v25 =	vmul.f32 v25, v17;
	v58 =	vld.idx.msk [tilespmem:v27+s8+$0x0], $0xffff;
	v23 =	vmul.f32 v28, v16  }
0x19b: {  	v55 =	vld.idx.msk [tilespmem:v12+s12+$0x0], $0xffff;
	v31 =	vmul.f32 v31, v17;
	(erf) = vrcp.f32 v32  }
0x19c: {  	v21 =	vmul.f32 v21, v15;
	v15 =	vmul.f32 v29, v15;
	v41 =	vld.idx.msk [tilespmem:v12+s9+$0x0], $0xffff  }
0x19d: {  	v25 =	vadd.f32 v51, v25;
	v12 =	vld.idx.msk [tilespmem:v36+s1+$0x0], $0xffff;
	v26 =	vtrunc.f32 v26;
	v34 =	vmul.f32 v57, v16;
	v28 =	vpop (erf)  }
0x19e: {  	v26 =	vcvt.f32.s32 v26;
	v19 =	vmul.f32 v19, v17;
	v20 =	vadd.f32 v23, v20;
	v23 =	vpop (erf)  }
0x19f: {  	v21 =	vadd.f32 v21, v60;
	v29 =	vadd.f32 v58, v34;
	v40 =	vld.idx.msk [tilespmem:v14+s7+$0x0], $0xffff;
	v45 =	vmul.f32 v23, v23  }
0x1a0: {  	v31 =	vadd.f32 v33, v31;
	v25 =	vmul.f32 v25, v17;
	v27 =	vld.idx.msk [tilespmem:v27+s9+$0x0], $0xffff;
	v19 =	vadd.f32 v63, v19  }
0x1a1: {  	v15 =	vadd.f32 v15, v61;
	v29 =	vmul.f32 v29, v16;
	v16 =	vld.idx.msk [tilespmem:v11+s6+$0x0], $0xffff;
	v21 =	vmul.f32 v21, v45  }
0x1a2: {  	v24 =	vadd.f32 v24, v55;
	v22 =	vadd.f32 v22, v41;
	v55 =	vld.idx.msk [tilespmem:v11+s7+$0x0], $0xffff;
	v56 =	vmul.f32 v19, v17  }
0x1a3: {  	v60 =	vld.idx.msk [tilespmem:v11+s4+$0x0], $0xffff;
	v51 =	vmul.f32 v15, v23;
	v23 =	vmul.f32 v31, v17;
	v15 =	vadd.s32 $0xC0CAFB0D, v21  }
0x1a4: {  	v62 =	vmul.f32 v28, v28;
	v48 =	vpop (erf);
	v17 =	vld.idx.msk [tilespmem:v26+s1+$0x0], $0xffff;
	v26 =	vmul.f32 v40, v13;
	v52 =	vand.u32 $0xFF800000, v15  }
0x1a5: {  	v47 =	vld.idx.msk [tilespmem:v12+s7+$0x0], $0xffff;
	v50 =	vmul.f32 v48, v48;
	v18 =	vadd.f32 v23, v18;
	v53 =	vsub.s32 v21, v52  }
0x1a6: {  	v31 =	vld.idx.msk [tilespmem:v14+s8+$0x0], $0xffff;
	v46 =	vmul.f32 v20, v62;
	v22 =	vmul.f32 v22, v48;
	v21 =	vadd.f32 $1.000000000e+00, v53  }
0x1a7: {  	v29 =	vadd.f32 v29, v27;
	v27 =	vld.idx.msk [tilespmem:v14+s10+$0x0], $0xffff;
	v33 =	vmul.f32 v24, v50;
	(erf) = vrcp.f32 v18  }
0x1a8: {  	v49 =	vld.idx.msk [tilespmem:v12+s10+$0x0], $0xffff;
	v18 =	vadd.s32 $0xC0CAFB0D, v46;
	v24 =	vshra.s32 v15, $0x17;
	(erf) = vrcp.f32 v21  }
0x1a9: {  	v54 =	vld.idx.msk [tilespmem:v14+s11+$0x0], $0xffff;
	v23 =	vadd.s32 $0xC0CAFB0D, v33;
	v57 =	vshra.s32 v18, $0x17;
	v18 =	vand.u32 $0xFF800000, v18  }
0x1aa: {  	v59 =	vld.idx.msk [tilespmem:v14+s5+$0x0], $0xffff;
	v15 =	vmul.f32 v47, v8;
	v58 =	vsub.s32 v46, v18;
	v18 =	vand.u32 $0xFF800000, v23  }
0x1ab: {  	v19 =	vld.idx.msk [tilespmem:v12+s11+$0x0], $0xffff;
	v32 =	vadd.f32 v31, v26;
	v34 =	vadd.f32 $1.000000000e+00, v58;
	v46 =	vsub.s32 v33, v18  }
0x1ac: {  	v26 =	vld.idx.msk [tilespmem:v14+s4+$0x0], $0xffff;
	v31 =	vmul.f32 v27, v13;
	v18 =	vshra.s32 v23, $0x17;
	v23 =	vadd.f32 $1.000000000e+00, v46  }
0x1ad: {  	v20 =	vld.idx.msk [tilespmem:v12+s6+$0x0], $0xffff;
	v27 =	vadd.f32 v25, v30;
	v25 =	vmul.f32 v29, v28;
	(erf) = vrcp.f32 v34  }
0x1ae: {  	v61 =	vadd.f32 v56, v43;
	v47 =	vld.idx.msk [tilespmem:v12+s4+$0x0], $0xffff;
	v28 =	vmul.f32 v55, v10;
	(erf) = vrcp.f32 v23  }
0x1af: {  	v24 =	vcvt.s32.f32 v24;
	v45 =	vcvt.s32.f32 v57;
	v33 =	vld.idx.msk [tilespmem:v14+s6+$0x0], $0xffff;
	v29 =	vadd.f32 $-1.000000000e+00, v53  }
0x1b0: {  	s21 =	simm.s32 $0xD8A0;
	v37 =	vadd.f32 v54, v31;
	v18 =	vcvt.s32.f32 v18;
	v38 =	vld.idx.msk [tilespmem:v17+s4+$0x0], $0xffff;
	v21 =	vmul.f32 v49, v8;
	v30 =	vpop (erf)  }
0x1b1: {  	[tilespmem:s21+$0xFFFFFFE0] =	vst v25;
	v36 =	vadd.f32 $-1.000000000e+00, v58;
	v39 =	vld.idx.msk [tilespmem:v17+s5+$0x0], $0xffff;
	v25 =	vmul.f32 v26, v13;
	v62 =	vmul.f32 v30, v30;
	v63 =	vpop (erf)  }
0x1b2: {  	[tilespmem:s21+$0x10] =	vst v51;
	v31 =	vadd.f32 $-1.000000000e+00, v46;
	v35 =	vld.idx.msk [tilespmem:v17+s10+$0x0], $0xffff;
	v26 =	vmul.f32 v60, v10;
	v29 =	vmul.f32 v63, v29  }
0x1b3: {  	s22 =	simm.s32 $0x158A0;
	s23 =	simm.s32 $0x158A0;
	v34 =	vld.idx.msk [tilespmem:v12+s5+$0x0], $0xffff;
	v41 =	vmul.f32 v47, v8;
	v23 =	vadd.f32 v19, v21;
	v43 =	vmul.f32 v61, v62  }
0x1b4: {  	s24 =	simm.s32 $0xD8A0;
	s25 =	simm.s32 $0x40;
	s26 =	simm.s32 $0x5920;
	[tilespmem:s21+$0x0] =	vst v22;
	v21 =	vld.idx.msk [tilespmem:v11+s5+$0x0], $0xffff;
	v19 =	vmul.f32 $6.931471820e-01, v45;
	v42 =	vadd.f32 v59, v25;
	v40 =	vmul.f32 v29, v29  }
.LBB2_6:
0x1b5: {  	v25 =	vld [tilespmem:s26+$0xFFFFFFF0];
	s25 =	sadd.s32 $0x40, s25;
	v22 =	vmul.f32 v32, v13;
	v37 =	vmul.f32 v37, v13;
	v44 =	vadd.s32 $0xC0CAFB0D, v43;
	s22 =	sadd.s32 $0x40, s22;
	s21 =	sadd.s32 $0x40, s21  }
0x1b6: {  	v32 =	vld [tilespmem:s26+$0x10];
	p0 =	slt.u32 s25, $0x3FC0;
	v42 =	vmul.f32 v42, v13;
	v47 =	vshra.s32 v44, $0x17;
	v44 =	vand.u32 $0xFF800000, v44;
	v46 =	vpop (erf)  }
0x1b7: {  	v40 =	vmul.f32 $6.769402030e-01, v40;
	v13 =	vld [tilespmem:s26+$0x0];
	v43 =	vsub.s32 v43, v44;
	v44 =	vcvt.s32.f32 v47;
	v45 =	vpop (erf)  }
0x1b8: {  	v38 =	vmul.f32 v38, v9;
	v36 =	vmul.f32 v46, v36;
	v33 =	vadd.f32 v42, v33  }
0x1b9: {  	v24 =	vmul.f32 $6.931471820e-01, v24;
	v34 =	vadd.f32 v34, v41;
	v41 =	vadd.f32 $1.000000000e+00, v43;
	v42 =	vld.idx.msk [tilespmem:v17+s6+$0x0], $0xffff  }
0x1ba: {  	v38 =	vadd.f32 v39, v38;
	v39 =	vmul.f32 v36, v36;
	v46 =	vmul.f32 $8.192000120e+02, v25  }
0x1bb: {  	v40 =	vadd.f32 $1.999969600e+00, v40;
	v35 =	vmul.f32 v35, v9;
	v47 =	vmul.f32 $8.192000120e+02, v32  }
0x1bc: {  	v46 =	vadd.f32 $2.868000000e+03, v46;
	v48 =	vmul.f32 $8.192000120e+02, v13;
	(erf) = vrcp.f32 v41  }
0x1bd: {  	v29 =	vmul.f32 v40, v29;
	v38 =	vmul.f32 v38, v9;
	v41 =	vadd.f32 $2.868000000e+03, v47;
	v47 =	vld.idx.msk [tilespmem:v11+s8+$0x0], $0xffff  }
0x1be: {  	v34 =	vmul.f32 v34, v8;
	v40 =	vmax.f32 v46, $0.0e+00;
	v46 =	vadd.f32 $2.868000000e+03, v48;
	v48 =	vld.idx.msk [tilespmem:v17+s11+$0x0], $0xffff  }
0x1bf: {  	v24 =	vadd.f32 v29, v24;
	v38 =	vadd.f32 v38, v42;
	v41 =	vmax.f32 v41, $0.0e+00;
	v42 =	vld.idx.msk [tilespmem:v14+s12+$0x0], $0xffff  }
0x1c0: {  	v20 =	vadd.f32 v34, v20;
	v29 =	vmin.f32 v40, $4.917000000e+03;
	v49 =	vld [tilespmem:s26+$0xFFFFFFE0];
	v40 =	vmax.f32 v46, $0.0e+00  }
0x1c1: {  	v34 =	vtrunc.f32 v29;
	v29 =	vmin.f32 v41, $4.917000000e+03;
	v41 =	vld.idx.msk [tilespmem:v17+s7+$0x0], $0xffff;
	(erf) = vrcp.f32 v38;
	[tilespmem:s23+$0x10] =	vst v24  }
0x1c2: {  	v24 =	vmin.f32 v40, $4.917000000e+03;
	v29 =	vtrunc.f32 v29;
	(erf) = vrcp.f32 v20  }
0x1c3: {  	v30 =	vmul.f32 v27, v30;
	v38 =	vadd.f32 $-1.000000000e+00, v43;
	v20 =	vcvt.f32.s32 v29;
	v29 =	vld.idx.msk [tilespmem:v11+s12+$0x0], $0xffff  }
0x1c4: {  	v34 =	vcvt.f32.s32 v34;
	v40 =	vmul.f32 $6.931471820e-01, v44;
	v35 =	vadd.f32 v48, v35;
	v27 =	vld.idx.msk [tilespmem:v11+s9+$0x0], $0xffff  }
0x1c5: {  	v46 =	vadd.f32 v47, v28;
	v43 =	vmul.f32 $8.192000120e+02, v49;
	v44 =	vld.idx.msk [tilespmem:v17+s12+$0x0], $0xffff;
	[tilespmem:s24+$0xFFFFFFF0] =	vst v30;
	v30 =	vmul.f32 v45, v31;
	v28 =	vpop (erf);
	s24 =	smov.u32 s21  }
0x1c6: {  	v24 =	vtrunc.f32 v24;
	v37 =	vadd.f32 v37, v42;
	v31 =	vld.idx.msk [tilespmem:v17+s8+$0x0], $0xffff;
	v38 =	vmul.f32 v28, v38  }
0x1c7: {  	v24 =	vcvt.f32.s32 v24;
	v41 =	vmul.f32 v41, v9;
	v47 =	vadd.f32 $2.868000000e+03, v43;
	v28 =	vld.idx.msk [tilespmem:v14+s9+$0x0], $0xffff  }
0x1c8: {  	v23 =	vmul.f32 v23, v8;
	v45 =	vmul.f32 v30, v30;
	v43 =	vld.idx.msk [tilespmem:v12+s8+$0x0], $0xffff  }
0x1c9: {  	v35 =	vmul.f32 v35, v9;
	v14 =	vmax.f32 v47, $0.0e+00;
	v20 =	vld.idx.msk [tilespmem:v20+s1+$0x0], $0xffff;
	(erf) = vrcp.f32 v33  }
0x1ca: {  	v39 =	vmul.f32 $6.769402030e-01, v39;
	v47 =	vmul.f32 v38, v38;
	v14 =	vmin.f32 v14, $4.917000000e+03;
	v33 =	vld.idx.msk [tilespmem:v12+s12+$0x0], $0xffff;
	v42 =	vpop (erf)  }
0x1cb: {  	v35 =	vadd.f32 v35, v44;
	v14 =	vtrunc.f32 v14;
	v44 =	vmul.f32 v42, v42;
	v48 =	vld.idx.msk [tilespmem:v12+s9+$0x0], $0xffff;
	v50 =	vpop (erf)  }
0x1cc: {  	v31 =	vadd.f32 v31, v41;
	v47 =	vmul.f32 $6.769402030e-01, v47;
	v51 =	vcvt.f32.s32 v14;
	v34 =	vld.idx.msk [tilespmem:v34+s1+$0x0], $0xffff  }
0x1cd: {  	v41 =	vmul.f32 v46, v10;
	v14 =	vld.idx.msk [tilespmem:v24+s1+$0x0], $0xffff;
	v24 =	vadd.f32 $1.999969600e+00, v39;
	v39 =	vmul.f32 $6.769402030e-01, v45  }
0x1ce: {  	v35 =	vmul.f32 v35, v44;
	v15 =	vadd.f32 v43, v15;
	v43 =	vadd.f32 $1.999969600e+00, v47;
	v44 =	vld.idx.msk [tilespmem:v11+s11+$0x0], $0xffff;
	v12 =	vmovc v20  }
0x1cf: {  	v31 =	vmul.f32 v31, v9;
	v9 =	vmovc v49;
	v11 =	vld.idx.msk [tilespmem:v11+s10+$0x0], $0xffff;
	v24 =	vmul.f32 v24, v36;
	v39 =	vadd.f32 $1.999969600e+00, v39  }
0x1d0: {  	v45 =	vmul.f32 v15, v8;
	v15 =	vadd.f32 v23, v33;
	v23 =	vmul.f32 v43, v38;
	v17 =	vld.idx.msk [tilespmem:v17+s9+$0x0], $0xffff  }
0x1d1: {  	v38 =	vmul.f32 v50, v50;
	v33 =	vld.idx.msk [tilespmem:v20+s7+$0x0], $0xffff;
	v19 =	vadd.f32 v24, v19;
	v24 =	vmul.f32 v39, v30  }
0x1d2: {  	v18 =	vmul.f32 $6.931471820e-01, v18;
	v30 =	vadd.f32 v45, v48;
	v23 =	vadd.f32 v23, v40;
	v20 =	vld.idx.msk [tilespmem:v20+s6+$0x0], $0xffff;
	v36 =	vpop (erf)  }
0x1d3: {  	v21 =	vadd.f32 v21, v26;
	v8 =	vmov v32;
	v26 =	vmul.f32 v15, v38;
	v39 =	vld.idx.msk [tilespmem:v12+s10+$0x0], $0xffff;
	[tilespmem:s23+$0xFFFFFFE0] =	vst v19  }
0x1d4: {  	v15 =	vmul.f32 v36, v36;
	v30 =	vmul.f32 v30, v50;
	v18 =	vadd.f32 v24, v18;
	v19 =	vld.idx.msk [tilespmem:v34+s6+$0x0], $0xffff  }
0x1d5: {  	v21 =	vmul.f32 v21, v10;
	v43 =	vadd.s32 $0xC0CAFB0D, v26;
	v24 =	vmul.f32 v11, v10;
	v32 =	vld.idx.msk [tilespmem:v14+s8+$0x0], $0xffff;
	[tilespmem:s23+$0xFFFFFFF0] =	vst v23  }
0x1d6: {  	v38 =	vshra.s32 v43, $0x17;
	v40 =	vand.u32 $0xFF800000, v43;
	v11 =	vmovc v34;
	v37 =	vmul.f32 v37, v15;
	v23 =	vld.idx.msk [tilespmem:v14+s7+$0x0], $0xffff;
	[tilespmem:s23+$0x0] =	vst v18;
	s23 =	smov.u32 s22  }
0x1d7: {  	v26 =	vsub.s32 v26, v40;
	v15 =	vmul.f32 v33, v8;
	v33 =	vadd.f32 v21, v16;
	v43 =	vld.idx.msk [tilespmem:v14+s11+$0x0], $0xffff  }
0x1d8: {  	v18 =	vadd.f32 v44, v24;
	v21 =	vadd.f32 $1.000000000e+00, v26;
	v24 =	vcvt.s32.f32 v38;
	v40 =	vld.idx.msk [tilespmem:v34+s7+$0x0], $0xffff;
	[tilespmem:s21+$0x10] =	vst v30  }
0x1d9: {  	v30 =	vadd.f32 v31, v17;
	v31 =	vadd.s32 $0xC0CAFB0D, v37;
	v44 =	vld.idx.msk [tilespmem:v14+s5+$0x0], $0xffff;
	(erf) = vrcp.f32 v33  }
0x1da: {  	v17 =	vadd.s32 $0xC0CAFB0D, v35;
	v38 =	vmul.f32 v18, v10;
	v10 =	vmovc v25;
	v16 =	vmovc v19;
	v34 =	vld.idx.msk [tilespmem:v14+s10+$0x0], $0xffff;
	(erf) = vrcp.f32 v21  }
0x1db: {  	v25 =	vmul.f32 v39, v8;
	v18 =	vshra.s32 v17, $0x17;
	v21 =	vand.u32 $0xFF800000, v17;
	v19 =	vld.idx.msk [tilespmem:v12+s11+$0x0], $0xffff  }
0x1dc: {  	v23 =	vmul.f32 v23, v13;
	v35 =	vsub.s32 v35, v21;
	v21 =	vand.u32 $0xFF800000, v31;
	v17 =	vld.idx.msk [tilespmem:v51+s1+$0x0], $0xffff  }
0x1dd: {  	v39 =	vcvt.s32.f32 v18;
	v33 =	vadd.f32 $1.000000000e+00, v35;
	v46 =	vsub.s32 v37, v21;
	v45 =	vld.idx.msk [tilespmem:v12+s4+$0x0], $0xffff  }
0x1de: {  	v18 =	vshra.s32 v31, $0x17;
	v32 =	vadd.f32 v32, v23;
	v21 =	vadd.f32 $1.000000000e+00, v46;
	v47 =	vld.idx.msk [tilespmem:v14+s4+$0x0], $0xffff  }
0x1df: {  	v22 =	vadd.f32 v22, v28;
	v18 =	vcvt.s32.f32 v18;
	v48 =	vld.idx.msk [tilespmem:v11+s4+$0x0], $0xffff;
	(erf) = vrcp.f32 v33  }
0x1e0: {  	v27 =	vadd.f32 v41, v27;
	v31 =	vmul.f32 v34, v13;
	v33 =	vld.idx.msk [tilespmem:v14+s6+$0x0], $0xffff;
	(erf) = vrcp.f32 v21  }
0x1e1: {  	v22 =	vmul.f32 v22, v36;
	v23 =	vadd.f32 v19, v25;
	v25 =	vmul.f32 v30, v42;
	v21 =	vld.idx.msk [tilespmem:v11+s5+$0x0], $0xffff  }
.Ltmp2:
0x1e2: {  	v26 =	vadd.f32 $-1.000000000e+00, v26;
	v41 =	vadd.f32 v38, v29;
	v19 =	vmul.f32 $6.931471820e-01, v39;
	v34 =	vld.idx.msk [tilespmem:v12+s5+$0x0], $0xffff;
	v30 =	vpop (erf);
	(pc) =	sbr.rel @p0 .LBB2_6-.Ltmp2, $4  }
0x1e3: {  	v28 =	vmul.f32 v40, v10;
	v37 =	vadd.f32 v43, v31;
	[tilespmem:s21+$0xFFFFFFE0] =	vst v25;
	v25 =	vmul.f32 v30, v30;
	v29 =	vpop (erf)  }
0x1e4: {  	v31 =	vadd.f32 $-1.000000000e+00, v46;
	v40 =	vmul.f32 v47, v13;
	v38 =	vld.idx.msk [tilespmem:v17+s4+$0x0], $0xffff;
	[tilespmem:s21+$0x0] =	vst v22;
	v29 =	vmul.f32 v29, v26  }
0x1e5: {  	v36 =	vadd.f32 $-1.000000000e+00, v35;
	v26 =	vmul.f32 v48, v10;
	v39 =	vld.idx.msk [tilespmem:v17+s5+$0x0], $0xffff;
	v43 =	vmul.f32 v41, v25  }
0x1e6: {  	s26 =	sadd.s32 $0x40, s26;
	v42 =	vadd.f32 v44, v40;
	v41 =	vmul.f32 v45, v8;
	v35 =	vld.idx.msk [tilespmem:v17+s10+$0x0], $0xffff;
	v40 =	vmul.f32 v29, v29  }
0x1e7: {  	_ =	sdelay $0x2  }
0x1e8: {  	v22 =	vmul.f32 v38, v9  }
0x1e9: {  	v25 =	vld.idx.msk [tilespmem:v17+s6+$0x0], $0xffff  }
0x1ea: {  	v45 =	vadd.s32 $0xC0CAFB0D, v43;
	v22 =	vadd.f32 v39, v22  }
0x1eb: {  	v46 =	vand.u32 $0xFF800000, v45;
	v34 =	vadd.f32 v34, v41  }
0x1ec: {  	v39 =	vsub.s32 v43, v46;
	v22 =	vmul.f32 v22, v9  }
0x1ed: {  	v34 =	vmul.f32 v34, v8;
	v47 =	vadd.f32 $1.000000000e+00, v39  }
0x1ee: {  	v22 =	vadd.f32 v22, v25  }
0x1ef: {  	v20 =	vadd.f32 v34, v20;
	(erf) = vrcp.f32 v47;
	v25 =	vmul.f32 v32, v13  }
0x1f0: {  	(erf) = vrcp.f32 v22;
	v22 =	vmul.f32 v37, v13  }
0x1f1: {  	v13 =	vmul.f32 v42, v13;
	(erf) = vrcp.f32 v20;
	v20 =	vadd.f32 v21, v26  }
0x1f2: {  	v48 =	vld.idx.msk [tilespmem:v11+s8+$0x0], $0xffff;
	v26 =	vmul.f32 $6.769402030e-01, v40  }
0x1f3: {  	v50 =	vld.idx.msk [tilespmem:v17+s11+$0x0], $0xffff;
	v24 =	vmul.f32 $6.931471820e-01, v24;
	v13 =	vadd.f32 v13, v33;
	v20 =	vmul.f32 v20, v10  }
0x1f4: {  	v51 =	vld.idx.msk [tilespmem:v17+s7+$0x0], $0xffff;
	v27 =	vmul.f32 v27, v30;
	v23 =	vmul.f32 v23, v8;
	v21 =	vpop (erf);
	v26 =	vadd.f32 $1.999969600e+00, v26  }
0x1f5: {  	v21 =	vmul.f32 v21, v36;
	(erf) = vrcp.f32 v13;
	v13 =	vld.idx.msk [tilespmem:v11+s10+$0x0], $0xffff;
	v16 =	vadd.f32 v20, v16  }
0x1f6: {  	v20 =	vmul.f32 v35, v9;
	v26 =	vmul.f32 v26, v29;
	v29 =	vld.idx.msk [tilespmem:v14+s12+$0x0], $0xffff  }
0x1f7: {  	v55 =	vld.idx.msk [tilespmem:v11+s11+$0x0], $0xffff;
	v49 =	vshra.s32 v45, $0x17;
	v54 =	vpop (erf);
	v52 =	vmul.f32 v21, v21;
	(erf) = vrcp.f32 v16  }
0x1f8: {  	v56 =	vld.idx.msk [tilespmem:v17+s12+$0x0], $0xffff;
	v18 =	vmul.f32 $6.931471820e-01, v18;
	v34 =	vcvt.s32.f32 v49;
	v20 =	vadd.f32 v50, v20  }
0x1f9: {  	v53 =	vld.idx.msk [tilespmem:v12+s12+$0x0], $0xffff;
	v30 =	vadd.f32 $-1.000000000e+00, v39;
	v31 =	vmul.f32 v54, v31;
	v37 =	vmul.f32 $6.769402030e-01, v52  }
0x1fa: {  	v28 =	vadd.f32 v48, v28;
	v16 =	vpop (erf);
	v13 =	vmul.f32 v13, v10;
	v20 =	vmul.f32 v20, v9  }
0x1fb: {  	v57 =	vld.idx.msk [tilespmem:v17+s8+$0x0], $0xffff;
	v35 =	vpop (erf);
	v16 =	vmul.f32 v16, v30;
	v30 =	vmul.f32 v51, v9;
	v22 =	vadd.f32 v22, v29  }
0x1fc: {  	v59 =	vld.idx.msk [tilespmem:v11+s12+$0x0], $0xffff;
	v29 =	vmul.f32 v31, v31;
	v33 =	vpop (erf);
	v13 =	vadd.f32 v55, v13;
	v61 =	vmul.f32 v35, v35  }
0x1fd: {  	v20 =	vadd.f32 v20, v56;
	v58 =	vmul.f32 v33, v33;
	v60 =	vmul.f32 v16, v16  }
0x1fe: {  	v23 =	vadd.f32 v23, v53;
	v29 =	vmul.f32 $6.769402030e-01, v29;
	v13 =	vmul.f32 v13, v10  }
0x1ff: {  	v62 =	vpop (erf);
	v20 =	vmul.f32 v20, v61;
	v10 =	vmul.f32 v28, v10  }
0x200: {  	v30 =	vadd.f32 v57, v30;
	v23 =	vmul.f32 v23, v58;
	v47 =	vmul.f32 v62, v62;
	v49 =	vpop (erf)  }
0x201: {  	v38 =	vmul.f32 $6.769402030e-01, v60;
	v13 =	vadd.f32 v13, v59;
	v50 =	vmul.f32 v49, v49  }
0x202: {  	v28 =	vadd.s32 $0xC0CAFB0D, v20;
	v63 =	vadd.s32 $0xC0CAFB0D, v23;
	v22 =	vmul.f32 v22, v47  }
0x203: {  	v51 =	vld.idx.msk [tilespmem:v12+s8+$0x0], $0xffff;
	v54 =	vand.u32 $0xFF800000, v28;
	v48 =	vand.u32 $0xFF800000, v63;
	v13 =	vmul.f32 v13, v50  }
0x204: {  	v20 =	vsub.s32 v20, v54;
	v23 =	vsub.s32 v23, v48;
	v53 =	vadd.s32 $0xC0CAFB0D, v22  }
0x205: {  	v14 =	vld.idx.msk [tilespmem:v14+s9+$0x0], $0xffff;
	v52 =	vadd.f32 $1.000000000e+00, v23;
	v55 =	vand.u32 $0xFF800000, v53;
	v56 =	vadd.s32 $0xC0CAFB0D, v13  }
0x206: {  	v17 =	vld.idx.msk [tilespmem:v17+s9+$0x0], $0xffff;
	v44 =	vadd.f32 $1.000000000e+00, v20;
	v22 =	vsub.s32 v22, v55;
	v57 =	vand.u32 $0xFF800000, v56  }
0x207: {  	v12 =	vld.idx.msk [tilespmem:v12+s9+$0x0], $0xffff;
	(erf) = vrcp.f32 v52;
	v58 =	vadd.f32 $1.000000000e+00, v22;
	v13 =	vsub.s32 v13, v57  }
0x208: {  	v15 =	vadd.f32 v51, v15;
	(erf) = vrcp.f32 v44;
	v36 =	vadd.f32 $1.000000000e+00, v13  }
0x209: {  	v11 =	vld.idx.msk [tilespmem:v11+s9+$0x0], $0xffff;
	v37 =	vadd.f32 $1.999969600e+00, v37;
	v9 =	vmul.f32 v30, v9;
	(erf) = vrcp.f32 v58  }
0x20a: {  	v14 =	vadd.f32 v25, v14;
	v8 =	vmul.f32 v15, v8;
	(erf) = vrcp.f32 v36  }
0x20b: {  	v34 =	vmul.f32 $6.931471820e-01, v34;
	v29 =	vadd.f32 $1.999969600e+00, v29;
	v15 =	vadd.f32 $1.999969600e+00, v38  }
0x20c: {  	v21 =	vmul.f32 v37, v21;
	v9 =	vadd.f32 v9, v17;
	v8 =	vadd.f32 v8, v12  }
0x20d: {  	v12 =	vmul.f32 v15, v16;
	v16 =	vadd.f32 v26, v24;
	v26 =	vshra.s32 v28, $0x17  }
0x20e: {  	v14 =	vmul.f32 v14, v62;
	v10 =	vadd.f32 v10, v11;
	v9 =	vmul.f32 v9, v35  }
0x20f: {  	v15 =	vmul.f32 v29, v31;
	v24 =	vshra.s32 v63, $0x17;
	v23 =	vadd.f32 $-1.000000000e+00, v23  }
0x210: {  	v28 =	vshra.s32 v53, $0x17;
	v24 =	vcvt.s32.f32 v24;
	v17 =	vcvt.s32.f32 v26;
	v26 =	vpop (erf)  }
0x211: {  	s21 =	sadd.s32 $0x40, s21;
	v20 =	vadd.f32 $-1.000000000e+00, v20;
	v25 =	vcvt.s32.f32 v28;
	v23 =	vmul.f32 v26, v23;
	v26 =	vpop (erf)  }
0x212: {  	[tilespmem:s21+$0xFFFFFFE0] =	vst v9;
	v9 =	vmul.f32 v10, v49;
	v22 =	vadd.f32 $-1.000000000e+00, v22;
	v13 =	vadd.f32 $-1.000000000e+00, v13;
	v29 =	vpop (erf)  }
0x213: {  	v20 =	vmul.f32 v26, v20;
	v28 =	vmul.f32 v23, v23;
	v26 =	vpop (erf)  }
0x214: {  	v19 =	vadd.f32 v21, v19;
	v22 =	vmul.f32 v29, v22;
	v13 =	vmul.f32 v26, v13  }
0x215: {  	[tilespmem:s23+$0x10] =	vst v16;
	v12 =	vadd.f32 v12, v34;
	v16 =	vmul.f32 v20, v20;
	v21 =	vmul.f32 $6.769402030e-01, v28  }
0x216: {  	[tilespmem:s24+$0xFFFFFFF0] =	vst v27;
	v8 =	vmul.f32 v8, v33;
	v15 =	vadd.f32 v15, v18;
	v26 =	vmul.f32 v13, v13  }
0x217: {  	[tilespmem:s23+$0xFFFFFFF0] =	vst v12;
	v18 =	vmul.f32 v22, v22;
	v16 =	vmul.f32 $6.769402030e-01, v16;
	v21 =	vadd.f32 $1.999969600e+00, v21  }
0x218: {  	v24 =	vmul.f32 $6.931471820e-01, v24;
	[tilespmem:s23+$0x0] =	vst v15;
	v15 =	vshra.s32 v56, $0x17;
	v12 =	vmul.f32 $6.769402030e-01, v26  }
0x219: {  	v18 =	vmul.f32 $6.769402030e-01, v18;
	v16 =	vadd.f32 $1.999969600e+00, v16;
	v11 =	vmul.f32 v21, v23  }
0x21a: {  	v17 =	vmul.f32 $6.931471820e-01, v17;
	[tilespmem:s21+$0x10] =	vst v8;
	v8 =	vcvt.s32.f32 v15;
	v12 =	vadd.f32 $1.999969600e+00, v12  }
0x21b: {  	[tilespmem:s23+$0xFFFFFFE0] =	vst v19;
	v15 =	vadd.f32 $1.999969600e+00, v18;
	v10 =	vmul.f32 v16, v20;
	v11 =	vadd.f32 v11, v24  }
0x21c: {  	s22 =	sadd.s32 $0x40, s22;
	[tilespmem:s21+$0x0] =	vst v14;
	v8 =	vmul.f32 $6.931471820e-01, v8;
	v12 =	vmul.f32 v12, v13  }
0x21d: {  	v10 =	vadd.f32 v10, v17;
	[tilespmem:s22+$0x10] =	vst v11;
	v11 =	vmul.f32 v15, v22;
	v13 =	vmul.f32 $6.931471820e-01, v25  }
0x21e: {  	[tilespmem:s21+$0xFFFFFFF0] =	vst v9;
	v8 =	vadd.f32 v12, v8  }
0x21f: {  	[tilespmem:s22+$0xFFFFFFE0] =	vst v10;
	v9 =	vadd.f32 v11, v13  }
0x220: {  	[tilespmem:s22+$0xFFFFFFF0] =	vst v8  }
0x221: {  	[tilespmem:s22+$0x0] =	vst v9  }
0x222: {  	s21 =	rddreg [dreg:$0xa]  }
0x223: {  	[hbm4b:s21+s3] =	stream.linear.scatter [tilespmem:s16], [sflag:$0x4], $0x4000, $0x38;
	[tilespmem:$0x19880] =	vst v63  }
0x224: {  	s23 =	rddreg [dreg:$0xb]  }
0x225: {  	[hbm4b:s23+s3] =	stream.linear.scatter [tilespmem:s17], [sflag:$0x4], $0x4000, $0x38;
	[tilespmem:$0x19880] =	vst v63  }
0x226: {  	_ =	swait.ge [sflag:s0], $0x4000  }
0x227: {  	[sflag:s0] =	ssyncset.done $0x0  }
0x228: {  	s24 =	rddreg [dreg:$0xc];
	[sflag:s0] =	ssyncadd.s32 $0xFFFFC000  }
0x229: {  	[tilespmem:s2], [sflag:$0x2] =	stream.linear.gather [hbm4b:s24+s3], $0x4000, $0x38;
	[tilespmem:$0x19880] =	vst v63  }
0x22a: {  	_ =	swait.ge [sflag:s18], $0x4000  }
0x22b: {  	[sflag:s18] =	ssyncset.done $0x0  }
0x22c: {  	[sflag:s18] =	ssyncadd.s32 $0xFFFFC000  }
0x22d: {  	_ =	swait.ge [sflag:s18], $0x4000  }
0x22e: {  	[sflag:s18] =	ssyncset.done $0x0  }
0x22f: {  	s25 =	simm.s32 $0x18A0;
	[sflag:s18] =	ssyncadd.s32 $0xFFFFC000  }
0x230: {  	v15 =	vld [tilespmem:s25+$0x10];
	_ =	sdelay $0x2  }
0x231: {  	v17 =	vld [tilespmem:s25+$0xFFFFFFF0]  }
0x232: {  	v11 =	vld [tilespmem:s25+$0x0]  }
0x233: {  	v8 =	vmul.f32 $8.192000120e+02, v15;
	_ =	sdelay $0x1  }
0x234: {  	v8 =	vadd.f32 $2.868000000e+03, v8  }
0x235: {  	v9 =	vmul.f32 $8.192000120e+02, v17  }
0x236: {  	v10 =	vmul.f32 $8.192000120e+02, v11;
	v8 =	vmax.f32 v8, $0.0e+00  }
0x237: {  	v9 =	vadd.f32 $2.868000000e+03, v9;
	v8 =	vmin.f32 v8, $4.917000000e+03  }
0x238: {  	v10 =	vadd.f32 $2.868000000e+03, v10;
	v8 =	vtrunc.f32 v8  }
0x239: {  	v9 =	vmax.f32 v9, $0.0e+00;
	v8 =	vcvt.f32.s32 v8  }
0x23a: {  	v10 =	vmax.f32 v10, $0.0e+00;
	v9 =	vmin.f32 v9, $4.917000000e+03  }
0x23b: {  	v10 =	vmin.f32 v10, $4.917000000e+03;
	v9 =	vtrunc.f32 v9  }
0x23c: {  	v10 =	vtrunc.f32 v10;
	v9 =	vcvt.f32.s32 v9  }
0x23d: {  	v10 =	vcvt.f32.s32 v10;
	_ =	sdelay $0x1  }
0x23e: {  	v14 =	vld.idx.msk [tilespmem:v8+s1+$0x0], $0xffff  }
0x23f: {  	v16 =	vld [tilespmem:s25+$0xFFFFFFE0];
	_ =	sdelay $0x1  }
0x240: {  	v19 =	vld.idx.msk [tilespmem:v9+s1+$0x0], $0xffff  }
0x241: {  	v12 =	vld.idx.msk [tilespmem:v10+s1+$0x0], $0xffff;
	_ =	sdelay $0x1  }
0x242: {  	s26 =	simm.s32 $0x18E0;
	v8 =	vmul.f32 $8.192000120e+02, v16  }
0x243: {  	v10 =	vld [tilespmem:s26+$0xFFFFFFF0]  }
0x244: {  	v8 =	vadd.f32 $2.868000000e+03, v8;
	v9 =	vld.idx.msk [tilespmem:v14+s7+$0x0], $0xffff  }
0x245: {  	v20 =	vld.idx.msk [tilespmem:v14+s6+$0x0], $0xffff  }
0x246: {  	v8 =	vmax.f32 v8, $0.0e+00;
	v21 =	vld.idx.msk [tilespmem:v14+s10+$0x0], $0xffff  }
0x247: {  	v8 =	vmin.f32 v8, $4.917000000e+03;
	v18 =	vld.idx.msk [tilespmem:v19+s6+$0x0], $0xffff  }
0x248: {  	v8 =	vtrunc.f32 v8;
	v22 =	vld.idx.msk [tilespmem:v12+s8+$0x0], $0xffff  }
0x249: {  	v8 =	vcvt.f32.s32 v8;
	v23 =	vld.idx.msk [tilespmem:v12+s7+$0x0], $0xffff  }
0x24a: {  	v24 =	vld.idx.msk [tilespmem:v12+s11+$0x0], $0xffff  }
0x24b: {  	v25 =	vld.idx.msk [tilespmem:v19+s7+$0x0], $0xffff  }
0x24c: {  	v26 =	vld.idx.msk [tilespmem:v12+s5+$0x0], $0xffff  }
0x24d: {  	v28 =	vld.idx.msk [tilespmem:v12+s10+$0x0], $0xffff  }
0x24e: {  	v13 =	vld.idx.msk [tilespmem:v12+s4+$0x0], $0xffff  }
0x24f: {  	v27 =	vld.idx.msk [tilespmem:v8+s1+$0x0], $0xffff  }
0x250: {  	v29 =	vld.idx.msk [tilespmem:v14+s11+$0x0], $0xffff  }
0x251: {  	v30 =	vld.idx.msk [tilespmem:v14+s4+$0x0], $0xffff  }
0x252: {  	v31 =	vld.idx.msk [tilespmem:v19+s4+$0x0], $0xffff  }
0x253: {  	v61 =	vld.idx.msk [tilespmem:v14+s5+$0x0], $0xffff  }
0x254: {  	v63 =	vmul.f32 v9, v15;
	v9 =	vmul.f32 v13, v11;
	v13 =	vld [tilespmem:s26+$0x0]  }
0x255: {  	v59 =	vld.idx.msk [tilespmem:v12+s6+$0x0], $0xffff  }
0x256: {  	v33 =	vld.idx.msk [tilespmem:v19+s5+$0x0], $0xffff;
	v9 =	vadd.f32 v26, v9;
	v26 =	vmul.f32 v30, v15  }
0x257: {  	v60 =	vld.idx.msk [tilespmem:v27+s4+$0x0], $0xffff  }
0x258: {  	v8 =	vld [tilespmem:s26+$0x10];
	v52 =	vmul.f32 v9, v11;
	v9 =	vadd.f32 v61, v26;
	v26 =	vmul.f32 $8.192000120e+02, v10  }
0x259: {  	v21 =	vmul.f32 v21, v15;
	v54 =	vmul.f32 $8.192000120e+02, v13;
	v62 =	vld.idx.msk [tilespmem:v27+s5+$0x0], $0xffff  }
0x25a: {  	v51 =	vld.idx.msk [tilespmem:v19+s8+$0x0], $0xffff;
	v23 =	vmul.f32 v23, v11;
	v26 =	vadd.f32 $2.868000000e+03, v26  }
0x25b: {  	v28 =	vmul.f32 v28, v11;
	v21 =	vadd.f32 v29, v21;
	v29 =	vld.idx.msk [tilespmem:v14+s8+$0x0], $0xffff;
	v41 =	vadd.f32 $2.868000000e+03, v54  }
0x25c: {  	v56 =	vmul.f32 v9, v15;
	v9 =	vld [tilespmem:s26+$0xFFFFFFE0];
	v26 =	vmax.f32 v26, $0.0e+00;
	v34 =	vmul.f32 v60, v16  }
0x25d: {  	v49 =	vmul.f32 $8.192000120e+02, v8;
	v30 =	vld.idx.msk [tilespmem:v27+s6+$0x0], $0xffff;
	v26 =	vmin.f32 v26, $4.917000000e+03;
	v41 =	vmax.f32 v41, $0.0e+00  }
0x25e: {  	v43 =	vld.idx.msk [tilespmem:v19+s12+$0x0], $0xffff;
	v26 =	vtrunc.f32 v26;
	v41 =	vmin.f32 v41, $4.917000000e+03;
	v34 =	vadd.f32 v62, v34  }
0x25f: {  	v61 =	vld.idx.msk [tilespmem:v14+s9+$0x0], $0xffff;
	v32 =	vadd.f32 v52, v59;
	v26 =	vcvt.f32.s32 v26;
	v41 =	vtrunc.f32 v41  }
0x260: {  	v29 =	vadd.f32 v29, v63;
	v63 =	vld.idx.msk [tilespmem:v19+s11+$0x0], $0xffff;
	v59 =	vcvt.f32.s32 v41;
	v34 =	vmul.f32 v34, v16  }
0x261: {  	v22 =	vadd.f32 v22, v23;
	v24 =	vadd.f32 v24, v28;
	v48 =	vld.idx.msk [tilespmem:v27+s10+$0x0], $0xffff;
	v23 =	vmul.f32 $8.192000120e+02, v9  }
0x262: {  	v50 =	vadd.f32 $2.868000000e+03, v49;
	v53 =	vld.idx.msk [tilespmem:v27+s11+$0x0], $0xffff;
	v30 =	vadd.f32 v34, v30  }
0x263: {  	v22 =	vmul.f32 v22, v11;
	v57 =	vld.idx.msk [tilespmem:v27+s7+$0x0], $0xffff;
	v20 =	vadd.f32 v56, v20;
	v23 =	vadd.f32 $2.868000000e+03, v23  }
0x264: {  	v24 =	vmul.f32 v24, v11;
	v36 =	vmax.f32 v50, $0.0e+00;
	v60 =	vld.idx.msk [tilespmem:v14+s12+$0x0], $0xffff;
	(erf) = vrcp.f32 v30  }
0x265: {  	v36 =	vmin.f32 v36, $4.917000000e+03;
	v14 =	vmax.f32 v23, $0.0e+00;
	v11 =	vld.idx.msk [tilespmem:v26+s1+$0x0], $0xffff;
	(erf) = vrcp.f32 v20  }
0x266: {  	v36 =	vtrunc.f32 v36;
	v28 =	vmul.f32 v48, v16;
	v26 =	vmin.f32 v14, $4.917000000e+03;
	v14 =	vld.idx.msk [tilespmem:v59+s1+$0x0], $0xffff  }
0x267: {  	v36 =	vcvt.f32.s32 v36;
	v30 =	vld.idx.msk [tilespmem:v19+s9+$0x0], $0xffff  }
0x268: {  	v28 =	vadd.f32 v53, v28;
	v19 =	vld.idx.msk [tilespmem:v19+s10+$0x0], $0xffff  }
0x269: {  	v20 =	vld.idx.msk [tilespmem:v27+s12+$0x0], $0xffff  }
0x26a: {  	v25 =	vmul.f32 v25, v17;
	v58 =	vld.idx.msk [tilespmem:v27+s8+$0x0], $0xffff;
	v23 =	vmul.f32 v28, v16  }
0x26b: {  	v55 =	vld.idx.msk [tilespmem:v12+s12+$0x0], $0xffff;
	v31 =	vmul.f32 v31, v17;
	(erf) = vrcp.f32 v32  }
0x26c: {  	v21 =	vmul.f32 v21, v15;
	v15 =	vmul.f32 v29, v15;
	v41 =	vld.idx.msk [tilespmem:v12+s9+$0x0], $0xffff  }
0x26d: {  	v25 =	vadd.f32 v51, v25;
	v12 =	vld.idx.msk [tilespmem:v36+s1+$0x0], $0xffff;
	v26 =	vtrunc.f32 v26;
	v34 =	vmul.f32 v57, v16;
	v28 =	vpop (erf)  }
0x26e: {  	v26 =	vcvt.f32.s32 v26;
	v19 =	vmul.f32 v19, v17;
	v20 =	vadd.f32 v23, v20;
	v23 =	vpop (erf)  }
0x26f: {  	v21 =	vadd.f32 v21, v60;
	v29 =	vadd.f32 v58, v34;
	v40 =	vld.idx.msk [tilespmem:v14+s7+$0x0], $0xffff;
	v45 =	vmul.f32 v23, v23  }
0x270: {  	v31 =	vadd.f32 v33, v31;
	v25 =	vmul.f32 v25, v17;
	v27 =	vld.idx.msk [tilespmem:v27+s9+$0x0], $0xffff;
	v19 =	vadd.f32 v63, v19  }
0x271: {  	v15 =	vadd.f32 v15, v61;
	v29 =	vmul.f32 v29, v16;
	v16 =	vld.idx.msk [tilespmem:v11+s6+$0x0], $0xffff;
	v21 =	vmul.f32 v21, v45  }
0x272: {  	v24 =	vadd.f32 v24, v55;
	v22 =	vadd.f32 v22, v41;
	v55 =	vld.idx.msk [tilespmem:v11+s7+$0x0], $0xffff;
	v56 =	vmul.f32 v19, v17  }
0x273: {  	v60 =	vld.idx.msk [tilespmem:v11+s4+$0x0], $0xffff;
	v51 =	vmul.f32 v15, v23;
	v23 =	vmul.f32 v31, v17;
	v15 =	vadd.s32 $0xC0CAFB0D, v21  }
0x274: {  	v62 =	vmul.f32 v28, v28;
	v48 =	vpop (erf);
	v17 =	vld.idx.msk [tilespmem:v26+s1+$0x0], $0xffff;
	v26 =	vmul.f32 v40, v13;
	v52 =	vand.u32 $0xFF800000, v15  }
0x275: {  	v47 =	vld.idx.msk [tilespmem:v12+s7+$0x0], $0xffff;
	v50 =	vmul.f32 v48, v48;
	v18 =	vadd.f32 v23, v18;
	v53 =	vsub.s32 v21, v52  }
0x276: {  	v31 =	vld.idx.msk [tilespmem:v14+s8+$0x0], $0xffff;
	v46 =	vmul.f32 v20, v62;
	v22 =	vmul.f32 v22, v48;
	v21 =	vadd.f32 $1.000000000e+00, v53  }
0x277: {  	v29 =	vadd.f32 v29, v27;
	v27 =	vld.idx.msk [tilespmem:v14+s10+$0x0], $0xffff;
	v33 =	vmul.f32 v24, v50;
	(erf) = vrcp.f32 v18  }
0x278: {  	v49 =	vld.idx.msk [tilespmem:v12+s10+$0x0], $0xffff;
	v18 =	vadd.s32 $0xC0CAFB0D, v46;
	v24 =	vshra.s32 v15, $0x17;
	(erf) = vrcp.f32 v21  }
0x279: {  	v54 =	vld.idx.msk [tilespmem:v14+s11+$0x0], $0xffff;
	v23 =	vadd.s32 $0xC0CAFB0D, v33;
	v57 =	vshra.s32 v18, $0x17;
	v18 =	vand.u32 $0xFF800000, v18  }
0x27a: {  	v59 =	vld.idx.msk [tilespmem:v14+s5+$0x0], $0xffff;
	v15 =	vmul.f32 v47, v8;
	v58 =	vsub.s32 v46, v18;
	v18 =	vand.u32 $0xFF800000, v23  }
0x27b: {  	v19 =	vld.idx.msk [tilespmem:v12+s11+$0x0], $0xffff;
	v32 =	vadd.f32 v31, v26;
	v34 =	vadd.f32 $1.000000000e+00, v58;
	v46 =	vsub.s32 v33, v18  }
0x27c: {  	v26 =	vld.idx.msk [tilespmem:v14+s4+$0x0], $0xffff;
	v31 =	vmul.f32 v27, v13;
	v18 =	vshra.s32 v23, $0x17;
	v23 =	vadd.f32 $1.000000000e+00, v46  }
0x27d: {  	v20 =	vld.idx.msk [tilespmem:v12+s6+$0x0], $0xffff;
	v27 =	vadd.f32 v25, v30;
	v25 =	vmul.f32 v29, v28;
	(erf) = vrcp.f32 v34  }
0x27e: {  	v61 =	vadd.f32 v56, v43;
	v47 =	vld.idx.msk [tilespmem:v12+s4+$0x0], $0xffff;
	v28 =	vmul.f32 v55, v10;
	(erf) = vrcp.f32 v23  }
0x27f: {  	v24 =	vcvt.s32.f32 v24;
	v45 =	vcvt.s32.f32 v57;
	v33 =	vld.idx.msk [tilespmem:v14+s6+$0x0], $0xffff;
	v29 =	vadd.f32 $-1.000000000e+00, v53  }
0x280: {  	s21 =	simm.s32 $0x98A0;
	v37 =	vadd.f32 v54, v31;
	v18 =	vcvt.s32.f32 v18;
	v38 =	vld.idx.msk [tilespmem:v17+s4+$0x0], $0xffff;
	v21 =	vmul.f32 v49, v8;
	v30 =	vpop (erf)  }
0x281: {  	[tilespmem:s21+$0xFFFFFFE0] =	vst v25;
	v36 =	vadd.f32 $-1.000000000e+00, v58;
	v39 =	vld.idx.msk [tilespmem:v17+s5+$0x0], $0xffff;
	v25 =	vmul.f32 v26, v13;
	v62 =	vmul.f32 v30, v30;
	v63 =	vpop (erf)  }
0x282: {  	[tilespmem:s21+$0x10] =	vst v51;
	v31 =	vadd.f32 $-1.000000000e+00, v46;
	v35 =	vld.idx.msk [tilespmem:v17+s10+$0x0], $0xffff;
	v26 =	vmul.f32 v60, v10;
	v29 =	vmul.f32 v63, v29  }
0x283: {  	s22 =	simm.s32 $0x118A0;
	s23 =	simm.s32 $0x118A0;
	v34 =	vld.idx.msk [tilespmem:v12+s5+$0x0], $0xffff;
	v41 =	vmul.f32 v47, v8;
	v23 =	vadd.f32 v19, v21;
	v43 =	vmul.f32 v61, v62  }
0x284: {  	s24 =	simm.s32 $0x98A0;
	s25 =	simm.s32 $0x40;
	s26 =	simm.s32 $0x1920;
	[tilespmem:s21+$0x0] =	vst v22;
	v21 =	vld.idx.msk [tilespmem:v11+s5+$0x0], $0xffff;
	v19 =	vmul.f32 $6.931471820e-01, v45;
	v42 =	vadd.f32 v59, v25;
	v40 =	vmul.f32 v29, v29  }
.LBB2_8:
0x285: {  	v25 =	vld [tilespmem:s26+$0xFFFFFFF0];
	s25 =	sadd.s32 $0x40, s25;
	v22 =	vmul.f32 v32, v13;
	v37 =	vmul.f32 v37, v13;
	v44 =	vadd.s32 $0xC0CAFB0D, v43;
	s22 =	sadd.s32 $0x40, s22;
	s21 =	sadd.s32 $0x40, s21  }
0x286: {  	v32 =	vld [tilespmem:s26+$0x10];
	p0 =	slt.u32 s25, $0x3FC0;
	v42 =	vmul.f32 v42, v13;
	v47 =	vshra.s32 v44, $0x17;
	v44 =	vand.u32 $0xFF800000, v44;
	v46 =	vpop (erf)  }
0x287: {  	v40 =	vmul.f32 $6.769402030e-01, v40;
	v13 =	vld [tilespmem:s26+$0x0];
	v43 =	vsub.s32 v43, v44;
	v44 =	vcvt.s32.f32 v47;
	v45 =	vpop (erf)  }
0x288: {  	v38 =	vmul.f32 v38, v9;
	v36 =	vmul.f32 v46, v36;
	v33 =	vadd.f32 v42, v33  }
0x289: {  	v24 =	vmul.f32 $6.931471820e-01, v24;
	v34 =	vadd.f32 v34, v41;
	v41 =	vadd.f32 $1.000000000e+00, v43;
	v42 =	vld.idx.msk [tilespmem:v17+s6+$0x0], $0xffff  }
0x28a: {  	v38 =	vadd.f32 v39, v38;
	v39 =	vmul.f32 v36, v36;
	v46 =	vmul.f32 $8.192000120e+02, v25  }
0x28b: {  	v40 =	vadd.f32 $1.999969600e+00, v40;
	v35 =	vmul.f32 v35, v9;
	v47 =	vmul.f32 $8.192000120e+02, v32  }
0x28c: {  	v46 =	vadd.f32 $2.868000000e+03, v46;
	v48 =	vmul.f32 $8.192000120e+02, v13;
	(erf) = vrcp.f32 v41  }
0x28d: {  	v29 =	vmul.f32 v40, v29;
	v38 =	vmul.f32 v38, v9;
	v41 =	vadd.f32 $2.868000000e+03, v47;
	v47 =	vld.idx.msk [tilespmem:v11+s8+$0x0], $0xffff  }
0x28e: {  	v34 =	vmul.f32 v34, v8;
	v40 =	vmax.f32 v46, $0.0e+00;
	v46 =	vadd.f32 $2.868000000e+03, v48;
	v48 =	vld.idx.msk [tilespmem:v17+s11+$0x0], $0xffff  }
0x28f: {  	v24 =	vadd.f32 v29, v24;
	v38 =	vadd.f32 v38, v42;
	v41 =	vmax.f32 v41, $0.0e+00;
	v42 =	vld.idx.msk [tilespmem:v14+s12+$0x0], $0xffff  }
0x290: {  	v20 =	vadd.f32 v34, v20;
	v29 =	vmin.f32 v40, $4.917000000e+03;
	v49 =	vld [tilespmem:s26+$0xFFFFFFE0];
	v40 =	vmax.f32 v46, $0.0e+00  }
0x291: {  	v34 =	vtrunc.f32 v29;
	v29 =	vmin.f32 v41, $4.917000000e+03;
	v41 =	vld.idx.msk [tilespmem:v17+s7+$0x0], $0xffff;
	(erf) = vrcp.f32 v38;
	[tilespmem:s23+$0x10] =	vst v24  }
0x292: {  	v24 =	vmin.f32 v40, $4.917000000e+03;
	v29 =	vtrunc.f32 v29;
	(erf) = vrcp.f32 v20  }
0x293: {  	v30 =	vmul.f32 v27, v30;
	v38 =	vadd.f32 $-1.000000000e+00, v43;
	v20 =	vcvt.f32.s32 v29;
	v29 =	vld.idx.msk [tilespmem:v11+s12+$0x0], $0xffff  }
0x294: {  	v34 =	vcvt.f32.s32 v34;
	v40 =	vmul.f32 $6.931471820e-01, v44;
	v35 =	vadd.f32 v48, v35;
	v27 =	vld.idx.msk [tilespmem:v11+s9+$0x0], $0xffff  }
0x295: {  	v46 =	vadd.f32 v47, v28;
	v43 =	vmul.f32 $8.192000120e+02, v49;
	v44 =	vld.idx.msk [tilespmem:v17+s12+$0x0], $0xffff;
	[tilespmem:s24+$0xFFFFFFF0] =	vst v30;
	v30 =	vmul.f32 v45, v31;
	v28 =	vpop (erf);
	s24 =	smov.u32 s21  }
0x296: {  	v24 =	vtrunc.f32 v24;
	v37 =	vadd.f32 v37, v42;
	v31 =	vld.idx.msk [tilespmem:v17+s8+$0x0], $0xffff;
	v38 =	vmul.f32 v28, v38  }
0x297: {  	v24 =	vcvt.f32.s32 v24;
	v41 =	vmul.f32 v41, v9;
	v47 =	vadd.f32 $2.868000000e+03, v43;
	v28 =	vld.idx.msk [tilespmem:v14+s9+$0x0], $0xffff  }
0x298: {  	v23 =	vmul.f32 v23, v8;
	v45 =	vmul.f32 v30, v30;
	v43 =	vld.idx.msk [tilespmem:v12+s8+$0x0], $0xffff  }
0x299: {  	v35 =	vmul.f32 v35, v9;
	v14 =	vmax.f32 v47, $0.0e+00;
	v20 =	vld.idx.msk [tilespmem:v20+s1+$0x0], $0xffff;
	(erf) = vrcp.f32 v33  }
0x29a: {  	v39 =	vmul.f32 $6.769402030e-01, v39;
	v47 =	vmul.f32 v38, v38;
	v14 =	vmin.f32 v14, $4.917000000e+03;
	v33 =	vld.idx.msk [tilespmem:v12+s12+$0x0], $0xffff;
	v42 =	vpop (erf)  }
0x29b: {  	v35 =	vadd.f32 v35, v44;
	v14 =	vtrunc.f32 v14;
	v44 =	vmul.f32 v42, v42;
	v48 =	vld.idx.msk [tilespmem:v12+s9+$0x0], $0xffff;
	v50 =	vpop (erf)  }
0x29c: {  	v31 =	vadd.f32 v31, v41;
	v47 =	vmul.f32 $6.769402030e-01, v47;
	v51 =	vcvt.f32.s32 v14;
	v34 =	vld.idx.msk [tilespmem:v34+s1+$0x0], $0xffff  }
0x29d: {  	v41 =	vmul.f32 v46, v10;
	v14 =	vld.idx.msk [tilespmem:v24+s1+$0x0], $0xffff;
	v24 =	vadd.f32 $1.999969600e+00, v39;
	v39 =	vmul.f32 $6.769402030e-01, v45  }
0x29e: {  	v35 =	vmul.f32 v35, v44;
	v15 =	vadd.f32 v43, v15;
	v43 =	vadd.f32 $1.999969600e+00, v47;
	v44 =	vld.idx.msk [tilespmem:v11+s11+$0x0], $0xffff;
	v12 =	vmovc v20  }
0x29f: {  	v31 =	vmul.f32 v31, v9;
	v9 =	vmovc v49;
	v11 =	vld.idx.msk [tilespmem:v11+s10+$0x0], $0xffff;
	v24 =	vmul.f32 v24, v36;
	v39 =	vadd.f32 $1.999969600e+00, v39  }
0x2a0: {  	v45 =	vmul.f32 v15, v8;
	v15 =	vadd.f32 v23, v33;
	v23 =	vmul.f32 v43, v38;
	v17 =	vld.idx.msk [tilespmem:v17+s9+$0x0], $0xffff  }
0x2a1: {  	v38 =	vmul.f32 v50, v50;
	v33 =	vld.idx.msk [tilespmem:v20+s7+$0x0], $0xffff;
	v19 =	vadd.f32 v24, v19;
	v24 =	vmul.f32 v39, v30  }
0x2a2: {  	v18 =	vmul.f32 $6.931471820e-01, v18;
	v30 =	vadd.f32 v45, v48;
	v23 =	vadd.f32 v23, v40;
	v20 =	vld.idx.msk [tilespmem:v20+s6+$0x0], $0xffff;
	v36 =	vpop (erf)  }
0x2a3: {  	v21 =	vadd.f32 v21, v26;
	v8 =	vmov v32;
	v26 =	vmul.f32 v15, v38;
	v39 =	vld.idx.msk [tilespmem:v12+s10+$0x0], $0xffff;
	[tilespmem:s23+$0xFFFFFFE0] =	vst v19  }
0x2a4: {  	v15 =	vmul.f32 v36, v36;
	v30 =	vmul.f32 v30, v50;
	v18 =	vadd.f32 v24, v18;
	v19 =	vld.idx.msk [tilespmem:v34+s6+$0x0], $0xffff  }
0x2a5: {  	v21 =	vmul.f32 v21, v10;
	v43 =	vadd.s32 $0xC0CAFB0D, v26;
	v24 =	vmul.f32 v11, v10;
	v32 =	vld.idx.msk [tilespmem:v14+s8+$0x0], $0xffff;
	[tilespmem:s23+$0xFFFFFFF0] =	vst v23  }
0x2a6: {  	v38 =	vshra.s32 v43, $0x17;
	v40 =	vand.u32 $0xFF800000, v43;
	v11 =	vmovc v34;
	v37 =	vmul.f32 v37, v15;
	v23 =	vld.idx.msk [tilespmem:v14+s7+$0x0], $0xffff;
	[tilespmem:s23+$0x0] =	vst v18;
	s23 =	smov.u32 s22  }
0x2a7: {  	v26 =	vsub.s32 v26, v40;
	v15 =	vmul.f32 v33, v8;
	v33 =	vadd.f32 v21, v16;
	v43 =	vld.idx.msk [tilespmem:v14+s11+$0x0], $0xffff  }
0x2a8: {  	v18 =	vadd.f32 v44, v24;
	v21 =	vadd.f32 $1.000000000e+00, v26;
	v24 =	vcvt.s32.f32 v38;
	v40 =	vld.idx.msk [tilespmem:v34+s7+$0x0], $0xffff;
	[tilespmem:s21+$0x10] =	vst v30  }
0x2a9: {  	v30 =	vadd.f32 v31, v17;
	v31 =	vadd.s32 $0xC0CAFB0D, v37;
	v44 =	vld.idx.msk [tilespmem:v14+s5+$0x0], $0xffff;
	(erf) = vrcp.f32 v33  }
0x2aa: {  	v17 =	vadd.s32 $0xC0CAFB0D, v35;
	v38 =	vmul.f32 v18, v10;
	v10 =	vmovc v25;
	v16 =	vmovc v19;
	v34 =	vld.idx.msk [tilespmem:v14+s10+$0x0], $0xffff;
	(erf) = vrcp.f32 v21  }
0x2ab: {  	v25 =	vmul.f32 v39, v8;
	v18 =	vshra.s32 v17, $0x17;
	v21 =	vand.u32 $0xFF800000, v17;
	v19 =	vld.idx.msk [tilespmem:v12+s11+$0x0], $0xffff  }
0x2ac: {  	v23 =	vmul.f32 v23, v13;
	v35 =	vsub.s32 v35, v21;
	v21 =	vand.u32 $0xFF800000, v31;
	v17 =	vld.idx.msk [tilespmem:v51+s1+$0x0], $0xffff  }
0x2ad: {  	v39 =	vcvt.s32.f32 v18;
	v33 =	vadd.f32 $1.000000000e+00, v35;
	v46 =	vsub.s32 v37, v21;
	v45 =	vld.idx.msk [tilespmem:v12+s4+$0x0], $0xffff  }
0x2ae: {  	v18 =	vshra.s32 v31, $0x17;
	v32 =	vadd.f32 v32, v23;
	v21 =	vadd.f32 $1.000000000e+00, v46;
	v47 =	vld.idx.msk [tilespmem:v14+s4+$0x0], $0xffff  }
0x2af: {  	v22 =	vadd.f32 v22, v28;
	v18 =	vcvt.s32.f32 v18;
	v48 =	vld.idx.msk [tilespmem:v11+s4+$0x0], $0xffff;
	(erf) = vrcp.f32 v33  }
0x2b0: {  	v27 =	vadd.f32 v41, v27;
	v31 =	vmul.f32 v34, v13;
	v33 =	vld.idx.msk [tilespmem:v14+s6+$0x0], $0xffff;
	(erf) = vrcp.f32 v21  }
0x2b1: {  	v22 =	vmul.f32 v22, v36;
	v23 =	vadd.f32 v19, v25;
	v25 =	vmul.f32 v30, v42;
	v21 =	vld.idx.msk [tilespmem:v11+s5+$0x0], $0xffff  }
.Ltmp3:
0x2b2: {  	v26 =	vadd.f32 $-1.000000000e+00, v26;
	v41 =	vadd.f32 v38, v29;
	v19 =	vmul.f32 $6.931471820e-01, v39;
	v34 =	vld.idx.msk [tilespmem:v12+s5+$0x0], $0xffff;
	v30 =	vpop (erf);
	(pc) =	sbr.rel @p0 .LBB2_8-.Ltmp3, $4  }
0x2b3: {  	v28 =	vmul.f32 v40, v10;
	v37 =	vadd.f32 v43, v31;
	[tilespmem:s21+$0xFFFFFFE0] =	vst v25;
	v25 =	vmul.f32 v30, v30;
	v29 =	vpop (erf)  }
0x2b4: {  	v31 =	vadd.f32 $-1.000000000e+00, v46;
	v40 =	vmul.f32 v47, v13;
	v38 =	vld.idx.msk [tilespmem:v17+s4+$0x0], $0xffff;
	[tilespmem:s21+$0x0] =	vst v22;
	v29 =	vmul.f32 v29, v26  }
0x2b5: {  	v36 =	vadd.f32 $-1.000000000e+00, v35;
	v26 =	vmul.f32 v48, v10;
	v39 =	vld.idx.msk [tilespmem:v17+s5+$0x0], $0xffff;
	v43 =	vmul.f32 v41, v25  }
0x2b6: {  	s26 =	sadd.s32 $0x40, s26;
	v42 =	vadd.f32 v44, v40;
	v41 =	vmul.f32 v45, v8;
	v35 =	vld.idx.msk [tilespmem:v17+s10+$0x0], $0xffff;
	v40 =	vmul.f32 v29, v29  }
0x2b7: {  	_ =	sdelay $0x2  }
0x2b8: {  	v22 =	vmul.f32 v38, v9  }
0x2b9: {  	v25 =	vld.idx.msk [tilespmem:v17+s6+$0x0], $0xffff  }
0x2ba: {  	v45 =	vadd.s32 $0xC0CAFB0D, v43;
	v22 =	vadd.f32 v39, v22  }
0x2bb: {  	v46 =	vand.u32 $0xFF800000, v45;
	v34 =	vadd.f32 v34, v41  }
0x2bc: {  	v39 =	vsub.s32 v43, v46;
	v22 =	vmul.f32 v22, v9  }
0x2bd: {  	v34 =	vmul.f32 v34, v8;
	v47 =	vadd.f32 $1.000000000e+00, v39  }
0x2be: {  	v22 =	vadd.f32 v22, v25  }
0x2bf: {  	v20 =	vadd.f32 v34, v20;
	(erf) = vrcp.f32 v47;
	v25 =	vmul.f32 v32, v13  }
0x2c0: {  	(erf) = vrcp.f32 v22;
	v22 =	vmul.f32 v37, v13  }
0x2c1: {  	v13 =	vmul.f32 v42, v13;
	(erf) = vrcp.f32 v20;
	v20 =	vadd.f32 v21, v26  }
0x2c2: {  	v48 =	vld.idx.msk [tilespmem:v11+s8+$0x0], $0xffff;
	v26 =	vmul.f32 $6.769402030e-01, v40  }
0x2c3: {  	v50 =	vld.idx.msk [tilespmem:v17+s11+$0x0], $0xffff;
	v24 =	vmul.f32 $6.931471820e-01, v24;
	v13 =	vadd.f32 v13, v33;
	v20 =	vmul.f32 v20, v10  }
0x2c4: {  	v51 =	vld.idx.msk [tilespmem:v17+s7+$0x0], $0xffff;
	v27 =	vmul.f32 v27, v30;
	v23 =	vmul.f32 v23, v8;
	v21 =	vpop (erf);
	v26 =	vadd.f32 $1.999969600e+00, v26  }
0x2c5: {  	v21 =	vmul.f32 v21, v36;
	(erf) = vrcp.f32 v13;
	v13 =	vld.idx.msk [tilespmem:v11+s10+$0x0], $0xffff;
	v16 =	vadd.f32 v20, v16  }
0x2c6: {  	v20 =	vmul.f32 v35, v9;
	v26 =	vmul.f32 v26, v29;
	v29 =	vld.idx.msk [tilespmem:v14+s12+$0x0], $0xffff  }
0x2c7: {  	v55 =	vld.idx.msk [tilespmem:v11+s11+$0x0], $0xffff;
	v49 =	vshra.s32 v45, $0x17;
	v54 =	vpop (erf);
	v52 =	vmul.f32 v21, v21;
	(erf) = vrcp.f32 v16  }
0x2c8: {  	v56 =	vld.idx.msk [tilespmem:v17+s12+$0x0], $0xffff;
	v18 =	vmul.f32 $6.931471820e-01, v18;
	v34 =	vcvt.s32.f32 v49;
	v20 =	vadd.f32 v50, v20  }
0x2c9: {  	v53 =	vld.idx.msk [tilespmem:v12+s12+$0x0], $0xffff;
	v30 =	vadd.f32 $-1.000000000e+00, v39;
	v31 =	vmul.f32 v54, v31;
	v37 =	vmul.f32 $6.769402030e-01, v52  }
0x2ca: {  	v28 =	vadd.f32 v48, v28;
	v16 =	vpop (erf);
	v13 =	vmul.f32 v13, v10;
	v20 =	vmul.f32 v20, v9  }
0x2cb: {  	v57 =	vld.idx.msk [tilespmem:v17+s8+$0x0], $0xffff;
	v35 =	vpop (erf);
	v16 =	vmul.f32 v16, v30;
	v30 =	vmul.f32 v51, v9;
	v22 =	vadd.f32 v22, v29  }
0x2cc: {  	v59 =	vld.idx.msk [tilespmem:v11+s12+$0x0], $0xffff;
	v29 =	vmul.f32 v31, v31;
	v33 =	vpop (erf);
	v13 =	vadd.f32 v55, v13;
	v61 =	vmul.f32 v35, v35  }
0x2cd: {  	v20 =	vadd.f32 v20, v56;
	v58 =	vmul.f32 v33, v33;
	v60 =	vmul.f32 v16, v16  }
0x2ce: {  	v23 =	vadd.f32 v23, v53;
	v29 =	vmul.f32 $6.769402030e-01, v29;
	v13 =	vmul.f32 v13, v10  }
0x2cf: {  	v62 =	vpop (erf);
	v20 =	vmul.f32 v20, v61;
	v10 =	vmul.f32 v28, v10  }
0x2d0: {  	v30 =	vadd.f32 v57, v30;
	v23 =	vmul.f32 v23, v58;
	v47 =	vmul.f32 v62, v62;
	v49 =	vpop (erf)  }
0x2d1: {  	v38 =	vmul.f32 $6.769402030e-01, v60;
	v13 =	vadd.f32 v13, v59;
	v50 =	vmul.f32 v49, v49  }
0x2d2: {  	v28 =	vadd.s32 $0xC0CAFB0D, v20;
	v63 =	vadd.s32 $0xC0CAFB0D, v23;
	v22 =	vmul.f32 v22, v47  }
0x2d3: {  	v51 =	vld.idx.msk [tilespmem:v12+s8+$0x0], $0xffff;
	v54 =	vand.u32 $0xFF800000, v28;
	v48 =	vand.u32 $0xFF800000, v63;
	v13 =	vmul.f32 v13, v50  }
0x2d4: {  	v20 =	vsub.s32 v20, v54;
	v23 =	vsub.s32 v23, v48;
	v53 =	vadd.s32 $0xC0CAFB0D, v22  }
0x2d5: {  	v14 =	vld.idx.msk [tilespmem:v14+s9+$0x0], $0xffff;
	v52 =	vadd.f32 $1.000000000e+00, v23;
	v55 =	vand.u32 $0xFF800000, v53;
	v56 =	vadd.s32 $0xC0CAFB0D, v13  }
0x2d6: {  	v17 =	vld.idx.msk [tilespmem:v17+s9+$0x0], $0xffff;
	v44 =	vadd.f32 $1.000000000e+00, v20;
	v22 =	vsub.s32 v22, v55;
	v57 =	vand.u32 $0xFF800000, v56  }
0x2d7: {  	v12 =	vld.idx.msk [tilespmem:v12+s9+$0x0], $0xffff;
	(erf) = vrcp.f32 v52;
	v58 =	vadd.f32 $1.000000000e+00, v22;
	v13 =	vsub.s32 v13, v57  }
0x2d8: {  	v15 =	vadd.f32 v51, v15;
	(erf) = vrcp.f32 v44;
	v36 =	vadd.f32 $1.000000000e+00, v13  }
0x2d9: {  	v11 =	vld.idx.msk [tilespmem:v11+s9+$0x0], $0xffff;
	v37 =	vadd.f32 $1.999969600e+00, v37;
	v9 =	vmul.f32 v30, v9;
	(erf) = vrcp.f32 v58  }
0x2da: {  	v14 =	vadd.f32 v25, v14;
	v8 =	vmul.f32 v15, v8;
	(erf) = vrcp.f32 v36  }
0x2db: {  	v34 =	vmul.f32 $6.931471820e-01, v34;
	v29 =	vadd.f32 $1.999969600e+00, v29;
	v15 =	vadd.f32 $1.999969600e+00, v38  }
0x2dc: {  	v21 =	vmul.f32 v37, v21;
	v9 =	vadd.f32 v9, v17;
	v8 =	vadd.f32 v8, v12  }
0x2dd: {  	v12 =	vmul.f32 v15, v16;
	v16 =	vadd.f32 v26, v24;
	v26 =	vshra.s32 v28, $0x17  }
0x2de: {  	v14 =	vmul.f32 v14, v62;
	v10 =	vadd.f32 v10, v11;
	v9 =	vmul.f32 v9, v35  }
0x2df: {  	v15 =	vmul.f32 v29, v31;
	v24 =	vshra.s32 v63, $0x17;
	v23 =	vadd.f32 $-1.000000000e+00, v23  }
0x2e0: {  	v28 =	vshra.s32 v53, $0x17;
	v24 =	vcvt.s32.f32 v24;
	v17 =	vcvt.s32.f32 v26;
	v26 =	vpop (erf)  }
0x2e1: {  	s21 =	sadd.s32 $0x40, s21;
	v20 =	vadd.f32 $-1.000000000e+00, v20;
	v25 =	vcvt.s32.f32 v28;
	v23 =	vmul.f32 v26, v23;
	v26 =	vpop (erf)  }
0x2e2: {  	[tilespmem:s21+$0xFFFFFFE0] =	vst v9;
	v9 =	vmul.f32 v10, v49;
	v22 =	vadd.f32 $-1.000000000e+00, v22;
	v13 =	vadd.f32 $-1.000000000e+00, v13;
	v29 =	vpop (erf)  }
0x2e3: {  	v20 =	vmul.f32 v26, v20;
	v28 =	vmul.f32 v23, v23;
	v26 =	vpop (erf)  }
0x2e4: {  	v19 =	vadd.f32 v21, v19;
	v22 =	vmul.f32 v29, v22;
	v13 =	vmul.f32 v26, v13  }
0x2e5: {  	[tilespmem:s23+$0x10] =	vst v16;
	v12 =	vadd.f32 v12, v34;
	v16 =	vmul.f32 v20, v20;
	v21 =	vmul.f32 $6.769402030e-01, v28  }
0x2e6: {  	[tilespmem:s24+$0xFFFFFFF0] =	vst v27;
	v8 =	vmul.f32 v8, v33;
	v15 =	vadd.f32 v15, v18;
	v26 =	vmul.f32 v13, v13  }
0x2e7: {  	[tilespmem:s23+$0xFFFFFFF0] =	vst v12;
	v18 =	vmul.f32 v22, v22;
	v16 =	vmul.f32 $6.769402030e-01, v16;
	v21 =	vadd.f32 $1.999969600e+00, v21  }
0x2e8: {  	v24 =	vmul.f32 $6.931471820e-01, v24;
	[tilespmem:s23+$0x0] =	vst v15;
	v15 =	vshra.s32 v56, $0x17;
	v12 =	vmul.f32 $6.769402030e-01, v26  }
0x2e9: {  	v18 =	vmul.f32 $6.769402030e-01, v18;
	v16 =	vadd.f32 $1.999969600e+00, v16;
	v11 =	vmul.f32 v21, v23  }
0x2ea: {  	v17 =	vmul.f32 $6.931471820e-01, v17;
	[tilespmem:s21+$0x10] =	vst v8;
	v8 =	vcvt.s32.f32 v15;
	v12 =	vadd.f32 $1.999969600e+00, v12  }
0x2eb: {  	[tilespmem:s23+$0xFFFFFFE0] =	vst v19;
	v15 =	vadd.f32 $1.999969600e+00, v18;
	v10 =	vmul.f32 v16, v20;
	v11 =	vadd.f32 v11, v24  }
0x2ec: {  	s22 =	sadd.s32 $0x40, s22;
	[tilespmem:s21+$0x0] =	vst v14;
	v8 =	vmul.f32 $6.931471820e-01, v8;
	v12 =	vmul.f32 v12, v13  }
0x2ed: {  	v10 =	vadd.f32 v10, v17;
	[tilespmem:s22+$0x10] =	vst v11;
	v11 =	vmul.f32 v15, v22;
	v13 =	vmul.f32 $6.931471820e-01, v25  }
0x2ee: {  	[tilespmem:s21+$0xFFFFFFF0] =	vst v9;
	v8 =	vadd.f32 v12, v8  }
0x2ef: {  	[tilespmem:s22+$0xFFFFFFE0] =	vst v10;
	v9 =	vadd.f32 v11, v13  }
0x2f0: {  	[tilespmem:s22+$0xFFFFFFF0] =	vst v8  }
0x2f1: {  	[tilespmem:s22+$0x0] =	vst v9  }
0x2f2: {  	s21 =	rddreg [dreg:$0xd]  }
0x2f3: {  	[hbm4b:s21+s3] =	stream.linear.scatter [tilespmem:s13], [sflag:$0x3], $0x4000, $0x38;
	[tilespmem:$0x19880] =	vst v63  }
0x2f4: {  	s23 =	rddreg [dreg:$0xe]  }
0x2f5: {  	[hbm4b:s23+s3] =	stream.linear.scatter [tilespmem:s14], [sflag:$0x3], $0x4000, $0x38;
	[tilespmem:$0x19880] =	vst v63  }
0x2f6: {  	_ =	swait.ge [sflag:s15], $0x4000  }
0x2f7: {  	[sflag:s15] =	ssyncset.done $0x0  }
0x2f8: {  	s24 =	rddreg [dreg:$0xf];
	[sflag:s15] =	ssyncadd.s32 $0xFFFFC000  }
0x2f9: {  	[tilespmem:s30], [sflag:$0x1] =	stream.linear.gather [hbm4b:s24+s3], $0x4000, $0x38;
	[tilespmem:$0x19880] =	vst v63  }
0x2fa: {  	_ =	swait.ge [sflag:s19], $0x4000  }
0x2fb: {  	[sflag:s19] =	ssyncset.done $0x0  }
0x2fc: {  	[sflag:s19] =	ssyncadd.s32 $0xFFFFC000  }
0x2fd: {  	_ =	swait.ge [sflag:s19], $0x4000  }
0x2fe: {  	[sflag:s19] =	ssyncset.done $0x0  }
0x2ff: {  	s25 =	simm.s32 $0x58A0;
	[sflag:s19] =	ssyncadd.s32 $0xFFFFC000  }
0x300: {  	v15 =	vld [tilespmem:s25+$0x10];
	_ =	sdelay $0x2  }
0x301: {  	v17 =	vld [tilespmem:s25+$0xFFFFFFF0]  }
0x302: {  	v11 =	vld [tilespmem:s25+$0x0]  }
0x303: {  	v8 =	vmul.f32 $8.192000120e+02, v15;
	_ =	sdelay $0x1  }
0x304: {  	v8 =	vadd.f32 $2.868000000e+03, v8  }
0x305: {  	v9 =	vmul.f32 $8.192000120e+02, v17  }
0x306: {  	v10 =	vmul.f32 $8.192000120e+02, v11;
	v8 =	vmax.f32 v8, $0.0e+00  }
0x307: {  	v9 =	vadd.f32 $2.868000000e+03, v9;
	v8 =	vmin.f32 v8, $4.917000000e+03  }
0x308: {  	v10 =	vadd.f32 $2.868000000e+03, v10;
	v8 =	vtrunc.f32 v8  }
0x309: {  	v9 =	vmax.f32 v9, $0.0e+00;
	v8 =	vcvt.f32.s32 v8  }
0x30a: {  	v10 =	vmax.f32 v10, $0.0e+00;
	v9 =	vmin.f32 v9, $4.917000000e+03  }
0x30b: {  	v10 =	vmin.f32 v10, $4.917000000e+03;
	v9 =	vtrunc.f32 v9  }
0x30c: {  	v10 =	vtrunc.f32 v10;
	v9 =	vcvt.f32.s32 v9  }
0x30d: {  	v10 =	vcvt.f32.s32 v10;
	_ =	sdelay $0x1  }
0x30e: {  	v14 =	vld.idx.msk [tilespmem:v8+s1+$0x0], $0xffff  }
0x30f: {  	v16 =	vld [tilespmem:s25+$0xFFFFFFE0];
	_ =	sdelay $0x1  }
0x310: {  	v19 =	vld.idx.msk [tilespmem:v9+s1+$0x0], $0xffff  }
0x311: {  	v12 =	vld.idx.msk [tilespmem:v10+s1+$0x0], $0xffff;
	_ =	sdelay $0x1  }
0x312: {  	s26 =	simm.s32 $0x58E0;
	v8 =	vmul.f32 $8.192000120e+02, v16  }
0x313: {  	v10 =	vld [tilespmem:s26+$0xFFFFFFF0]  }
0x314: {  	v8 =	vadd.f32 $2.868000000e+03, v8;
	v9 =	vld.idx.msk [tilespmem:v14+s7+$0x0], $0xffff  }
0x315: {  	v20 =	vld.idx.msk [tilespmem:v14+s6+$0x0], $0xffff  }
0x316: {  	v8 =	vmax.f32 v8, $0.0e+00;
	v21 =	vld.idx.msk [tilespmem:v14+s10+$0x0], $0xffff  }
0x317: {  	v8 =	vmin.f32 v8, $4.917000000e+03;
	v18 =	vld.idx.msk [tilespmem:v19+s6+$0x0], $0xffff  }
0x318: {  	v8 =	vtrunc.f32 v8;
	v22 =	vld.idx.msk [tilespmem:v12+s8+$0x0], $0xffff  }
0x319: {  	v8 =	vcvt.f32.s32 v8;
	v23 =	vld.idx.msk [tilespmem:v12+s7+$0x0], $0xffff  }
0x31a: {  	v24 =	vld.idx.msk [tilespmem:v12+s11+$0x0], $0xffff  }
0x31b: {  	v25 =	vld.idx.msk [tilespmem:v19+s7+$0x0], $0xffff  }
0x31c: {  	v26 =	vld.idx.msk [tilespmem:v12+s5+$0x0], $0xffff  }
0x31d: {  	v28 =	vld.idx.msk [tilespmem:v12+s10+$0x0], $0xffff  }
0x31e: {  	v13 =	vld.idx.msk [tilespmem:v12+s4+$0x0], $0xffff  }
0x31f: {  	v27 =	vld.idx.msk [tilespmem:v8+s1+$0x0], $0xffff  }
0x320: {  	v29 =	vld.idx.msk [tilespmem:v14+s11+$0x0], $0xffff  }
0x321: {  	v30 =	vld.idx.msk [tilespmem:v14+s4+$0x0], $0xffff  }
0x322: {  	v31 =	vld.idx.msk [tilespmem:v19+s4+$0x0], $0xffff  }
0x323: {  	v61 =	vld.idx.msk [tilespmem:v14+s5+$0x0], $0xffff  }
0x324: {  	v63 =	vmul.f32 v9, v15;
	v9 =	vmul.f32 v13, v11;
	v13 =	vld [tilespmem:s26+$0x0]  }
0x325: {  	v59 =	vld.idx.msk [tilespmem:v12+s6+$0x0], $0xffff  }
0x326: {  	v33 =	vld.idx.msk [tilespmem:v19+s5+$0x0], $0xffff;
	v9 =	vadd.f32 v26, v9;
	v26 =	vmul.f32 v30, v15  }
0x327: {  	v60 =	vld.idx.msk [tilespmem:v27+s4+$0x0], $0xffff  }
0x328: {  	v8 =	vld [tilespmem:s26+$0x10];
	v52 =	vmul.f32 v9, v11;
	v9 =	vadd.f32 v61, v26;
	v26 =	vmul.f32 $8.192000120e+02, v10  }
0x329: {  	v21 =	vmul.f32 v21, v15;
	v54 =	vmul.f32 $8.192000120e+02, v13;
	v62 =	vld.idx.msk [tilespmem:v27+s5+$0x0], $0xffff  }
0x32a: {  	v51 =	vld.idx.msk [tilespmem:v19+s8+$0x0], $0xffff;
	v23 =	vmul.f32 v23, v11;
	v26 =	vadd.f32 $2.868000000e+03, v26  }
0x32b: {  	v28 =	vmul.f32 v28, v11;
	v21 =	vadd.f32 v29, v21;
	v29 =	vld.idx.msk [tilespmem:v14+s8+$0x0], $0xffff;
	v41 =	vadd.f32 $2.868000000e+03, v54  }
0x32c: {  	v56 =	vmul.f32 v9, v15;
	v9 =	vld [tilespmem:s26+$0xFFFFFFE0];
	v26 =	vmax.f32 v26, $0.0e+00;
	v34 =	vmul.f32 v60, v16  }
0x32d: {  	v49 =	vmul.f32 $8.192000120e+02, v8;
	v30 =	vld.idx.msk [tilespmem:v27+s6+$0x0], $0xffff;
	v26 =	vmin.f32 v26, $4.917000000e+03;
	v41 =	vmax.f32 v41, $0.0e+00  }
0x32e: {  	v43 =	vld.idx.msk [tilespmem:v19+s12+$0x0], $0xffff;
	v26 =	vtrunc.f32 v26;
	v41 =	vmin.f32 v41, $4.917000000e+03;
	v34 =	vadd.f32 v62, v34  }
0x32f: {  	v61 =	vld.idx.msk [tilespmem:v14+s9+$0x0], $0xffff;
	v32 =	vadd.f32 v52, v59;
	v26 =	vcvt.f32.s32 v26;
	v41 =	vtrunc.f32 v41  }
0x330: {  	v29 =	vadd.f32 v29, v63;
	v63 =	vld.idx.msk [tilespmem:v19+s11+$0x0], $0xffff;
	v59 =	vcvt.f32.s32 v41;
	v34 =	vmul.f32 v34, v16  }
0x331: {  	v22 =	vadd.f32 v22, v23;
	v24 =	vadd.f32 v24, v28;
	v48 =	vld.idx.msk [tilespmem:v27+s10+$0x0], $0xffff;
	v23 =	vmul.f32 $8.192000120e+02, v9  }
0x332: {  	v50 =	vadd.f32 $2.868000000e+03, v49;
	v53 =	vld.idx.msk [tilespmem:v27+s11+$0x0], $0xffff;
	v30 =	vadd.f32 v34, v30  }
0x333: {  	v22 =	vmul.f32 v22, v11;
	v57 =	vld.idx.msk [tilespmem:v27+s7+$0x0], $0xffff;
	v20 =	vadd.f32 v56, v20;
	v23 =	vadd.f32 $2.868000000e+03, v23  }
0x334: {  	v24 =	vmul.f32 v24, v11;
	v36 =	vmax.f32 v50, $0.0e+00;
	v60 =	vld.idx.msk [tilespmem:v14+s12+$0x0], $0xffff;
	(erf) = vrcp.f32 v30  }
0x335: {  	v36 =	vmin.f32 v36, $4.917000000e+03;
	v14 =	vmax.f32 v23, $0.0e+00;
	v11 =	vld.idx.msk [tilespmem:v26+s1+$0x0], $0xffff;
	(erf) = vrcp.f32 v20  }
0x336: {  	v36 =	vtrunc.f32 v36;
	v28 =	vmul.f32 v48, v16;
	v26 =	vmin.f32 v14, $4.917000000e+03;
	v14 =	vld.idx.msk [tilespmem:v59+s1+$0x0], $0xffff  }
0x337: {  	v36 =	vcvt.f32.s32 v36;
	v30 =	vld.idx.msk [tilespmem:v19+s9+$0x0], $0xffff  }
0x338: {  	v28 =	vadd.f32 v53, v28;
	v19 =	vld.idx.msk [tilespmem:v19+s10+$0x0], $0xffff  }
0x339: {  	v20 =	vld.idx.msk [tilespmem:v27+s12+$0x0], $0xffff  }
0x33a: {  	v25 =	vmul.f32 v25, v17;
	v58 =	vld.idx.msk [tilespmem:v27+s8+$0x0], $0xffff;
	v23 =	vmul.f32 v28, v16  }
0x33b: {  	v55 =	vld.idx.msk [tilespmem:v12+s12+$0x0], $0xffff;
	v31 =	vmul.f32 v31, v17;
	(erf) = vrcp.f32 v32  }
0x33c: {  	v21 =	vmul.f32 v21, v15;
	v15 =	vmul.f32 v29, v15;
	v41 =	vld.idx.msk [tilespmem:v12+s9+$0x0], $0xffff  }
0x33d: {  	v25 =	vadd.f32 v51, v25;
	v12 =	vld.idx.msk [tilespmem:v36+s1+$0x0], $0xffff;
	v26 =	vtrunc.f32 v26;
	v34 =	vmul.f32 v57, v16;
	v28 =	vpop (erf)  }
0x33e: {  	v26 =	vcvt.f32.s32 v26;
	v19 =	vmul.f32 v19, v17;
	v20 =	vadd.f32 v23, v20;
	v23 =	vpop (erf)  }
0x33f: {  	v21 =	vadd.f32 v21, v60;
	v29 =	vadd.f32 v58, v34;
	v40 =	vld.idx.msk [tilespmem:v14+s7+$0x0], $0xffff;
	v45 =	vmul.f32 v23, v23  }
0x340: {  	v31 =	vadd.f32 v33, v31;
	v25 =	vmul.f32 v25, v17;
	v27 =	vld.idx.msk [tilespmem:v27+s9+$0x0], $0xffff;
	v19 =	vadd.f32 v63, v19  }
0x341: {  	v15 =	vadd.f32 v15, v61;
	v29 =	vmul.f32 v29, v16;
	v16 =	vld.idx.msk [tilespmem:v11+s6+$0x0], $0xffff;
	v21 =	vmul.f32 v21, v45  }
0x342: {  	v24 =	vadd.f32 v24, v55;
	v22 =	vadd.f32 v22, v41;
	v55 =	vld.idx.msk [tilespmem:v11+s7+$0x0], $0xffff;
	v56 =	vmul.f32 v19, v17  }
0x343: {  	v60 =	vld.idx.msk [tilespmem:v11+s4+$0x0], $0xffff;
	v51 =	vmul.f32 v15, v23;
	v23 =	vmul.f32 v31, v17;
	v15 =	vadd.s32 $0xC0CAFB0D, v21  }
0x344: {  	v62 =	vmul.f32 v28, v28;
	v48 =	vpop (erf);
	v17 =	vld.idx.msk [tilespmem:v26+s1+$0x0], $0xffff;
	v26 =	vmul.f32 v40, v13;
	v52 =	vand.u32 $0xFF800000, v15  }
0x345: {  	v47 =	vld.idx.msk [tilespmem:v12+s7+$0x0], $0xffff;
	v50 =	vmul.f32 v48, v48;
	v18 =	vadd.f32 v23, v18;
	v53 =	vsub.s32 v21, v52  }
0x346: {  	v31 =	vld.idx.msk [tilespmem:v14+s8+$0x0], $0xffff;
	v46 =	vmul.f32 v20, v62;
	v22 =	vmul.f32 v22, v48;
	v21 =	vadd.f32 $1.000000000e+00, v53  }
0x347: {  	v29 =	vadd.f32 v29, v27;
	v27 =	vld.idx.msk [tilespmem:v14+s10+$0x0], $0xffff;
	v33 =	vmul.f32 v24, v50;
	(erf) = vrcp.f32 v18  }
0x348: {  	v49 =	vld.idx.msk [tilespmem:v12+s10+$0x0], $0xffff;
	v18 =	vadd.s32 $0xC0CAFB0D, v46;
	v24 =	vshra.s32 v15, $0x17;
	(erf) = vrcp.f32 v21  }
0x349: {  	v54 =	vld.idx.msk [tilespmem:v14+s11+$0x0], $0xffff;
	v23 =	vadd.s32 $0xC0CAFB0D, v33;
	v57 =	vshra.s32 v18, $0x17;
	v18 =	vand.u32 $0xFF800000, v18  }
0x34a: {  	v59 =	vld.idx.msk [tilespmem:v14+s5+$0x0], $0xffff;
	v15 =	vmul.f32 v47, v8;
	v58 =	vsub.s32 v46, v18;
	v18 =	vand.u32 $0xFF800000, v23  }
0x34b: {  	v19 =	vld.idx.msk [tilespmem:v12+s11+$0x0], $0xffff;
	v32 =	vadd.f32 v31, v26;
	v34 =	vadd.f32 $1.000000000e+00, v58;
	v46 =	vsub.s32 v33, v18  }
0x34c: {  	v26 =	vld.idx.msk [tilespmem:v14+s4+$0x0], $0xffff;
	v31 =	vmul.f32 v27, v13;
	v18 =	vshra.s32 v23, $0x17;
	v23 =	vadd.f32 $1.000000000e+00, v46  }
0x34d: {  	v20 =	vld.idx.msk [tilespmem:v12+s6+$0x0], $0xffff;
	v27 =	vadd.f32 v25, v30;
	v25 =	vmul.f32 v29, v28;
	(erf) = vrcp.f32 v34  }
0x34e: {  	v61 =	vadd.f32 v56, v43;
	v47 =	vld.idx.msk [tilespmem:v12+s4+$0x0], $0xffff;
	v28 =	vmul.f32 v55, v10;
	(erf) = vrcp.f32 v23  }
0x34f: {  	v24 =	vcvt.s32.f32 v24;
	v45 =	vcvt.s32.f32 v57;
	v33 =	vld.idx.msk [tilespmem:v14+s6+$0x0], $0xffff;
	v29 =	vadd.f32 $-1.000000000e+00, v53  }
0x350: {  	s21 =	simm.s32 $0xD8A0;
	v37 =	vadd.f32 v54, v31;
	v18 =	vcvt.s32.f32 v18;
	v38 =	vld.idx.msk [tilespmem:v17+s4+$0x0], $0xffff;
	v21 =	vmul.f32 v49, v8;
	v30 =	vpop (erf)  }
0x351: {  	[tilespmem:s21+$0xFFFFFFE0] =	vst v25;
	v36 =	vadd.f32 $-1.000000000e+00, v58;
	v39 =	vld.idx.msk [tilespmem:v17+s5+$0x0], $0xffff;
	v25 =	vmul.f32 v26, v13;
	v62 =	vmul.f32 v30, v30;
	v63 =	vpop (erf)  }
0x352: {  	[tilespmem:s21+$0x10] =	vst v51;
	v31 =	vadd.f32 $-1.000000000e+00, v46;
	v35 =	vld.idx.msk [tilespmem:v17+s10+$0x0], $0xffff;
	v26 =	vmul.f32 v60, v10;
	v29 =	vmul.f32 v63, v29  }
0x353: {  	s22 =	simm.s32 $0x158A0;
	s23 =	simm.s32 $0x158A0;
	v34 =	vld.idx.msk [tilespmem:v12+s5+$0x0], $0xffff;
	v41 =	vmul.f32 v47, v8;
	v23 =	vadd.f32 v19, v21;
	v43 =	vmul.f32 v61, v62  }
0x354: {  	s24 =	simm.s32 $0xD8A0;
	s25 =	simm.s32 $0x40;
	s26 =	simm.s32 $0x5920;
	[tilespmem:s21+$0x0] =	vst v22;
	v21 =	vld.idx.msk [tilespmem:v11+s5+$0x0], $0xffff;
	v19 =	vmul.f32 $6.931471820e-01, v45;
	v42 =	vadd.f32 v59, v25;
	v40 =	vmul.f32 v29, v29  }
.LBB2_10:
0x355: {  	v25 =	vld [tilespmem:s26+$0xFFFFFFF0];
	s25 =	sadd.s32 $0x40, s25;
	v22 =	vmul.f32 v32, v13;
	v37 =	vmul.f32 v37, v13;
	v44 =	vadd.s32 $0xC0CAFB0D, v43;
	s22 =	sadd.s32 $0x40, s22;
	s21 =	sadd.s32 $0x40, s21  }
0x356: {  	v32 =	vld [tilespmem:s26+$0x10];
	p0 =	slt.u32 s25, $0x3FC0;
	v42 =	vmul.f32 v42, v13;
	v47 =	vshra.s32 v44, $0x17;
	v44 =	vand.u32 $0xFF800000, v44;
	v46 =	vpop (erf)  }
0x357: {  	v40 =	vmul.f32 $6.769402030e-01, v40;
	v13 =	vld [tilespmem:s26+$0x0];
	v43 =	vsub.s32 v43, v44;
	v44 =	vcvt.s32.f32 v47;
	v45 =	vpop (erf)  }
0x358: {  	v38 =	vmul.f32 v38, v9;
	v36 =	vmul.f32 v46, v36;
	v33 =	vadd.f32 v42, v33  }
0x359: {  	v24 =	vmul.f32 $6.931471820e-01, v24;
	v34 =	vadd.f32 v34, v41;
	v41 =	vadd.f32 $1.000000000e+00, v43;
	v42 =	vld.idx.msk [tilespmem:v17+s6+$0x0], $0xffff  }
0x35a: {  	v38 =	vadd.f32 v39, v38;
	v39 =	vmul.f32 v36, v36;
	v46 =	vmul.f32 $8.192000120e+02, v25  }
0x35b: {  	v40 =	vadd.f32 $1.999969600e+00, v40;
	v35 =	vmul.f32 v35, v9;
	v47 =	vmul.f32 $8.192000120e+02, v32  }
0x35c: {  	v46 =	vadd.f32 $2.868000000e+03, v46;
	v48 =	vmul.f32 $8.192000120e+02, v13;
	(erf) = vrcp.f32 v41  }
0x35d: {  	v29 =	vmul.f32 v40, v29;
	v38 =	vmul.f32 v38, v9;
	v41 =	vadd.f32 $2.868000000e+03, v47;
	v47 =	vld.idx.msk [tilespmem:v11+s8+$0x0], $0xffff  }
0x35e: {  	v34 =	vmul.f32 v34, v8;
	v40 =	vmax.f32 v46, $0.0e+00;
	v46 =	vadd.f32 $2.868000000e+03, v48;
	v48 =	vld.idx.msk [tilespmem:v17+s11+$0x0], $0xffff  }
0x35f: {  	v24 =	vadd.f32 v29, v24;
	v38 =	vadd.f32 v38, v42;
	v41 =	vmax.f32 v41, $0.0e+00;
	v42 =	vld.idx.msk [tilespmem:v14+s12+$0x0], $0xffff  }
0x360: {  	v20 =	vadd.f32 v34, v20;
	v29 =	vmin.f32 v40, $4.917000000e+03;
	v49 =	vld [tilespmem:s26+$0xFFFFFFE0];
	v40 =	vmax.f32 v46, $0.0e+00  }
0x361: {  	v34 =	vtrunc.f32 v29;
	v29 =	vmin.f32 v41, $4.917000000e+03;
	v41 =	vld.idx.msk [tilespmem:v17+s7+$0x0], $0xffff;
	(erf) = vrcp.f32 v38;
	[tilespmem:s23+$0x10] =	vst v24  }
0x362: {  	v24 =	vmin.f32 v40, $4.917000000e+03;
	v29 =	vtrunc.f32 v29;
	(erf) = vrcp.f32 v20  }
0x363: {  	v30 =	vmul.f32 v27, v30;
	v38 =	vadd.f32 $-1.000000000e+00, v43;
	v20 =	vcvt.f32.s32 v29;
	v29 =	vld.idx.msk [tilespmem:v11+s12+$0x0], $0xffff  }
0x364: {  	v34 =	vcvt.f32.s32 v34;
	v40 =	vmul.f32 $6.931471820e-01, v44;
	v35 =	vadd.f32 v48, v35;
	v27 =	vld.idx.msk [tilespmem:v11+s9+$0x0], $0xffff  }
0x365: {  	v46 =	vadd.f32 v47, v28;
	v43 =	vmul.f32 $8.192000120e+02, v49;
	v44 =	vld.idx.msk [tilespmem:v17+s12+$0x0], $0xffff;
	[tilespmem:s24+$0xFFFFFFF0] =	vst v30;
	v30 =	vmul.f32 v45, v31;
	v28 =	vpop (erf);
	s24 =	smov.u32 s21  }
0x366: {  	v24 =	vtrunc.f32 v24;
	v37 =	vadd.f32 v37, v42;
	v31 =	vld.idx.msk [tilespmem:v17+s8+$0x0], $0xffff;
	v38 =	vmul.f32 v28, v38  }
0x367: {  	v24 =	vcvt.f32.s32 v24;
	v41 =	vmul.f32 v41, v9;
	v47 =	vadd.f32 $2.868000000e+03, v43;
	v28 =	vld.idx.msk [tilespmem:v14+s9+$0x0], $0xffff  }
0x368: {  	v23 =	vmul.f32 v23, v8;
	v45 =	vmul.f32 v30, v30;
	v43 =	vld.idx.msk [tilespmem:v12+s8+$0x0], $0xffff  }
0x369: {  	v35 =	vmul.f32 v35, v9;
	v14 =	vmax.f32 v47, $0.0e+00;
	v20 =	vld.idx.msk [tilespmem:v20+s1+$0x0], $0xffff;
	(erf) = vrcp.f32 v33  }
0x36a: {  	v39 =	vmul.f32 $6.769402030e-01, v39;
	v47 =	vmul.f32 v38, v38;
	v14 =	vmin.f32 v14, $4.917000000e+03;
	v33 =	vld.idx.msk [tilespmem:v12+s12+$0x0], $0xffff;
	v42 =	vpop (erf)  }
0x36b: {  	v35 =	vadd.f32 v35, v44;
	v14 =	vtrunc.f32 v14;
	v44 =	vmul.f32 v42, v42;
	v48 =	vld.idx.msk [tilespmem:v12+s9+$0x0], $0xffff;
	v50 =	vpop (erf)  }
0x36c: {  	v31 =	vadd.f32 v31, v41;
	v47 =	vmul.f32 $6.769402030e-01, v47;
	v51 =	vcvt.f32.s32 v14;
	v34 =	vld.idx.msk [tilespmem:v34+s1+$0x0], $0xffff  }
0x36d: {  	v41 =	vmul.f32 v46, v10;
	v14 =	vld.idx.msk [tilespmem:v24+s1+$0x0], $0xffff;
	v24 =	vadd.f32 $1.999969600e+00, v39;
	v39 =	vmul.f32 $6.769402030e-01, v45  }
0x36e: {  	v35 =	vmul.f32 v35, v44;
	v15 =	vadd.f32 v43, v15;
	v43 =	vadd.f32 $1.999969600e+00, v47;
	v44 =	vld.idx.msk [tilespmem:v11+s11+$0x0], $0xffff;
	v12 =	vmovc v20  }
0x36f: {  	v31 =	vmul.f32 v31, v9;
	v9 =	vmovc v49;
	v11 =	vld.idx.msk [tilespmem:v11+s10+$0x0], $0xffff;
	v24 =	vmul.f32 v24, v36;
	v39 =	vadd.f32 $1.999969600e+00, v39  }
0x370: {  	v45 =	vmul.f32 v15, v8;
	v15 =	vadd.f32 v23, v33;
	v23 =	vmul.f32 v43, v38;
	v17 =	vld.idx.msk [tilespmem:v17+s9+$0x0], $0xffff  }
0x371: {  	v38 =	vmul.f32 v50, v50;
	v33 =	vld.idx.msk [tilespmem:v20+s7+$0x0], $0xffff;
	v19 =	vadd.f32 v24, v19;
	v24 =	vmul.f32 v39, v30  }
0x372: {  	v18 =	vmul.f32 $6.931471820e-01, v18;
	v30 =	vadd.f32 v45, v48;
	v23 =	vadd.f32 v23, v40;
	v20 =	vld.idx.msk [tilespmem:v20+s6+$0x0], $0xffff;
	v36 =	vpop (erf)  }
0x373: {  	v21 =	vadd.f32 v21, v26;
	v8 =	vmov v32;
	v26 =	vmul.f32 v15, v38;
	v39 =	vld.idx.msk [tilespmem:v12+s10+$0x0], $0xffff;
	[tilespmem:s23+$0xFFFFFFE0] =	vst v19  }
0x374: {  	v15 =	vmul.f32 v36, v36;
	v30 =	vmul.f32 v30, v50;
	v18 =	vadd.f32 v24, v18;
	v19 =	vld.idx.msk [tilespmem:v34+s6+$0x0], $0xffff  }
0x375: {  	v21 =	vmul.f32 v21, v10;
	v43 =	vadd.s32 $0xC0CAFB0D, v26;
	v24 =	vmul.f32 v11, v10;
	v32 =	vld.idx.msk [tilespmem:v14+s8+$0x0], $0xffff;
	[tilespmem:s23+$0xFFFFFFF0] =	vst v23  }
0x376: {  	v38 =	vshra.s32 v43, $0x17;
	v40 =	vand.u32 $0xFF800000, v43;
	v11 =	vmovc v34;
	v37 =	vmul.f32 v37, v15;
	v23 =	vld.idx.msk [tilespmem:v14+s7+$0x0], $0xffff;
	[tilespmem:s23+$0x0] =	vst v18;
	s23 =	smov.u32 s22  }
0x377: {  	v26 =	vsub.s32 v26, v40;
	v15 =	vmul.f32 v33, v8;
	v33 =	vadd.f32 v21, v16;
	v43 =	vld.idx.msk [tilespmem:v14+s11+$0x0], $0xffff  }
0x378: {  	v18 =	vadd.f32 v44, v24;
	v21 =	vadd.f32 $1.000000000e+00, v26;
	v24 =	vcvt.s32.f32 v38;
	v40 =	vld.idx.msk [tilespmem:v34+s7+$0x0], $0xffff;
	[tilespmem:s21+$0x10] =	vst v30  }
0x379: {  	v30 =	vadd.f32 v31, v17;
	v31 =	vadd.s32 $0xC0CAFB0D, v37;
	v44 =	vld.idx.msk [tilespmem:v14+s5+$0x0], $0xffff;
	(erf) = vrcp.f32 v33  }
0x37a: {  	v17 =	vadd.s32 $0xC0CAFB0D, v35;
	v38 =	vmul.f32 v18, v10;
	v10 =	vmovc v25;
	v16 =	vmovc v19;
	v34 =	vld.idx.msk [tilespmem:v14+s10+$0x0], $0xffff;
	(erf) = vrcp.f32 v21  }
0x37b: {  	v25 =	vmul.f32 v39, v8;
	v18 =	vshra.s32 v17, $0x17;
	v21 =	vand.u32 $0xFF800000, v17;
	v19 =	vld.idx.msk [tilespmem:v12+s11+$0x0], $0xffff  }
0x37c: {  	v23 =	vmul.f32 v23, v13;
	v35 =	vsub.s32 v35, v21;
	v21 =	vand.u32 $0xFF800000, v31;
	v17 =	vld.idx.msk [tilespmem:v51+s1+$0x0], $0xffff  }
0x37d: {  	v39 =	vcvt.s32.f32 v18;
	v33 =	vadd.f32 $1.000000000e+00, v35;
	v46 =	vsub.s32 v37, v21;
	v45 =	vld.idx.msk [tilespmem:v12+s4+$0x0], $0xffff  }
0x37e: {  	v18 =	vshra.s32 v31, $0x17;
	v32 =	vadd.f32 v32, v23;
	v21 =	vadd.f32 $1.000000000e+00, v46;
	v47 =	vld.idx.msk [tilespmem:v14+s4+$0x0], $0xffff  }
0x37f: {  	v22 =	vadd.f32 v22, v28;
	v18 =	vcvt.s32.f32 v18;
	v48 =	vld.idx.msk [tilespmem:v11+s4+$0x0], $0xffff;
	(erf) = vrcp.f32 v33  }
0x380: {  	v27 =	vadd.f32 v41, v27;
	v31 =	vmul.f32 v34, v13;
	v33 =	vld.idx.msk [tilespmem:v14+s6+$0x0], $0xffff;
	(erf) = vrcp.f32 v21  }
0x381: {  	v22 =	vmul.f32 v22, v36;
	v23 =	vadd.f32 v19, v25;
	v25 =	vmul.f32 v30, v42;
	v21 =	vld.idx.msk [tilespmem:v11+s5+$0x0], $0xffff  }
.Ltmp4:
0x382: {  	v26 =	vadd.f32 $-1.000000000e+00, v26;
	v41 =	vadd.f32 v38, v29;
	v19 =	vmul.f32 $6.931471820e-01, v39;
	v34 =	vld.idx.msk [tilespmem:v12+s5+$0x0], $0xffff;
	v30 =	vpop (erf);
	(pc) =	sbr.rel @p0 .LBB2_10-.Ltmp4, $4  }
0x383: {  	v28 =	vmul.f32 v40, v10;
	v37 =	vadd.f32 v43, v31;
	[tilespmem:s21+$0xFFFFFFE0] =	vst v25;
	v25 =	vmul.f32 v30, v30;
	v29 =	vpop (erf)  }
0x384: {  	v31 =	vadd.f32 $-1.000000000e+00, v46;
	v40 =	vmul.f32 v47, v13;
	v38 =	vld.idx.msk [tilespmem:v17+s4+$0x0], $0xffff;
	[tilespmem:s21+$0x0] =	vst v22;
	v29 =	vmul.f32 v29, v26  }
0x385: {  	v36 =	vadd.f32 $-1.000000000e+00, v35;
	v26 =	vmul.f32 v48, v10;
	v39 =	vld.idx.msk [tilespmem:v17+s5+$0x0], $0xffff;
	v43 =	vmul.f32 v41, v25  }
0x386: {  	s26 =	sadd.s32 $0x40, s26;
	v42 =	vadd.f32 v44, v40;
	v41 =	vmul.f32 v45, v8;
	v35 =	vld.idx.msk [tilespmem:v17+s10+$0x0], $0xffff;
	v40 =	vmul.f32 v29, v29  }
0x387: {  	_ =	sdelay $0x2  }
0x388: {  	v22 =	vmul.f32 v38, v9  }
0x389: {  	v25 =	vld.idx.msk [tilespmem:v17+s6+$0x0], $0xffff  }
0x38a: {  	v45 =	vadd.s32 $0xC0CAFB0D, v43;
	v22 =	vadd.f32 v39, v22  }
0x38b: {  	v46 =	vand.u32 $0xFF800000, v45;
	v34 =	vadd.f32 v34, v41  }
0x38c: {  	v39 =	vsub.s32 v43, v46;
	v22 =	vmul.f32 v22, v9  }
0x38d: {  	v34 =	vmul.f32 v34, v8;
	v47 =	vadd.f32 $1.000000000e+00, v39  }
0x38e: {  	v22 =	vadd.f32 v22, v25  }
0x38f: {  	v20 =	vadd.f32 v34, v20;
	(erf) = vrcp.f32 v47;
	v25 =	vmul.f32 v32, v13  }
0x390: {  	(erf) = vrcp.f32 v22;
	v22 =	vmul.f32 v37, v13  }
0x391: {  	v13 =	vmul.f32 v42, v13;
	(erf) = vrcp.f32 v20;
	v20 =	vadd.f32 v21, v26  }
0x392: {  	v48 =	vld.idx.msk [tilespmem:v11+s8+$0x0], $0xffff;
	v26 =	vmul.f32 $6.769402030e-01, v40  }
0x393: {  	v50 =	vld.idx.msk [tilespmem:v17+s11+$0x0], $0xffff;
	v24 =	vmul.f32 $6.931471820e-01, v24;
	v13 =	vadd.f32 v13, v33;
	v20 =	vmul.f32 v20, v10  }
0x394: {  	v51 =	vld.idx.msk [tilespmem:v17+s7+$0x0], $0xffff;
	v27 =	vmul.f32 v27, v30;
	v23 =	vmul.f32 v23, v8;
	v21 =	vpop (erf);
	v26 =	vadd.f32 $1.999969600e+00, v26  }
0x395: {  	v21 =	vmul.f32 v21, v36;
	(erf) = vrcp.f32 v13;
	v13 =	vld.idx.msk [tilespmem:v11+s10+$0x0], $0xffff;
	v16 =	vadd.f32 v20, v16  }
0x396: {  	v20 =	vmul.f32 v35, v9;
	v26 =	vmul.f32 v26, v29;
	v29 =	vld.idx.msk [tilespmem:v14+s12+$0x0], $0xffff  }
0x397: {  	v55 =	vld.idx.msk [tilespmem:v11+s11+$0x0], $0xffff;
	v49 =	vshra.s32 v45, $0x17;
	v54 =	vpop (erf);
	v52 =	vmul.f32 v21, v21;
	(erf) = vrcp.f32 v16  }
0x398: {  	v56 =	vld.idx.msk [tilespmem:v17+s12+$0x0], $0xffff;
	v18 =	vmul.f32 $6.931471820e-01, v18;
	v34 =	vcvt.s32.f32 v49;
	v20 =	vadd.f32 v50, v20  }
0x399: {  	v53 =	vld.idx.msk [tilespmem:v12+s12+$0x0], $0xffff;
	v30 =	vadd.f32 $-1.000000000e+00, v39;
	v31 =	vmul.f32 v54, v31;
	v37 =	vmul.f32 $6.769402030e-01, v52  }
0x39a: {  	v28 =	vadd.f32 v48, v28;
	v16 =	vpop (erf);
	v13 =	vmul.f32 v13, v10;
	v20 =	vmul.f32 v20, v9  }
0x39b: {  	v57 =	vld.idx.msk [tilespmem:v17+s8+$0x0], $0xffff;
	v35 =	vpop (erf);
	v16 =	vmul.f32 v16, v30;
	v30 =	vmul.f32 v51, v9;
	v22 =	vadd.f32 v22, v29  }
0x39c: {  	v59 =	vld.idx.msk [tilespmem:v11+s12+$0x0], $0xffff;
	v29 =	vmul.f32 v31, v31;
	v33 =	vpop (erf);
	v13 =	vadd.f32 v55, v13;
	v61 =	vmul.f32 v35, v35  }
0x39d: {  	v20 =	vadd.f32 v20, v56;
	v58 =	vmul.f32 v33, v33;
	v60 =	vmul.f32 v16, v16  }
0x39e: {  	v23 =	vadd.f32 v23, v53;
	v29 =	vmul.f32 $6.769402030e-01, v29;
	v13 =	vmul.f32 v13, v10  }
0x39f: {  	v62 =	vpop (erf);
	v20 =	vmul.f32 v20, v61;
	v10 =	vmul.f32 v28, v10  }
0x3a0: {  	v30 =	vadd.f32 v57, v30;
	v23 =	vmul.f32 v23, v58;
	v47 =	vmul.f32 v62, v62;
	v49 =	vpop (erf)  }
0x3a1: {  	v38 =	vmul.f32 $6.769402030e-01, v60;
	v13 =	vadd.f32 v13, v59;
	v50 =	vmul.f32 v49, v49  }
0x3a2: {  	v28 =	vadd.s32 $0xC0CAFB0D, v20;
	v63 =	vadd.s32 $0xC0CAFB0D, v23;
	v22 =	vmul.f32 v22, v47  }
0x3a3: {  	v51 =	vld.idx.msk [tilespmem:v12+s8+$0x0], $0xffff;
	v54 =	vand.u32 $0xFF800000, v28;
	v48 =	vand.u32 $0xFF800000, v63;
	v13 =	vmul.f32 v13, v50  }
0x3a4: {  	v20 =	vsub.s32 v20, v54;
	v23 =	vsub.s32 v23, v48;
	v53 =	vadd.s32 $0xC0CAFB0D, v22  }
0x3a5: {  	v14 =	vld.idx.msk [tilespmem:v14+s9+$0x0], $0xffff;
	v52 =	vadd.f32 $1.000000000e+00, v23;
	v55 =	vand.u32 $0xFF800000, v53;
	v56 =	vadd.s32 $0xC0CAFB0D, v13  }
0x3a6: {  	v17 =	vld.idx.msk [tilespmem:v17+s9+$0x0], $0xffff;
	v44 =	vadd.f32 $1.000000000e+00, v20;
	v22 =	vsub.s32 v22, v55;
	v57 =	vand.u32 $0xFF800000, v56  }
0x3a7: {  	v12 =	vld.idx.msk [tilespmem:v12+s9+$0x0], $0xffff;
	(erf) = vrcp.f32 v52;
	v58 =	vadd.f32 $1.000000000e+00, v22;
	v13 =	vsub.s32 v13, v57  }
0x3a8: {  	v15 =	vadd.f32 v51, v15;
	(erf) = vrcp.f32 v44;
	v36 =	vadd.f32 $1.000000000e+00, v13  }
0x3a9: {  	v11 =	vld.idx.msk [tilespmem:v11+s9+$0x0], $0xffff;
	v37 =	vadd.f32 $1.999969600e+00, v37;
	v9 =	vmul.f32 v30, v9;
	(erf) = vrcp.f32 v58  }
0x3aa: {  	v14 =	vadd.f32 v25, v14;
	v8 =	vmul.f32 v15, v8;
	(erf) = vrcp.f32 v36  }
0x3ab: {  	v34 =	vmul.f32 $6.931471820e-01, v34;
	v29 =	vadd.f32 $1.999969600e+00, v29;
	v15 =	vadd.f32 $1.999969600e+00, v38  }
0x3ac: {  	v21 =	vmul.f32 v37, v21;
	v9 =	vadd.f32 v9, v17;
	v8 =	vadd.f32 v8, v12  }
0x3ad: {  	v12 =	vmul.f32 v15, v16;
	v16 =	vadd.f32 v26, v24;
	v26 =	vshra.s32 v28, $0x17  }
0x3ae: {  	v14 =	vmul.f32 v14, v62;
	v10 =	vadd.f32 v10, v11;
	v9 =	vmul.f32 v9, v35  }
0x3af: {  	v15 =	vmul.f32 v29, v31;
	v24 =	vshra.s32 v63, $0x17;
	v23 =	vadd.f32 $-1.000000000e+00, v23  }
0x3b0: {  	v28 =	vshra.s32 v53, $0x17;
	v24 =	vcvt.s32.f32 v24;
	v17 =	vcvt.s32.f32 v26;
	v26 =	vpop (erf)  }
0x3b1: {  	s21 =	sadd.s32 $0x40, s21;
	v20 =	vadd.f32 $-1.000000000e+00, v20;
	v25 =	vcvt.s32.f32 v28;
	v23 =	vmul.f32 v26, v23;
	v26 =	vpop (erf)  }
0x3b2: {  	[tilespmem:s21+$0xFFFFFFE0] =	vst v9;
	v9 =	vmul.f32 v10, v49;
	v22 =	vadd.f32 $-1.000000000e+00, v22;
	v13 =	vadd.f32 $-1.000000000e+00, v13;
	v29 =	vpop (erf)  }
0x3b3: {  	v20 =	vmul.f32 v26, v20;
	v28 =	vmul.f32 v23, v23;
	v26 =	vpop (erf)  }
0x3b4: {  	v19 =	vadd.f32 v21, v19;
	v22 =	vmul.f32 v29, v22;
	v13 =	vmul.f32 v26, v13  }
0x3b5: {  	[tilespmem:s23+$0x10] =	vst v16;
	v12 =	vadd.f32 v12, v34;
	v16 =	vmul.f32 v20, v20;
	v21 =	vmul.f32 $6.769402030e-01, v28  }
0x3b6: {  	[tilespmem:s24+$0xFFFFFFF0] =	vst v27;
	v8 =	vmul.f32 v8, v33;
	v15 =	vadd.f32 v15, v18;
	v26 =	vmul.f32 v13, v13  }
0x3b7: {  	[tilespmem:s23+$0xFFFFFFF0] =	vst v12;
	v18 =	vmul.f32 v22, v22;
	v16 =	vmul.f32 $6.769402030e-01, v16;
	v21 =	vadd.f32 $1.999969600e+00, v21  }
0x3b8: {  	v24 =	vmul.f32 $6.931471820e-01, v24;
	[tilespmem:s23+$0x0] =	vst v15;
	v15 =	vshra.s32 v56, $0x17;
	v12 =	vmul.f32 $6.769402030e-01, v26  }
0x3b9: {  	v18 =	vmul.f32 $6.769402030e-01, v18;
	v16 =	vadd.f32 $1.999969600e+00, v16;
	v11 =	vmul.f32 v21, v23  }
0x3ba: {  	v17 =	vmul.f32 $6.931471820e-01, v17;
	[tilespmem:s21+$0x10] =	vst v8;
	v8 =	vcvt.s32.f32 v15;
	v12 =	vadd.f32 $1.999969600e+00, v12  }
0x3bb: {  	[tilespmem:s23+$0xFFFFFFE0] =	vst v19;
	v15 =	vadd.f32 $1.999969600e+00, v18;
	v10 =	vmul.f32 v16, v20;
	v11 =	vadd.f32 v11, v24  }
0x3bc: {  	s22 =	sadd.s32 $0x40, s22;
	[tilespmem:s21+$0x0] =	vst v14;
	v8 =	vmul.f32 $6.931471820e-01, v8;
	v12 =	vmul.f32 v12, v13  }
0x3bd: {  	v10 =	vadd.f32 v10, v17;
	[tilespmem:s22+$0x10] =	vst v11;
	v11 =	vmul.f32 v15, v22;
	v13 =	vmul.f32 $6.931471820e-01, v25  }
0x3be: {  	[tilespmem:s21+$0xFFFFFFF0] =	vst v9;
	v8 =	vadd.f32 v12, v8  }
0x3bf: {  	[tilespmem:s22+$0xFFFFFFE0] =	vst v10;
	v9 =	vadd.f32 v11, v13  }
0x3c0: {  	[tilespmem:s22+$0xFFFFFFF0] =	vst v8  }
0x3c1: {  	[tilespmem:s22+$0x0] =	vst v9  }
0x3c2: {  	s21 =	rddreg [dreg:$0x10]  }
0x3c3: {  	[hbm4b:s21+s3] =	stream.linear.scatter [tilespmem:s16], [sflag:$0x4], $0x4000, $0x38;
	[tilespmem:$0x19880] =	vst v63  }
0x3c4: {  	s23 =	rddreg [dreg:$0x11]  }
0x3c5: {  	[hbm4b:s23+s3] =	stream.linear.scatter [tilespmem:s17], [sflag:$0x4], $0x4000, $0x38;
	[tilespmem:$0x19880] =	vst v63  }
0x3c6: {  	_ =	swait.ge [sflag:s0], $0x4000  }
0x3c7: {  	[sflag:s0] =	ssyncset.done $0x0  }
0x3c8: {  	s24 =	rddreg [dreg:$0x14];
	[sflag:s0] =	ssyncadd.s32 $0xFFFFC000  }
0x3c9: {  	[tilespmem:s2], [sflag:$0x2] =	stream.linear.gather [hbm4b:s24+s3], $0x4000, $0x38;
	[tilespmem:$0x19880] =	vst v63  }
0x3ca: {  	_ =	swait.ge [sflag:s18], $0x4000  }
0x3cb: {  	[sflag:s18] =	ssyncset.done $0x0  }
0x3cc: {  	[sflag:s18] =	ssyncadd.s32 $0xFFFFC000  }
0x3cd: {  	_ =	swait.ge [sflag:s18], $0x4000  }
0x3ce: {  	[sflag:s18] =	ssyncset.done $0x0  }
0x3cf: {  	s25 =	simm.s32 $0x18A0;
	[sflag:s18] =	ssyncadd.s32 $0xFFFFC000  }
0x3d0: {  	v15 =	vld [tilespmem:s25+$0x10];
	_ =	sdelay $0x2  }
0x3d1: {  	v17 =	vld [tilespmem:s25+$0xFFFFFFF0]  }
0x3d2: {  	v11 =	vld [tilespmem:s25+$0x0]  }
0x3d3: {  	v8 =	vmul.f32 $8.192000120e+02, v15;
	_ =	sdelay $0x1  }
0x3d4: {  	v8 =	vadd.f32 $2.868000000e+03, v8  }
0x3d5: {  	v9 =	vmul.f32 $8.192000120e+02, v17  }
0x3d6: {  	v10 =	vmul.f32 $8.192000120e+02, v11;
	v8 =	vmax.f32 v8, $0.0e+00  }
0x3d7: {  	v9 =	vadd.f32 $2.868000000e+03, v9;
	v8 =	vmin.f32 v8, $4.917000000e+03  }
0x3d8: {  	v10 =	vadd.f32 $2.868000000e+03, v10;
	v8 =	vtrunc.f32 v8  }
0x3d9: {  	v9 =	vmax.f32 v9, $0.0e+00;
	v8 =	vcvt.f32.s32 v8  }
0x3da: {  	v10 =	vmax.f32 v10, $0.0e+00;
	v9 =	vmin.f32 v9, $4.917000000e+03  }
0x3db: {  	v10 =	vmin.f32 v10, $4.917000000e+03;
	v9 =	vtrunc.f32 v9  }
0x3dc: {  	v10 =	vtrunc.f32 v10;
	v9 =	vcvt.f32.s32 v9  }
0x3dd: {  	v10 =	vcvt.f32.s32 v10;
	_ =	sdelay $0x1  }
0x3de: {  	v14 =	vld.idx.msk [tilespmem:v8+s1+$0x0], $0xffff  }
0x3df: {  	v16 =	vld [tilespmem:s25+$0xFFFFFFE0];
	_ =	sdelay $0x1  }
0x3e0: {  	v19 =	vld.idx.msk [tilespmem:v9+s1+$0x0], $0xffff  }
0x3e1: {  	v12 =	vld.idx.msk [tilespmem:v10+s1+$0x0], $0xffff;
	_ =	sdelay $0x1  }
0x3e2: {  	s26 =	simm.s32 $0x18E0;
	v8 =	vmul.f32 $8.192000120e+02, v16  }
0x3e3: {  	v10 =	vld [tilespmem:s26+$0xFFFFFFF0]  }
0x3e4: {  	v8 =	vadd.f32 $2.868000000e+03, v8;
	v9 =	vld.idx.msk [tilespmem:v14+s7+$0x0], $0xffff  }
0x3e5: {  	v20 =	vld.idx.msk [tilespmem:v14+s6+$0x0], $0xffff  }
0x3e6: {  	v8 =	vmax.f32 v8, $0.0e+00;
	v21 =	vld.idx.msk [tilespmem:v14+s10+$0x0], $0xffff  }
0x3e7: {  	v8 =	vmin.f32 v8, $4.917000000e+03;
	v18 =	vld.idx.msk [tilespmem:v19+s6+$0x0], $0xffff  }
0x3e8: {  	v8 =	vtrunc.f32 v8;
	v22 =	vld.idx.msk [tilespmem:v12+s8+$0x0], $0xffff  }
0x3e9: {  	v8 =	vcvt.f32.s32 v8;
	v23 =	vld.idx.msk [tilespmem:v12+s7+$0x0], $0xffff  }
0x3ea: {  	v24 =	vld.idx.msk [tilespmem:v12+s11+$0x0], $0xffff  }
0x3eb: {  	v25 =	vld.idx.msk [tilespmem:v19+s7+$0x0], $0xffff  }
0x3ec: {  	v26 =	vld.idx.msk [tilespmem:v12+s5+$0x0], $0xffff  }
0x3ed: {  	v28 =	vld.idx.msk [tilespmem:v12+s10+$0x0], $0xffff  }
0x3ee: {  	v13 =	vld.idx.msk [tilespmem:v12+s4+$0x0], $0xffff  }
0x3ef: {  	v27 =	vld.idx.msk [tilespmem:v8+s1+$0x0], $0xffff  }
0x3f0: {  	v29 =	vld.idx.msk [tilespmem:v14+s11+$0x0], $0xffff  }
0x3f1: {  	v30 =	vld.idx.msk [tilespmem:v14+s4+$0x0], $0xffff  }
0x3f2: {  	v31 =	vld.idx.msk [tilespmem:v19+s4+$0x0], $0xffff  }
0x3f3: {  	v61 =	vld.idx.msk [tilespmem:v14+s5+$0x0], $0xffff  }
0x3f4: {  	v63 =	vmul.f32 v9, v15;
	v9 =	vmul.f32 v13, v11;
	v13 =	vld [tilespmem:s26+$0x0]  }
0x3f5: {  	v59 =	vld.idx.msk [tilespmem:v12+s6+$0x0], $0xffff  }
0x3f6: {  	v33 =	vld.idx.msk [tilespmem:v19+s5+$0x0], $0xffff;
	v9 =	vadd.f32 v26, v9;
	v26 =	vmul.f32 v30, v15  }
0x3f7: {  	v60 =	vld.idx.msk [tilespmem:v27+s4+$0x0], $0xffff  }
0x3f8: {  	v8 =	vld [tilespmem:s26+$0x10];
	v52 =	vmul.f32 v9, v11;
	v9 =	vadd.f32 v61, v26;
	v26 =	vmul.f32 $8.192000120e+02, v10  }
0x3f9: {  	v21 =	vmul.f32 v21, v15;
	v54 =	vmul.f32 $8.192000120e+02, v13;
	v62 =	vld.idx.msk [tilespmem:v27+s5+$0x0], $0xffff  }
0x3fa: {  	v51 =	vld.idx.msk [tilespmem:v19+s8+$0x0], $0xffff;
	v23 =	vmul.f32 v23, v11;
	v26 =	vadd.f32 $2.868000000e+03, v26  }
0x3fb: {  	v28 =	vmul.f32 v28, v11;
	v21 =	vadd.f32 v29, v21;
	v29 =	vld.idx.msk [tilespmem:v14+s8+$0x0], $0xffff;
	v41 =	vadd.f32 $2.868000000e+03, v54  }
0x3fc: {  	v56 =	vmul.f32 v9, v15;
	v9 =	vld [tilespmem:s26+$0xFFFFFFE0];
	v26 =	vmax.f32 v26, $0.0e+00;
	v34 =	vmul.f32 v60, v16  }
0x3fd: {  	v49 =	vmul.f32 $8.192000120e+02, v8;
	v30 =	vld.idx.msk [tilespmem:v27+s6+$0x0], $0xffff;
	v26 =	vmin.f32 v26, $4.917000000e+03;
	v41 =	vmax.f32 v41, $0.0e+00  }
0x3fe: {  	v43 =	vld.idx.msk [tilespmem:v19+s12+$0x0], $0xffff;
	v26 =	vtrunc.f32 v26;
	v41 =	vmin.f32 v41, $4.917000000e+03;
	v34 =	vadd.f32 v62, v34  }
0x3ff: {  	v61 =	vld.idx.msk [tilespmem:v14+s9+$0x0], $0xffff;
	v32 =	vadd.f32 v52, v59;
	v26 =	vcvt.f32.s32 v26;
	v41 =	vtrunc.f32 v41  }
0x400: {  	v29 =	vadd.f32 v29, v63;
	v63 =	vld.idx.msk [tilespmem:v19+s11+$0x0], $0xffff;
	v59 =	vcvt.f32.s32 v41;
	v34 =	vmul.f32 v34, v16  }
0x401: {  	v22 =	vadd.f32 v22, v23;
	v24 =	vadd.f32 v24, v28;
	v48 =	vld.idx.msk [tilespmem:v27+s10+$0x0], $0xffff;
	v23 =	vmul.f32 $8.192000120e+02, v9  }
0x402: {  	v50 =	vadd.f32 $2.868000000e+03, v49;
	v53 =	vld.idx.msk [tilespmem:v27+s11+$0x0], $0xffff;
	v30 =	vadd.f32 v34, v30  }
0x403: {  	v22 =	vmul.f32 v22, v11;
	v57 =	vld.idx.msk [tilespmem:v27+s7+$0x0], $0xffff;
	v20 =	vadd.f32 v56, v20;
	v23 =	vadd.f32 $2.868000000e+03, v23  }
0x404: {  	v24 =	vmul.f32 v24, v11;
	v36 =	vmax.f32 v50, $0.0e+00;
	v60 =	vld.idx.msk [tilespmem:v14+s12+$0x0], $0xffff;
	(erf) = vrcp.f32 v30  }
0x405: {  	v36 =	vmin.f32 v36, $4.917000000e+03;
	v14 =	vmax.f32 v23, $0.0e+00;
	v11 =	vld.idx.msk [tilespmem:v26+s1+$0x0], $0xffff;
	(erf) = vrcp.f32 v20  }
0x406: {  	v36 =	vtrunc.f32 v36;
	v28 =	vmul.f32 v48, v16;
	v26 =	vmin.f32 v14, $4.917000000e+03;
	v14 =	vld.idx.msk [tilespmem:v59+s1+$0x0], $0xffff  }
0x407: {  	v36 =	vcvt.f32.s32 v36;
	v30 =	vld.idx.msk [tilespmem:v19+s9+$0x0], $0xffff  }
0x408: {  	v28 =	vadd.f32 v53, v28;
	v19 =	vld.idx.msk [tilespmem:v19+s10+$0x0], $0xffff  }
0x409: {  	v20 =	vld.idx.msk [tilespmem:v27+s12+$0x0], $0xffff  }
0x40a: {  	v25 =	vmul.f32 v25, v17;
	v58 =	vld.idx.msk [tilespmem:v27+s8+$0x0], $0xffff;
	v23 =	vmul.f32 v28, v16  }
0x40b: {  	v55 =	vld.idx.msk [tilespmem:v12+s12+$0x0], $0xffff;
	v31 =	vmul.f32 v31, v17;
	(erf) = vrcp.f32 v32  }
0x40c: {  	v21 =	vmul.f32 v21, v15;
	v15 =	vmul.f32 v29, v15;
	v41 =	vld.idx.msk [tilespmem:v12+s9+$0x0], $0xffff  }
0x40d: {  	v25 =	vadd.f32 v51, v25;
	v12 =	vld.idx.msk [tilespmem:v36+s1+$0x0], $0xffff;
	v26 =	vtrunc.f32 v26;
	v34 =	vmul.f32 v57, v16;
	v28 =	vpop (erf)  }
0x40e: {  	v26 =	vcvt.f32.s32 v26;
	v19 =	vmul.f32 v19, v17;
	v20 =	vadd.f32 v23, v20;
	v23 =	vpop (erf)  }
0x40f: {  	v21 =	vadd.f32 v21, v60;
	v29 =	vadd.f32 v58, v34;
	v40 =	vld.idx.msk [tilespmem:v14+s7+$0x0], $0xffff;
	v45 =	vmul.f32 v23, v23  }
0x410: {  	v31 =	vadd.f32 v33, v31;
	v25 =	vmul.f32 v25, v17;
	v27 =	vld.idx.msk [tilespmem:v27+s9+$0x0], $0xffff;
	v19 =	vadd.f32 v63, v19  }
0x411: {  	v15 =	vadd.f32 v15, v61;
	v29 =	vmul.f32 v29, v16;
	v16 =	vld.idx.msk [tilespmem:v11+s6+$0x0], $0xffff;
	v21 =	vmul.f32 v21, v45  }
0x412: {  	v24 =	vadd.f32 v24, v55;
	v22 =	vadd.f32 v22, v41;
	v55 =	vld.idx.msk [tilespmem:v11+s7+$0x0], $0xffff;
	v56 =	vmul.f32 v19, v17  }
0x413: {  	v60 =	vld.idx.msk [tilespmem:v11+s4+$0x0], $0xffff;
	v51 =	vmul.f32 v15, v23;
	v23 =	vmul.f32 v31, v17;
	v15 =	vadd.s32 $0xC0CAFB0D, v21  }
0x414: {  	v62 =	vmul.f32 v28, v28;
	v48 =	vpop (erf);
	v17 =	vld.idx.msk [tilespmem:v26+s1+$0x0], $0xffff;
	v26 =	vmul.f32 v40, v13;
	v52 =	vand.u32 $0xFF800000, v15  }
0x415: {  	v47 =	vld.idx.msk [tilespmem:v12+s7+$0x0], $0xffff;
	v50 =	vmul.f32 v48, v48;
	v18 =	vadd.f32 v23, v18;
	v53 =	vsub.s32 v21, v52  }
0x416: {  	v31 =	vld.idx.msk [tilespmem:v14+s8+$0x0], $0xffff;
	v46 =	vmul.f32 v20, v62;
	v22 =	vmul.f32 v22, v48;
	v21 =	vadd.f32 $1.000000000e+00, v53  }
0x417: {  	v29 =	vadd.f32 v29, v27;
	v27 =	vld.idx.msk [tilespmem:v14+s10+$0x0], $0xffff;
	v33 =	vmul.f32 v24, v50;
	(erf) = vrcp.f32 v18  }
0x418: {  	v49 =	vld.idx.msk [tilespmem:v12+s10+$0x0], $0xffff;
	v18 =	vadd.s32 $0xC0CAFB0D, v46;
	v24 =	vshra.s32 v15, $0x17;
	(erf) = vrcp.f32 v21  }
0x419: {  	v54 =	vld.idx.msk [tilespmem:v14+s11+$0x0], $0xffff;
	v23 =	vadd.s32 $0xC0CAFB0D, v33;
	v57 =	vshra.s32 v18, $0x17;
	v18 =	vand.u32 $0xFF800000, v18  }
0x41a: {  	v59 =	vld.idx.msk [tilespmem:v14+s5+$0x0], $0xffff;
	v15 =	vmul.f32 v47, v8;
	v58 =	vsub.s32 v46, v18;
	v18 =	vand.u32 $0xFF800000, v23  }
0x41b: {  	v19 =	vld.idx.msk [tilespmem:v12+s11+$0x0], $0xffff;
	v32 =	vadd.f32 v31, v26;
	v34 =	vadd.f32 $1.000000000e+00, v58;
	v46 =	vsub.s32 v33, v18  }
0x41c: {  	v26 =	vld.idx.msk [tilespmem:v14+s4+$0x0], $0xffff;
	v31 =	vmul.f32 v27, v13;
	v18 =	vshra.s32 v23, $0x17;
	v23 =	vadd.f32 $1.000000000e+00, v46  }
0x41d: {  	v20 =	vld.idx.msk [tilespmem:v12+s6+$0x0], $0xffff;
	v27 =	vadd.f32 v25, v30;
	v25 =	vmul.f32 v29, v28;
	(erf) = vrcp.f32 v34  }
0x41e: {  	v61 =	vadd.f32 v56, v43;
	v47 =	vld.idx.msk [tilespmem:v12+s4+$0x0], $0xffff;
	v28 =	vmul.f32 v55, v10;
	(erf) = vrcp.f32 v23  }
0x41f: {  	v24 =	vcvt.s32.f32 v24;
	v45 =	vcvt.s32.f32 v57;
	v33 =	vld.idx.msk [tilespmem:v14+s6+$0x0], $0xffff;
	v29 =	vadd.f32 $-1.000000000e+00, v53  }
0x420: {  	s21 =	simm.s32 $0x98A0;
	v37 =	vadd.f32 v54, v31;
	v18 =	vcvt.s32.f32 v18;
	v38 =	vld.idx.msk [tilespmem:v17+s4+$0x0], $0xffff;
	v21 =	vmul.f32 v49, v8;
	v30 =	vpop (erf)  }
0x421: {  	[tilespmem:s21+$0xFFFFFFE0] =	vst v25;
	v36 =	vadd.f32 $-1.000000000e+00, v58;
	v39 =	vld.idx.msk [tilespmem:v17+s5+$0x0], $0xffff;
	v25 =	vmul.f32 v26, v13;
	v62 =	vmul.f32 v30, v30;
	v63 =	vpop (erf)  }
0x422: {  	[tilespmem:s21+$0x10] =	vst v51;
	v31 =	vadd.f32 $-1.000000000e+00, v46;
	v35 =	vld.idx.msk [tilespmem:v17+s10+$0x0], $0xffff;
	v26 =	vmul.f32 v60, v10;
	v29 =	vmul.f32 v63, v29  }
0x423: {  	s22 =	simm.s32 $0x118A0;
	s23 =	simm.s32 $0x118A0;
	v34 =	vld.idx.msk [tilespmem:v12+s5+$0x0], $0xffff;
	v41 =	vmul.f32 v47, v8;
	v23 =	vadd.f32 v19, v21;
	v43 =	vmul.f32 v61, v62  }
0x424: {  	s24 =	simm.s32 $0x98A0;
	s25 =	simm.s32 $0x40;
	s26 =	simm.s32 $0x1920;
	[tilespmem:s21+$0x0] =	vst v22;
	v21 =	vld.idx.msk [tilespmem:v11+s5+$0x0], $0xffff;
	v19 =	vmul.f32 $6.931471820e-01, v45;
	v42 =	vadd.f32 v59, v25;
	v40 =	vmul.f32 v29, v29  }
.LBB2_12:
0x425: {  	v25 =	vld [tilespmem:s26+$0xFFFFFFF0];
	s25 =	sadd.s32 $0x40, s25;
	v22 =	vmul.f32 v32, v13;
	v37 =	vmul.f32 v37, v13;
	v44 =	vadd.s32 $0xC0CAFB0D, v43;
	s22 =	sadd.s32 $0x40, s22;
	s21 =	sadd.s32 $0x40, s21  }
0x426: {  	v32 =	vld [tilespmem:s26+$0x10];
	p0 =	slt.u32 s25, $0x3FC0;
	v42 =	vmul.f32 v42, v13;
	v47 =	vshra.s32 v44, $0x17;
	v44 =	vand.u32 $0xFF800000, v44;
	v46 =	vpop (erf)  }
0x427: {  	v40 =	vmul.f32 $6.769402030e-01, v40;
	v13 =	vld [tilespmem:s26+$0x0];
	v43 =	vsub.s32 v43, v44;
	v44 =	vcvt.s32.f32 v47;
	v45 =	vpop (erf)  }
0x428: {  	v38 =	vmul.f32 v38, v9;
	v36 =	vmul.f32 v46, v36;
	v33 =	vadd.f32 v42, v33  }
0x429: {  	v24 =	vmul.f32 $6.931471820e-01, v24;
	v34 =	vadd.f32 v34, v41;
	v41 =	vadd.f32 $1.000000000e+00, v43;
	v42 =	vld.idx.msk [tilespmem:v17+s6+$0x0], $0xffff  }
0x42a: {  	v38 =	vadd.f32 v39, v38;
	v39 =	vmul.f32 v36, v36;
	v46 =	vmul.f32 $8.192000120e+02, v25  }
0x42b: {  	v40 =	vadd.f32 $1.999969600e+00, v40;
	v35 =	vmul.f32 v35, v9;
	v47 =	vmul.f32 $8.192000120e+02, v32  }
0x42c: {  	v46 =	vadd.f32 $2.868000000e+03, v46;
	v48 =	vmul.f32 $8.192000120e+02, v13;
	(erf) = vrcp.f32 v41  }
0x42d: {  	v29 =	vmul.f32 v40, v29;
	v38 =	vmul.f32 v38, v9;
	v41 =	vadd.f32 $2.868000000e+03, v47;
	v47 =	vld.idx.msk [tilespmem:v11+s8+$0x0], $0xffff  }
0x42e: {  	v34 =	vmul.f32 v34, v8;
	v40 =	vmax.f32 v46, $0.0e+00;
	v46 =	vadd.f32 $2.868000000e+03, v48;
	v48 =	vld.idx.msk [tilespmem:v17+s11+$0x0], $0xffff  }
0x42f: {  	v24 =	vadd.f32 v29, v24;
	v38 =	vadd.f32 v38, v42;
	v41 =	vmax.f32 v41, $0.0e+00;
	v42 =	vld.idx.msk [tilespmem:v14+s12+$0x0], $0xffff  }
0x430: {  	v20 =	vadd.f32 v34, v20;
	v29 =	vmin.f32 v40, $4.917000000e+03;
	v49 =	vld [tilespmem:s26+$0xFFFFFFE0];
	v40 =	vmax.f32 v46, $0.0e+00  }
0x431: {  	v34 =	vtrunc.f32 v29;
	v29 =	vmin.f32 v41, $4.917000000e+03;
	v41 =	vld.idx.msk [tilespmem:v17+s7+$0x0], $0xffff;
	(erf) = vrcp.f32 v38;
	[tilespmem:s23+$0x10] =	vst v24  }
0x432: {  	v24 =	vmin.f32 v40, $4.917000000e+03;
	v29 =	vtrunc.f32 v29;
	(erf) = vrcp.f32 v20  }
0x433: {  	v30 =	vmul.f32 v27, v30;
	v38 =	vadd.f32 $-1.000000000e+00, v43;
	v20 =	vcvt.f32.s32 v29;
	v29 =	vld.idx.msk [tilespmem:v11+s12+$0x0], $0xffff  }
0x434: {  	v34 =	vcvt.f32.s32 v34;
	v40 =	vmul.f32 $6.931471820e-01, v44;
	v35 =	vadd.f32 v48, v35;
	v27 =	vld.idx.msk [tilespmem:v11+s9+$0x0], $0xffff  }
0x435: {  	v46 =	vadd.f32 v47, v28;
	v43 =	vmul.f32 $8.192000120e+02, v49;
	v44 =	vld.idx.msk [tilespmem:v17+s12+$0x0], $0xffff;
	[tilespmem:s24+$0xFFFFFFF0] =	vst v30;
	v30 =	vmul.f32 v45, v31;
	v28 =	vpop (erf);
	s24 =	smov.u32 s21  }
0x436: {  	v24 =	vtrunc.f32 v24;
	v37 =	vadd.f32 v37, v42;
	v31 =	vld.idx.msk [tilespmem:v17+s8+$0x0], $0xffff;
	v38 =	vmul.f32 v28, v38  }
0x437: {  	v24 =	vcvt.f32.s32 v24;
	v41 =	vmul.f32 v41, v9;
	v47 =	vadd.f32 $2.868000000e+03, v43;
	v28 =	vld.idx.msk [tilespmem:v14+s9+$0x0], $0xffff  }
0x438: {  	v23 =	vmul.f32 v23, v8;
	v45 =	vmul.f32 v30, v30;
	v43 =	vld.idx.msk [tilespmem:v12+s8+$0x0], $0xffff  }
0x439: {  	v35 =	vmul.f32 v35, v9;
	v14 =	vmax.f32 v47, $0.0e+00;
	v20 =	vld.idx.msk [tilespmem:v20+s1+$0x0], $0xffff;
	(erf) = vrcp.f32 v33  }
0x43a: {  	v39 =	vmul.f32 $6.769402030e-01, v39;
	v47 =	vmul.f32 v38, v38;
	v14 =	vmin.f32 v14, $4.917000000e+03;
	v33 =	vld.idx.msk [tilespmem:v12+s12+$0x0], $0xffff;
	v42 =	vpop (erf)  }
0x43b: {  	v35 =	vadd.f32 v35, v44;
	v14 =	vtrunc.f32 v14;
	v44 =	vmul.f32 v42, v42;
	v48 =	vld.idx.msk [tilespmem:v12+s9+$0x0], $0xffff;
	v50 =	vpop (erf)  }
0x43c: {  	v31 =	vadd.f32 v31, v41;
	v47 =	vmul.f32 $6.769402030e-01, v47;
	v51 =	vcvt.f32.s32 v14;
	v34 =	vld.idx.msk [tilespmem:v34+s1+$0x0], $0xffff  }
0x43d: {  	v41 =	vmul.f32 v46, v10;
	v14 =	vld.idx.msk [tilespmem:v24+s1+$0x0], $0xffff;
	v24 =	vadd.f32 $1.999969600e+00, v39;
	v39 =	vmul.f32 $6.769402030e-01, v45  }
0x43e: {  	v35 =	vmul.f32 v35, v44;
	v15 =	vadd.f32 v43, v15;
	v43 =	vadd.f32 $1.999969600e+00, v47;
	v44 =	vld.idx.msk [tilespmem:v11+s11+$0x0], $0xffff;
	v12 =	vmovc v20  }
0x43f: {  	v31 =	vmul.f32 v31, v9;
	v9 =	vmovc v49;
	v11 =	vld.idx.msk [tilespmem:v11+s10+$0x0], $0xffff;
	v24 =	vmul.f32 v24, v36;
	v39 =	vadd.f32 $1.999969600e+00, v39  }
0x440: {  	v45 =	vmul.f32 v15, v8;
	v15 =	vadd.f32 v23, v33;
	v23 =	vmul.f32 v43, v38;
	v17 =	vld.idx.msk [tilespmem:v17+s9+$0x0], $0xffff  }
0x441: {  	v38 =	vmul.f32 v50, v50;
	v33 =	vld.idx.msk [tilespmem:v20+s7+$0x0], $0xffff;
	v19 =	vadd.f32 v24, v19;
	v24 =	vmul.f32 v39, v30  }
0x442: {  	v18 =	vmul.f32 $6.931471820e-01, v18;
	v30 =	vadd.f32 v45, v48;
	v23 =	vadd.f32 v23, v40;
	v20 =	vld.idx.msk [tilespmem:v20+s6+$0x0], $0xffff;
	v36 =	vpop (erf)  }
0x443: {  	v21 =	vadd.f32 v21, v26;
	v8 =	vmov v32;
	v26 =	vmul.f32 v15, v38;
	v39 =	vld.idx.msk [tilespmem:v12+s10+$0x0], $0xffff;
	[tilespmem:s23+$0xFFFFFFE0] =	vst v19  }
0x444: {  	v15 =	vmul.f32 v36, v36;
	v30 =	vmul.f32 v30, v50;
	v18 =	vadd.f32 v24, v18;
	v19 =	vld.idx.msk [tilespmem:v34+s6+$0x0], $0xffff  }
0x445: {  	v21 =	vmul.f32 v21, v10;
	v43 =	vadd.s32 $0xC0CAFB0D, v26;
	v24 =	vmul.f32 v11, v10;
	v32 =	vld.idx.msk [tilespmem:v14+s8+$0x0], $0xffff;
	[tilespmem:s23+$0xFFFFFFF0] =	vst v23  }
0x446: {  	v38 =	vshra.s32 v43, $0x17;
	v40 =	vand.u32 $0xFF800000, v43;
	v11 =	vmovc v34;
	v37 =	vmul.f32 v37, v15;
	v23 =	vld.idx.msk [tilespmem:v14+s7+$0x0], $0xffff;
	[tilespmem:s23+$0x0] =	vst v18;
	s23 =	smov.u32 s22  }
0x447: {  	v26 =	vsub.s32 v26, v40;
	v15 =	vmul.f32 v33, v8;
	v33 =	vadd.f32 v21, v16;
	v43 =	vld.idx.msk [tilespmem:v14+s11+$0x0], $0xffff  }
0x448: {  	v18 =	vadd.f32 v44, v24;
	v21 =	vadd.f32 $1.000000000e+00, v26;
	v24 =	vcvt.s32.f32 v38;
	v40 =	vld.idx.msk [tilespmem:v34+s7+$0x0], $0xffff;
	[tilespmem:s21+$0x10] =	vst v30  }
0x449: {  	v30 =	vadd.f32 v31, v17;
	v31 =	vadd.s32 $0xC0CAFB0D, v37;
	v44 =	vld.idx.msk [tilespmem:v14+s5+$0x0], $0xffff;
	(erf) = vrcp.f32 v33  }
0x44a: {  	v17 =	vadd.s32 $0xC0CAFB0D, v35;
	v38 =	vmul.f32 v18, v10;
	v10 =	vmovc v25;
	v16 =	vmovc v19;
	v34 =	vld.idx.msk [tilespmem:v14+s10+$0x0], $0xffff;
	(erf) = vrcp.f32 v21  }
0x44b: {  	v25 =	vmul.f32 v39, v8;
	v18 =	vshra.s32 v17, $0x17;
	v21 =	vand.u32 $0xFF800000, v17;
	v19 =	vld.idx.msk [tilespmem:v12+s11+$0x0], $0xffff  }
0x44c: {  	v23 =	vmul.f32 v23, v13;
	v35 =	vsub.s32 v35, v21;
	v21 =	vand.u32 $0xFF800000, v31;
	v17 =	vld.idx.msk [tilespmem:v51+s1+$0x0], $0xffff  }
0x44d: {  	v39 =	vcvt.s32.f32 v18;
	v33 =	vadd.f32 $1.000000000e+00, v35;
	v46 =	vsub.s32 v37, v21;
	v45 =	vld.idx.msk [tilespmem:v12+s4+$0x0], $0xffff  }
0x44e: {  	v18 =	vshra.s32 v31, $0x17;
	v32 =	vadd.f32 v32, v23;
	v21 =	vadd.f32 $1.000000000e+00, v46;
	v47 =	vld.idx.msk [tilespmem:v14+s4+$0x0], $0xffff  }
0x44f: {  	v22 =	vadd.f32 v22, v28;
	v18 =	vcvt.s32.f32 v18;
	v48 =	vld.idx.msk [tilespmem:v11+s4+$0x0], $0xffff;
	(erf) = vrcp.f32 v33  }
0x450: {  	v27 =	vadd.f32 v41, v27;
	v31 =	vmul.f32 v34, v13;
	v33 =	vld.idx.msk [tilespmem:v14+s6+$0x0], $0xffff;
	(erf) = vrcp.f32 v21  }
0x451: {  	v22 =	vmul.f32 v22, v36;
	v23 =	vadd.f32 v19, v25;
	v25 =	vmul.f32 v30, v42;
	v21 =	vld.idx.msk [tilespmem:v11+s5+$0x0], $0xffff  }
.Ltmp5:
0x452: {  	v26 =	vadd.f32 $-1.000000000e+00, v26;
	v41 =	vadd.f32 v38, v29;
	v19 =	vmul.f32 $6.931471820e-01, v39;
	v34 =	vld.idx.msk [tilespmem:v12+s5+$0x0], $0xffff;
	v30 =	vpop (erf);
	(pc) =	sbr.rel @p0 .LBB2_12-.Ltmp5, $4  }
0x453: {  	v28 =	vmul.f32 v40, v10;
	v37 =	vadd.f32 v43, v31;
	[tilespmem:s21+$0xFFFFFFE0] =	vst v25;
	v25 =	vmul.f32 v30, v30;
	v29 =	vpop (erf)  }
0x454: {  	v31 =	vadd.f32 $-1.000000000e+00, v46;
	v40 =	vmul.f32 v47, v13;
	v38 =	vld.idx.msk [tilespmem:v17+s4+$0x0], $0xffff;
	[tilespmem:s21+$0x0] =	vst v22;
	v29 =	vmul.f32 v29, v26  }
0x455: {  	v36 =	vadd.f32 $-1.000000000e+00, v35;
	v26 =	vmul.f32 v48, v10;
	v39 =	vld.idx.msk [tilespmem:v17+s5+$0x0], $0xffff;
	v43 =	vmul.f32 v41, v25  }
0x456: {  	s26 =	sadd.s32 $0x40, s26;
	v42 =	vadd.f32 v44, v40;
	v41 =	vmul.f32 v45, v8;
	v35 =	vld.idx.msk [tilespmem:v17+s10+$0x0], $0xffff;
	v40 =	vmul.f32 v29, v29  }
0x457: {  	_ =	sdelay $0x2  }
0x458: {  	v22 =	vmul.f32 v38, v9  }
0x459: {  	v25 =	vld.idx.msk [tilespmem:v17+s6+$0x0], $0xffff  }
0x45a: {  	v45 =	vadd.s32 $0xC0CAFB0D, v43;
	v22 =	vadd.f32 v39, v22  }
0x45b: {  	v46 =	vand.u32 $0xFF800000, v45;
	v34 =	vadd.f32 v34, v41  }
0x45c: {  	v39 =	vsub.s32 v43, v46;
	v22 =	vmul.f32 v22, v9  }
0x45d: {  	v34 =	vmul.f32 v34, v8;
	v47 =	vadd.f32 $1.000000000e+00, v39  }
0x45e: {  	v22 =	vadd.f32 v22, v25  }
0x45f: {  	v20 =	vadd.f32 v34, v20;
	(erf) = vrcp.f32 v47;
	v25 =	vmul.f32 v32, v13  }
0x460: {  	(erf) = vrcp.f32 v22;
	v22 =	vmul.f32 v37, v13  }
0x461: {  	v13 =	vmul.f32 v42, v13;
	(erf) = vrcp.f32 v20;
	v20 =	vadd.f32 v21, v26  }
0x462: {  	v48 =	vld.idx.msk [tilespmem:v11+s8+$0x0], $0xffff;
	v26 =	vmul.f32 $6.769402030e-01, v40  }
0x463: {  	v50 =	vld.idx.msk [tilespmem:v17+s11+$0x0], $0xffff;
	v24 =	vmul.f32 $6.931471820e-01, v24;
	v13 =	vadd.f32 v13, v33;
	v20 =	vmul.f32 v20, v10  }
0x464: {  	v51 =	vld.idx.msk [tilespmem:v17+s7+$0x0], $0xffff;
	v27 =	vmul.f32 v27, v30;
	v23 =	vmul.f32 v23, v8;
	v21 =	vpop (erf);
	v26 =	vadd.f32 $1.999969600e+00, v26  }
0x465: {  	v21 =	vmul.f32 v21, v36;
	(erf) = vrcp.f32 v13;
	v13 =	vld.idx.msk [tilespmem:v11+s10+$0x0], $0xffff;
	v16 =	vadd.f32 v20, v16  }
0x466: {  	v20 =	vmul.f32 v35, v9;
	v26 =	vmul.f32 v26, v29;
	v29 =	vld.idx.msk [tilespmem:v14+s12+$0x0], $0xffff  }
0x467: {  	v55 =	vld.idx.msk [tilespmem:v11+s11+$0x0], $0xffff;
	v49 =	vshra.s32 v45, $0x17;
	v54 =	vpop (erf);
	v52 =	vmul.f32 v21, v21;
	(erf) = vrcp.f32 v16  }
0x468: {  	v56 =	vld.idx.msk [tilespmem:v17+s12+$0x0], $0xffff;
	v18 =	vmul.f32 $6.931471820e-01, v18;
	v34 =	vcvt.s32.f32 v49;
	v20 =	vadd.f32 v50, v20  }
0x469: {  	v53 =	vld.idx.msk [tilespmem:v12+s12+$0x0], $0xffff;
	v30 =	vadd.f32 $-1.000000000e+00, v39;
	v31 =	vmul.f32 v54, v31;
	v37 =	vmul.f32 $6.769402030e-01, v52  }
0x46a: {  	v28 =	vadd.f32 v48, v28;
	v16 =	vpop (erf);
	v13 =	vmul.f32 v13, v10;
	v20 =	vmul.f32 v20, v9  }
0x46b: {  	v57 =	vld.idx.msk [tilespmem:v17+s8+$0x0], $0xffff;
	v35 =	vpop (erf);
	v16 =	vmul.f32 v16, v30;
	v30 =	vmul.f32 v51, v9;
	v22 =	vadd.f32 v22, v29  }
0x46c: {  	v59 =	vld.idx.msk [tilespmem:v11+s12+$0x0], $0xffff;
	v29 =	vmul.f32 v31, v31;
	v33 =	vpop (erf);
	v13 =	vadd.f32 v55, v13;
	v61 =	vmul.f32 v35, v35  }
0x46d: {  	v20 =	vadd.f32 v20, v56;
	v58 =	vmul.f32 v33, v33;
	v60 =	vmul.f32 v16, v16  }
0x46e: {  	v23 =	vadd.f32 v23, v53;
	v29 =	vmul.f32 $6.769402030e-01, v29;
	v13 =	vmul.f32 v13, v10  }
0x46f: {  	v62 =	vpop (erf);
	v20 =	vmul.f32 v20, v61;
	v10 =	vmul.f32 v28, v10  }
0x470: {  	v30 =	vadd.f32 v57, v30;
	v23 =	vmul.f32 v23, v58;
	v47 =	vmul.f32 v62, v62;
	v49 =	vpop (erf)  }
0x471: {  	v38 =	vmul.f32 $6.769402030e-01, v60;
	v13 =	vadd.f32 v13, v59;
	v50 =	vmul.f32 v49, v49  }
0x472: {  	v28 =	vadd.s32 $0xC0CAFB0D, v20;
	v63 =	vadd.s32 $0xC0CAFB0D, v23;
	v22 =	vmul.f32 v22, v47  }
0x473: {  	v51 =	vld.idx.msk [tilespmem:v12+s8+$0x0], $0xffff;
	v54 =	vand.u32 $0xFF800000, v28;
	v48 =	vand.u32 $0xFF800000, v63;
	v13 =	vmul.f32 v13, v50  }
0x474: {  	v20 =	vsub.s32 v20, v54;
	v23 =	vsub.s32 v23, v48;
	v53 =	vadd.s32 $0xC0CAFB0D, v22  }
0x475: {  	v14 =	vld.idx.msk [tilespmem:v14+s9+$0x0], $0xffff;
	v52 =	vadd.f32 $1.000000000e+00, v23;
	v55 =	vand.u32 $0xFF800000, v53;
	v56 =	vadd.s32 $0xC0CAFB0D, v13  }
0x476: {  	v17 =	vld.idx.msk [tilespmem:v17+s9+$0x0], $0xffff;
	v44 =	vadd.f32 $1.000000000e+00, v20;
	v22 =	vsub.s32 v22, v55;
	v57 =	vand.u32 $0xFF800000, v56  }
0x477: {  	v12 =	vld.idx.msk [tilespmem:v12+s9+$0x0], $0xffff;
	(erf) = vrcp.f32 v52;
	v58 =	vadd.f32 $1.000000000e+00, v22;
	v13 =	vsub.s32 v13, v57  }
0x478: {  	v15 =	vadd.f32 v51, v15;
	(erf) = vrcp.f32 v44;
	v36 =	vadd.f32 $1.000000000e+00, v13  }
0x479: {  	v11 =	vld.idx.msk [tilespmem:v11+s9+$0x0], $0xffff;
	v37 =	vadd.f32 $1.999969600e+00, v37;
	v9 =	vmul.f32 v30, v9;
	(erf) = vrcp.f32 v58  }
0x47a: {  	v14 =	vadd.f32 v25, v14;
	v8 =	vmul.f32 v15, v8;
	(erf) = vrcp.f32 v36  }
0x47b: {  	v34 =	vmul.f32 $6.931471820e-01, v34;
	v29 =	vadd.f32 $1.999969600e+00, v29;
	v15 =	vadd.f32 $1.999969600e+00, v38  }
0x47c: {  	v21 =	vmul.f32 v37, v21;
	v9 =	vadd.f32 v9, v17;
	v8 =	vadd.f32 v8, v12  }
0x47d: {  	v12 =	vmul.f32 v15, v16;
	v16 =	vadd.f32 v26, v24;
	v26 =	vshra.s32 v28, $0x17  }
0x47e: {  	v14 =	vmul.f32 v14, v62;
	v10 =	vadd.f32 v10, v11;
	v9 =	vmul.f32 v9, v35  }
0x47f: {  	v15 =	vmul.f32 v29, v31;
	v24 =	vshra.s32 v63, $0x17;
	v23 =	vadd.f32 $-1.000000000e+00, v23  }
0x480: {  	v28 =	vshra.s32 v53, $0x17;
	v24 =	vcvt.s32.f32 v24;
	v17 =	vcvt.s32.f32 v26;
	v26 =	vpop (erf)  }
0x481: {  	s21 =	sadd.s32 $0x40, s21;
	v20 =	vadd.f32 $-1.000000000e+00, v20;
	v25 =	vcvt.s32.f32 v28;
	v23 =	vmul.f32 v26, v23;
	v26 =	vpop (erf)  }
0x482: {  	[tilespmem:s21+$0xFFFFFFE0] =	vst v9;
	v9 =	vmul.f32 v10, v49;
	v22 =	vadd.f32 $-1.000000000e+00, v22;
	v13 =	vadd.f32 $-1.000000000e+00, v13;
	v29 =	vpop (erf)  }
0x483: {  	v20 =	vmul.f32 v26, v20;
	v28 =	vmul.f32 v23, v23;
	v26 =	vpop (erf)  }
0x484: {  	v19 =	vadd.f32 v21, v19;
	v22 =	vmul.f32 v29, v22;
	v13 =	vmul.f32 v26, v13  }
0x485: {  	[tilespmem:s23+$0x10] =	vst v16;
	v12 =	vadd.f32 v12, v34;
	v16 =	vmul.f32 v20, v20;
	v21 =	vmul.f32 $6.769402030e-01, v28  }
0x486: {  	[tilespmem:s24+$0xFFFFFFF0] =	vst v27;
	v8 =	vmul.f32 v8, v33;
	v15 =	vadd.f32 v15, v18;
	v26 =	vmul.f32 v13, v13  }
0x487: {  	[tilespmem:s23+$0xFFFFFFF0] =	vst v12;
	v18 =	vmul.f32 v22, v22;
	v16 =	vmul.f32 $6.769402030e-01, v16;
	v21 =	vadd.f32 $1.999969600e+00, v21  }
0x488: {  	v24 =	vmul.f32 $6.931471820e-01, v24;
	[tilespmem:s23+$0x0] =	vst v15;
	v15 =	vshra.s32 v56, $0x17;
	v12 =	vmul.f32 $6.769402030e-01, v26  }
0x489: {  	v18 =	vmul.f32 $6.769402030e-01, v18;
	v16 =	vadd.f32 $1.999969600e+00, v16;
	v11 =	vmul.f32 v21, v23  }
0x48a: {  	v17 =	vmul.f32 $6.931471820e-01, v17;
	[tilespmem:s21+$0x10] =	vst v8;
	v8 =	vcvt.s32.f32 v15;
	v12 =	vadd.f32 $1.999969600e+00, v12  }
0x48b: {  	[tilespmem:s23+$0xFFFFFFE0] =	vst v19;
	v15 =	vadd.f32 $1.999969600e+00, v18;
	v10 =	vmul.f32 v16, v20;
	v11 =	vadd.f32 v11, v24  }
0x48c: {  	s22 =	sadd.s32 $0x40, s22;
	[tilespmem:s21+$0x0] =	vst v14;
	v8 =	vmul.f32 $6.931471820e-01, v8;
	v12 =	vmul.f32 v12, v13  }
0x48d: {  	v10 =	vadd.f32 v10, v17;
	[tilespmem:s22+$0x10] =	vst v11;
	v11 =	vmul.f32 v15, v22;
	v13 =	vmul.f32 $6.931471820e-01, v25  }
0x48e: {  	[tilespmem:s21+$0xFFFFFFF0] =	vst v9;
	v8 =	vadd.f32 v12, v8  }
0x48f: {  	[tilespmem:s22+$0xFFFFFFE0] =	vst v10;
	v9 =	vadd.f32 v11, v13  }
0x490: {  	[tilespmem:s22+$0xFFFFFFF0] =	vst v8  }
0x491: {  	[tilespmem:s22+$0x0] =	vst v9  }
0x492: {  	s21 =	rddreg [dreg:$0x12]  }
0x493: {  	[hbm4b:s21+s3] =	stream.linear.scatter [tilespmem:s13], [sflag:$0x3], $0x4000, $0x38;
	[tilespmem:$0x19880] =	vst v63  }
0x494: {  	s23 =	rddreg [dreg:$0x13]  }
0x495: {  	[hbm4b:s23+s3] =	stream.linear.scatter [tilespmem:s14], [sflag:$0x3], $0x4000, $0x38;
	[tilespmem:$0x19880] =	vst v63  }
0x496: {  	_ =	swait.ge [sflag:s15], $0x4000  }
0x497: {  	[sflag:s15] =	ssyncset.done $0x0  }
0x498: {  	s24 =	rddreg [dreg:$0x17];
	[sflag:s15] =	ssyncadd.s32 $0xFFFFC000  }
0x499: {  	[tilespmem:s30], [sflag:$0x1] =	stream.linear.gather [hbm4b:s24+s3], $0x4000, $0x38;
	[tilespmem:$0x19880] =	vst v63  }
0x49a: {  	_ =	swait.ge [sflag:s19], $0x4000  }
0x49b: {  	[sflag:s19] =	ssyncset.done $0x0  }
0x49c: {  	[sflag:s19] =	ssyncadd.s32 $0xFFFFC000  }
0x49d: {  	_ =	swait.ge [sflag:s19], $0x4000  }
0x49e: {  	[sflag:s19] =	ssyncset.done $0x0  }
0x49f: {  	s25 =	simm.s32 $0x58A0;
	[sflag:s19] =	ssyncadd.s32 $0xFFFFC000  }
0x4a0: {  	v15 =	vld [tilespmem:s25+$0x10];
	_ =	sdelay $0x2  }
0x4a1: {  	v17 =	vld [tilespmem:s25+$0xFFFFFFF0]  }
0x4a2: {  	v11 =	vld [tilespmem:s25+$0x0]  }
0x4a3: {  	v8 =	vmul.f32 $8.192000120e+02, v15;
	_ =	sdelay $0x1  }
0x4a4: {  	v8 =	vadd.f32 $2.868000000e+03, v8  }
0x4a5: {  	v9 =	vmul.f32 $8.192000120e+02, v17  }
0x4a6: {  	v10 =	vmul.f32 $8.192000120e+02, v11;
	v8 =	vmax.f32 v8, $0.0e+00  }
0x4a7: {  	v9 =	vadd.f32 $2.868000000e+03, v9;
	v8 =	vmin.f32 v8, $4.917000000e+03  }
0x4a8: {  	v10 =	vadd.f32 $2.868000000e+03, v10;
	v8 =	vtrunc.f32 v8  }
0x4a9: {  	v9 =	vmax.f32 v9, $0.0e+00;
	v8 =	vcvt.f32.s32 v8  }
0x4aa: {  	v10 =	vmax.f32 v10, $0.0e+00;
	v9 =	vmin.f32 v9, $4.917000000e+03  }
0x4ab: {  	v10 =	vmin.f32 v10, $4.917000000e+03;
	v9 =	vtrunc.f32 v9  }
0x4ac: {  	v10 =	vtrunc.f32 v10;
	v9 =	vcvt.f32.s32 v9  }
0x4ad: {  	v10 =	vcvt.f32.s32 v10;
	_ =	sdelay $0x1  }
0x4ae: {  	v14 =	vld.idx.msk [tilespmem:v8+s1+$0x0], $0xffff  }
0x4af: {  	v16 =	vld [tilespmem:s25+$0xFFFFFFE0];
	_ =	sdelay $0x1  }
0x4b0: {  	v19 =	vld.idx.msk [tilespmem:v9+s1+$0x0], $0xffff  }
0x4b1: {  	v12 =	vld.idx.msk [tilespmem:v10+s1+$0x0], $0xffff;
	_ =	sdelay $0x1  }
0x4b2: {  	s26 =	simm.s32 $0x58E0;
	v8 =	vmul.f32 $8.192000120e+02, v16  }
0x4b3: {  	v10 =	vld [tilespmem:s26+$0xFFFFFFF0]  }
0x4b4: {  	v8 =	vadd.f32 $2.868000000e+03, v8;
	v9 =	vld.idx.msk [tilespmem:v14+s7+$0x0], $0xffff  }
0x4b5: {  	v20 =	vld.idx.msk [tilespmem:v14+s6+$0x0], $0xffff  }
0x4b6: {  	v8 =	vmax.f32 v8, $0.0e+00;
	v21 =	vld.idx.msk [tilespmem:v14+s10+$0x0], $0xffff  }
0x4b7: {  	v8 =	vmin.f32 v8, $4.917000000e+03;
	v18 =	vld.idx.msk [tilespmem:v19+s6+$0x0], $0xffff  }
0x4b8: {  	v8 =	vtrunc.f32 v8;
	v22 =	vld.idx.msk [tilespmem:v12+s8+$0x0], $0xffff  }
0x4b9: {  	v8 =	vcvt.f32.s32 v8;
	v23 =	vld.idx.msk [tilespmem:v12+s7+$0x0], $0xffff  }
0x4ba: {  	v24 =	vld.idx.msk [tilespmem:v12+s11+$0x0], $0xffff  }
0x4bb: {  	v25 =	vld.idx.msk [tilespmem:v19+s7+$0x0], $0xffff  }
0x4bc: {  	v26 =	vld.idx.msk [tilespmem:v12+s5+$0x0], $0xffff  }
0x4bd: {  	v28 =	vld.idx.msk [tilespmem:v12+s10+$0x0], $0xffff  }
0x4be: {  	v13 =	vld.idx.msk [tilespmem:v12+s4+$0x0], $0xffff  }
0x4bf: {  	v27 =	vld.idx.msk [tilespmem:v8+s1+$0x0], $0xffff  }
0x4c0: {  	v29 =	vld.idx.msk [tilespmem:v14+s11+$0x0], $0xffff  }
0x4c1: {  	v30 =	vld.idx.msk [tilespmem:v14+s4+$0x0], $0xffff  }
0x4c2: {  	v31 =	vld.idx.msk [tilespmem:v19+s4+$0x0], $0xffff  }
0x4c3: {  	v61 =	vld.idx.msk [tilespmem:v14+s5+$0x0], $0xffff  }
0x4c4: {  	v63 =	vmul.f32 v9, v15;
	v9 =	vmul.f32 v13, v11;
	v13 =	vld [tilespmem:s26+$0x0]  }
0x4c5: {  	v59 =	vld.idx.msk [tilespmem:v12+s6+$0x0], $0xffff  }
0x4c6: {  	v33 =	vld.idx.msk [tilespmem:v19+s5+$0x0], $0xffff;
	v9 =	vadd.f32 v26, v9;
	v26 =	vmul.f32 v30, v15  }
0x4c7: {  	v60 =	vld.idx.msk [tilespmem:v27+s4+$0x0], $0xffff  }
0x4c8: {  	v8 =	vld [tilespmem:s26+$0x10];
	v52 =	vmul.f32 v9, v11;
	v9 =	vadd.f32 v61, v26;
	v26 =	vmul.f32 $8.192000120e+02, v10  }
0x4c9: {  	v21 =	vmul.f32 v21, v15;
	v54 =	vmul.f32 $8.192000120e+02, v13;
	v62 =	vld.idx.msk [tilespmem:v27+s5+$0x0], $0xffff  }
0x4ca: {  	v51 =	vld.idx.msk [tilespmem:v19+s8+$0x0], $0xffff;
	v23 =	vmul.f32 v23, v11;
	v26 =	vadd.f32 $2.868000000e+03, v26  }
0x4cb: {  	v28 =	vmul.f32 v28, v11;
	v21 =	vadd.f32 v29, v21;
	v29 =	vld.idx.msk [tilespmem:v14+s8+$0x0], $0xffff;
	v41 =	vadd.f32 $2.868000000e+03, v54  }
0x4cc: {  	v56 =	vmul.f32 v9, v15;
	v9 =	vld [tilespmem:s26+$0xFFFFFFE0];
	v26 =	vmax.f32 v26, $0.0e+00;
	v34 =	vmul.f32 v60, v16  }
0x4cd: {  	v49 =	vmul.f32 $8.192000120e+02, v8;
	v30 =	vld.idx.msk [tilespmem:v27+s6+$0x0], $0xffff;
	v26 =	vmin.f32 v26, $4.917000000e+03;
	v41 =	vmax.f32 v41, $0.0e+00  }
0x4ce: {  	v43 =	vld.idx.msk [tilespmem:v19+s12+$0x0], $0xffff;
	v26 =	vtrunc.f32 v26;
	v41 =	vmin.f32 v41, $4.917000000e+03;
	v34 =	vadd.f32 v62, v34  }
0x4cf: {  	v61 =	vld.idx.msk [tilespmem:v14+s9+$0x0], $0xffff;
	v32 =	vadd.f32 v52, v59;
	v26 =	vcvt.f32.s32 v26;
	v41 =	vtrunc.f32 v41  }
0x4d0: {  	v29 =	vadd.f32 v29, v63;
	v63 =	vld.idx.msk [tilespmem:v19+s11+$0x0], $0xffff;
	v59 =	vcvt.f32.s32 v41;
	v34 =	vmul.f32 v34, v16  }
0x4d1: {  	v22 =	vadd.f32 v22, v23;
	v24 =	vadd.f32 v24, v28;
	v48 =	vld.idx.msk [tilespmem:v27+s10+$0x0], $0xffff;
	v23 =	vmul.f32 $8.192000120e+02, v9  }
0x4d2: {  	v50 =	vadd.f32 $2.868000000e+03, v49;
	v53 =	vld.idx.msk [tilespmem:v27+s11+$0x0], $0xffff;
	v30 =	vadd.f32 v34, v30  }
0x4d3: {  	v22 =	vmul.f32 v22, v11;
	v57 =	vld.idx.msk [tilespmem:v27+s7+$0x0], $0xffff;
	v20 =	vadd.f32 v56, v20;
	v23 =	vadd.f32 $2.868000000e+03, v23  }
0x4d4: {  	v24 =	vmul.f32 v24, v11;
	v36 =	vmax.f32 v50, $0.0e+00;
	v60 =	vld.idx.msk [tilespmem:v14+s12+$0x0], $0xffff;
	(erf) = vrcp.f32 v30  }
0x4d5: {  	v36 =	vmin.f32 v36, $4.917000000e+03;
	v14 =	vmax.f32 v23, $0.0e+00;
	v11 =	vld.idx.msk [tilespmem:v26+s1+$0x0], $0xffff;
	(erf) = vrcp.f32 v20  }
0x4d6: {  	v36 =	vtrunc.f32 v36;
	v28 =	vmul.f32 v48, v16;
	v26 =	vmin.f32 v14, $4.917000000e+03;
	v14 =	vld.idx.msk [tilespmem:v59+s1+$0x0], $0xffff  }
0x4d7: {  	v36 =	vcvt.f32.s32 v36;
	v30 =	vld.idx.msk [tilespmem:v19+s9+$0x0], $0xffff  }
0x4d8: {  	v28 =	vadd.f32 v53, v28;
	v19 =	vld.idx.msk [tilespmem:v19+s10+$0x0], $0xffff  }
0x4d9: {  	v20 =	vld.idx.msk [tilespmem:v27+s12+$0x0], $0xffff  }
0x4da: {  	v25 =	vmul.f32 v25, v17;
	v58 =	vld.idx.msk [tilespmem:v27+s8+$0x0], $0xffff;
	v23 =	vmul.f32 v28, v16  }
0x4db: {  	v55 =	vld.idx.msk [tilespmem:v12+s12+$0x0], $0xffff;
	v31 =	vmul.f32 v31, v17;
	(erf) = vrcp.f32 v32  }
0x4dc: {  	v21 =	vmul.f32 v21, v15;
	v15 =	vmul.f32 v29, v15;
	v41 =	vld.idx.msk [tilespmem:v12+s9+$0x0], $0xffff  }
0x4dd: {  	v25 =	vadd.f32 v51, v25;
	v12 =	vld.idx.msk [tilespmem:v36+s1+$0x0], $0xffff;
	v26 =	vtrunc.f32 v26;
	v34 =	vmul.f32 v57, v16;
	v28 =	vpop (erf)  }
0x4de: {  	v26 =	vcvt.f32.s32 v26;
	v19 =	vmul.f32 v19, v17;
	v20 =	vadd.f32 v23, v20;
	v23 =	vpop (erf)  }
0x4df: {  	v21 =	vadd.f32 v21, v60;
	v29 =	vadd.f32 v58, v34;
	v40 =	vld.idx.msk [tilespmem:v14+s7+$0x0], $0xffff;
	v45 =	vmul.f32 v23, v23  }
0x4e0: {  	v31 =	vadd.f32 v33, v31;
	v25 =	vmul.f32 v25, v17;
	v27 =	vld.idx.msk [tilespmem:v27+s9+$0x0], $0xffff;
	v19 =	vadd.f32 v63, v19  }
0x4e1: {  	v15 =	vadd.f32 v15, v61;
	v29 =	vmul.f32 v29, v16;
	v16 =	vld.idx.msk [tilespmem:v11+s6+$0x0], $0xffff;
	v21 =	vmul.f32 v21, v45  }
0x4e2: {  	v24 =	vadd.f32 v24, v55;
	v22 =	vadd.f32 v22, v41;
	v55 =	vld.idx.msk [tilespmem:v11+s7+$0x0], $0xffff;
	v56 =	vmul.f32 v19, v17  }
0x4e3: {  	v60 =	vld.idx.msk [tilespmem:v11+s4+$0x0], $0xffff;
	v51 =	vmul.f32 v15, v23;
	v23 =	vmul.f32 v31, v17;
	v15 =	vadd.s32 $0xC0CAFB0D, v21  }
0x4e4: {  	v62 =	vmul.f32 v28, v28;
	v48 =	vpop (erf);
	v17 =	vld.idx.msk [tilespmem:v26+s1+$0x0], $0xffff;
	v26 =	vmul.f32 v40, v13;
	v52 =	vand.u32 $0xFF800000, v15  }
0x4e5: {  	v47 =	vld.idx.msk [tilespmem:v12+s7+$0x0], $0xffff;
	v50 =	vmul.f32 v48, v48;
	v18 =	vadd.f32 v23, v18;
	v53 =	vsub.s32 v21, v52  }
0x4e6: {  	v31 =	vld.idx.msk [tilespmem:v14+s8+$0x0], $0xffff;
	v46 =	vmul.f32 v20, v62;
	v22 =	vmul.f32 v22, v48;
	v21 =	vadd.f32 $1.000000000e+00, v53  }
0x4e7: {  	v29 =	vadd.f32 v29, v27;
	v27 =	vld.idx.msk [tilespmem:v14+s10+$0x0], $0xffff;
	v33 =	vmul.f32 v24, v50;
	(erf) = vrcp.f32 v18  }
0x4e8: {  	v49 =	vld.idx.msk [tilespmem:v12+s10+$0x0], $0xffff;
	v18 =	vadd.s32 $0xC0CAFB0D, v46;
	v24 =	vshra.s32 v15, $0x17;
	(erf) = vrcp.f32 v21  }
0x4e9: {  	v54 =	vld.idx.msk [tilespmem:v14+s11+$0x0], $0xffff;
	v23 =	vadd.s32 $0xC0CAFB0D, v33;
	v57 =	vshra.s32 v18, $0x17;
	v18 =	vand.u32 $0xFF800000, v18  }
0x4ea: {  	v59 =	vld.idx.msk [tilespmem:v14+s5+$0x0], $0xffff;
	v15 =	vmul.f32 v47, v8;
	v58 =	vsub.s32 v46, v18;
	v18 =	vand.u32 $0xFF800000, v23  }
0x4eb: {  	v19 =	vld.idx.msk [tilespmem:v12+s11+$0x0], $0xffff;
	v32 =	vadd.f32 v31, v26;
	v34 =	vadd.f32 $1.000000000e+00, v58;
	v46 =	vsub.s32 v33, v18  }
0x4ec: {  	v26 =	vld.idx.msk [tilespmem:v14+s4+$0x0], $0xffff;
	v31 =	vmul.f32 v27, v13;
	v18 =	vshra.s32 v23, $0x17;
	v23 =	vadd.f32 $1.000000000e+00, v46  }
0x4ed: {  	v20 =	vld.idx.msk [tilespmem:v12+s6+$0x0], $0xffff;
	v27 =	vadd.f32 v25, v30;
	v25 =	vmul.f32 v29, v28;
	(erf) = vrcp.f32 v34  }
0x4ee: {  	v61 =	vadd.f32 v56, v43;
	v47 =	vld.idx.msk [tilespmem:v12+s4+$0x0], $0xffff;
	v28 =	vmul.f32 v55, v10;
	(erf) = vrcp.f32 v23  }
0x4ef: {  	v24 =	vcvt.s32.f32 v24;
	v45 =	vcvt.s32.f32 v57;
	v33 =	vld.idx.msk [tilespmem:v14+s6+$0x0], $0xffff;
	v29 =	vadd.f32 $-1.000000000e+00, v53  }
0x4f0: {  	s21 =	simm.s32 $0xD8A0;
	v37 =	vadd.f32 v54, v31;
	v18 =	vcvt.s32.f32 v18;
	v38 =	vld.idx.msk [tilespmem:v17+s4+$0x0], $0xffff;
	v21 =	vmul.f32 v49, v8;
	v30 =	vpop (erf)  }
0x4f1: {  	[tilespmem:s21+$0xFFFFFFE0] =	vst v25;
	v36 =	vadd.f32 $-1.000000000e+00, v58;
	v39 =	vld.idx.msk [tilespmem:v17+s5+$0x0], $0xffff;
	v25 =	vmul.f32 v26, v13;
	v62 =	vmul.f32 v30, v30;
	v63 =	vpop (erf)  }
0x4f2: {  	[tilespmem:s21+$0x10] =	vst v51;
	v31 =	vadd.f32 $-1.000000000e+00, v46;
	v35 =	vld.idx.msk [tilespmem:v17+s10+$0x0], $0xffff;
	v26 =	vmul.f32 v60, v10;
	v29 =	vmul.f32 v63, v29  }
0x4f3: {  	s22 =	simm.s32 $0x158A0;
	s23 =	simm.s32 $0x158A0;
	v34 =	vld.idx.msk [tilespmem:v12+s5+$0x0], $0xffff;
	v41 =	vmul.f32 v47, v8;
	v23 =	vadd.f32 v19, v21;
	v43 =	vmul.f32 v61, v62  }
0x4f4: {  	s24 =	simm.s32 $0xD8A0;
	s25 =	simm.s32 $0x40;
	s26 =	simm.s32 $0x5920;
	[tilespmem:s21+$0x0] =	vst v22;
	v21 =	vld.idx.msk [tilespmem:v11+s5+$0x0], $0xffff;
	v19 =	vmul.f32 $6.931471820e-01, v45;
	v42 =	vadd.f32 v59, v25;
	v40 =	vmul.f32 v29, v29  }
.LBB2_14:
0x4f5: {  	v25 =	vld [tilespmem:s26+$0xFFFFFFF0];
	s25 =	sadd.s32 $0x40, s25;
	v22 =	vmul.f32 v32, v13;
	v37 =	vmul.f32 v37, v13;
	v44 =	vadd.s32 $0xC0CAFB0D, v43;
	s22 =	sadd.s32 $0x40, s22;
	s21 =	sadd.s32 $0x40, s21  }
0x4f6: {  	v32 =	vld [tilespmem:s26+$0x10];
	p0 =	slt.u32 s25, $0x3FC0;
	v42 =	vmul.f32 v42, v13;
	v47 =	vshra.s32 v44, $0x17;
	v44 =	vand.u32 $0xFF800000, v44;
	v46 =	vpop (erf)  }
0x4f7: {  	v40 =	vmul.f32 $6.769402030e-01, v40;
	v13 =	vld [tilespmem:s26+$0x0];
	v43 =	vsub.s32 v43, v44;
	v44 =	vcvt.s32.f32 v47;
	v45 =	vpop (erf)  }
0x4f8: {  	v38 =	vmul.f32 v38, v9;
	v36 =	vmul.f32 v46, v36;
	v33 =	vadd.f32 v42, v33  }
0x4f9: {  	v24 =	vmul.f32 $6.931471820e-01, v24;
	v34 =	vadd.f32 v34, v41;
	v41 =	vadd.f32 $1.000000000e+00, v43;
	v42 =	vld.idx.msk [tilespmem:v17+s6+$0x0], $0xffff  }
0x4fa: {  	v38 =	vadd.f32 v39, v38;
	v39 =	vmul.f32 v36, v36;
	v46 =	vmul.f32 $8.192000120e+02, v25  }
0x4fb: {  	v40 =	vadd.f32 $1.999969600e+00, v40;
	v35 =	vmul.f32 v35, v9;
	v47 =	vmul.f32 $8.192000120e+02, v32  }
0x4fc: {  	v46 =	vadd.f32 $2.868000000e+03, v46;
	v48 =	vmul.f32 $8.192000120e+02, v13;
	(erf) = vrcp.f32 v41  }
0x4fd: {  	v29 =	vmul.f32 v40, v29;
	v38 =	vmul.f32 v38, v9;
	v41 =	vadd.f32 $2.868000000e+03, v47;
	v47 =	vld.idx.msk [tilespmem:v11+s8+$0x0], $0xffff  }
0x4fe: {  	v34 =	vmul.f32 v34, v8;
	v40 =	vmax.f32 v46, $0.0e+00;
	v46 =	vadd.f32 $2.868000000e+03, v48;
	v48 =	vld.idx.msk [tilespmem:v17+s11+$0x0], $0xffff  }
0x4ff: {  	v24 =	vadd.f32 v29, v24;
	v38 =	vadd.f32 v38, v42;
	v41 =	vmax.f32 v41, $0.0e+00;
	v42 =	vld.idx.msk [tilespmem:v14+s12+$0x0], $0xffff  }
0x500: {  	v20 =	vadd.f32 v34, v20;
	v29 =	vmin.f32 v40, $4.917000000e+03;
	v49 =	vld [tilespmem:s26+$0xFFFFFFE0];
	v40 =	vmax.f32 v46, $0.0e+00  }
0x501: {  	v34 =	vtrunc.f32 v29;
	v29 =	vmin.f32 v41, $4.917000000e+03;
	v41 =	vld.idx.msk [tilespmem:v17+s7+$0x0], $0xffff;
	(erf) = vrcp.f32 v38;
	[tilespmem:s23+$0x10] =	vst v24  }
0x502: {  	v24 =	vmin.f32 v40, $4.917000000e+03;
	v29 =	vtrunc.f32 v29;
	(erf) = vrcp.f32 v20  }
0x503: {  	v30 =	vmul.f32 v27, v30;
	v38 =	vadd.f32 $-1.000000000e+00, v43;
	v20 =	vcvt.f32.s32 v29;
	v29 =	vld.idx.msk [tilespmem:v11+s12+$0x0], $0xffff  }
0x504: {  	v34 =	vcvt.f32.s32 v34;
	v40 =	vmul.f32 $6.931471820e-01, v44;
	v35 =	vadd.f32 v48, v35;
	v27 =	vld.idx.msk [tilespmem:v11+s9+$0x0], $0xffff  }
0x505: {  	v46 =	vadd.f32 v47, v28;
	v43 =	vmul.f32 $8.192000120e+02, v49;
	v44 =	vld.idx.msk [tilespmem:v17+s12+$0x0], $0xffff;
	[tilespmem:s24+$0xFFFFFFF0] =	vst v30;
	v30 =	vmul.f32 v45, v31;
	v28 =	vpop (erf);
	s24 =	smov.u32 s21  }
0x506: {  	v24 =	vtrunc.f32 v24;
	v37 =	vadd.f32 v37, v42;
	v31 =	vld.idx.msk [tilespmem:v17+s8+$0x0], $0xffff;
	v38 =	vmul.f32 v28, v38  }
0x507: {  	v24 =	vcvt.f32.s32 v24;
	v41 =	vmul.f32 v41, v9;
	v47 =	vadd.f32 $2.868000000e+03, v43;
	v28 =	vld.idx.msk [tilespmem:v14+s9+$0x0], $0xffff  }
0x508: {  	v23 =	vmul.f32 v23, v8;
	v45 =	vmul.f32 v30, v30;
	v43 =	vld.idx.msk [tilespmem:v12+s8+$0x0], $0xffff  }
0x509: {  	v35 =	vmul.f32 v35, v9;
	v14 =	vmax.f32 v47, $0.0e+00;
	v20 =	vld.idx.msk [tilespmem:v20+s1+$0x0], $0xffff;
	(erf) = vrcp.f32 v33  }
0x50a: {  	v39 =	vmul.f32 $6.769402030e-01, v39;
	v47 =	vmul.f32 v38, v38;
	v14 =	vmin.f32 v14, $4.917000000e+03;
	v33 =	vld.idx.msk [tilespmem:v12+s12+$0x0], $0xffff;
	v42 =	vpop (erf)  }
0x50b: {  	v35 =	vadd.f32 v35, v44;
	v14 =	vtrunc.f32 v14;
	v44 =	vmul.f32 v42, v42;
	v48 =	vld.idx.msk [tilespmem:v12+s9+$0x0], $0xffff;
	v50 =	vpop (erf)  }
0x50c: {  	v31 =	vadd.f32 v31, v41;
	v47 =	vmul.f32 $6.769402030e-01, v47;
	v51 =	vcvt.f32.s32 v14;
	v34 =	vld.idx.msk [tilespmem:v34+s1+$0x0], $0xffff  }
0x50d: {  	v41 =	vmul.f32 v46, v10;
	v14 =	vld.idx.msk [tilespmem:v24+s1+$0x0], $0xffff;
	v24 =	vadd.f32 $1.999969600e+00, v39;
	v39 =	vmul.f32 $6.769402030e-01, v45  }
0x50e: {  	v35 =	vmul.f32 v35, v44;
	v15 =	vadd.f32 v43, v15;
	v43 =	vadd.f32 $1.999969600e+00, v47;
	v44 =	vld.idx.msk [tilespmem:v11+s11+$0x0], $0xffff;
	v12 =	vmovc v20  }
0x50f: {  	v31 =	vmul.f32 v31, v9;
	v9 =	vmovc v49;
	v11 =	vld.idx.msk [tilespmem:v11+s10+$0x0], $0xffff;
	v24 =	vmul.f32 v24, v36;
	v39 =	vadd.f32 $1.999969600e+00, v39  }
0x510: {  	v45 =	vmul.f32 v15, v8;
	v15 =	vadd.f32 v23, v33;
	v23 =	vmul.f32 v43, v38;
	v17 =	vld.idx.msk [tilespmem:v17+s9+$0x0], $0xffff  }
0x511: {  	v38 =	vmul.f32 v50, v50;
	v33 =	vld.idx.msk [tilespmem:v20+s7+$0x0], $0xffff;
	v19 =	vadd.f32 v24, v19;
	v24 =	vmul.f32 v39, v30  }
0x512: {  	v18 =	vmul.f32 $6.931471820e-01, v18;
	v30 =	vadd.f32 v45, v48;
	v23 =	vadd.f32 v23, v40;
	v20 =	vld.idx.msk [tilespmem:v20+s6+$0x0], $0xffff;
	v36 =	vpop (erf)  }
0x513: {  	v21 =	vadd.f32 v21, v26;
	v8 =	vmov v32;
	v26 =	vmul.f32 v15, v38;
	v39 =	vld.idx.msk [tilespmem:v12+s10+$0x0], $0xffff;
	[tilespmem:s23+$0xFFFFFFE0] =	vst v19  }
0x514: {  	v15 =	vmul.f32 v36, v36;
	v30 =	vmul.f32 v30, v50;
	v18 =	vadd.f32 v24, v18;
	v19 =	vld.idx.msk [tilespmem:v34+s6+$0x0], $0xffff  }
0x515: {  	v21 =	vmul.f32 v21, v10;
	v43 =	vadd.s32 $0xC0CAFB0D, v26;
	v24 =	vmul.f32 v11, v10;
	v32 =	vld.idx.msk [tilespmem:v14+s8+$0x0], $0xffff;
	[tilespmem:s23+$0xFFFFFFF0] =	vst v23  }
0x516: {  	v38 =	vshra.s32 v43, $0x17;
	v40 =	vand.u32 $0xFF800000, v43;
	v11 =	vmovc v34;
	v37 =	vmul.f32 v37, v15;
	v23 =	vld.idx.msk [tilespmem:v14+s7+$0x0], $0xffff;
	[tilespmem:s23+$0x0] =	vst v18;
	s23 =	smov.u32 s22  }
0x517: {  	v26 =	vsub.s32 v26, v40;
	v15 =	vmul.f32 v33, v8;
	v33 =	vadd.f32 v21, v16;
	v43 =	vld.idx.msk [tilespmem:v14+s11+$0x0], $0xffff  }
0x518: {  	v18 =	vadd.f32 v44, v24;
	v21 =	vadd.f32 $1.000000000e+00, v26;
	v24 =	vcvt.s32.f32 v38;
	v40 =	vld.idx.msk [tilespmem:v34+s7+$0x0], $0xffff;
	[tilespmem:s21+$0x10] =	vst v30  }
0x519: {  	v30 =	vadd.f32 v31, v17;
	v31 =	vadd.s32 $0xC0CAFB0D, v37;
	v44 =	vld.idx.msk [tilespmem:v14+s5+$0x0], $0xffff;
	(erf) = vrcp.f32 v33  }
0x51a: {  	v17 =	vadd.s32 $0xC0CAFB0D, v35;
	v38 =	vmul.f32 v18, v10;
	v10 =	vmovc v25;
	v16 =	vmovc v19;
	v34 =	vld.idx.msk [tilespmem:v14+s10+$0x0], $0xffff;
	(erf) = vrcp.f32 v21  }
0x51b: {  	v25 =	vmul.f32 v39, v8;
	v18 =	vshra.s32 v17, $0x17;
	v21 =	vand.u32 $0xFF800000, v17;
	v19 =	vld.idx.msk [tilespmem:v12+s11+$0x0], $0xffff  }
0x51c: {  	v23 =	vmul.f32 v23, v13;
	v35 =	vsub.s32 v35, v21;
	v21 =	vand.u32 $0xFF800000, v31;
	v17 =	vld.idx.msk [tilespmem:v51+s1+$0x0], $0xffff  }
0x51d: {  	v39 =	vcvt.s32.f32 v18;
	v33 =	vadd.f32 $1.000000000e+00, v35;
	v46 =	vsub.s32 v37, v21;
	v45 =	vld.idx.msk [tilespmem:v12+s4+$0x0], $0xffff  }
0x51e: {  	v18 =	vshra.s32 v31, $0x17;
	v32 =	vadd.f32 v32, v23;
	v21 =	vadd.f32 $1.000000000e+00, v46;
	v47 =	vld.idx.msk [tilespmem:v14+s4+$0x0], $0xffff  }
0x51f: {  	v22 =	vadd.f32 v22, v28;
	v18 =	vcvt.s32.f32 v18;
	v48 =	vld.idx.msk [tilespmem:v11+s4+$0x0], $0xffff;
	(erf) = vrcp.f32 v33  }
0x520: {  	v27 =	vadd.f32 v41, v27;
	v31 =	vmul.f32 v34, v13;
	v33 =	vld.idx.msk [tilespmem:v14+s6+$0x0], $0xffff;
	(erf) = vrcp.f32 v21  }
0x521: {  	v22 =	vmul.f32 v22, v36;
	v23 =	vadd.f32 v19, v25;
	v25 =	vmul.f32 v30, v42;
	v21 =	vld.idx.msk [tilespmem:v11+s5+$0x0], $0xffff  }
.Ltmp6:
0x522: {  	v26 =	vadd.f32 $-1.000000000e+00, v26;
	v41 =	vadd.f32 v38, v29;
	v19 =	vmul.f32 $6.931471820e-01, v39;
	v34 =	vld.idx.msk [tilespmem:v12+s5+$0x0], $0xffff;
	v30 =	vpop (erf);
	(pc) =	sbr.rel @p0 .LBB2_14-.Ltmp6, $4  }
0x523: {  	v28 =	vmul.f32 v40, v10;
	v37 =	vadd.f32 v43, v31;
	[tilespmem:s21+$0xFFFFFFE0] =	vst v25;
	v25 =	vmul.f32 v30, v30;
	v29 =	vpop (erf)  }
0x524: {  	v31 =	vadd.f32 $-1.000000000e+00, v46;
	v40 =	vmul.f32 v47, v13;
	v38 =	vld.idx.msk [tilespmem:v17+s4+$0x0], $0xffff;
	[tilespmem:s21+$0x0] =	vst v22;
	v29 =	vmul.f32 v29, v26  }
0x525: {  	v36 =	vadd.f32 $-1.000000000e+00, v35;
	v26 =	vmul.f32 v48, v10;
	v39 =	vld.idx.msk [tilespmem:v17+s5+$0x0], $0xffff;
	v43 =	vmul.f32 v41, v25  }
0x526: {  	s26 =	sadd.s32 $0x40, s26;
	v42 =	vadd.f32 v44, v40;
	v41 =	vmul.f32 v45, v8;
	v35 =	vld.idx.msk [tilespmem:v17+s10+$0x0], $0xffff;
	v40 =	vmul.f32 v29, v29  }
0x527: {  	_ =	sdelay $0x2  }
0x528: {  	v22 =	vmul.f32 v38, v9  }
0x529: {  	v25 =	vld.idx.msk [tilespmem:v17+s6+$0x0], $0xffff  }
0x52a: {  	v45 =	vadd.s32 $0xC0CAFB0D, v43;
	v22 =	vadd.f32 v39, v22  }
0x52b: {  	v46 =	vand.u32 $0xFF800000, v45;
	v34 =	vadd.f32 v34, v41  }
0x52c: {  	v39 =	vsub.s32 v43, v46;
	v22 =	vmul.f32 v22, v9  }
0x52d: {  	v34 =	vmul.f32 v34, v8;
	v47 =	vadd.f32 $1.000000000e+00, v39  }
0x52e: {  	v22 =	vadd.f32 v22, v25  }
0x52f: {  	v20 =	vadd.f32 v34, v20;
	(erf) = vrcp.f32 v47;
	v25 =	vmul.f32 v32, v13  }
0x530: {  	(erf) = vrcp.f32 v22;
	v22 =	vmul.f32 v37, v13  }
0x531: {  	v13 =	vmul.f32 v42, v13;
	(erf) = vrcp.f32 v20;
	v20 =	vadd.f32 v21, v26  }
0x532: {  	v48 =	vld.idx.msk [tilespmem:v11+s8+$0x0], $0xffff;
	v26 =	vmul.f32 $6.769402030e-01, v40  }
0x533: {  	v50 =	vld.idx.msk [tilespmem:v17+s11+$0x0], $0xffff;
	v24 =	vmul.f32 $6.931471820e-01, v24;
	v13 =	vadd.f32 v13, v33;
	v20 =	vmul.f32 v20, v10  }
0x534: {  	v51 =	vld.idx.msk [tilespmem:v17+s7+$0x0], $0xffff;
	v27 =	vmul.f32 v27, v30;
	v23 =	vmul.f32 v23, v8;
	v21 =	vpop (erf);
	v26 =	vadd.f32 $1.999969600e+00, v26  }
0x535: {  	v21 =	vmul.f32 v21, v36;
	(erf) = vrcp.f32 v13;
	v13 =	vld.idx.msk [tilespmem:v11+s10+$0x0], $0xffff;
	v16 =	vadd.f32 v20, v16  }
0x536: {  	v20 =	vmul.f32 v35, v9;
	v26 =	vmul.f32 v26, v29;
	v29 =	vld.idx.msk [tilespmem:v14+s12+$0x0], $0xffff  }
0x537: {  	v55 =	vld.idx.msk [tilespmem:v11+s11+$0x0], $0xffff;
	v49 =	vshra.s32 v45, $0x17;
	v54 =	vpop (erf);
	v52 =	vmul.f32 v21, v21;
	(erf) = vrcp.f32 v16  }
0x538: {  	v56 =	vld.idx.msk [tilespmem:v17+s12+$0x0], $0xffff;
	v18 =	vmul.f32 $6.931471820e-01, v18;
	v34 =	vcvt.s32.f32 v49;
	v20 =	vadd.f32 v50, v20  }
0x539: {  	v53 =	vld.idx.msk [tilespmem:v12+s12+$0x0], $0xffff;
	v30 =	vadd.f32 $-1.000000000e+00, v39;
	v31 =	vmul.f32 v54, v31;
	v37 =	vmul.f32 $6.769402030e-01, v52  }
0x53a: {  	v28 =	vadd.f32 v48, v28;
	v16 =	vpop (erf);
	v13 =	vmul.f32 v13, v10;
	v20 =	vmul.f32 v20, v9  }
0x53b: {  	v57 =	vld.idx.msk [tilespmem:v17+s8+$0x0], $0xffff;
	v35 =	vpop (erf);
	v16 =	vmul.f32 v16, v30;
	v30 =	vmul.f32 v51, v9;
	v22 =	vadd.f32 v22, v29  }
0x53c: {  	v59 =	vld.idx.msk [tilespmem:v11+s12+$0x0], $0xffff;
	v29 =	vmul.f32 v31, v31;
	v33 =	vpop (erf);
	v13 =	vadd.f32 v55, v13;
	v61 =	vmul.f32 v35, v35  }
0x53d: {  	v20 =	vadd.f32 v20, v56;
	v58 =	vmul.f32 v33, v33;
	v60 =	vmul.f32 v16, v16  }
0x53e: {  	v23 =	vadd.f32 v23, v53;
	v29 =	vmul.f32 $6.769402030e-01, v29;
	v13 =	vmul.f32 v13, v10  }
0x53f: {  	v62 =	vpop (erf);
	v20 =	vmul.f32 v20, v61;
	v10 =	vmul.f32 v28, v10  }
0x540: {  	v30 =	vadd.f32 v57, v30;
	v23 =	vmul.f32 v23, v58;
	v47 =	vmul.f32 v62, v62;
	v49 =	vpop (erf)  }
0x541: {  	v38 =	vmul.f32 $6.769402030e-01, v60;
	v13 =	vadd.f32 v13, v59;
	v50 =	vmul.f32 v49, v49  }
0x542: {  	v28 =	vadd.s32 $0xC0CAFB0D, v20;
	v63 =	vadd.s32 $0xC0CAFB0D, v23;
	v22 =	vmul.f32 v22, v47  }
0x543: {  	v51 =	vld.idx.msk [tilespmem:v12+s8+$0x0], $0xffff;
	v54 =	vand.u32 $0xFF800000, v28;
	v48 =	vand.u32 $0xFF800000, v63;
	v13 =	vmul.f32 v13, v50  }
0x544: {  	v20 =	vsub.s32 v20, v54;
	v23 =	vsub.s32 v23, v48;
	v53 =	vadd.s32 $0xC0CAFB0D, v22  }
0x545: {  	v14 =	vld.idx.msk [tilespmem:v14+s9+$0x0], $0xffff;
	v52 =	vadd.f32 $1.000000000e+00, v23;
	v55 =	vand.u32 $0xFF800000, v53;
	v56 =	vadd.s32 $0xC0CAFB0D, v13  }
0x546: {  	v17 =	vld.idx.msk [tilespmem:v17+s9+$0x0], $0xffff;
	v44 =	vadd.f32 $1.000000000e+00, v20;
	v22 =	vsub.s32 v22, v55;
	v57 =	vand.u32 $0xFF800000, v56  }
0x547: {  	v12 =	vld.idx.msk [tilespmem:v12+s9+$0x0], $0xffff;
	(erf) = vrcp.f32 v52;
	v58 =	vadd.f32 $1.000000000e+00, v22;
	v13 =	vsub.s32 v13, v57  }
0x548: {  	v15 =	vadd.f32 v51, v15;
	(erf) = vrcp.f32 v44;
	v36 =	vadd.f32 $1.000000000e+00, v13  }
0x549: {  	v11 =	vld.idx.msk [tilespmem:v11+s9+$0x0], $0xffff;
	v37 =	vadd.f32 $1.999969600e+00, v37;
	v9 =	vmul.f32 v30, v9;
	(erf) = vrcp.f32 v58  }
0x54a: {  	v14 =	vadd.f32 v25, v14;
	v8 =	vmul.f32 v15, v8;
	(erf) = vrcp.f32 v36  }
0x54b: {  	v34 =	vmul.f32 $6.931471820e-01, v34;
	v29 =	vadd.f32 $1.999969600e+00, v29;
	v15 =	vadd.f32 $1.999969600e+00, v38  }
0x54c: {  	v21 =	vmul.f32 v37, v21;
	v9 =	vadd.f32 v9, v17;
	v8 =	vadd.f32 v8, v12  }
0x54d: {  	v12 =	vmul.f32 v15, v16;
	v16 =	vadd.f32 v26, v24;
	v26 =	vshra.s32 v28, $0x17  }
0x54e: {  	v14 =	vmul.f32 v14, v62;
	v10 =	vadd.f32 v10, v11;
	v9 =	vmul.f32 v9, v35  }
0x54f: {  	v15 =	vmul.f32 v29, v31;
	v24 =	vshra.s32 v63, $0x17;
	v23 =	vadd.f32 $-1.000000000e+00, v23  }
0x550: {  	v28 =	vshra.s32 v53, $0x17;
	v24 =	vcvt.s32.f32 v24;
	v17 =	vcvt.s32.f32 v26;
	v26 =	vpop (erf)  }
0x551: {  	s21 =	sadd.s32 $0x40, s21;
	v20 =	vadd.f32 $-1.000000000e+00, v20;
	v25 =	vcvt.s32.f32 v28;
	v23 =	vmul.f32 v26, v23;
	v26 =	vpop (erf)  }
0x552: {  	[tilespmem:s21+$0xFFFFFFE0] =	vst v9;
	v9 =	vmul.f32 v10, v49;
	v22 =	vadd.f32 $-1.000000000e+00, v22;
	v13 =	vadd.f32 $-1.000000000e+00, v13;
	v29 =	vpop (erf)  }
0x553: {  	v20 =	vmul.f32 v26, v20;
	v28 =	vmul.f32 v23, v23;
	v26 =	vpop (erf)  }
0x554: {  	v19 =	vadd.f32 v21, v19;
	v22 =	vmul.f32 v29, v22;
	v13 =	vmul.f32 v26, v13  }
0x555: {  	[tilespmem:s23+$0x10] =	vst v16;
	v12 =	vadd.f32 v12, v34;
	v16 =	vmul.f32 v20, v20;
	v21 =	vmul.f32 $6.769402030e-01, v28  }
0x556: {  	[tilespmem:s24+$0xFFFFFFF0] =	vst v27;
	v8 =	vmul.f32 v8, v33;
	v15 =	vadd.f32 v15, v18;
	v26 =	vmul.f32 v13, v13  }
0x557: {  	[tilespmem:s23+$0xFFFFFFF0] =	vst v12;
	v18 =	vmul.f32 v22, v22;
	v16 =	vmul.f32 $6.769402030e-01, v16;
	v21 =	vadd.f32 $1.999969600e+00, v21  }
0x558: {  	v24 =	vmul.f32 $6.931471820e-01, v24;
	[tilespmem:s23+$0x0] =	vst v15;
	v15 =	vshra.s32 v56, $0x17;
	v12 =	vmul.f32 $6.769402030e-01, v26  }
0x559: {  	v18 =	vmul.f32 $6.769402030e-01, v18;
	v16 =	vadd.f32 $1.999969600e+00, v16;
	v11 =	vmul.f32 v21, v23  }
0x55a: {  	v17 =	vmul.f32 $6.931471820e-01, v17;
	[tilespmem:s21+$0x10] =	vst v8;
	v8 =	vcvt.s32.f32 v15;
	v12 =	vadd.f32 $1.999969600e+00, v12  }
0x55b: {  	[tilespmem:s23+$0xFFFFFFE0] =	vst v19;
	v15 =	vadd.f32 $1.999969600e+00, v18;
	v10 =	vmul.f32 v16, v20;
	v11 =	vadd.f32 v11, v24  }
0x55c: {  	s22 =	sadd.s32 $0x40, s22;
	[tilespmem:s21+$0x0] =	vst v14;
	v8 =	vmul.f32 $6.931471820e-01, v8;
	v12 =	vmul.f32 v12, v13  }
0x55d: {  	v10 =	vadd.f32 v10, v17;
	[tilespmem:s22+$0x10] =	vst v11;
	v11 =	vmul.f32 v15, v22;
	v13 =	vmul.f32 $6.931471820e-01, v25  }
0x55e: {  	[tilespmem:s21+$0xFFFFFFF0] =	vst v9;
	v8 =	vadd.f32 v12, v8  }
0x55f: {  	[tilespmem:s22+$0xFFFFFFE0] =	vst v10;
	v9 =	vadd.f32 v11, v13  }
0x560: {  	[tilespmem:s22+$0xFFFFFFF0] =	vst v8  }
0x561: {  	[tilespmem:s22+$0x0] =	vst v9  }
0x562: {  	s21 =	rddreg [dreg:$0x15]  }
0x563: {  	[hbm4b:s21+s3] =	stream.linear.scatter [tilespmem:s16], [sflag:$0x4], $0x4000, $0x38;
	[tilespmem:$0x19880] =	vst v63  }
0x564: {  	s23 =	rddreg [dreg:$0x16]  }
0x565: {  	[hbm4b:s23+s3] =	stream.linear.scatter [tilespmem:s17], [sflag:$0x4], $0x4000, $0x38;
	[tilespmem:$0x19880] =	vst v63  }
0x566: {  	_ =	swait.ge [sflag:s0], $0x4000  }
0x567: {  	[sflag:s0] =	ssyncset.done $0x0  }
0x568: {  	s24 =	rddreg [dreg:$0x18];
	[sflag:s0] =	ssyncadd.s32 $0xFFFFC000  }
0x569: {  	[tilespmem:s2], [sflag:$0x2] =	stream.linear.gather [hbm4b:s24+s3], $0x4000, $0x38;
	[tilespmem:$0x19880] =	vst v63  }
0x56a: {  	_ =	swait.ge [sflag:s18], $0x4000  }
0x56b: {  	[sflag:s18] =	ssyncset.done $0x0  }
0x56c: {  	[sflag:s18] =	ssyncadd.s32 $0xFFFFC000  }
0x56d: {  	_ =	swait.ge [sflag:s18], $0x4000  }
0x56e: {  	[sflag:s18] =	ssyncset.done $0x0  }
0x56f: {  	s25 =	simm.s32 $0x18A0;
	[sflag:s18] =	ssyncadd.s32 $0xFFFFC000  }
0x570: {  	v15 =	vld [tilespmem:s25+$0x10];
	_ =	sdelay $0x2  }
0x571: {  	v17 =	vld [tilespmem:s25+$0xFFFFFFF0]  }
0x572: {  	v11 =	vld [tilespmem:s25+$0x0]  }
0x573: {  	v8 =	vmul.f32 $8.192000120e+02, v15;
	_ =	sdelay $0x1  }
0x574: {  	v8 =	vadd.f32 $2.868000000e+03, v8  }
0x575: {  	v9 =	vmul.f32 $8.192000120e+02, v17  }
0x576: {  	v10 =	vmul.f32 $8.192000120e+02, v11;
	v8 =	vmax.f32 v8, $0.0e+00  }
0x577: {  	v9 =	vadd.f32 $2.868000000e+03, v9;
	v8 =	vmin.f32 v8, $4.917000000e+03  }
0x578: {  	v10 =	vadd.f32 $2.868000000e+03, v10;
	v8 =	vtrunc.f32 v8  }
0x579: {  	v9 =	vmax.f32 v9, $0.0e+00;
	v8 =	vcvt.f32.s32 v8  }
0x57a: {  	v10 =	vmax.f32 v10, $0.0e+00;
	v9 =	vmin.f32 v9, $4.917000000e+03  }
0x57b: {  	v10 =	vmin.f32 v10, $4.917000000e+03;
	v9 =	vtrunc.f32 v9  }
0x57c: {  	v10 =	vtrunc.f32 v10;
	v9 =	vcvt.f32.s32 v9  }
0x57d: {  	v10 =	vcvt.f32.s32 v10;
	_ =	sdelay $0x1  }
0x57e: {  	v14 =	vld.idx.msk [tilespmem:v8+s1+$0x0], $0xffff  }
0x57f: {  	v16 =	vld [tilespmem:s25+$0xFFFFFFE0];
	_ =	sdelay $0x1  }
0x580: {  	v19 =	vld.idx.msk [tilespmem:v9+s1+$0x0], $0xffff  }
0x581: {  	v12 =	vld.idx.msk [tilespmem:v10+s1+$0x0], $0xffff;
	_ =	sdelay $0x1  }
0x582: {  	s26 =	simm.s32 $0x18E0;
	v8 =	vmul.f32 $8.192000120e+02, v16  }
0x583: {  	v10 =	vld [tilespmem:s26+$0xFFFFFFF0]  }
0x584: {  	v8 =	vadd.f32 $2.868000000e+03, v8;
	v9 =	vld.idx.msk [tilespmem:v14+s7+$0x0], $0xffff  }
0x585: {  	v20 =	vld.idx.msk [tilespmem:v14+s6+$0x0], $0xffff  }
0x586: {  	v8 =	vmax.f32 v8, $0.0e+00;
	v21 =	vld.idx.msk [tilespmem:v14+s10+$0x0], $0xffff  }
0x587: {  	v8 =	vmin.f32 v8, $4.917000000e+03;
	v18 =	vld.idx.msk [tilespmem:v19+s6+$0x0], $0xffff  }
0x588: {  	v8 =	vtrunc.f32 v8;
	v22 =	vld.idx.msk [tilespmem:v12+s8+$0x0], $0xffff  }
0x589: {  	v8 =	vcvt.f32.s32 v8;
	v23 =	vld.idx.msk [tilespmem:v12+s7+$0x0], $0xffff  }
0x58a: {  	v24 =	vld.idx.msk [tilespmem:v12+s11+$0x0], $0xffff  }
0x58b: {  	v25 =	vld.idx.msk [tilespmem:v19+s7+$0x0], $0xffff  }
0x58c: {  	v26 =	vld.idx.msk [tilespmem:v12+s5+$0x0], $0xffff  }
0x58d: {  	v28 =	vld.idx.msk [tilespmem:v12+s10+$0x0], $0xffff  }
0x58e: {  	v13 =	vld.idx.msk [tilespmem:v12+s4+$0x0], $0xffff  }
0x58f: {  	v27 =	vld.idx.msk [tilespmem:v8+s1+$0x0], $0xffff  }
0x590: {  	v29 =	vld.idx.msk [tilespmem:v14+s11+$0x0], $0xffff  }
0x591: {  	v30 =	vld.idx.msk [tilespmem:v14+s4+$0x0], $0xffff  }
0x592: {  	v31 =	vld.idx.msk [tilespmem:v19+s4+$0x0], $0xffff  }
0x593: {  	v61 =	vld.idx.msk [tilespmem:v14+s5+$0x0], $0xffff  }
0x594: {  	v63 =	vmul.f32 v9, v15;
	v9 =	vmul.f32 v13, v11;
	v13 =	vld [tilespmem:s26+$0x0]  }
0x595: {  	v59 =	vld.idx.msk [tilespmem:v12+s6+$0x0], $0xffff  }
0x596: {  	v33 =	vld.idx.msk [tilespmem:v19+s5+$0x0], $0xffff;
	v9 =	vadd.f32 v26, v9;
	v26 =	vmul.f32 v30, v15  }
0x597: {  	v60 =	vld.idx.msk [tilespmem:v27+s4+$0x0], $0xffff  }
0x598: {  	v8 =	vld [tilespmem:s26+$0x10];
	v52 =	vmul.f32 v9, v11;
	v9 =	vadd.f32 v61, v26;
	v26 =	vmul.f32 $8.192000120e+02, v10  }
0x599: {  	v21 =	vmul.f32 v21, v15;
	v54 =	vmul.f32 $8.192000120e+02, v13;
	v62 =	vld.idx.msk [tilespmem:v27+s5+$0x0], $0xffff  }
0x59a: {  	v51 =	vld.idx.msk [tilespmem:v19+s8+$0x0], $0xffff;
	v23 =	vmul.f32 v23, v11;
	v26 =	vadd.f32 $2.868000000e+03, v26  }
0x59b: {  	v28 =	vmul.f32 v28, v11;
	v21 =	vadd.f32 v29, v21;
	v29 =	vld.idx.msk [tilespmem:v14+s8+$0x0], $0xffff;
	v41 =	vadd.f32 $2.868000000e+03, v54  }
0x59c: {  	v56 =	vmul.f32 v9, v15;
	v9 =	vld [tilespmem:s26+$0xFFFFFFE0];
	v26 =	vmax.f32 v26, $0.0e+00;
	v34 =	vmul.f32 v60, v16  }
0x59d: {  	v49 =	vmul.f32 $8.192000120e+02, v8;
	v30 =	vld.idx.msk [tilespmem:v27+s6+$0x0], $0xffff;
	v26 =	vmin.f32 v26, $4.917000000e+03;
	v41 =	vmax.f32 v41, $0.0e+00  }
0x59e: {  	v43 =	vld.idx.msk [tilespmem:v19+s12+$0x0], $0xffff;
	v26 =	vtrunc.f32 v26;
	v41 =	vmin.f32 v41, $4.917000000e+03;
	v34 =	vadd.f32 v62, v34  }
0x59f: {  	v61 =	vld.idx.msk [tilespmem:v14+s9+$0x0], $0xffff;
	v32 =	vadd.f32 v52, v59;
	v26 =	vcvt.f32.s32 v26;
	v41 =	vtrunc.f32 v41  }
0x5a0: {  	v29 =	vadd.f32 v29, v63;
	v63 =	vld.idx.msk [tilespmem:v19+s11+$0x0], $0xffff;
	v59 =	vcvt.f32.s32 v41;
	v34 =	vmul.f32 v34, v16  }
0x5a1: {  	v22 =	vadd.f32 v22, v23;
	v24 =	vadd.f32 v24, v28;
	v48 =	vld.idx.msk [tilespmem:v27+s10+$0x0], $0xffff;
	v23 =	vmul.f32 $8.192000120e+02, v9  }
0x5a2: {  	v50 =	vadd.f32 $2.868000000e+03, v49;
	v53 =	vld.idx.msk [tilespmem:v27+s11+$0x0], $0xffff;
	v30 =	vadd.f32 v34, v30  }
0x5a3: {  	v22 =	vmul.f32 v22, v11;
	v57 =	vld.idx.msk [tilespmem:v27+s7+$0x0], $0xffff;
	v20 =	vadd.f32 v56, v20;
	v23 =	vadd.f32 $2.868000000e+03, v23  }
0x5a4: {  	v24 =	vmul.f32 v24, v11;
	v36 =	vmax.f32 v50, $0.0e+00;
	v60 =	vld.idx.msk [tilespmem:v14+s12+$0x0], $0xffff;
	(erf) = vrcp.f32 v30  }
0x5a5: {  	v36 =	vmin.f32 v36, $4.917000000e+03;
	v14 =	vmax.f32 v23, $0.0e+00;
	v11 =	vld.idx.msk [tilespmem:v26+s1+$0x0], $0xffff;
	(erf) = vrcp.f32 v20  }
0x5a6: {  	v36 =	vtrunc.f32 v36;
	v28 =	vmul.f32 v48, v16;
	v26 =	vmin.f32 v14, $4.917000000e+03;
	v14 =	vld.idx.msk [tilespmem:v59+s1+$0x0], $0xffff  }
0x5a7: {  	v36 =	vcvt.f32.s32 v36;
	v30 =	vld.idx.msk [tilespmem:v19+s9+$0x0], $0xffff  }
0x5a8: {  	v28 =	vadd.f32 v53, v28;
	v19 =	vld.idx.msk [tilespmem:v19+s10+$0x0], $0xffff  }
0x5a9: {  	v20 =	vld.idx.msk [tilespmem:v27+s12+$0x0], $0xffff  }
0x5aa: {  	v25 =	vmul.f32 v25, v17;
	v58 =	vld.idx.msk [tilespmem:v27+s8+$0x0], $0xffff;
	v23 =	vmul.f32 v28, v16  }
0x5ab: {  	v55 =	vld.idx.msk [tilespmem:v12+s12+$0x0], $0xffff;
	v31 =	vmul.f32 v31, v17;
	(erf) = vrcp.f32 v32  }
0x5ac: {  	v21 =	vmul.f32 v21, v15;
	v15 =	vmul.f32 v29, v15;
	v41 =	vld.idx.msk [tilespmem:v12+s9+$0x0], $0xffff  }
0x5ad: {  	v25 =	vadd.f32 v51, v25;
	v12 =	vld.idx.msk [tilespmem:v36+s1+$0x0], $0xffff;
	v26 =	vtrunc.f32 v26;
	v34 =	vmul.f32 v57, v16;
	v28 =	vpop (erf)  }
0x5ae: {  	v26 =	vcvt.f32.s32 v26;
	v19 =	vmul.f32 v19, v17;
	v20 =	vadd.f32 v23, v20;
	v23 =	vpop (erf)  }
0x5af: {  	v21 =	vadd.f32 v21, v60;
	v29 =	vadd.f32 v58, v34;
	v40 =	vld.idx.msk [tilespmem:v14+s7+$0x0], $0xffff;
	v45 =	vmul.f32 v23, v23  }
0x5b0: {  	v31 =	vadd.f32 v33, v31;
	v25 =	vmul.f32 v25, v17;
	v27 =	vld.idx.msk [tilespmem:v27+s9+$0x0], $0xffff;
	v19 =	vadd.f32 v63, v19  }
0x5b1: {  	v15 =	vadd.f32 v15, v61;
	v29 =	vmul.f32 v29, v16;
	v16 =	vld.idx.msk [tilespmem:v11+s6+$0x0], $0xffff;
	v21 =	vmul.f32 v21, v45  }
0x5b2: {  	v24 =	vadd.f32 v24, v55;
	v22 =	vadd.f32 v22, v41;
	v55 =	vld.idx.msk [tilespmem:v11+s7+$0x0], $0xffff;
	v56 =	vmul.f32 v19, v17  }
0x5b3: {  	v60 =	vld.idx.msk [tilespmem:v11+s4+$0x0], $0xffff;
	v51 =	vmul.f32 v15, v23;
	v23 =	vmul.f32 v31, v17;
	v15 =	vadd.s32 $0xC0CAFB0D, v21  }
0x5b4: {  	v62 =	vmul.f32 v28, v28;
	v48 =	vpop (erf);
	v17 =	vld.idx.msk [tilespmem:v26+s1+$0x0], $0xffff;
	v26 =	vmul.f32 v40, v13;
	v52 =	vand.u32 $0xFF800000, v15  }
0x5b5: {  	v47 =	vld.idx.msk [tilespmem:v12+s7+$0x0], $0xffff;
	v50 =	vmul.f32 v48, v48;
	v18 =	vadd.f32 v23, v18;
	v53 =	vsub.s32 v21, v52  }
0x5b6: {  	v31 =	vld.idx.msk [tilespmem:v14+s8+$0x0], $0xffff;
	v46 =	vmul.f32 v20, v62;
	v22 =	vmul.f32 v22, v48;
	v21 =	vadd.f32 $1.000000000e+00, v53  }
0x5b7: {  	v29 =	vadd.f32 v29, v27;
	v27 =	vld.idx.msk [tilespmem:v14+s10+$0x0], $0xffff;
	v33 =	vmul.f32 v24, v50;
	(erf) = vrcp.f32 v18  }
0x5b8: {  	v49 =	vld.idx.msk [tilespmem:v12+s10+$0x0], $0xffff;
	v18 =	vadd.s32 $0xC0CAFB0D, v46;
	v24 =	vshra.s32 v15, $0x17;
	(erf) = vrcp.f32 v21  }
0x5b9: {  	v54 =	vld.idx.msk [tilespmem:v14+s11+$0x0], $0xffff;
	v23 =	vadd.s32 $0xC0CAFB0D, v33;
	v57 =	vshra.s32 v18, $0x17;
	v18 =	vand.u32 $0xFF800000, v18  }
0x5ba: {  	v59 =	vld.idx.msk [tilespmem:v14+s5+$0x0], $0xffff;
	v15 =	vmul.f32 v47, v8;
	v58 =	vsub.s32 v46, v18;
	v18 =	vand.u32 $0xFF800000, v23  }
0x5bb: {  	v19 =	vld.idx.msk [tilespmem:v12+s11+$0x0], $0xffff;
	v32 =	vadd.f32 v31, v26;
	v34 =	vadd.f32 $1.000000000e+00, v58;
	v46 =	vsub.s32 v33, v18  }
0x5bc: {  	v26 =	vld.idx.msk [tilespmem:v14+s4+$0x0], $0xffff;
	v31 =	vmul.f32 v27, v13;
	v18 =	vshra.s32 v23, $0x17;
	v23 =	vadd.f32 $1.000000000e+00, v46  }
0x5bd: {  	v20 =	vld.idx.msk [tilespmem:v12+s6+$0x0], $0xffff;
	v27 =	vadd.f32 v25, v30;
	v25 =	vmul.f32 v29, v28;
	(erf) = vrcp.f32 v34  }
0x5be: {  	v61 =	vadd.f32 v56, v43;
	v47 =	vld.idx.msk [tilespmem:v12+s4+$0x0], $0xffff;
	v28 =	vmul.f32 v55, v10;
	(erf) = vrcp.f32 v23  }
0x5bf: {  	v24 =	vcvt.s32.f32 v24;
	v45 =	vcvt.s32.f32 v57;
	v33 =	vld.idx.msk [tilespmem:v14+s6+$0x0], $0xffff;
	v29 =	vadd.f32 $-1.000000000e+00, v53  }
0x5c0: {  	s21 =	simm.s32 $0x98A0;
	v37 =	vadd.f32 v54, v31;
	v18 =	vcvt.s32.f32 v18;
	v38 =	vld.idx.msk [tilespmem:v17+s4+$0x0], $0xffff;
	v21 =	vmul.f32 v49, v8;
	v30 =	vpop (erf)  }
0x5c1: {  	[tilespmem:s21+$0xFFFFFFE0] =	vst v25;
	v36 =	vadd.f32 $-1.000000000e+00, v58;
	v39 =	vld.idx.msk [tilespmem:v17+s5+$0x0], $0xffff;
	v25 =	vmul.f32 v26, v13;
	v62 =	vmul.f32 v30, v30;
	v63 =	vpop (erf)  }
0x5c2: {  	[tilespmem:s21+$0x10] =	vst v51;
	v31 =	vadd.f32 $-1.000000000e+00, v46;
	v35 =	vld.idx.msk [tilespmem:v17+s10+$0x0], $0xffff;
	v26 =	vmul.f32 v60, v10;
	v29 =	vmul.f32 v63, v29  }
0x5c3: {  	s22 =	simm.s32 $0x118A0;
	s23 =	simm.s32 $0x118A0;
	v34 =	vld.idx.msk [tilespmem:v12+s5+$0x0], $0xffff;
	v41 =	vmul.f32 v47, v8;
	v23 =	vadd.f32 v19, v21;
	v43 =	vmul.f32 v61, v62  }
0x5c4: {  	s24 =	simm.s32 $0x98A0;
	s25 =	simm.s32 $0x40;
	s26 =	simm.s32 $0x1920;
	[tilespmem:s21+$0x0] =	vst v22;
	v21 =	vld.idx.msk [tilespmem:v11+s5+$0x0], $0xffff;
	v19 =	vmul.f32 $6.931471820e-01, v45;
	v42 =	vadd.f32 v59, v25;
	v40 =	vmul.f32 v29, v29  }
.LBB2_16:
0x5c5: {  	v25 =	vld [tilespmem:s26+$0xFFFFFFF0];
	s25 =	sadd.s32 $0x40, s25;
	v22 =	vmul.f32 v32, v13;
	v37 =	vmul.f32 v37, v13;
	v44 =	vadd.s32 $0xC0CAFB0D, v43;
	s22 =	sadd.s32 $0x40, s22;
	s21 =	sadd.s32 $0x40, s21  }
0x5c6: {  	v32 =	vld [tilespmem:s26+$0x10];
	p0 =	slt.u32 s25, $0x3FC0;
	v42 =	vmul.f32 v42, v13;
	v47 =	vshra.s32 v44, $0x17;
	v44 =	vand.u32 $0xFF800000, v44;
	v46 =	vpop (erf)  }
0x5c7: {  	v40 =	vmul.f32 $6.769402030e-01, v40;
	v13 =	vld [tilespmem:s26+$0x0];
	v43 =	vsub.s32 v43, v44;
	v44 =	vcvt.s32.f32 v47;
	v45 =	vpop (erf)  }
0x5c8: {  	v38 =	vmul.f32 v38, v9;
	v36 =	vmul.f32 v46, v36;
	v33 =	vadd.f32 v42, v33  }
0x5c9: {  	v24 =	vmul.f32 $6.931471820e-01, v24;
	v34 =	vadd.f32 v34, v41;
	v41 =	vadd.f32 $1.000000000e+00, v43;
	v42 =	vld.idx.msk [tilespmem:v17+s6+$0x0], $0xffff  }
0x5ca: {  	v38 =	vadd.f32 v39, v38;
	v39 =	vmul.f32 v36, v36;
	v46 =	vmul.f32 $8.192000120e+02, v25  }
0x5cb: {  	v40 =	vadd.f32 $1.999969600e+00, v40;
	v35 =	vmul.f32 v35, v9;
	v47 =	vmul.f32 $8.192000120e+02, v32  }
0x5cc: {  	v46 =	vadd.f32 $2.868000000e+03, v46;
	v48 =	vmul.f32 $8.192000120e+02, v13;
	(erf) = vrcp.f32 v41  }
0x5cd: {  	v29 =	vmul.f32 v40, v29;
	v38 =	vmul.f32 v38, v9;
	v41 =	vadd.f32 $2.868000000e+03, v47;
	v47 =	vld.idx.msk [tilespmem:v11+s8+$0x0], $0xffff  }
0x5ce: {  	v34 =	vmul.f32 v34, v8;
	v40 =	vmax.f32 v46, $0.0e+00;
	v46 =	vadd.f32 $2.868000000e+03, v48;
	v48 =	vld.idx.msk [tilespmem:v17+s11+$0x0], $0xffff  }
0x5cf: {  	v24 =	vadd.f32 v29, v24;
	v38 =	vadd.f32 v38, v42;
	v41 =	vmax.f32 v41, $0.0e+00;
	v42 =	vld.idx.msk [tilespmem:v14+s12+$0x0], $0xffff  }
0x5d0: {  	v20 =	vadd.f32 v34, v20;
	v29 =	vmin.f32 v40, $4.917000000e+03;
	v49 =	vld [tilespmem:s26+$0xFFFFFFE0];
	v40 =	vmax.f32 v46, $0.0e+00  }
0x5d1: {  	v34 =	vtrunc.f32 v29;
	v29 =	vmin.f32 v41, $4.917000000e+03;
	v41 =	vld.idx.msk [tilespmem:v17+s7+$0x0], $0xffff;
	(erf) = vrcp.f32 v38;
	[tilespmem:s23+$0x10] =	vst v24  }
0x5d2: {  	v24 =	vmin.f32 v40, $4.917000000e+03;
	v29 =	vtrunc.f32 v29;
	(erf) = vrcp.f32 v20  }
0x5d3: {  	v30 =	vmul.f32 v27, v30;
	v38 =	vadd.f32 $-1.000000000e+00, v43;
	v20 =	vcvt.f32.s32 v29;
	v29 =	vld.idx.msk [tilespmem:v11+s12+$0x0], $0xffff  }
0x5d4: {  	v34 =	vcvt.f32.s32 v34;
	v40 =	vmul.f32 $6.931471820e-01, v44;
	v35 =	vadd.f32 v48, v35;
	v27 =	vld.idx.msk [tilespmem:v11+s9+$0x0], $0xffff  }
0x5d5: {  	v46 =	vadd.f32 v47, v28;
	v43 =	vmul.f32 $8.192000120e+02, v49;
	v44 =	vld.idx.msk [tilespmem:v17+s12+$0x0], $0xffff;
	[tilespmem:s24+$0xFFFFFFF0] =	vst v30;
	v30 =	vmul.f32 v45, v31;
	v28 =	vpop (erf);
	s24 =	smov.u32 s21  }
0x5d6: {  	v24 =	vtrunc.f32 v24;
	v37 =	vadd.f32 v37, v42;
	v31 =	vld.idx.msk [tilespmem:v17+s8+$0x0], $0xffff;
	v38 =	vmul.f32 v28, v38  }
0x5d7: {  	v24 =	vcvt.f32.s32 v24;
	v41 =	vmul.f32 v41, v9;
	v47 =	vadd.f32 $2.868000000e+03, v43;
	v28 =	vld.idx.msk [tilespmem:v14+s9+$0x0], $0xffff  }
0x5d8: {  	v23 =	vmul.f32 v23, v8;
	v45 =	vmul.f32 v30, v30;
	v43 =	vld.idx.msk [tilespmem:v12+s8+$0x0], $0xffff  }
0x5d9: {  	v35 =	vmul.f32 v35, v9;
	v14 =	vmax.f32 v47, $0.0e+00;
	v20 =	vld.idx.msk [tilespmem:v20+s1+$0x0], $0xffff;
	(erf) = vrcp.f32 v33  }
0x5da: {  	v39 =	vmul.f32 $6.769402030e-01, v39;
	v47 =	vmul.f32 v38, v38;
	v14 =	vmin.f32 v14, $4.917000000e+03;
	v33 =	vld.idx.msk [tilespmem:v12+s12+$0x0], $0xffff;
	v42 =	vpop (erf)  }
0x5db: {  	v35 =	vadd.f32 v35, v44;
	v14 =	vtrunc.f32 v14;
	v44 =	vmul.f32 v42, v42;
	v48 =	vld.idx.msk [tilespmem:v12+s9+$0x0], $0xffff;
	v50 =	vpop (erf)  }
0x5dc: {  	v31 =	vadd.f32 v31, v41;
	v47 =	vmul.f32 $6.769402030e-01, v47;
	v51 =	vcvt.f32.s32 v14;
	v34 =	vld.idx.msk [tilespmem:v34+s1+$0x0], $0xffff  }
0x5dd: {  	v41 =	vmul.f32 v46, v10;
	v14 =	vld.idx.msk [tilespmem:v24+s1+$0x0], $0xffff;
	v24 =	vadd.f32 $1.999969600e+00, v39;
	v39 =	vmul.f32 $6.769402030e-01, v45  }
0x5de: {  	v35 =	vmul.f32 v35, v44;
	v15 =	vadd.f32 v43, v15;
	v43 =	vadd.f32 $1.999969600e+00, v47;
	v44 =	vld.idx.msk [tilespmem:v11+s11+$0x0], $0xffff;
	v12 =	vmovc v20  }
0x5df: {  	v31 =	vmul.f32 v31, v9;
	v9 =	vmovc v49;
	v11 =	vld.idx.msk [tilespmem:v11+s10+$0x0], $0xffff;
	v24 =	vmul.f32 v24, v36;
	v39 =	vadd.f32 $1.999969600e+00, v39  }
0x5e0: {  	v45 =	vmul.f32 v15, v8;
	v15 =	vadd.f32 v23, v33;
	v23 =	vmul.f32 v43, v38;
	v17 =	vld.idx.msk [tilespmem:v17+s9+$0x0], $0xffff  }
0x5e1: {  	v38 =	vmul.f32 v50, v50;
	v33 =	vld.idx.msk [tilespmem:v20+s7+$0x0], $0xffff;
	v19 =	vadd.f32 v24, v19;
	v24 =	vmul.f32 v39, v30  }
0x5e2: {  	v18 =	vmul.f32 $6.931471820e-01, v18;
	v30 =	vadd.f32 v45, v48;
	v23 =	vadd.f32 v23, v40;
	v20 =	vld.idx.msk [tilespmem:v20+s6+$0x0], $0xffff;
	v36 =	vpop (erf)  }
0x5e3: {  	v21 =	vadd.f32 v21, v26;
	v8 =	vmov v32;
	v26 =	vmul.f32 v15, v38;
	v39 =	vld.idx.msk [tilespmem:v12+s10+$0x0], $0xffff;
	[tilespmem:s23+$0xFFFFFFE0] =	vst v19  }
0x5e4: {  	v15 =	vmul.f32 v36, v36;
	v30 =	vmul.f32 v30, v50;
	v18 =	vadd.f32 v24, v18;
	v19 =	vld.idx.msk [tilespmem:v34+s6+$0x0], $0xffff  }
0x5e5: {  	v21 =	vmul.f32 v21, v10;
	v43 =	vadd.s32 $0xC0CAFB0D, v26;
	v24 =	vmul.f32 v11, v10;
	v32 =	vld.idx.msk [tilespmem:v14+s8+$0x0], $0xffff;
	[tilespmem:s23+$0xFFFFFFF0] =	vst v23  }
0x5e6: {  	v38 =	vshra.s32 v43, $0x17;
	v40 =	vand.u32 $0xFF800000, v43;
	v11 =	vmovc v34;
	v37 =	vmul.f32 v37, v15;
	v23 =	vld.idx.msk [tilespmem:v14+s7+$0x0], $0xffff;
	[tilespmem:s23+$0x0] =	vst v18;
	s23 =	smov.u32 s22  }
0x5e7: {  	v26 =	vsub.s32 v26, v40;
	v15 =	vmul.f32 v33, v8;
	v33 =	vadd.f32 v21, v16;
	v43 =	vld.idx.msk [tilespmem:v14+s11+$0x0], $0xffff  }
0x5e8: {  	v18 =	vadd.f32 v44, v24;
	v21 =	vadd.f32 $1.000000000e+00, v26;
	v24 =	vcvt.s32.f32 v38;
	v40 =	vld.idx.msk [tilespmem:v34+s7+$0x0], $0xffff;
	[tilespmem:s21+$0x10] =	vst v30  }
0x5e9: {  	v30 =	vadd.f32 v31, v17;
	v31 =	vadd.s32 $0xC0CAFB0D, v37;
	v44 =	vld.idx.msk [tilespmem:v14+s5+$0x0], $0xffff;
	(erf) = vrcp.f32 v33  }
0x5ea: {  	v17 =	vadd.s32 $0xC0CAFB0D, v35;
	v38 =	vmul.f32 v18, v10;
	v10 =	vmovc v25;
	v16 =	vmovc v19;
	v34 =	vld.idx.msk [tilespmem:v14+s10+$0x0], $0xffff;
	(erf) = vrcp.f32 v21  }
0x5eb: {  	v25 =	vmul.f32 v39, v8;
	v18 =	vshra.s32 v17, $0x17;
	v21 =	vand.u32 $0xFF800000, v17;
	v19 =	vld.idx.msk [tilespmem:v12+s11+$0x0], $0xffff  }
0x5ec: {  	v23 =	vmul.f32 v23, v13;
	v35 =	vsub.s32 v35, v21;
	v21 =	vand.u32 $0xFF800000, v31;
	v17 =	vld.idx.msk [tilespmem:v51+s1+$0x0], $0xffff  }
0x5ed: {  	v39 =	vcvt.s32.f32 v18;
	v33 =	vadd.f32 $1.000000000e+00, v35;
	v46 =	vsub.s32 v37, v21;
	v45 =	vld.idx.msk [tilespmem:v12+s4+$0x0], $0xffff  }
0x5ee: {  	v18 =	vshra.s32 v31, $0x17;
	v32 =	vadd.f32 v32, v23;
	v21 =	vadd.f32 $1.000000000e+00, v46;
	v47 =	vld.idx.msk [tilespmem:v14+s4+$0x0], $0xffff  }
0x5ef: {  	v22 =	vadd.f32 v22, v28;
	v18 =	vcvt.s32.f32 v18;
	v48 =	vld.idx.msk [tilespmem:v11+s4+$0x0], $0xffff;
	(erf) = vrcp.f32 v33  }
0x5f0: {  	v27 =	vadd.f32 v41, v27;
	v31 =	vmul.f32 v34, v13;
	v33 =	vld.idx.msk [tilespmem:v14+s6+$0x0], $0xffff;
	(erf) = vrcp.f32 v21  }
0x5f1: {  	v22 =	vmul.f32 v22, v36;
	v23 =	vadd.f32 v19, v25;
	v25 =	vmul.f32 v30, v42;
	v21 =	vld.idx.msk [tilespmem:v11+s5+$0x0], $0xffff  }
.Ltmp7:
0x5f2: {  	v26 =	vadd.f32 $-1.000000000e+00, v26;
	v41 =	vadd.f32 v38, v29;
	v19 =	vmul.f32 $6.931471820e-01, v39;
	v34 =	vld.idx.msk [tilespmem:v12+s5+$0x0], $0xffff;
	v30 =	vpop (erf);
	(pc) =	sbr.rel @p0 .LBB2_16-.Ltmp7, $4  }
0x5f3: {  	v28 =	vmul.f32 v40, v10;
	v37 =	vadd.f32 v43, v31;
	[tilespmem:s21+$0xFFFFFFE0] =	vst v25;
	v25 =	vmul.f32 v30, v30;
	v29 =	vpop (erf)  }
0x5f4: {  	v31 =	vadd.f32 $-1.000000000e+00, v46;
	v40 =	vmul.f32 v47, v13;
	v38 =	vld.idx.msk [tilespmem:v17+s4+$0x0], $0xffff;
	[tilespmem:s21+$0x0] =	vst v22;
	v29 =	vmul.f32 v29, v26  }
0x5f5: {  	v36 =	vadd.f32 $-1.000000000e+00, v35;
	v26 =	vmul.f32 v48, v10;
	v39 =	vld.idx.msk [tilespmem:v17+s5+$0x0], $0xffff;
	v43 =	vmul.f32 v41, v25  }
0x5f6: {  	s26 =	sadd.s32 $0x40, s26;
	v42 =	vadd.f32 v44, v40;
	v41 =	vmul.f32 v45, v8;
	v35 =	vld.idx.msk [tilespmem:v17+s10+$0x0], $0xffff;
	v40 =	vmul.f32 v29, v29  }
0x5f7: {  	_ =	sdelay $0x2  }
0x5f8: {  	v22 =	vmul.f32 v38, v9  }
0x5f9: {  	v25 =	vld.idx.msk [tilespmem:v17+s6+$0x0], $0xffff  }
0x5fa: {  	v45 =	vadd.s32 $0xC0CAFB0D, v43;
	v22 =	vadd.f32 v39, v22  }
0x5fb: {  	v46 =	vand.u32 $0xFF800000, v45;
	v34 =	vadd.f32 v34, v41  }
0x5fc: {  	v39 =	vsub.s32 v43, v46;
	v22 =	vmul.f32 v22, v9  }
0x5fd: {  	v34 =	vmul.f32 v34, v8;
	v47 =	vadd.f32 $1.000000000e+00, v39  }
0x5fe: {  	v22 =	vadd.f32 v22, v25  }
0x5ff: {  	v20 =	vadd.f32 v34, v20;
	(erf) = vrcp.f32 v47;
	v25 =	vmul.f32 v32, v13  }
0x600: {  	(erf) = vrcp.f32 v22;
	v22 =	vmul.f32 v37, v13  }
0x601: {  	v13 =	vmul.f32 v42, v13;
	(erf) = vrcp.f32 v20;
	v20 =	vadd.f32 v21, v26  }
0x602: {  	v48 =	vld.idx.msk [tilespmem:v11+s8+$0x0], $0xffff;
	v26 =	vmul.f32 $6.769402030e-01, v40  }
0x603: {  	v50 =	vld.idx.msk [tilespmem:v17+s11+$0x0], $0xffff;
	v24 =	vmul.f32 $6.931471820e-01, v24;
	v13 =	vadd.f32 v13, v33;
	v20 =	vmul.f32 v20, v10  }
0x604: {  	v51 =	vld.idx.msk [tilespmem:v17+s7+$0x0], $0xffff;
	v27 =	vmul.f32 v27, v30;
	v23 =	vmul.f32 v23, v8;
	v21 =	vpop (erf);
	v26 =	vadd.f32 $1.999969600e+00, v26  }
0x605: {  	v21 =	vmul.f32 v21, v36;
	(erf) = vrcp.f32 v13;
	v13 =	vld.idx.msk [tilespmem:v11+s10+$0x0], $0xffff;
	v16 =	vadd.f32 v20, v16  }
0x606: {  	v20 =	vmul.f32 v35, v9;
	v26 =	vmul.f32 v26, v29;
	v29 =	vld.idx.msk [tilespmem:v14+s12+$0x0], $0xffff  }
0x607: {  	v55 =	vld.idx.msk [tilespmem:v11+s11+$0x0], $0xffff;
	v49 =	vshra.s32 v45, $0x17;
	v54 =	vpop (erf);
	v52 =	vmul.f32 v21, v21;
	(erf) = vrcp.f32 v16  }
0x608: {  	v56 =	vld.idx.msk [tilespmem:v17+s12+$0x0], $0xffff;
	v18 =	vmul.f32 $6.931471820e-01, v18;
	v34 =	vcvt.s32.f32 v49;
	v20 =	vadd.f32 v50, v20  }
0x609: {  	v53 =	vld.idx.msk [tilespmem:v12+s12+$0x0], $0xffff;
	v30 =	vadd.f32 $-1.000000000e+00, v39;
	v31 =	vmul.f32 v54, v31;
	v37 =	vmul.f32 $6.769402030e-01, v52  }
0x60a: {  	v28 =	vadd.f32 v48, v28;
	v16 =	vpop (erf);
	v13 =	vmul.f32 v13, v10;
	v20 =	vmul.f32 v20, v9  }
0x60b: {  	v57 =	vld.idx.msk [tilespmem:v17+s8+$0x0], $0xffff;
	v35 =	vpop (erf);
	v16 =	vmul.f32 v16, v30;
	v30 =	vmul.f32 v51, v9;
	v22 =	vadd.f32 v22, v29  }
0x60c: {  	v59 =	vld.idx.msk [tilespmem:v11+s12+$0x0], $0xffff;
	v29 =	vmul.f32 v31, v31;
	v33 =	vpop (erf);
	v13 =	vadd.f32 v55, v13;
	v61 =	vmul.f32 v35, v35  }
0x60d: {  	v20 =	vadd.f32 v20, v56;
	v58 =	vmul.f32 v33, v33;
	v60 =	vmul.f32 v16, v16  }
0x60e: {  	v23 =	vadd.f32 v23, v53;
	v29 =	vmul.f32 $6.769402030e-01, v29;
	v13 =	vmul.f32 v13, v10  }
0x60f: {  	v62 =	vpop (erf);
	v20 =	vmul.f32 v20, v61;
	v10 =	vmul.f32 v28, v10  }
0x610: {  	v30 =	vadd.f32 v57, v30;
	v23 =	vmul.f32 v23, v58;
	v47 =	vmul.f32 v62, v62;
	v49 =	vpop (erf)  }
0x611: {  	v38 =	vmul.f32 $6.769402030e-01, v60;
	v13 =	vadd.f32 v13, v59;
	v50 =	vmul.f32 v49, v49  }
0x612: {  	v28 =	vadd.s32 $0xC0CAFB0D, v20;
	v63 =	vadd.s32 $0xC0CAFB0D, v23;
	v22 =	vmul.f32 v22, v47  }
0x613: {  	v51 =	vld.idx.msk [tilespmem:v12+s8+$0x0], $0xffff;
	v54 =	vand.u32 $0xFF800000, v28;
	v48 =	vand.u32 $0xFF800000, v63;
	v13 =	vmul.f32 v13, v50  }
0x614: {  	v20 =	vsub.s32 v20, v54;
	v23 =	vsub.s32 v23, v48;
	v53 =	vadd.s32 $0xC0CAFB0D, v22  }
0x615: {  	v14 =	vld.idx.msk [tilespmem:v14+s9+$0x0], $0xffff;
	v52 =	vadd.f32 $1.000000000e+00, v23;
	v55 =	vand.u32 $0xFF800000, v53;
	v56 =	vadd.s32 $0xC0CAFB0D, v13  }
0x616: {  	v17 =	vld.idx.msk [tilespmem:v17+s9+$0x0], $0xffff;
	v44 =	vadd.f32 $1.000000000e+00, v20;
	v22 =	vsub.s32 v22, v55;
	v57 =	vand.u32 $0xFF800000, v56  }
0x617: {  	v12 =	vld.idx.msk [tilespmem:v12+s9+$0x0], $0xffff;
	(erf) = vrcp.f32 v52;
	v58 =	vadd.f32 $1.000000000e+00, v22;
	v13 =	vsub.s32 v13, v57  }
0x618: {  	v15 =	vadd.f32 v51, v15;
	(erf) = vrcp.f32 v44;
	v36 =	vadd.f32 $1.000000000e+00, v13  }
0x619: {  	v11 =	vld.idx.msk [tilespmem:v11+s9+$0x0], $0xffff;
	v37 =	vadd.f32 $1.999969600e+00, v37;
	v9 =	vmul.f32 v30, v9;
	(erf) = vrcp.f32 v58  }
0x61a: {  	v14 =	vadd.f32 v25, v14;
	v8 =	vmul.f32 v15, v8;
	(erf) = vrcp.f32 v36  }
0x61b: {  	v34 =	vmul.f32 $6.931471820e-01, v34;
	v29 =	vadd.f32 $1.999969600e+00, v29;
	v15 =	vadd.f32 $1.999969600e+00, v38  }
0x61c: {  	v21 =	vmul.f32 v37, v21;
	v9 =	vadd.f32 v9, v17;
	v8 =	vadd.f32 v8, v12  }
0x61d: {  	v12 =	vmul.f32 v15, v16;
	v16 =	vadd.f32 v26, v24;
	v26 =	vshra.s32 v28, $0x17  }
0x61e: {  	v14 =	vmul.f32 v14, v62;
	v10 =	vadd.f32 v10, v11;
	v9 =	vmul.f32 v9, v35  }
0x61f: {  	v15 =	vmul.f32 v29, v31;
	v24 =	vshra.s32 v63, $0x17;
	v23 =	vadd.f32 $-1.000000000e+00, v23  }
0x620: {  	v28 =	vshra.s32 v53, $0x17;
	v24 =	vcvt.s32.f32 v24;
	v17 =	vcvt.s32.f32 v26;
	v26 =	vpop (erf)  }
0x621: {  	s21 =	sadd.s32 $0x40, s21;
	v20 =	vadd.f32 $-1.000000000e+00, v20;
	v25 =	vcvt.s32.f32 v28;
	v23 =	vmul.f32 v26, v23;
	v26 =	vpop (erf)  }
0x622: {  	[tilespmem:s21+$0xFFFFFFE0] =	vst v9;
	v9 =	vmul.f32 v10, v49;
	v22 =	vadd.f32 $-1.000000000e+00, v22;
	v13 =	vadd.f32 $-1.000000000e+00, v13;
	v29 =	vpop (erf)  }
0x623: {  	v20 =	vmul.f32 v26, v20;
	v28 =	vmul.f32 v23, v23;
	v26 =	vpop (erf)  }
0x624: {  	v19 =	vadd.f32 v21, v19;
	v22 =	vmul.f32 v29, v22;
	v13 =	vmul.f32 v26, v13  }
0x625: {  	[tilespmem:s23+$0x10] =	vst v16;
	v12 =	vadd.f32 v12, v34;
	v16 =	vmul.f32 v20, v20;
	v21 =	vmul.f32 $6.769402030e-01, v28  }
0x626: {  	[tilespmem:s24+$0xFFFFFFF0] =	vst v27;
	v8 =	vmul.f32 v8, v33;
	v15 =	vadd.f32 v15, v18;
	v26 =	vmul.f32 v13, v13  }
0x627: {  	[tilespmem:s23+$0xFFFFFFF0] =	vst v12;
	v18 =	vmul.f32 v22, v22;
	v16 =	vmul.f32 $6.769402030e-01, v16;
	v21 =	vadd.f32 $1.999969600e+00, v21  }
0x628: {  	v24 =	vmul.f32 $6.931471820e-01, v24;
	[tilespmem:s23+$0x0] =	vst v15;
	v15 =	vshra.s32 v56, $0x17;
	v12 =	vmul.f32 $6.769402030e-01, v26  }
0x629: {  	v18 =	vmul.f32 $6.769402030e-01, v18;
	v16 =	vadd.f32 $1.999969600e+00, v16;
	v11 =	vmul.f32 v21, v23  }
0x62a: {  	v17 =	vmul.f32 $6.931471820e-01, v17;
	[tilespmem:s21+$0x10] =	vst v8;
	v8 =	vcvt.s32.f32 v15;
	v12 =	vadd.f32 $1.999969600e+00, v12  }
0x62b: {  	[tilespmem:s23+$0xFFFFFFE0] =	vst v19;
	v15 =	vadd.f32 $1.999969600e+00, v18;
	v10 =	vmul.f32 v16, v20;
	v11 =	vadd.f32 v11, v24  }
0x62c: {  	s22 =	sadd.s32 $0x40, s22;
	[tilespmem:s21+$0x0] =	vst v14;
	v8 =	vmul.f32 $6.931471820e-01, v8;
	v12 =	vmul.f32 v12, v13  }
0x62d: {  	v10 =	vadd.f32 v10, v17;
	[tilespmem:s22+$0x10] =	vst v11;
	v11 =	vmul.f32 v15, v22;
	v13 =	vmul.f32 $6.931471820e-01, v25  }
0x62e: {  	[tilespmem:s21+$0xFFFFFFF0] =	vst v9;
	v8 =	vadd.f32 v12, v8  }
0x62f: {  	[tilespmem:s22+$0xFFFFFFE0] =	vst v10;
	v9 =	vadd.f32 v11, v13  }
0x630: {  	[tilespmem:s22+$0xFFFFFFF0] =	vst v8  }
0x631: {  	[tilespmem:s22+$0x0] =	vst v9  }
0x632: {  	s21 =	rddreg [dreg:$0x19]  }
0x633: {  	[hbm4b:s21+s3] =	stream.linear.scatter [tilespmem:s13], [sflag:$0x3], $0x4000, $0x38;
	[tilespmem:$0x19880] =	vst v63  }
0x634: {  	s24 =	rddreg [dreg:$0x1a]  }
0x635: {  	[hbm4b:s24+s3] =	stream.linear.scatter [tilespmem:s14], [sflag:$0x3], $0x4000, $0x38;
	[tilespmem:$0x19880] =	vst v63  }
0x636: {  	_ =	swait.ge [sflag:s15], $0x4000  }
0x637: {  	[sflag:s15] =	ssyncset.done $0x0  }
0x638: {  	[sflag:s15] =	ssyncadd.s32 $0xFFFFC000  }
0x639: {  	_ =	swait.ge [sflag:s19], $0x4000  }
0x63a: {  	[sflag:s19] =	ssyncset.done $0x0  }
0x63b: {  	[sflag:s19] =	ssyncadd.s32 $0xFFFFC000  }
0x63c: {  	_ =	swait.ge [sflag:s19], $0x4000  }
0x63d: {  	[sflag:s19] =	ssyncset.done $0x0  }
0x63e: {  	s25 =	simm.s32 $0x58A0;
	[sflag:s19] =	ssyncadd.s32 $0xFFFFC000  }
0x63f: {  	v15 =	vld [tilespmem:s25+$0x10];
	_ =	sdelay $0x2  }
0x640: {  	v17 =	vld [tilespmem:s25+$0xFFFFFFF0]  }
0x641: {  	v11 =	vld [tilespmem:s25+$0x0]  }
0x642: {  	v8 =	vmul.f32 $8.192000120e+02, v15;
	_ =	sdelay $0x1  }
0x643: {  	v8 =	vadd.f32 $2.868000000e+03, v8  }
0x644: {  	v9 =	vmul.f32 $8.192000120e+02, v17  }
0x645: {  	v10 =	vmul.f32 $8.192000120e+02, v11;
	v8 =	vmax.f32 v8, $0.0e+00  }
0x646: {  	v9 =	vadd.f32 $2.868000000e+03, v9;
	v8 =	vmin.f32 v8, $4.917000000e+03  }
0x647: {  	v10 =	vadd.f32 $2.868000000e+03, v10;
	v8 =	vtrunc.f32 v8  }
0x648: {  	v9 =	vmax.f32 v9, $0.0e+00;
	v8 =	vcvt.f32.s32 v8  }
0x649: {  	v10 =	vmax.f32 v10, $0.0e+00;
	v9 =	vmin.f32 v9, $4.917000000e+03  }
0x64a: {  	v10 =	vmin.f32 v10, $4.917000000e+03;
	v9 =	vtrunc.f32 v9  }
0x64b: {  	v10 =	vtrunc.f32 v10;
	v9 =	vcvt.f32.s32 v9  }
0x64c: {  	v10 =	vcvt.f32.s32 v10;
	_ =	sdelay $0x1  }
0x64d: {  	v14 =	vld.idx.msk [tilespmem:v8+s1+$0x0], $0xffff  }
0x64e: {  	v16 =	vld [tilespmem:s25+$0xFFFFFFE0];
	_ =	sdelay $0x1  }
0x64f: {  	v19 =	vld.idx.msk [tilespmem:v9+s1+$0x0], $0xffff  }
0x650: {  	v12 =	vld.idx.msk [tilespmem:v10+s1+$0x0], $0xffff;
	_ =	sdelay $0x1  }
0x651: {  	s26 =	simm.s32 $0x58E0;
	v8 =	vmul.f32 $8.192000120e+02, v16  }
0x652: {  	v10 =	vld [tilespmem:s26+$0xFFFFFFF0]  }
0x653: {  	v8 =	vadd.f32 $2.868000000e+03, v8;
	v9 =	vld.idx.msk [tilespmem:v14+s7+$0x0], $0xffff  }
0x654: {  	v20 =	vld.idx.msk [tilespmem:v14+s6+$0x0], $0xffff  }
0x655: {  	v8 =	vmax.f32 v8, $0.0e+00;
	v21 =	vld.idx.msk [tilespmem:v14+s10+$0x0], $0xffff  }
0x656: {  	v8 =	vmin.f32 v8, $4.917000000e+03;
	v18 =	vld.idx.msk [tilespmem:v19+s6+$0x0], $0xffff  }
0x657: {  	v8 =	vtrunc.f32 v8;
	v22 =	vld.idx.msk [tilespmem:v12+s8+$0x0], $0xffff  }
0x658: {  	v8 =	vcvt.f32.s32 v8;
	v23 =	vld.idx.msk [tilespmem:v12+s7+$0x0], $0xffff  }
0x659: {  	v24 =	vld.idx.msk [tilespmem:v12+s11+$0x0], $0xffff  }
0x65a: {  	v25 =	vld.idx.msk [tilespmem:v19+s7+$0x0], $0xffff  }
0x65b: {  	v26 =	vld.idx.msk [tilespmem:v12+s5+$0x0], $0xffff  }
0x65c: {  	v28 =	vld.idx.msk [tilespmem:v12+s10+$0x0], $0xffff  }
0x65d: {  	v13 =	vld.idx.msk [tilespmem:v12+s4+$0x0], $0xffff  }
0x65e: {  	v27 =	vld.idx.msk [tilespmem:v8+s1+$0x0], $0xffff  }
0x65f: {  	v29 =	vld.idx.msk [tilespmem:v14+s11+$0x0], $0xffff  }
0x660: {  	v30 =	vld.idx.msk [tilespmem:v14+s4+$0x0], $0xffff  }
0x661: {  	v31 =	vld.idx.msk [tilespmem:v19+s4+$0x0], $0xffff  }
0x662: {  	v61 =	vld.idx.msk [tilespmem:v14+s5+$0x0], $0xffff  }
0x663: {  	v63 =	vmul.f32 v9, v15;
	v9 =	vmul.f32 v13, v11;
	v13 =	vld [tilespmem:s26+$0x0]  }
0x664: {  	v59 =	vld.idx.msk [tilespmem:v12+s6+$0x0], $0xffff  }
0x665: {  	v33 =	vld.idx.msk [tilespmem:v19+s5+$0x0], $0xffff;
	v9 =	vadd.f32 v26, v9;
	v26 =	vmul.f32 v30, v15  }
0x666: {  	v60 =	vld.idx.msk [tilespmem:v27+s4+$0x0], $0xffff  }
0x667: {  	v8 =	vld [tilespmem:s26+$0x10];
	v52 =	vmul.f32 v9, v11;
	v9 =	vadd.f32 v61, v26;
	v26 =	vmul.f32 $8.192000120e+02, v10  }
0x668: {  	v21 =	vmul.f32 v21, v15;
	v54 =	vmul.f32 $8.192000120e+02, v13;
	v62 =	vld.idx.msk [tilespmem:v27+s5+$0x0], $0xffff  }
0x669: {  	v51 =	vld.idx.msk [tilespmem:v19+s8+$0x0], $0xffff;
	v23 =	vmul.f32 v23, v11;
	v26 =	vadd.f32 $2.868000000e+03, v26  }
0x66a: {  	v28 =	vmul.f32 v28, v11;
	v21 =	vadd.f32 v29, v21;
	v29 =	vld.idx.msk [tilespmem:v14+s8+$0x0], $0xffff;
	v41 =	vadd.f32 $2.868000000e+03, v54  }
0x66b: {  	v56 =	vmul.f32 v9, v15;
	v9 =	vld [tilespmem:s26+$0xFFFFFFE0];
	v26 =	vmax.f32 v26, $0.0e+00;
	v34 =	vmul.f32 v60, v16  }
0x66c: {  	v49 =	vmul.f32 $8.192000120e+02, v8;
	v30 =	vld.idx.msk [tilespmem:v27+s6+$0x0], $0xffff;
	v26 =	vmin.f32 v26, $4.917000000e+03;
	v41 =	vmax.f32 v41, $0.0e+00  }
0x66d: {  	v43 =	vld.idx.msk [tilespmem:v19+s12+$0x0], $0xffff;
	v26 =	vtrunc.f32 v26;
	v41 =	vmin.f32 v41, $4.917000000e+03;
	v34 =	vadd.f32 v62, v34  }
0x66e: {  	v61 =	vld.idx.msk [tilespmem:v14+s9+$0x0], $0xffff;
	v32 =	vadd.f32 v52, v59;
	v26 =	vcvt.f32.s32 v26;
	v41 =	vtrunc.f32 v41  }
0x66f: {  	v29 =	vadd.f32 v29, v63;
	v63 =	vld.idx.msk [tilespmem:v19+s11+$0x0], $0xffff;
	v59 =	vcvt.f32.s32 v41;
	v34 =	vmul.f32 v34, v16  }
0x670: {  	v22 =	vadd.f32 v22, v23;
	v24 =	vadd.f32 v24, v28;
	v48 =	vld.idx.msk [tilespmem:v27+s10+$0x0], $0xffff;
	v23 =	vmul.f32 $8.192000120e+02, v9  }
0x671: {  	v50 =	vadd.f32 $2.868000000e+03, v49;
	v53 =	vld.idx.msk [tilespmem:v27+s11+$0x0], $0xffff;
	v30 =	vadd.f32 v34, v30  }
0x672: {  	v22 =	vmul.f32 v22, v11;
	v57 =	vld.idx.msk [tilespmem:v27+s7+$0x0], $0xffff;
	v20 =	vadd.f32 v56, v20;
	v23 =	vadd.f32 $2.868000000e+03, v23  }
0x673: {  	v24 =	vmul.f32 v24, v11;
	v36 =	vmax.f32 v50, $0.0e+00;
	v60 =	vld.idx.msk [tilespmem:v14+s12+$0x0], $0xffff;
	(erf) = vrcp.f32 v30  }
0x674: {  	v36 =	vmin.f32 v36, $4.917000000e+03;
	v14 =	vmax.f32 v23, $0.0e+00;
	v11 =	vld.idx.msk [tilespmem:v26+s1+$0x0], $0xffff;
	(erf) = vrcp.f32 v20  }
0x675: {  	v36 =	vtrunc.f32 v36;
	v28 =	vmul.f32 v48, v16;
	v26 =	vmin.f32 v14, $4.917000000e+03;
	v14 =	vld.idx.msk [tilespmem:v59+s1+$0x0], $0xffff  }
0x676: {  	v36 =	vcvt.f32.s32 v36;
	v30 =	vld.idx.msk [tilespmem:v19+s9+$0x0], $0xffff  }
0x677: {  	v28 =	vadd.f32 v53, v28;
	v19 =	vld.idx.msk [tilespmem:v19+s10+$0x0], $0xffff  }
0x678: {  	v20 =	vld.idx.msk [tilespmem:v27+s12+$0x0], $0xffff  }
0x679: {  	v25 =	vmul.f32 v25, v17;
	v58 =	vld.idx.msk [tilespmem:v27+s8+$0x0], $0xffff;
	v23 =	vmul.f32 v28, v16  }
0x67a: {  	v55 =	vld.idx.msk [tilespmem:v12+s12+$0x0], $0xffff;
	v31 =	vmul.f32 v31, v17;
	(erf) = vrcp.f32 v32  }
0x67b: {  	v21 =	vmul.f32 v21, v15;
	v15 =	vmul.f32 v29, v15;
	v41 =	vld.idx.msk [tilespmem:v12+s9+$0x0], $0xffff  }
0x67c: {  	v25 =	vadd.f32 v51, v25;
	v12 =	vld.idx.msk [tilespmem:v36+s1+$0x0], $0xffff;
	v26 =	vtrunc.f32 v26;
	v34 =	vmul.f32 v57, v16;
	v28 =	vpop (erf)  }
0x67d: {  	v26 =	vcvt.f32.s32 v26;
	v19 =	vmul.f32 v19, v17;
	v20 =	vadd.f32 v23, v20;
	v23 =	vpop (erf)  }
0x67e: {  	v21 =	vadd.f32 v21, v60;
	v29 =	vadd.f32 v58, v34;
	v40 =	vld.idx.msk [tilespmem:v14+s7+$0x0], $0xffff;
	v45 =	vmul.f32 v23, v23  }
0x67f: {  	v31 =	vadd.f32 v33, v31;
	v25 =	vmul.f32 v25, v17;
	v27 =	vld.idx.msk [tilespmem:v27+s9+$0x0], $0xffff;
	v19 =	vadd.f32 v63, v19  }
0x680: {  	v15 =	vadd.f32 v15, v61;
	v29 =	vmul.f32 v29, v16;
	v16 =	vld.idx.msk [tilespmem:v11+s6+$0x0], $0xffff;
	v21 =	vmul.f32 v21, v45  }
0x681: {  	v24 =	vadd.f32 v24, v55;
	v22 =	vadd.f32 v22, v41;
	v55 =	vld.idx.msk [tilespmem:v11+s7+$0x0], $0xffff;
	v56 =	vmul.f32 v19, v17  }
0x682: {  	v60 =	vld.idx.msk [tilespmem:v11+s4+$0x0], $0xffff;
	v51 =	vmul.f32 v15, v23;
	v23 =	vmul.f32 v31, v17;
	v15 =	vadd.s32 $0xC0CAFB0D, v21  }
0x683: {  	v62 =	vmul.f32 v28, v28;
	v48 =	vpop (erf);
	v17 =	vld.idx.msk [tilespmem:v26+s1+$0x0], $0xffff;
	v26 =	vmul.f32 v40, v13;
	v52 =	vand.u32 $0xFF800000, v15  }
0x684: {  	v47 =	vld.idx.msk [tilespmem:v12+s7+$0x0], $0xffff;
	v50 =	vmul.f32 v48, v48;
	v18 =	vadd.f32 v23, v18;
	v53 =	vsub.s32 v21, v52  }
0x685: {  	v31 =	vld.idx.msk [tilespmem:v14+s8+$0x0], $0xffff;
	v46 =	vmul.f32 v20, v62;
	v22 =	vmul.f32 v22, v48;
	v21 =	vadd.f32 $1.000000000e+00, v53  }
0x686: {  	v29 =	vadd.f32 v29, v27;
	v27 =	vld.idx.msk [tilespmem:v14+s10+$0x0], $0xffff;
	v33 =	vmul.f32 v24, v50;
	(erf) = vrcp.f32 v18  }
0x687: {  	v49 =	vld.idx.msk [tilespmem:v12+s10+$0x0], $0xffff;
	v18 =	vadd.s32 $0xC0CAFB0D, v46;
	v24 =	vshra.s32 v15, $0x17;
	(erf) = vrcp.f32 v21  }
0x688: {  	v54 =	vld.idx.msk [tilespmem:v14+s11+$0x0], $0xffff;
	v23 =	vadd.s32 $0xC0CAFB0D, v33;
	v57 =	vshra.s32 v18, $0x17;
	v18 =	vand.u32 $0xFF800000, v18  }
0x689: {  	v59 =	vld.idx.msk [tilespmem:v14+s5+$0x0], $0xffff;
	v15 =	vmul.f32 v47, v8;
	v58 =	vsub.s32 v46, v18;
	v18 =	vand.u32 $0xFF800000, v23  }
0x68a: {  	v19 =	vld.idx.msk [tilespmem:v12+s11+$0x0], $0xffff;
	v32 =	vadd.f32 v31, v26;
	v34 =	vadd.f32 $1.000000000e+00, v58;
	v46 =	vsub.s32 v33, v18  }
0x68b: {  	v26 =	vld.idx.msk [tilespmem:v14+s4+$0x0], $0xffff;
	v31 =	vmul.f32 v27, v13;
	v18 =	vshra.s32 v23, $0x17;
	v23 =	vadd.f32 $1.000000000e+00, v46  }
0x68c: {  	v20 =	vld.idx.msk [tilespmem:v12+s6+$0x0], $0xffff;
	v27 =	vadd.f32 v25, v30;
	v25 =	vmul.f32 v29, v28;
	(erf) = vrcp.f32 v34  }
0x68d: {  	v61 =	vadd.f32 v56, v43;
	v47 =	vld.idx.msk [tilespmem:v12+s4+$0x0], $0xffff;
	v28 =	vmul.f32 v55, v10;
	(erf) = vrcp.f32 v23  }
0x68e: {  	v24 =	vcvt.s32.f32 v24;
	v45 =	vcvt.s32.f32 v57;
	v33 =	vld.idx.msk [tilespmem:v14+s6+$0x0], $0xffff;
	v29 =	vadd.f32 $-1.000000000e+00, v53  }
0x68f: {  	s21 =	simm.s32 $0xD8A0;
	v37 =	vadd.f32 v54, v31;
	v18 =	vcvt.s32.f32 v18;
	v38 =	vld.idx.msk [tilespmem:v17+s4+$0x0], $0xffff;
	v21 =	vmul.f32 v49, v8;
	v30 =	vpop (erf)  }
0x690: {  	[tilespmem:s21+$0xFFFFFFE0] =	vst v25;
	v36 =	vadd.f32 $-1.000000000e+00, v58;
	v39 =	vld.idx.msk [tilespmem:v17+s5+$0x0], $0xffff;
	v25 =	vmul.f32 v26, v13;
	v62 =	vmul.f32 v30, v30;
	v63 =	vpop (erf)  }
0x691: {  	[tilespmem:s21+$0x10] =	vst v51;
	v31 =	vadd.f32 $-1.000000000e+00, v46;
	v35 =	vld.idx.msk [tilespmem:v17+s10+$0x0], $0xffff;
	v26 =	vmul.f32 v60, v10;
	v29 =	vmul.f32 v63, v29  }
0x692: {  	s23 =	simm.s32 $0x158A0;
	s22 =	simm.s32 $0x158A0;
	v34 =	vld.idx.msk [tilespmem:v12+s5+$0x0], $0xffff;
	v41 =	vmul.f32 v47, v8;
	v23 =	vadd.f32 v19, v21;
	v43 =	vmul.f32 v61, v62  }
0x693: {  	s24 =	simm.s32 $0xD8A0;
	s25 =	simm.s32 $0x40;
	s26 =	simm.s32 $0x5920;
	[tilespmem:s21+$0x0] =	vst v22;
	v21 =	vld.idx.msk [tilespmem:v11+s5+$0x0], $0xffff;
	v19 =	vmul.f32 $6.931471820e-01, v45;
	v42 =	vadd.f32 v59, v25;
	v40 =	vmul.f32 v29, v29  }
.LBB2_18:
0x694: {  	v25 =	vld [tilespmem:s26+$0xFFFFFFF0];
	s25 =	sadd.s32 $0x40, s25;
	v22 =	vmul.f32 v32, v13;
	v37 =	vmul.f32 v37, v13;
	v44 =	vadd.s32 $0xC0CAFB0D, v43;
	s22 =	sadd.s32 $0x40, s22;
	s21 =	sadd.s32 $0x40, s21  }
0x695: {  	v32 =	vld [tilespmem:s26+$0x10];
	p0 =	slt.u32 s25, $0x3FC0;
	v42 =	vmul.f32 v42, v13;
	v47 =	vshra.s32 v44, $0x17;
	v44 =	vand.u32 $0xFF800000, v44;
	v46 =	vpop (erf)  }
0x696: {  	v40 =	vmul.f32 $6.769402030e-01, v40;
	v13 =	vld [tilespmem:s26+$0x0];
	v43 =	vsub.s32 v43, v44;
	v44 =	vcvt.s32.f32 v47;
	v45 =	vpop (erf)  }
0x697: {  	v38 =	vmul.f32 v38, v9;
	v36 =	vmul.f32 v46, v36;
	v33 =	vadd.f32 v42, v33  }
0x698: {  	v24 =	vmul.f32 $6.931471820e-01, v24;
	v34 =	vadd.f32 v34, v41;
	v41 =	vadd.f32 $1.000000000e+00, v43;
	v42 =	vld.idx.msk [tilespmem:v17+s6+$0x0], $0xffff  }
0x699: {  	v38 =	vadd.f32 v39, v38;
	v39 =	vmul.f32 v36, v36;
	v46 =	vmul.f32 $8.192000120e+02, v25  }
0x69a: {  	v40 =	vadd.f32 $1.999969600e+00, v40;
	v35 =	vmul.f32 v35, v9;
	v47 =	vmul.f32 $8.192000120e+02, v32  }
0x69b: {  	v46 =	vadd.f32 $2.868000000e+03, v46;
	v48 =	vmul.f32 $8.192000120e+02, v13;
	(erf) = vrcp.f32 v41  }
0x69c: {  	v29 =	vmul.f32 v40, v29;
	v38 =	vmul.f32 v38, v9;
	v41 =	vadd.f32 $2.868000000e+03, v47;
	v47 =	vld.idx.msk [tilespmem:v11+s8+$0x0], $0xffff  }
0x69d: {  	v34 =	vmul.f32 v34, v8;
	v40 =	vmax.f32 v46, $0.0e+00;
	v46 =	vadd.f32 $2.868000000e+03, v48;
	v48 =	vld.idx.msk [tilespmem:v17+s11+$0x0], $0xffff  }
0x69e: {  	v24 =	vadd.f32 v29, v24;
	v38 =	vadd.f32 v38, v42;
	v41 =	vmax.f32 v41, $0.0e+00;
	v42 =	vld.idx.msk [tilespmem:v14+s12+$0x0], $0xffff  }
0x69f: {  	v20 =	vadd.f32 v34, v20;
	v29 =	vmin.f32 v40, $4.917000000e+03;
	v49 =	vld [tilespmem:s26+$0xFFFFFFE0];
	v40 =	vmax.f32 v46, $0.0e+00  }
0x6a0: {  	v34 =	vtrunc.f32 v29;
	v29 =	vmin.f32 v41, $4.917000000e+03;
	v41 =	vld.idx.msk [tilespmem:v17+s7+$0x0], $0xffff;
	(erf) = vrcp.f32 v38;
	[tilespmem:s23+$0x10] =	vst v24  }
0x6a1: {  	v24 =	vmin.f32 v40, $4.917000000e+03;
	v29 =	vtrunc.f32 v29;
	(erf) = vrcp.f32 v20  }
0x6a2: {  	v30 =	vmul.f32 v27, v30;
	v38 =	vadd.f32 $-1.000000000e+00, v43;
	v20 =	vcvt.f32.s32 v29;
	v29 =	vld.idx.msk [tilespmem:v11+s12+$0x0], $0xffff  }
0x6a3: {  	v34 =	vcvt.f32.s32 v34;
	v40 =	vmul.f32 $6.931471820e-01, v44;
	v35 =	vadd.f32 v48, v35;
	v27 =	vld.idx.msk [tilespmem:v11+s9+$0x0], $0xffff  }
0x6a4: {  	v46 =	vadd.f32 v47, v28;
	v43 =	vmul.f32 $8.192000120e+02, v49;
	v44 =	vld.idx.msk [tilespmem:v17+s12+$0x0], $0xffff;
	[tilespmem:s24+$0xFFFFFFF0] =	vst v30;
	v30 =	vmul.f32 v45, v31;
	v28 =	vpop (erf);
	s24 =	smov.u32 s21  }
0x6a5: {  	v24 =	vtrunc.f32 v24;
	v37 =	vadd.f32 v37, v42;
	v31 =	vld.idx.msk [tilespmem:v17+s8+$0x0], $0xffff;
	v38 =	vmul.f32 v28, v38  }
0x6a6: {  	v24 =	vcvt.f32.s32 v24;
	v41 =	vmul.f32 v41, v9;
	v47 =	vadd.f32 $2.868000000e+03, v43;
	v28 =	vld.idx.msk [tilespmem:v14+s9+$0x0], $0xffff  }
0x6a7: {  	v23 =	vmul.f32 v23, v8;
	v45 =	vmul.f32 v30, v30;
	v43 =	vld.idx.msk [tilespmem:v12+s8+$0x0], $0xffff  }
0x6a8: {  	v35 =	vmul.f32 v35, v9;
	v14 =	vmax.f32 v47, $0.0e+00;
	v20 =	vld.idx.msk [tilespmem:v20+s1+$0x0], $0xffff;
	(erf) = vrcp.f32 v33  }
0x6a9: {  	v39 =	vmul.f32 $6.769402030e-01, v39;
	v47 =	vmul.f32 v38, v38;
	v14 =	vmin.f32 v14, $4.917000000e+03;
	v33 =	vld.idx.msk [tilespmem:v12+s12+$0x0], $0xffff;
	v42 =	vpop (erf)  }
0x6aa: {  	v35 =	vadd.f32 v35, v44;
	v14 =	vtrunc.f32 v14;
	v44 =	vmul.f32 v42, v42;
	v48 =	vld.idx.msk [tilespmem:v12+s9+$0x0], $0xffff;
	v50 =	vpop (erf)  }
0x6ab: {  	v31 =	vadd.f32 v31, v41;
	v47 =	vmul.f32 $6.769402030e-01, v47;
	v51 =	vcvt.f32.s32 v14;
	v34 =	vld.idx.msk [tilespmem:v34+s1+$0x0], $0xffff  }
0x6ac: {  	v41 =	vmul.f32 v46, v10;
	v14 =	vld.idx.msk [tilespmem:v24+s1+$0x0], $0xffff;
	v24 =	vadd.f32 $1.999969600e+00, v39;
	v39 =	vmul.f32 $6.769402030e-01, v45  }
0x6ad: {  	v35 =	vmul.f32 v35, v44;
	v15 =	vadd.f32 v43, v15;
	v43 =	vadd.f32 $1.999969600e+00, v47;
	v44 =	vld.idx.msk [tilespmem:v11+s11+$0x0], $0xffff;
	v12 =	vmovc v20  }
0x6ae: {  	v31 =	vmul.f32 v31, v9;
	v9 =	vmovc v49;
	v11 =	vld.idx.msk [tilespmem:v11+s10+$0x0], $0xffff;
	v24 =	vmul.f32 v24, v36;
	v39 =	vadd.f32 $1.999969600e+00, v39  }
0x6af: {  	v45 =	vmul.f32 v15, v8;
	v15 =	vadd.f32 v23, v33;
	v23 =	vmul.f32 v43, v38;
	v17 =	vld.idx.msk [tilespmem:v17+s9+$0x0], $0xffff  }
0x6b0: {  	v38 =	vmul.f32 v50, v50;
	v33 =	vld.idx.msk [tilespmem:v20+s7+$0x0], $0xffff;
	v19 =	vadd.f32 v24, v19;
	v24 =	vmul.f32 v39, v30  }
0x6b1: {  	v18 =	vmul.f32 $6.931471820e-01, v18;
	v30 =	vadd.f32 v45, v48;
	v23 =	vadd.f32 v23, v40;
	v20 =	vld.idx.msk [tilespmem:v20+s6+$0x0], $0xffff;
	v36 =	vpop (erf)  }
0x6b2: {  	v21 =	vadd.f32 v21, v26;
	v8 =	vmov v32;
	v26 =	vmul.f32 v15, v38;
	v39 =	vld.idx.msk [tilespmem:v12+s10+$0x0], $0xffff;
	[tilespmem:s23+$0xFFFFFFE0] =	vst v19  }
0x6b3: {  	v15 =	vmul.f32 v36, v36;
	v30 =	vmul.f32 v30, v50;
	v18 =	vadd.f32 v24, v18;
	v19 =	vld.idx.msk [tilespmem:v34+s6+$0x0], $0xffff  }
0x6b4: {  	v21 =	vmul.f32 v21, v10;
	v43 =	vadd.s32 $0xC0CAFB0D, v26;
	v24 =	vmul.f32 v11, v10;
	v32 =	vld.idx.msk [tilespmem:v14+s8+$0x0], $0xffff;
	[tilespmem:s23+$0xFFFFFFF0] =	vst v23  }
0x6b5: {  	v38 =	vshra.s32 v43, $0x17;
	v40 =	vand.u32 $0xFF800000, v43;
	v11 =	vmovc v34;
	v37 =	vmul.f32 v37, v15;
	v23 =	vld.idx.msk [tilespmem:v14+s7+$0x0], $0xffff;
	[tilespmem:s23+$0x0] =	vst v18;
	s23 =	smov.u32 s22  }
0x6b6: {  	v26 =	vsub.s32 v26, v40;
	v15 =	vmul.f32 v33, v8;
	v33 =	vadd.f32 v21, v16;
	v43 =	vld.idx.msk [tilespmem:v14+s11+$0x0], $0xffff  }
0x6b7: {  	v18 =	vadd.f32 v44, v24;
	v21 =	vadd.f32 $1.000000000e+00, v26;
	v24 =	vcvt.s32.f32 v38;
	v40 =	vld.idx.msk [tilespmem:v34+s7+$0x0], $0xffff;
	[tilespmem:s21+$0x10] =	vst v30  }
0x6b8: {  	v30 =	vadd.f32 v31, v17;
	v31 =	vadd.s32 $0xC0CAFB0D, v37;
	v44 =	vld.idx.msk [tilespmem:v14+s5+$0x0], $0xffff;
	(erf) = vrcp.f32 v33  }
0x6b9: {  	v17 =	vadd.s32 $0xC0CAFB0D, v35;
	v38 =	vmul.f32 v18, v10;
	v10 =	vmovc v25;
	v16 =	vmovc v19;
	v34 =	vld.idx.msk [tilespmem:v14+s10+$0x0], $0xffff;
	(erf) = vrcp.f32 v21  }
0x6ba: {  	v25 =	vmul.f32 v39, v8;
	v18 =	vshra.s32 v17, $0x17;
	v21 =	vand.u32 $0xFF800000, v17;
	v19 =	vld.idx.msk [tilespmem:v12+s11+$0x0], $0xffff  }
0x6bb: {  	v23 =	vmul.f32 v23, v13;
	v35 =	vsub.s32 v35, v21;
	v21 =	vand.u32 $0xFF800000, v31;
	v17 =	vld.idx.msk [tilespmem:v51+s1+$0x0], $0xffff  }
0x6bc: {  	v39 =	vcvt.s32.f32 v18;
	v33 =	vadd.f32 $1.000000000e+00, v35;
	v46 =	vsub.s32 v37, v21;
	v45 =	vld.idx.msk [tilespmem:v12+s4+$0x0], $0xffff  }
0x6bd: {  	v18 =	vshra.s32 v31, $0x17;
	v32 =	vadd.f32 v32, v23;
	v21 =	vadd.f32 $1.000000000e+00, v46;
	v47 =	vld.idx.msk [tilespmem:v14+s4+$0x0], $0xffff  }
0x6be: {  	v22 =	vadd.f32 v22, v28;
	v18 =	vcvt.s32.f32 v18;
	v48 =	vld.idx.msk [tilespmem:v11+s4+$0x0], $0xffff;
	(erf) = vrcp.f32 v33  }
0x6bf: {  	v27 =	vadd.f32 v41, v27;
	v31 =	vmul.f32 v34, v13;
	v33 =	vld.idx.msk [tilespmem:v14+s6+$0x0], $0xffff;
	(erf) = vrcp.f32 v21  }
0x6c0: {  	v22 =	vmul.f32 v22, v36;
	v23 =	vadd.f32 v19, v25;
	v25 =	vmul.f32 v30, v42;
	v21 =	vld.idx.msk [tilespmem:v11+s5+$0x0], $0xffff  }
.Ltmp8:
0x6c1: {  	v26 =	vadd.f32 $-1.000000000e+00, v26;
	v41 =	vadd.f32 v38, v29;
	v19 =	vmul.f32 $6.931471820e-01, v39;
	v34 =	vld.idx.msk [tilespmem:v12+s5+$0x0], $0xffff;
	v30 =	vpop (erf);
	(pc) =	sbr.rel @p0 .LBB2_18-.Ltmp8, $4  }
0x6c2: {  	v28 =	vmul.f32 v40, v10;
	v37 =	vadd.f32 v43, v31;
	[tilespmem:s21+$0xFFFFFFE0] =	vst v25;
	v25 =	vmul.f32 v30, v30;
	v29 =	vpop (erf)  }
0x6c3: {  	v31 =	vadd.f32 $-1.000000000e+00, v46;
	v40 =	vmul.f32 v47, v13;
	v38 =	vld.idx.msk [tilespmem:v17+s4+$0x0], $0xffff;
	[tilespmem:s21+$0x0] =	vst v22;
	v29 =	vmul.f32 v29, v26  }
0x6c4: {  	v36 =	vadd.f32 $-1.000000000e+00, v35;
	v26 =	vmul.f32 v48, v10;
	v39 =	vld.idx.msk [tilespmem:v17+s5+$0x0], $0xffff;
	v43 =	vmul.f32 v41, v25  }
0x6c5: {  	s26 =	sadd.s32 $0x40, s26;
	v42 =	vadd.f32 v44, v40;
	v41 =	vmul.f32 v45, v8;
	v35 =	vld.idx.msk [tilespmem:v17+s10+$0x0], $0xffff;
	v40 =	vmul.f32 v29, v29  }
0x6c6: {  	_ =	sdelay $0x2  }
0x6c7: {  	v22 =	vmul.f32 v38, v9  }
0x6c8: {  	v25 =	vld.idx.msk [tilespmem:v17+s6+$0x0], $0xffff  }
0x6c9: {  	v56 =	vadd.s32 $0xC0CAFB0D, v43;
	v22 =	vadd.f32 v39, v22  }
0x6ca: {  	v59 =	vadd.f32 v21, v26;
	v57 =	vand.u32 $0xFF800000, v56;
	v34 =	vadd.f32 v34, v41  }
0x6cb: {  	v24 =	vmul.f32 $6.931471820e-01, v24;
	v39 =	vsub.s32 v43, v57;
	v22 =	vmul.f32 v22, v9  }
0x6cc: {  	v27 =	vmul.f32 v27, v30;
	v34 =	vmul.f32 v34, v8;
	v58 =	vadd.f32 $1.000000000e+00, v39  }
0x6cd: {  	v23 =	vmul.f32 v23, v8;
	v60 =	vmul.f32 v42, v13;
	v22 =	vadd.f32 v22, v25  }
0x6ce: {  	v61 =	vpop (erf);
	v62 =	vmul.f32 $6.769402030e-01, v40;
	v20 =	vadd.f32 v34, v20;
	(erf) = vrcp.f32 v58  }
0x6cf: {  	v63 =	vld.idx.msk [tilespmem:v11+s8+$0x0], $0xffff;
	v21 =	vmul.f32 v61, v36;
	(erf) = vrcp.f32 v22  }
0x6d0: {  	v44 =	vld.idx.msk [tilespmem:v17+s7+$0x0], $0xffff;
	(erf) = vrcp.f32 v20;
	v20 =	vmul.f32 v59, v10  }
0x6d1: {  	v49 =	vpop (erf);
	v43 =	vld.idx.msk [tilespmem:v17+s11+$0x0], $0xffff;
	v25 =	vmul.f32 v32, v13;
	v22 =	vmul.f32 v37, v13;
	v13 =	vadd.f32 v60, v33  }
0x6d2: {  	v48 =	vld.idx.msk [tilespmem:v11+s10+$0x0], $0xffff;
	v18 =	vmul.f32 $6.931471820e-01, v18;
	v31 =	vmul.f32 v49, v31;
	v16 =	vadd.f32 v20, v16  }
0x6d3: {  	v46 =	vld.idx.msk [tilespmem:v12+s12+$0x0], $0xffff;
	v26 =	vadd.f32 $1.999969600e+00, v62;
	v45 =	vmul.f32 v21, v21;
	(erf) = vrcp.f32 v13  }
0x6d4: {  	v53 =	vld.idx.msk [tilespmem:v11+s11+$0x0], $0xffff;
	v42 =	vshra.s32 v56, $0x17;
	v47 =	vmul.f32 v35, v9;
	(erf) = vrcp.f32 v16  }
0x6d5: {  	v54 =	vld.idx.msk [tilespmem:v17+s12+$0x0], $0xffff;
	v34 =	vcvt.s32.f32 v42;
	v26 =	vmul.f32 v26, v29;
	v52 =	vadd.f32 $-1.000000000e+00, v39  }
0x6d6: {  	v55 =	vld.idx.msk [tilespmem:v17+s8+$0x0], $0xffff;
	v56 =	vmul.f32 v44, v9;
	v37 =	vmul.f32 $6.769402030e-01, v45;
	v20 =	vadd.f32 v43, v47  }
0x6d7: {  	v50 =	vld.idx.msk [tilespmem:v14+s12+$0x0], $0xffff;
	v28 =	vadd.f32 v63, v28;
	v59 =	vmul.f32 v31, v31;
	v13 =	vmul.f32 v48, v10  }
0x6d8: {  	v23 =	vadd.f32 v23, v46;
	v60 =	vld.idx.msk [tilespmem:v12+s8+$0x0], $0xffff;
	v37 =	vadd.f32 $1.999969600e+00, v37;
	v20 =	vmul.f32 v20, v9;
	v51 =	vpop (erf)  }
0x6d9: {  	v34 =	vmul.f32 $6.931471820e-01, v34;
	v58 =	vld.idx.msk [tilespmem:v11+s12+$0x0], $0xffff;
	v29 =	vmul.f32 $6.769402030e-01, v59;
	v13 =	vadd.f32 v53, v13;
	v35 =	vpop (erf)  }
0x6da: {  	v21 =	vmul.f32 v37, v21;
	v20 =	vadd.f32 v20, v54;
	v33 =	vpop (erf);
	v62 =	vmul.f32 v35, v35  }
0x6db: {  	v30 =	vadd.f32 v55, v56;
	v13 =	vmul.f32 v13, v10;
	v57 =	vmul.f32 v33, v33  }
0x6dc: {  	v22 =	vadd.f32 v22, v50;
	v16 =	vmul.f32 v51, v52;
	v32 =	vpop (erf);
	v20 =	vmul.f32 v20, v62  }
0x6dd: {  	v15 =	vadd.f32 v60, v15;
	v63 =	vmul.f32 v32, v32;
	v23 =	vmul.f32 v23, v57;
	v43 =	vpop (erf)  }
0x6de: {  	v13 =	vadd.f32 v13, v58;
	v61 =	vmul.f32 v16, v16;
	v46 =	vmul.f32 v43, v43  }
0x6df: {  	v22 =	vmul.f32 v22, v63;
	v48 =	vadd.s32 $0xC0CAFB0D, v20;
	v41 =	vadd.s32 $0xC0CAFB0D, v23  }
0x6e0: {  	v50 =	vand.u32 $0xFF800000, v48;
	v45 =	vand.u32 $0xFF800000, v41;
	v13 =	vmul.f32 v13, v46  }
0x6e1: {  	v49 =	vadd.s32 $0xC0CAFB0D, v22;
	v20 =	vsub.s32 v20, v50;
	v23 =	vsub.s32 v23, v45  }
0x6e2: {  	v60 =	vld.idx.msk [tilespmem:v14+s9+$0x0], $0xffff;
	v51 =	vand.u32 $0xFF800000, v49;
	v47 =	vadd.f32 $1.000000000e+00, v23;
	v40 =	vadd.s32 $0xC0CAFB0D, v13  }
0x6e3: {  	v52 =	vld.idx.msk [tilespmem:v12+s9+$0x0], $0xffff;
	v53 =	vadd.f32 $1.000000000e+00, v20;
	v22 =	vsub.s32 v22, v51;
	v54 =	vand.u32 $0xFF800000, v40  }
0x6e4: {  	v59 =	vld.idx.msk [tilespmem:v17+s9+$0x0], $0xffff;
	v55 =	vadd.f32 $1.000000000e+00, v22;
	(erf) = vrcp.f32 v47;
	v13 =	vsub.s32 v13, v54  }
0x6e5: {  	v8 =	vmul.f32 v15, v8;
	(erf) = vrcp.f32 v53;
	v56 =	vadd.f32 $1.000000000e+00, v13  }
0x6e6: {  	v58 =	vadd.f32 $1.999969600e+00, v29;
	v39 =	vmul.f32 $6.769402030e-01, v61;
	(erf) = vrcp.f32 v55  }
0x6e7: {  	v14 =	vadd.f32 v25, v60;
	v61 =	vmul.f32 v30, v9;
	(erf) = vrcp.f32 v56  }
0x6e8: {  	v10 =	vmul.f32 v28, v10;
	v8 =	vadd.f32 v8, v52;
	v57 =	vadd.f32 $1.999969600e+00, v39  }
0x6e9: {  	v14 =	vmul.f32 v14, v32;
	v9 =	vadd.f32 v61, v59;
	v63 =	vmul.f32 v58, v31  }
0x6ea: {  	v37 =	vadd.f32 v26, v24;
	v8 =	vmul.f32 v8, v33;
	v62 =	vmul.f32 v57, v16  }
0x6eb: {  	v9 =	vmul.f32 v9, v35;
	v39 =	vshra.s32 v41, $0x17;
	v41 =	vshra.s32 v48, $0x17  }
0x6ec: {  	v42 =	vcvt.s32.f32 v41;
	v45 =	vshra.s32 v49, $0x17;
	v23 =	vadd.f32 $-1.000000000e+00, v23  }
0x6ed: {  	v24 =	vcvt.s32.f32 v39;
	v20 =	vadd.f32 $-1.000000000e+00, v20;
	v46 =	vcvt.s32.f32 v45;
	v44 =	vpop (erf)  }
0x6ee: {  	v17 =	vmul.f32 $6.931471820e-01, v42;
	v22 =	vadd.f32 $-1.000000000e+00, v22;
	v23 =	vmul.f32 v44, v23;
	v47 =	vpop (erf)  }
0x6ef: {  	v24 =	vmul.f32 $6.931471820e-01, v24;
	v13 =	vadd.f32 $-1.000000000e+00, v13;
	v49 =	vpop (erf);
	v20 =	vmul.f32 v47, v20  }
0x6f0: {  	v50 =	vld.idx.msk [tilespmem:v11+s9+$0x0], $0xffff;
	v48 =	vmul.f32 v23, v23;
	v22 =	vmul.f32 v49, v22;
	v51 =	vpop (erf)  }
0x6f1: {  	[tilespmem:s24+$0xFFFFFFF0] =	vst v27;
	v19 =	vadd.f32 v21, v19;
	v53 =	vmul.f32 v20, v20;
	v13 =	vmul.f32 v51, v13  }
0x6f2: {  	[tilespmem:s23+$0x10] =	vst v37;
	v15 =	vadd.f32 v63, v18;
	v52 =	vmul.f32 $6.769402030e-01, v48;
	v54 =	vmul.f32 v22, v22  }
0x6f3: {  	s21 =	sadd.s32 $0x40, s21;
	[tilespmem:s23+$0xFFFFFFE0] =	vst v19;
	v12 =	vadd.f32 v62, v34;
	v16 =	vmul.f32 $6.769402030e-01, v53;
	v26 =	vmul.f32 v13, v13  }
0x6f4: {  	[tilespmem:s21+$0x0] =	vst v14;
	v57 =	vshra.s32 v40, $0x17;
	v21 =	vadd.f32 $1.999969600e+00, v52;
	v18 =	vmul.f32 $6.769402030e-01, v54  }
0x6f5: {  	[tilespmem:s21+$0x10] =	vst v8;
	v10 =	vadd.f32 v10, v50;
	v16 =	vadd.f32 $1.999969600e+00, v16;
	v56 =	vmul.f32 $6.769402030e-01, v26  }
0x6f6: {  	[tilespmem:s21+$0xFFFFFFE0] =	vst v9;
	v8 =	vcvt.s32.f32 v57;
	v55 =	vmul.f32 v21, v23;
	v60 =	vadd.f32 $1.999969600e+00, v18  }
0x6f7: {  	[tilespmem:s23+$0xFFFFFFF0] =	vst v12;
	v58 =	vmul.f32 v10, v43;
	v59 =	vmul.f32 v16, v20;
	v12 =	vadd.f32 $1.999969600e+00, v56  }
0x6f8: {  	[tilespmem:s23+$0x0] =	vst v15;
	v62 =	vmul.f32 $6.931471820e-01, v46;
	v11 =	vadd.f32 v55, v24;
	v61 =	vmul.f32 v60, v22  }
0x6f9: {  	s22 =	sadd.s32 $0x40, s22;
	v8 =	vmul.f32 $6.931471820e-01, v8;
	[tilespmem:s21+$0xFFFFFFF0] =	vst v58;
	v10 =	vadd.f32 v59, v17;
	v12 =	vmul.f32 v12, v13  }
0x6fa: {  	[tilespmem:s22+$0x10] =	vst v11;
	v63 =	vadd.f32 v61, v62  }
0x6fb: {  	[tilespmem:s22+$0xFFFFFFE0] =	vst v10;
	v8 =	vadd.f32 v12, v8  }
0x6fc: {  	[tilespmem:s22+$0x0] =	vst v63  }
0x6fd: {  	[tilespmem:s22+$0xFFFFFFF0] =	vst v8  }
0x6fe: {  	s21 =	rddreg [dreg:$0x1b]  }
0x6ff: {  	[hbm4b:s21+s3] =	stream.linear.scatter [tilespmem:s16], [sflag:$0x4], $0x4000, $0x38;
	[tilespmem:$0x19880] =	vst v63  }
0x700: {  	_ = 	snop  }
0x701: {  	[hbm4b:s28+s3] =	stream.linear.scatter [tilespmem:s17], [sflag:$0x4], $0x4000, $0x38;
	[tilespmem:$0x19880] =	vst v63  }
0x702: {  	_ =	swait.ge [sflag:s18], $0x4000  }
0x703: {  	[sflag:s18] =	ssyncset.done $0x0  }
0x704: {  	[sflag:s18] =	ssyncadd.s32 $0xFFFFC000  }
0x705: {  	_ =	swait.ge [sflag:s18], $0x4000  }
0x706: {  	[sflag:s18] =	ssyncset.done $0x0  }
0x707: {  	s20 =	sadd.s32 $0x1, s20;
	[sflag:s18] =	ssyncadd.s32 $0xFFFFC000  }
0x708: {  	p0 =	sne.s32 s20, s29;
	_ =	swait.ge [sflag:s19], $0x4000  }
.Ltmp9:
0x709: {  	[sflag:s19] =	ssyncset.done $0x0;
	(pc) =	sbr.rel @p0 .LBB2_1-.Ltmp9, $4  }
0x70a: {  	[sflag:s19] =	ssyncadd.s32 $0xFFFFC000  }
0x70b: {  	_ =	swait.ge [sflag:s19], $0x4000  }
0x70c: {  	[sflag:s19] =	ssyncset.done $0x0  }
0x70d: {  	[sflag:s19] =	ssyncadd.s32 $0xFFFFC000  }
0x70e: {  	_ =	sfence.sel $0x180000  }
0x70f: {  	[bflag:$0x0] =	sbarrier.arrive $0xFFFF  }
0x710: {  	_ =	strace $0x90000047  }
0x711: {  	s0 =	stileid.u32;
	[bflag:$0x2] =	sbarrier.arrive $0xFFFF  }
0x712: {  	p0 =	sne.s32 s0, $0x0;
	s0 =	rddreg [dreg:$0x4]  }
0x713: {  	s0 =	sadd.s32 @!p0 $0x100000, s0  }
0x714: {  	[sflag:s0] =	ssyncadd.tile.s32 @!p0 $0x1;
	_ =	shalt  }
.Lfunc_end2:
_tile_overlayer_lowered:
.L_overlay_start_2:
0x715: {  	(tag) =	ssettag $0x2  }
0x716: {  	s0 =	rddreg [dreg:$0x0];
	s2 =	stileid.u32  }
0x717: {  	s1 =	rddreg [dreg:$0x1];
	p0 =	sne.s32 s2, $0x0  }
0x718: {  	s3 =	rddreg [dreg:$0x2];
	[bflag:$0x3] =	sbarrier.arrive $0xFFFF;
	s2 =	simm.s32 @!p0 $0x1C05  }
0x719: {  	[timem:s3], [sflag:s2] =	dma.local @!p0 [hbm:s0], s1  }
0x71a: {  	s0 =	simm.s32 @!p0 $0x5  }
0x71b: {  	_ =	swait.ge @!p0 [sflag:s0], s1  }
0x71c: {  	s1 =	ssub.s32 @!p0 $0x0, s1;
	[sflag:s0] =	ssyncset.done @!p0 $0x0  }
0x71d: {  	[sflag:s0] =	ssyncadd.s32 @!p0 s1  }
0x71e: {  	[bflag:$0x3] =	sbarrier.arrive $0xFFFF  }
0x71f: {  	_ =	shalt  }

</sc_bundles>
